<compile_context>
chip_gen: v7x
topology: tpu7x:2x2x1
jax: 0.10.2.dev20260603
libtpu: 0.0.44.dev20260713+nightly
codegen_flags: <defaults>
</compile_context>

<pallas_src>
import functools
import jax
import jax.numpy as jnp
from jax import lax
from jax.experimental import pallas as pl
from jax.experimental.pallas import tpu as pltpu
from jax.experimental.pallas import tpu_sc as plsc

_D = 4096
_H = 32
_L = 4
_N = 64
_THR = 0.3
_LN2 = 0.6931471805599453

_OFF_AQ = 0
_OFF_GQ = _L * _N
_OFF_SA2 = 2 * _L * _N
_OFF_SG2 = 3 * _L * _N
_OFF_MT = 4 * _L * _N
_BUF = _OFF_MT + (_L - 1) * _N * _N
_OUT = (_L + 1) * _N


def _precompute_body(q_ref, ops_ref, wq_ref, bq_ref, wo_ref, bo_ref, out_ref):
    qvec = q_ref[...]
    ops = ops_ref[...]
    wq = wq_ref[...]
    wo = wo_ref[...]
    bq_all = bq_ref[...]
    bo_all = bo_ref[...]

    dn = (((1,), (1,)), ((), ()))
    qproj = jax.lax.dot_general(qvec, wq, dn, preferred_element_type=jnp.float32)
    A = jax.lax.dot_general(ops, wo[:, :_D], dn, preferred_element_type=jnp.float32)
    G = jax.lax.dot_general(ops, wo[:, _D:], dn, preferred_element_type=jnp.float32)

    ones_h = jnp.ones((1, _H), dtype=jnp.float32)
    aq_rows, gq_rows, sa2_rows, sg2_rows, m_blocks = [], [], [], [], []
    for l in range(_L):
        qs = qproj[:, l * _H:(l + 1) * _H] + bq_all[l:l + 1, :]
        qn = qs / jnp.maximum(jnp.sqrt(jnp.sum(qs * qs)), 1e-12)
        Ap = A[:, l * _H:(l + 1) * _H] + bo_all[l:l + 1, :]
        Gl = G[:, l * _H:(l + 1) * _H]
        aq_rows.append(jax.lax.dot_general(qn, Ap, dn, preferred_element_type=jnp.float32))
        gq_rows.append(jax.lax.dot_general(qn, Gl, dn, preferred_element_type=jnp.float32))
        sa2_rows.append(jax.lax.dot_general(ones_h, Ap * Ap, dn, preferred_element_type=jnp.float32))
        sg2_rows.append(jax.lax.dot_general(ones_h, Gl * Gl, dn, preferred_element_type=jnp.float32))
        if l > 0:
            m_blocks.append(jax.lax.dot_general(Gl, Ap, dn, preferred_element_type=jnp.float32))

    out_ref[...] = jnp.concatenate(
        aq_rows + gq_rows + sa2_rows + sg2_rows + m_blocks, axis=0)


def _exp_unit(x):
    import math as _math
    y = jnp.broadcast_to(jnp.float32(1.0 / _math.factorial(11)), x.shape)
    for k in range(10, -1, -1):
        y = y * x + jnp.float32(1.0 / _math.factorial(k))
    return y


def _rsqrt_nr(x):
    bits = lax.bitcast_convert_type(x, jnp.int32)
    y = lax.bitcast_convert_type(jnp.int32(0x5F3759DF) - (bits >> 1), jnp.float32)
    for _ in range(3):
        y = y * (1.5 - 0.5 * x * y * y)
    return y


def _log_nr(x):
    bits = lax.bitcast_convert_type(x, jnp.int32)
    ex = ((bits >> 23) & jnp.int32(0xFF)) - 127
    mant = lax.bitcast_convert_type((bits & jnp.int32(0x007FFFFF)) | jnp.int32(0x3F800000),
                                    jnp.float32)
    y = ex.astype(jnp.float32) * _LN2 + (mant - 1.0)
    for _ in range(3):
        y = y + x * jnp.exp(-y) - 1.0
    n = (y * jnp.float32(1.4426950408889634)).astype(jnp.int32)
    r = y - n.astype(jnp.float32) * _LN2
    p2 = lax.bitcast_convert_type((jnp.int32(127) - n) << 23, jnp.float32)
    y = y + x * (p2 * _exp_unit(-r)) - 1.0
    return y


def _vgather(x, idx):
    dnums = lax.GatherDimensionNumbers(offset_dims=(), collapsed_slice_dims=(0,),
                                       start_index_map=(0,))
    return lax.gather(x, idx[:, None], dnums, slice_sizes=(1,),
                      mode=lax.GatherScatterMode.PROMISE_IN_BOUNDS)


def _sc_select_body(buf_hbm, out_hbm, buf_v, out_v):
    cid = lax.axis_index("c")
    sid = lax.axis_index("s")

    @pl.when(jnp.logical_and(cid == 0, sid == 0))
    def _():
        pltpu.sync_copy(buf_hbm, buf_v)

        iota = lax.iota(jnp.int32, 16)

        def red(v, op):
            for sh in (8, 4, 2, 1):
                v = op(v, _vgather(v, iota ^ sh))
            return v

        def add(a, b):
            return a + b

        onef = jnp.broadcast_to(jnp.float32(1.0), (16,))
        zerof = jnp.broadcast_to(jnp.float32(0.0), (16,))
        miss = jnp.broadcast_to(jnp.int32(192), (16,))
        fs = jnp.int32(0)
        for l in range(_L):
            sr = [buf_v[pl.ds(_OFF_AQ + l * _N + 16 * j, 16)] for j in range(4)]
            ss = [buf_v[pl.ds(_OFF_SA2 + l * _N + 16 * j, 16)] for j in range(4)]
            if l > 0:
                gq_f = jnp.broadcast_to(buf_v[pl.ds(_OFF_GQ + l * _N + fs, 16)][0], (16,))
                sg_f = jnp.broadcast_to(buf_v[pl.ds(_OFF_SG2 + l * _N + fs, 16)][0], (16,))
                mbase = _OFF_MT + (l - 1) * _N * _N + fs * _N
                for j in range(4):
                    mcol = buf_v[pl.ds(mbase + 16 * j, 16)]
                    ss[j] = ss[j] + 2.0 * mcol + sg_f
                    sr[j] = sr[j] + gq_f
            sc = [sr[j] * _rsqrt_nr(jnp.maximum(ss[j], 1e-24)) for j in range(4)]
            e = [_exp_unit(sc[j]) for j in range(4)]
            sv = red(e[0] + e[1] + e[2] + e[3], add)
            p = [e[j] / sv for j in range(4)]
            logs = _log_nr(sv)
            lp = [sc[j] - logs for j in range(4)]
            maskb = [p[j] > _THR for j in range(4)]
            maskf = [jnp.where(maskb[j], onef, zerof) for j in range(4)]
            pmax = red(jnp.maximum(jnp.maximum(p[0], p[1]),
                                   jnp.maximum(p[2], p[3])), jnp.maximum)
            key = red(jnp.minimum(
                jnp.minimum(
                    jnp.where(maskb[0], iota,
                              jnp.where(p[0] == pmax, iota + 64, miss)),
                    jnp.where(maskb[1], iota + 16,
                              jnp.where(p[1] == pmax, iota + 80, miss))),
                jnp.minimum(
                    jnp.where(maskb[2], iota + 32,
                              jnp.where(p[2] == pmax, iota + 96, miss)),
                    jnp.where(maskb[3], iota + 48,
                              jnp.where(p[3] == pmax, iota + 112, miss)))),
                jnp.minimum)
            has_any = key < _N
            fidx = key & 63
            sel = [jnp.where(has_any, maskf[j],
                             jnp.where((iota + 16 * j) == fidx, onef, zerof))
                   for j in range(4)]
            llp = red(sel[0] * lp[0] + sel[1] * lp[1] + sel[2] * lp[2] + sel[3] * lp[3],
                      add)
            fs = fidx[0]
            for j in range(4):
                out_v[pl.ds(l * _N + 16 * j, 16)] = p[j]
            out_v[pl.ds(_L * _N + l * 16, 16)] = llp

        pltpu.sync_copy(out_v, out_hbm)


_sc_select_cache = []


def _get_sc_select():
    if not _sc_select_cache:
        _sc_select_cache.append(functools.partial(
            pl.kernel,
            out_type=jax.ShapeDtypeStruct((_OUT,), jnp.float32),
            mesh=plsc.VectorSubcoreMesh(core_axis_name="c", subcore_axis_name="s", num_cores=1),
            scratch_types=[
                pltpu.VMEM((_BUF,), jnp.float32),
                pltpu.VMEM((_OUT,), jnp.float32),
            ],
        )(_sc_select_body))
    return _sc_select_cache[0]


def kernel(query_embed, operators_embedding, Wq, bq, Wo, bo):
    wq_flat = Wq.reshape(_L * _H, _D)
    wo_flat = Wo.reshape(_L * _H, 2 * _D)
    buf = pl.pallas_call(
        _precompute_body,
        out_shape=jax.ShapeDtypeStruct((_BUF // _N, _N), jnp.float32),
    )(query_embed, operators_embedding, wq_flat, bq, wo_flat, bo)
    out = _get_sc_select()(buf.reshape(-1))
    probs = out[:_L * _N].reshape(_L, _N)
    logp = out[_L * _N:].reshape(_L, 16)[:, 0]
    return (logp, probs)

# --- scband reference (transcript-rebuilt; emitter-appended) ---
"""Pipeline reference for scband-multi-layer-controller-11596411699368 (READ-ONLY COPY).

The authoritative reference and input builder live on the scoring server;
editing this copy changes nothing except your own understanding.
"""

import jax, jax.numpy as jnp
import numpy as np

D = 4096
H = 32
L = 4
N = 64
THR = 0.3

def _l2norm(x):
    n = jnp.linalg.norm(x, axis=1, keepdims=True)
    return x / jnp.maximum(n, 1e-12)

def setup_inputs(seed: int = 0) -> dict:
    key = jax.random.key(seed)
    ks = jax.random.split(key, 6)
    query_embed = jax.random.normal(ks[0], (1, D), dtype=jnp.float32)
    operators_embedding = jax.random.normal(ks[1], (N, D), dtype=jnp.float32)
    Wq = jax.random.normal(ks[2], (L, H, D), dtype=jnp.float32) * 0.02
    bq = jnp.zeros((L, H), dtype=jnp.float32)
    Wo = jax.random.normal(ks[3], (L, H, 2 * D), dtype=jnp.float32) * 0.02
    bo = jnp.zeros((L, H), dtype=jnp.float32)
    return {"query_embed": query_embed, "operators_embedding": operators_embedding,
            "Wq": Wq, "bq": bq, "Wo": Wo, "bo": bo}

def reference(query_embed, operators_embedding, Wq, bq, Wo, bo):
    log_probs_layers = []
    probs_layers = []
    prev_first = None
    for l in range(L):
        q = query_embed @ Wq[l].T + bq[l]
        q = _l2norm(q)
        if l == 0:
            ops = operators_embedding @ Wo[0][:, :D].T + bo[0]
        else:
            prev_exp = jnp.broadcast_to(prev_first[None, :], (N, D))
            concat = jnp.concatenate([operators_embedding, prev_exp], axis=1)
            ops = concat @ Wo[l].T + bo[l]
        ops = _l2norm(ops)
        scores = q @ ops.T  # [1, N]
        probs = jax.nn.softmax(scores, axis=1)[0]
        logp = jax.nn.log_softmax(scores, axis=1)[0]
        # sample_operators(probs, threshold=0.3): indices where probs > thr, fallback argmax
        mask = (probs > THR).astype(probs.dtype)
        has_any = mask.sum() > 0
        onehot = jax.nn.one_hot(jnp.argmax(probs), N, dtype=probs.dtype)
        sel = jnp.where(has_any, mask, onehot)
        layer_log_prob = jnp.sum(logp * sel)  # == sum(log_probs_1d[selected_indices])
        log_probs_layers.append(layer_log_prob)
        probs_layers.append(probs)
        # prev_operators = operators_embedding[selected_indices]; only [0] is used downstream
        first_idx = jnp.where(has_any, jnp.argmax(mask), jnp.argmax(probs))
        prev_first = operators_embedding[first_idx]
    return (jnp.stack(log_probs_layers), jnp.stack(probs_layers))

if __name__ == "__main__":
    import jax
    _d = setup_inputs()
    print(jax.jit(kernel)(*tuple(_d.values())))

</pallas_src>

<mosaic_0001>
#map = affine_map<(d0, d1) -> (0)>
module attributes {stable_mosaic.version = 14 : i64} {
  func.func @_sc_select_body(%arg0: i32, %arg1: i32, %arg2: memref<13312xf32, #tpu.memory_space<hbm>>, %arg3: memref<320xf32, #tpu.memory_space<hbm>>, %arg4: memref<13312xf32, #tpu.memory_space<vmem>>, %arg5: memref<320xf32, #tpu.memory_space<vmem>>) attributes {dimension_semantics = [#tpu.dimension_semantics<core_parallel>, #tpu.dimension_semantics<subcore_parallel>], iteration_bounds = array<i64: 1, 16>, scalar_prefetch = 0 : i64, scratch_operands = 2 : i64, tpu.core_type = #tpu.core_type<sc_vector_subcore>, window_params = [{transform_indices = #map}, {transform_indices = #map}]} {
    %eq3A = arith.constant 0 : i32
    %eq3A_0 = arith.cmpi eq, %arg0, %eq3A : i32
    %eq3A_1 = arith.constant 0 : i32
    %eq3A_2 = arith.cmpi eq, %arg1, %eq3A_1 : i32
    %and3A = arith.andi %eq3A_0, %eq3A_2 : i1
    %convert_element_type3A = arith.extui %and3A : i1 to i32
    %cond3A = arith.constant 0 : i32
    %cond3A_3 = arith.cmpi ne, %convert_element_type3A, %cond3A : i32
    scf.if %cond3A_3 {
      "tpu.region"() ({
        %run_scoped3A = tpu.sem_alloc : memref<!tpu.dma_semaphore, #tpu.memory_space<semaphore_mem>>
        tpu.enqueue_dma source(%arg2 : memref<13312xf32, #tpu.memory_space<hbm>>) target(%arg4 : memref<13312xf32, #tpu.memory_space<vmem>>) target_semaphore(%run_scoped3A : memref<!tpu.dma_semaphore, #tpu.memory_space<semaphore_mem>>)
        tpu.wait_dma2 semaphore(%run_scoped3A : memref<!tpu.dma_semaphore, #tpu.memory_space<semaphore_mem>>) src(%arg2 : memref<13312xf32, #tpu.memory_space<hbm>>) dst(%arg4 : memref<13312xf32, #tpu.memory_space<vmem>>)
        tpu.yield
      }) : () -> ()
      %iota3A = tpu.iota {dimensions = array<i32: 0>} : vector<16xi32>
      %broadcast_in_dim3A = arith.constant 1.000000e+00 : f32
      %broadcast_in_dim3A_4 = vector.broadcast %broadcast_in_dim3A : f32 to vector<16xf32>
      %broadcast_in_dim3A_5 = arith.constant 0.000000e+00 : f32
      %broadcast_in_dim3A_6 = vector.broadcast %broadcast_in_dim3A_5 : f32 to vector<16xf32>
      %broadcast_in_dim3A_7 = arith.constant 192 : i32
      %broadcast_in_dim3A_8 = vector.broadcast %broadcast_in_dim3A_7 : i32 to vector<16xi32>
      %get3A = arith.constant 0 : index
      %get3A_9 = tpu.vector_load %arg4[%get3A] {strides = array<i32>} : memref<13312xf32, #tpu.memory_space<vmem>>, vector<16xf32>,
      %get3A_10 = vector.shape_cast %get3A_9 : vector<16xf32> to vector<16xf32>
      %get3A_11 = arith.constant 16 : index
      %get3A_12 = tpu.vector_load %arg4[%get3A_11] {strides = array<i32>} : memref<13312xf32, #tpu.memory_space<vmem>>, vector<16xf32>,
      %get3A_13 = vector.shape_cast %get3A_12 : vector<16xf32> to vector<16xf32>
      %get3A_14 = arith.constant 32 : index
      %get3A_15 = tpu.vector_load %arg4[%get3A_14] {strides = array<i32>} : memref<13312xf32, #tpu.memory_space<vmem>>, vector<16xf32>,
      %get3A_16 = vector.shape_cast %get3A_15 : vector<16xf32> to vector<16xf32>
      %get3A_17 = arith.constant 48 : index
      %get3A_18 = tpu.vector_load %arg4[%get3A_17] {strides = array<i32>} : memref<13312xf32, #tpu.memory_space<vmem>>, vector<16xf32>,
      %get3A_19 = vector.shape_cast %get3A_18 : vector<16xf32> to vector<16xf32>
      %get3A_20 = arith.constant 512 : index
      %get3A_21 = tpu.vector_load %arg4[%get3A_20] {strides = array<i32>} : memref<13312xf32, #tpu.memory_space<vmem>>, vector<16xf32>,
      %get3A_22 = vector.shape_cast %get3A_21 : vector<16xf32> to vector<16xf32>
      %get3A_23 = arith.constant 528 : index
      %get3A_24 = tpu.vector_load %arg4[%get3A_23] {strides = array<i32>} : memref<13312xf32, #tpu.memory_space<vmem>>, vector<16xf32>,
      %get3A_25 = vector.shape_cast %get3A_24 : vector<16xf32> to vector<16xf32>
      %get3A_26 = arith.constant 544 : index
      %get3A_27 = tpu.vector_load %arg4[%get3A_26] {strides = array<i32>} : memref<13312xf32, #tpu.memory_space<vmem>>, vector<16xf32>,
      %get3A_28 = vector.shape_cast %get3A_27 : vector<16xf32> to vector<16xf32>
      %get3A_29 = arith.constant 560 : index
      %get3A_30 = tpu.vector_load %arg4[%get3A_29] {strides = array<i32>} : memref<13312xf32, #tpu.memory_space<vmem>>, vector<16xf32>,
      %get3A_31 = vector.shape_cast %get3A_30 : vector<16xf32> to vector<16xf32>
      %max3A = arith.constant 1.000000e-24 : f32
      %max3A_32 = vector.broadcast %max3A : f32 to vector<16xf32>
      %max3A_33 = arith.maximumf %get3A_22, %max3A_32 : vector<16xf32>
      %bitcast_convert_type3A = tpu.bitcast %max3A_33 : vector<16xf32> -> vector<16xi32>
      %shift_right_arithmetic3A = arith.constant 1 : i32
      %shift_right_arithmetic3A_34 = vector.broadcast %shift_right_arithmetic3A : i32 to vector<16xi32>
      %shift_right_arithmetic3A_35 = arith.shrsi %bitcast_convert_type3A, %shift_right_arithmetic3A_34 : vector<16xi32>
      %sub3A = arith.constant 1597463007 : i32
      %sub3A_36 = vector.broadcast %sub3A : i32 to vector<16xi32>
      %sub3A_37 = arith.subi %sub3A_36, %shift_right_arithmetic3A_35 : vector<16xi32>
      %bitcast_convert_type3A_38 = tpu.bitcast %sub3A_37 : vector<16xi32> -> vector<16xf32>
      %mul3A = arith.constant 5.000000e-01 : f32
      %mul3A_39 = vector.broadcast %mul3A : f32 to vector<16xf32>
      %mul3A_40 = arith.mulf %mul3A_39, %max3A_33 : vector<16xf32>
      %mul3A_41 = arith.mulf %mul3A_40, %bitcast_convert_type3A_38 : vector<16xf32>
      %mul3A_42 = arith.mulf %mul3A_41, %bitcast_convert_type3A_38 : vector<16xf32>
      %sub3A_43 = arith.constant 1.500000e+00 : f32
      %sub3A_44 = vector.broadcast %sub3A_43 : f32 to vector<16xf32>
      %sub3A_45 = arith.subf %sub3A_44, %mul3A_42 : vector<16xf32>
      %mul3A_46 = arith.mulf %bitcast_convert_type3A_38, %sub3A_45 : vector<16xf32>
      %mul3A_47 = arith.constant 5.000000e-01 : f32
      %mul3A_48 = vector.broadcast %mul3A_47 : f32 to vector<16xf32>
      %mul3A_49 = arith.mulf %mul3A_48, %max3A_33 : vector<16xf32>
      %mul3A_50 = arith.mulf %mul3A_49, %mul3A_46 : vector<16xf32>
      %mul3A_51 = arith.mulf %mul3A_50, %mul3A_46 : vector<16xf32>
      %sub3A_52 = arith.constant 1.500000e+00 : f32
      %sub3A_53 = vector.broadcast %sub3A_52 : f32 to vector<16xf32>
      %sub3A_54 = arith.subf %sub3A_53, %mul3A_51 : vector<16xf32>
      %mul3A_55 = arith.mulf %mul3A_46, %sub3A_54 : vector<16xf32>
      %mul3A_56 = arith.constant 5.000000e-01 : f32
      %mul3A_57 = vector.broadcast %mul3A_56 : f32 to vector<16xf32>
      %mul3A_58 = arith.mulf %mul3A_57, %max3A_33 : vector<16xf32>
      %mul3A_59 = arith.mulf %mul3A_58, %mul3A_55 : vector<16xf32>
      %mul3A_60 = arith.mulf %mul3A_59, %mul3A_55 : vector<16xf32>
      %sub3A_61 = arith.constant 1.500000e+00 : f32
      %sub3A_62 = vector.broadcast %sub3A_61 : f32 to vector<16xf32>
      %sub3A_63 = arith.subf %sub3A_62, %mul3A_60 : vector<16xf32>
      %mul3A_64 = arith.mulf %mul3A_55, %sub3A_63 : vector<16xf32>
      %mul3A_65 = arith.mulf %get3A_10, %mul3A_64 : vector<16xf32>
      %max3A_66 = arith.constant 1.000000e-24 : f32
      %max3A_67 = vector.broadcast %max3A_66 : f32 to vector<16xf32>
      %max3A_68 = arith.maximumf %get3A_25, %max3A_67 : vector<16xf32>
      %bitcast_convert_type3A_69 = tpu.bitcast %max3A_68 : vector<16xf32> -> vector<16xi32>
      %shift_right_arithmetic3A_70 = arith.constant 1 : i32
      %shift_right_arithmetic3A_71 = vector.broadcast %shift_right_arithmetic3A_70 : i32 to vector<16xi32>
      %shift_right_arithmetic3A_72 = arith.shrsi %bitcast_convert_type3A_69, %shift_right_arithmetic3A_71 : vector<16xi32>
      %sub3A_73 = arith.constant 1597463007 : i32
      %sub3A_74 = vector.broadcast %sub3A_73 : i32 to vector<16xi32>
      %sub3A_75 = arith.subi %sub3A_74, %shift_right_arithmetic3A_72 : vector<16xi32>
      %bitcast_convert_type3A_76 = tpu.bitcast %sub3A_75 : vector<16xi32> -> vector<16xf32>
      %mul3A_77 = arith.constant 5.000000e-01 : f32
      %mul3A_78 = vector.broadcast %mul3A_77 : f32 to vector<16xf32>
      %mul3A_79 = arith.mulf %mul3A_78, %max3A_68 : vector<16xf32>
      %mul3A_80 = arith.mulf %mul3A_79, %bitcast_convert_type3A_76 : vector<16xf32>
      %mul3A_81 = arith.mulf %mul3A_80, %bitcast_convert_type3A_76 : vector<16xf32>
      %sub3A_82 = arith.constant 1.500000e+00 : f32
      %sub3A_83 = vector.broadcast %sub3A_82 : f32 to vector<16xf32>
      %sub3A_84 = arith.subf %sub3A_83, %mul3A_81 : vector<16xf32>
      %mul3A_85 = arith.mulf %bitcast_convert_type3A_76, %sub3A_84 : vector<16xf32>
      %mul3A_86 = arith.constant 5.000000e-01 : f32
      %mul3A_87 = vector.broadcast %mul3A_86 : f32 to vector<16xf32>
      %mul3A_88 = arith.mulf %mul3A_87, %max3A_68 : vector<16xf32>
      %mul3A_89 = arith.mulf %mul3A_88, %mul3A_85 : vector<16xf32>
      %mul3A_90 = arith.mulf %mul3A_89, %mul3A_85 : vector<16xf32>
      %sub3A_91 = arith.constant 1.500000e+00 : f32
      %sub3A_92 = vector.broadcast %sub3A_91 : f32 to vector<16xf32>
      %sub3A_93 = arith.subf %sub3A_92, %mul3A_90 : vector<16xf32>
      %mul3A_94 = arith.mulf %mul3A_85, %sub3A_93 : vector<16xf32>
      %mul3A_95 = arith.constant 5.000000e-01 : f32
      %mul3A_96 = vector.broadcast %mul3A_95 : f32 to vector<16xf32>
      %mul3A_97 = arith.mulf %mul3A_96, %max3A_68 : vector<16xf32>
      %mul3A_98 = arith.mulf %mul3A_97, %mul3A_94 : vector<16xf32>
      %mul3A_99 = arith.mulf %mul3A_98, %mul3A_94 : vector<16xf32>
      %sub3A_100 = arith.constant 1.500000e+00 : f32
      %sub3A_101 = vector.broadcast %sub3A_100 : f32 to vector<16xf32>
      %sub3A_102 = arith.subf %sub3A_101, %mul3A_99 : vector<16xf32>
      %mul3A_103 = arith.mulf %mul3A_94, %sub3A_102 : vector<16xf32>
      %mul3A_104 = arith.mulf %get3A_13, %mul3A_103 : vector<16xf32>
      %max3A_105 = arith.constant 1.000000e-24 : f32
      %max3A_106 = vector.broadcast %max3A_105 : f32 to vector<16xf32>
      %max3A_107 = arith.maximumf %get3A_28, %max3A_106 : vector<16xf32>
      %bitcast_convert_type3A_108 = tpu.bitcast %max3A_107 : vector<16xf32> -> vector<16xi32>
      %shift_right_arithmetic3A_109 = arith.constant 1 : i32
      %shift_right_arithmetic3A_110 = vector.broadcast %shift_right_arithmetic3A_109 : i32 to vector<16xi32>
      %shift_right_arithmetic3A_111 = arith.shrsi %bitcast_convert_type3A_108, %shift_right_arithmetic3A_110 : vector<16xi32>
      %sub3A_112 = arith.constant 1597463007 : i32
      %sub3A_113 = vector.broadcast %sub3A_112 : i32 to vector<16xi32>
      %sub3A_114 = arith.subi %sub3A_113, %shift_right_arithmetic3A_111 : vector<16xi32>
      %bitcast_convert_type3A_115 = tpu.bitcast %sub3A_114 : vector<16xi32> -> vector<16xf32>
      %mul3A_116 = arith.constant 5.000000e-01 : f32
      %mul3A_117 = vector.broadcast %mul3A_116 : f32 to vector<16xf32>
      %mul3A_118 = arith.mulf %mul3A_117, %max3A_107 : vector<16xf32>
      %mul3A_119 = arith.mulf %mul3A_118, %bitcast_convert_type3A_115 : vector<16xf32>
      %mul3A_120 = arith.mulf %mul3A_119, %bitcast_convert_type3A_115 : vector<16xf32>
      %sub3A_121 = arith.constant 1.500000e+00 : f32
      %sub3A_122 = vector.broadcast %sub3A_121 : f32 to vector<16xf32>
      %sub3A_123 = arith.subf %sub3A_122, %mul3A_120 : vector<16xf32>
      %mul3A_124 = arith.mulf %bitcast_convert_type3A_115, %sub3A_123 : vector<16xf32>
      %mul3A_125 = arith.constant 5.000000e-01 : f32
      %mul3A_126 = vector.broadcast %mul3A_125 : f32 to vector<16xf32>
      %mul3A_127 = arith.mulf %mul3A_126, %max3A_107 : vector<16xf32>
      %mul3A_128 = arith.mulf %mul3A_127, %mul3A_124 : vector<16xf32>
      %mul3A_129 = arith.mulf %mul3A_128, %mul3A_124 : vector<16xf32>
      %sub3A_130 = arith.constant 1.500000e+00 : f32
      %sub3A_131 = vector.broadcast %sub3A_130 : f32 to vector<16xf32>
      %sub3A_132 = arith.subf %sub3A_131, %mul3A_129 : vector<16xf32>
      %mul3A_133 = arith.mulf %mul3A_124, %sub3A_132 : vector<16xf32>
      %mul3A_134 = arith.constant 5.000000e-01 : f32
      %mul3A_135 = vector.broadcast %mul3A_134 : f32 to vector<16xf32>
      %mul3A_136 = arith.mulf %mul3A_135, %max3A_107 : vector<16xf32>
      %mul3A_137 = arith.mulf %mul3A_136, %mul3A_133 : vector<16xf32>
      %mul3A_138 = arith.mulf %mul3A_137, %mul3A_133 : vector<16xf32>
      %sub3A_139 = arith.constant 1.500000e+00 : f32
      %sub3A_140 = vector.broadcast %sub3A_139 : f32 to vector<16xf32>
      %sub3A_141 = arith.subf %sub3A_140, %mul3A_138 : vector<16xf32>
      %mul3A_142 = arith.mulf %mul3A_133, %sub3A_141 : vector<16xf32>
      %mul3A_143 = arith.mulf %get3A_16, %mul3A_142 : vector<16xf32>
      %max3A_144 = arith.constant 1.000000e-24 : f32
      %max3A_145 = vector.broadcast %max3A_144 : f32 to vector<16xf32>
      %max3A_146 = arith.maximumf %get3A_31, %max3A_145 : vector<16xf32>
      %bitcast_convert_type3A_147 = tpu.bitcast %max3A_146 : vector<16xf32> -> vector<16xi32>
      %shift_right_arithmetic3A_148 = arith.constant 1 : i32
      %shift_right_arithmetic3A_149 = vector.broadcast %shift_right_arithmetic3A_148 : i32 to vector<16xi32>
      %shift_right_arithmetic3A_150 = arith.shrsi %bitcast_convert_type3A_147, %shift_right_arithmetic3A_149 : vector<16xi32>
      %sub3A_151 = arith.constant 1597463007 : i32
      %sub3A_152 = vector.broadcast %sub3A_151 : i32 to vector<16xi32>
      %sub3A_153 = arith.subi %sub3A_152, %shift_right_arithmetic3A_150 : vector<16xi32>
      %bitcast_convert_type3A_154 = tpu.bitcast %sub3A_153 : vector<16xi32> -> vector<16xf32>
      %mul3A_155 = arith.constant 5.000000e-01 : f32
      %mul3A_156 = vector.broadcast %mul3A_155 : f32 to vector<16xf32>
      %mul3A_157 = arith.mulf %mul3A_156, %max3A_146 : vector<16xf32>
      %mul3A_158 = arith.mulf %mul3A_157, %bitcast_convert_type3A_154 : vector<16xf32>
      %mul3A_159 = arith.mulf %mul3A_158, %bitcast_convert_type3A_154 : vector<16xf32>
      %sub3A_160 = arith.constant 1.500000e+00 : f32
      %sub3A_161 = vector.broadcast %sub3A_160 : f32 to vector<16xf32>
      %sub3A_162 = arith.subf %sub3A_161, %mul3A_159 : vector<16xf32>
      %mul3A_163 = arith.mulf %bitcast_convert_type3A_154, %sub3A_162 : vector<16xf32>
      %mul3A_164 = arith.constant 5.000000e-01 : f32
      %mul3A_165 = vector.broadcast %mul3A_164 : f32 to vector<16xf32>
      %mul3A_166 = arith.mulf %mul3A_165, %max3A_146 : vector<16xf32>
      %mul3A_167 = arith.mulf %mul3A_166, %mul3A_163 : vector<16xf32>
      %mul3A_168 = arith.mulf %mul3A_167, %mul3A_163 : vector<16xf32>
      %sub3A_169 = arith.constant 1.500000e+00 : f32
      %sub3A_170 = vector.broadcast %sub3A_169 : f32 to vector<16xf32>
      %sub3A_171 = arith.subf %sub3A_170, %mul3A_168 : vector<16xf32>
      %mul3A_172 = arith.mulf %mul3A_163, %sub3A_171 : vector<16xf32>
      %mul3A_173 = arith.constant 5.000000e-01 : f32
      %mul3A_174 = vector.broadcast %mul3A_173 : f32 to vector<16xf32>
      %mul3A_175 = arith.mulf %mul3A_174, %max3A_146 : vector<16xf32>
      %mul3A_176 = arith.mulf %mul3A_175, %mul3A_172 : vector<16xf32>
      %mul3A_177 = arith.mulf %mul3A_176, %mul3A_172 : vector<16xf32>
      %sub3A_178 = arith.constant 1.500000e+00 : f32
      %sub3A_179 = vector.broadcast %sub3A_178 : f32 to vector<16xf32>
      %sub3A_180 = arith.subf %sub3A_179, %mul3A_177 : vector<16xf32>
      %mul3A_181 = arith.mulf %mul3A_172, %sub3A_180 : vector<16xf32>
      %mul3A_182 = arith.mulf %get3A_19, %mul3A_181 : vector<16xf32>
      %broadcast_in_dim3A_183 = arith.constant 2.50521079E-8 : f32
      %broadcast_in_dim3A_184 = vector.broadcast %broadcast_in_dim3A_183 : f32 to vector<16xf32>
      %mul3A_185 = arith.mulf %broadcast_in_dim3A_184, %mul3A_65 : vector<16xf32>
      %add3A = arith.constant 2.755732E-7 : f32
      %add3A_186 = vector.broadcast %add3A : f32 to vector<16xf32>
      %add3A_187 = arith.addf %mul3A_185, %add3A_186 : vector<16xf32>
      %mul3A_188 = arith.mulf %add3A_187, %mul3A_65 : vector<16xf32>
      %add3A_189 = arith.constant 2.75573188E-6 : f32
      %add3A_190 = vector.broadcast %add3A_189 : f32 to vector<16xf32>
      %add3A_191 = arith.addf %mul3A_188, %add3A_190 : vector<16xf32>
      %mul3A_192 = arith.mulf %add3A_191, %mul3A_65 : vector<16xf32>
      %add3A_193 = arith.constant 2.48015876E-5 : f32
      %add3A_194 = vector.broadcast %add3A_193 : f32 to vector<16xf32>
      %add3A_195 = arith.addf %mul3A_192, %add3A_194 : vector<16xf32>
      %mul3A_196 = arith.mulf %add3A_195, %mul3A_65 : vector<16xf32>
      %add3A_197 = arith.constant 1.98412701E-4 : f32
      %add3A_198 = vector.broadcast %add3A_197 : f32 to vector<16xf32>
      %add3A_199 = arith.addf %mul3A_196, %add3A_198 : vector<16xf32>
      %mul3A_200 = arith.mulf %add3A_199, %mul3A_65 : vector<16xf32>
      %add3A_201 = arith.constant 0.00138888892 : f32
      %add3A_202 = vector.broadcast %add3A_201 : f32 to vector<16xf32>
      %add3A_203 = arith.addf %mul3A_200, %add3A_202 : vector<16xf32>
      %mul3A_204 = arith.mulf %add3A_203, %mul3A_65 : vector<16xf32>
      %add3A_205 = arith.constant 0.00833333377 : f32
      %add3A_206 = vector.broadcast %add3A_205 : f32 to vector<16xf32>
      %add3A_207 = arith.addf %mul3A_204, %add3A_206 : vector<16xf32>
      %mul3A_208 = arith.mulf %add3A_207, %mul3A_65 : vector<16xf32>
      %add3A_209 = arith.constant 0.0416666679 : f32
      %add3A_210 = vector.broadcast %add3A_209 : f32 to vector<16xf32>
      %add3A_211 = arith.addf %mul3A_208, %add3A_210 : vector<16xf32>
      %mul3A_212 = arith.mulf %add3A_211, %mul3A_65 : vector<16xf32>
      %add3A_213 = arith.constant 0.166666672 : f32
      %add3A_214 = vector.broadcast %add3A_213 : f32 to vector<16xf32>
      %add3A_215 = arith.addf %mul3A_212, %add3A_214 : vector<16xf32>
      %mul3A_216 = arith.mulf %add3A_215, %mul3A_65 : vector<16xf32>
      %add3A_217 = arith.constant 5.000000e-01 : f32
      %add3A_218 = vector.broadcast %add3A_217 : f32 to vector<16xf32>
      %add3A_219 = arith.addf %mul3A_216, %add3A_218 : vector<16xf32>
      %mul3A_220 = arith.mulf %add3A_219, %mul3A_65 : vector<16xf32>
      %add3A_221 = arith.constant 1.000000e+00 : f32
      %add3A_222 = vector.broadcast %add3A_221 : f32 to vector<16xf32>
      %add3A_223 = arith.addf %mul3A_220, %add3A_222 : vector<16xf32>
      %mul3A_224 = arith.mulf %add3A_223, %mul3A_65 : vector<16xf32>
      %add3A_225 = arith.constant 1.000000e+00 : f32
      %add3A_226 = vector.broadcast %add3A_225 : f32 to vector<16xf32>
      %add3A_227 = arith.addf %mul3A_224, %add3A_226 : vector<16xf32>
      %broadcast_in_dim3A_228 = arith.constant 2.50521079E-8 : f32
      %broadcast_in_dim3A_229 = vector.broadcast %broadcast_in_dim3A_228 : f32 to vector<16xf32>
      %mul3A_230 = arith.mulf %broadcast_in_dim3A_229, %mul3A_104 : vector<16xf32>
      %add3A_231 = arith.constant 2.755732E-7 : f32
      %add3A_232 = vector.broadcast %add3A_231 : f32 to vector<16xf32>
      %add3A_233 = arith.addf %mul3A_230, %add3A_232 : vector<16xf32>
      %mul3A_234 = arith.mulf %add3A_233, %mul3A_104 : vector<16xf32>
      %add3A_235 = arith.constant 2.75573188E-6 : f32
      %add3A_236 = vector.broadcast %add3A_235 : f32 to vector<16xf32>
      %add3A_237 = arith.addf %mul3A_234, %add3A_236 : vector<16xf32>
      %mul3A_238 = arith.mulf %add3A_237, %mul3A_104 : vector<16xf32>
      %add3A_239 = arith.constant 2.48015876E-5 : f32
      %add3A_240 = vector.broadcast %add3A_239 : f32 to vector<16xf32>
      %add3A_241 = arith.addf %mul3A_238, %add3A_240 : vector<16xf32>
      %mul3A_242 = arith.mulf %add3A_241, %mul3A_104 : vector<16xf32>
      %add3A_243 = arith.constant 1.98412701E-4 : f32
      %add3A_244 = vector.broadcast %add3A_243 : f32 to vector<16xf32>
      %add3A_245 = arith.addf %mul3A_242, %add3A_244 : vector<16xf32>
      %mul3A_246 = arith.mulf %add3A_245, %mul3A_104 : vector<16xf32>
      %add3A_247 = arith.constant 0.00138888892 : f32
      %add3A_248 = vector.broadcast %add3A_247 : f32 to vector<16xf32>
      %add3A_249 = arith.addf %mul3A_246, %add3A_248 : vector<16xf32>
      %mul3A_250 = arith.mulf %add3A_249, %mul3A_104 : vector<16xf32>
      %add3A_251 = arith.constant 0.00833333377 : f32
      %add3A_252 = vector.broadcast %add3A_251 : f32 to vector<16xf32>
      %add3A_253 = arith.addf %mul3A_250, %add3A_252 : vector<16xf32>
      %mul3A_254 = arith.mulf %add3A_253, %mul3A_104 : vector<16xf32>
      %add3A_255 = arith.constant 0.0416666679 : f32
      %add3A_256 = vector.broadcast %add3A_255 : f32 to vector<16xf32>
      %add3A_257 = arith.addf %mul3A_254, %add3A_256 : vector<16xf32>
      %mul3A_258 = arith.mulf %add3A_257, %mul3A_104 : vector<16xf32>
      %add3A_259 = arith.constant 0.166666672 : f32
      %add3A_260 = vector.broadcast %add3A_259 : f32 to vector<16xf32>
      %add3A_261 = arith.addf %mul3A_258, %add3A_260 : vector<16xf32>
      %mul3A_262 = arith.mulf %add3A_261, %mul3A_104 : vector<16xf32>
      %add3A_263 = arith.constant 5.000000e-01 : f32
      %add3A_264 = vector.broadcast %add3A_263 : f32 to vector<16xf32>
      %add3A_265 = arith.addf %mul3A_262, %add3A_264 : vector<16xf32>
      %mul3A_266 = arith.mulf %add3A_265, %mul3A_104 : vector<16xf32>
      %add3A_267 = arith.constant 1.000000e+00 : f32
      %add3A_268 = vector.broadcast %add3A_267 : f32 to vector<16xf32>
      %add3A_269 = arith.addf %mul3A_266, %add3A_268 : vector<16xf32>
      %mul3A_270 = arith.mulf %add3A_269, %mul3A_104 : vector<16xf32>
      %add3A_271 = arith.constant 1.000000e+00 : f32
      %add3A_272 = vector.broadcast %add3A_271 : f32 to vector<16xf32>
      %add3A_273 = arith.addf %mul3A_270, %add3A_272 : vector<16xf32>
      %broadcast_in_dim3A_274 = arith.constant 2.50521079E-8 : f32
      %broadcast_in_dim3A_275 = vector.broadcast %broadcast_in_dim3A_274 : f32 to vector<16xf32>
      %mul3A_276 = arith.mulf %broadcast_in_dim3A_275, %mul3A_143 : vector<16xf32>
      %add3A_277 = arith.constant 2.755732E-7 : f32
      %add3A_278 = vector.broadcast %add3A_277 : f32 to vector<16xf32>
      %add3A_279 = arith.addf %mul3A_276, %add3A_278 : vector<16xf32>
      %mul3A_280 = arith.mulf %add3A_279, %mul3A_143 : vector<16xf32>
      %add3A_281 = arith.constant 2.75573188E-6 : f32
      %add3A_282 = vector.broadcast %add3A_281 : f32 to vector<16xf32>
      %add3A_283 = arith.addf %mul3A_280, %add3A_282 : vector<16xf32>
      %mul3A_284 = arith.mulf %add3A_283, %mul3A_143 : vector<16xf32>
      %add3A_285 = arith.constant 2.48015876E-5 : f32
      %add3A_286 = vector.broadcast %add3A_285 : f32 to vector<16xf32>
      %add3A_287 = arith.addf %mul3A_284, %add3A_286 : vector<16xf32>
      %mul3A_288 = arith.mulf %add3A_287, %mul3A_143 : vector<16xf32>
      %add3A_289 = arith.constant 1.98412701E-4 : f32
      %add3A_290 = vector.broadcast %add3A_289 : f32 to vector<16xf32>
      %add3A_291 = arith.addf %mul3A_288, %add3A_290 : vector<16xf32>
      %mul3A_292 = arith.mulf %add3A_291, %mul3A_143 : vector<16xf32>
      %add3A_293 = arith.constant 0.00138888892 : f32
      %add3A_294 = vector.broadcast %add3A_293 : f32 to vector<16xf32>
      %add3A_295 = arith.addf %mul3A_292, %add3A_294 : vector<16xf32>
      %mul3A_296 = arith.mulf %add3A_295, %mul3A_143 : vector<16xf32>
      %add3A_297 = arith.constant 0.00833333377 : f32
      %add3A_298 = vector.broadcast %add3A_297 : f32 to vector<16xf32>
      %add3A_299 = arith.addf %mul3A_296, %add3A_298 : vector<16xf32>
      %mul3A_300 = arith.mulf %add3A_299, %mul3A_143 : vector<16xf32>
      %add3A_301 = arith.constant 0.0416666679 : f32
      %add3A_302 = vector.broadcast %add3A_301 : f32 to vector<16xf32>
      %add3A_303 = arith.addf %mul3A_300, %add3A_302 : vector<16xf32>
      %mul3A_304 = arith.mulf %add3A_303, %mul3A_143 : vector<16xf32>
      %add3A_305 = arith.constant 0.166666672 : f32
      %add3A_306 = vector.broadcast %add3A_305 : f32 to vector<16xf32>
      %add3A_307 = arith.addf %mul3A_304, %add3A_306 : vector<16xf32>
      %mul3A_308 = arith.mulf %add3A_307, %mul3A_143 : vector<16xf32>
      %add3A_309 = arith.constant 5.000000e-01 : f32
      %add3A_310 = vector.broadcast %add3A_309 : f32 to vector<16xf32>
      %add3A_311 = arith.addf %mul3A_308, %add3A_310 : vector<16xf32>
      %mul3A_312 = arith.mulf %add3A_311, %mul3A_143 : vector<16xf32>
      %add3A_313 = arith.constant 1.000000e+00 : f32
      %add3A_314 = vector.broadcast %add3A_313 : f32 to vector<16xf32>
      %add3A_315 = arith.addf %mul3A_312, %add3A_314 : vector<16xf32>
      %mul3A_316 = arith.mulf %add3A_315, %mul3A_143 : vector<16xf32>
      %add3A_317 = arith.constant 1.000000e+00 : f32
      %add3A_318 = vector.broadcast %add3A_317 : f32 to vector<16xf32>
      %add3A_319 = arith.addf %mul3A_316, %add3A_318 : vector<16xf32>
      %broadcast_in_dim3A_320 = arith.constant 2.50521079E-8 : f32
      %broadcast_in_dim3A_321 = vector.broadcast %broadcast_in_dim3A_320 : f32 to vector<16xf32>
      %mul3A_322 = arith.mulf %broadcast_in_dim3A_321, %mul3A_182 : vector<16xf32>
      %add3A_323 = arith.constant 2.755732E-7 : f32
      %add3A_324 = vector.broadcast %add3A_323 : f32 to vector<16xf32>
      %add3A_325 = arith.addf %mul3A_322, %add3A_324 : vector<16xf32>
      %mul3A_326 = arith.mulf %add3A_325, %mul3A_182 : vector<16xf32>
      %add3A_327 = arith.constant 2.75573188E-6 : f32
      %add3A_328 = vector.broadcast %add3A_327 : f32 to vector<16xf32>
      %add3A_329 = arith.addf %mul3A_326, %add3A_328 : vector<16xf32>
      %mul3A_330 = arith.mulf %add3A_329, %mul3A_182 : vector<16xf32>
      %add3A_331 = arith.constant 2.48015876E-5 : f32
      %add3A_332 = vector.broadcast %add3A_331 : f32 to vector<16xf32>
      %add3A_333 = arith.addf %mul3A_330, %add3A_332 : vector<16xf32>
      %mul3A_334 = arith.mulf %add3A_333, %mul3A_182 : vector<16xf32>
      %add3A_335 = arith.constant 1.98412701E-4 : f32
      %add3A_336 = vector.broadcast %add3A_335 : f32 to vector<16xf32>
      %add3A_337 = arith.addf %mul3A_334, %add3A_336 : vector<16xf32>
      %mul3A_338 = arith.mulf %add3A_337, %mul3A_182 : vector<16xf32>
      %add3A_339 = arith.constant 0.00138888892 : f32
      %add3A_340 = vector.broadcast %add3A_339 : f32 to vector<16xf32>
      %add3A_341 = arith.addf %mul3A_338, %add3A_340 : vector<16xf32>
      %mul3A_342 = arith.mulf %add3A_341, %mul3A_182 : vector<16xf32>
      %add3A_343 = arith.constant 0.00833333377 : f32
      %add3A_344 = vector.broadcast %add3A_343 : f32 to vector<16xf32>
      %add3A_345 = arith.addf %mul3A_342, %add3A_344 : vector<16xf32>
      %mul3A_346 = arith.mulf %add3A_345, %mul3A_182 : vector<16xf32>
      %add3A_347 = arith.constant 0.0416666679 : f32
      %add3A_348 = vector.broadcast %add3A_347 : f32 to vector<16xf32>
      %add3A_349 = arith.addf %mul3A_346, %add3A_348 : vector<16xf32>
      %mul3A_350 = arith.mulf %add3A_349, %mul3A_182 : vector<16xf32>
      %add3A_351 = arith.constant 0.166666672 : f32
      %add3A_352 = vector.broadcast %add3A_351 : f32 to vector<16xf32>
      %add3A_353 = arith.addf %mul3A_350, %add3A_352 : vector<16xf32>
      %mul3A_354 = arith.mulf %add3A_353, %mul3A_182 : vector<16xf32>
      %add3A_355 = arith.constant 5.000000e-01 : f32
      %add3A_356 = vector.broadcast %add3A_355 : f32 to vector<16xf32>
      %add3A_357 = arith.addf %mul3A_354, %add3A_356 : vector<16xf32>
      %mul3A_358 = arith.mulf %add3A_357, %mul3A_182 : vector<16xf32>
      %add3A_359 = arith.constant 1.000000e+00 : f32
      %add3A_360 = vector.broadcast %add3A_359 : f32 to vector<16xf32>
      %add3A_361 = arith.addf %mul3A_358, %add3A_360 : vector<16xf32>
      %mul3A_362 = arith.mulf %add3A_361, %mul3A_182 : vector<16xf32>
      %add3A_363 = arith.constant 1.000000e+00 : f32
      %add3A_364 = vector.broadcast %add3A_363 : f32 to vector<16xf32>
      %add3A_365 = arith.addf %mul3A_362, %add3A_364 : vector<16xf32>
      %add3A_366 = arith.addf %add3A_227, %add3A_273 : vector<16xf32>
      %add3A_367 = arith.addf %add3A_366, %add3A_319 : vector<16xf32>
      %add3A_368 = arith.addf %add3A_367, %add3A_365 : vector<16xf32>
      %xor3A = arith.constant 8 : i32
      %xor3A_369 = vector.broadcast %xor3A : i32 to vector<16xi32>
      %xor3A_370 = arith.xori %iota3A, %xor3A_369 : vector<16xi32>
      %broadcast_in_dim3A_371 = vector.shape_cast %xor3A_370 : vector<16xi32> to vector<16x1xi32>
      %gather3A = vector.shape_cast %broadcast_in_dim3A_371 : vector<16x1xi32> to vector<16xi32>
      %gather3A_372 = tpu.dynamic_gather %add3A_368[%gather3A] in [0] : vector<16xf32>, vector<16xi32> -> vector<16xf32>
      %add3A_373 = arith.addf %add3A_368, %gather3A_372 : vector<16xf32>
      %xor3A_374 = arith.constant 4 : i32
      %xor3A_375 = vector.broadcast %xor3A_374 : i32 to vector<16xi32>
      %xor3A_376 = arith.xori %iota3A, %xor3A_375 : vector<16xi32>
      %broadcast_in_dim3A_377 = vector.shape_cast %xor3A_376 : vector<16xi32> to vector<16x1xi32>
      %gather3A_378 = vector.shape_cast %broadcast_in_dim3A_377 : vector<16x1xi32> to vector<16xi32>
      %gather3A_379 = tpu.dynamic_gather %add3A_373[%gather3A_378] in [0] : vector<16xf32>, vector<16xi32> -> vector<16xf32>
      %add3A_380 = arith.addf %add3A_373, %gather3A_379 : vector<16xf32>
      %xor3A_381 = arith.constant 2 : i32
      %xor3A_382 = vector.broadcast %xor3A_381 : i32 to vector<16xi32>
      %xor3A_383 = arith.xori %iota3A, %xor3A_382 : vector<16xi32>
      %broadcast_in_dim3A_384 = vector.shape_cast %xor3A_383 : vector<16xi32> to vector<16x1xi32>
      %gather3A_385 = vector.shape_cast %broadcast_in_dim3A_384 : vector<16x1xi32> to vector<16xi32>
      %gather3A_386 = tpu.dynamic_gather %add3A_380[%gather3A_385] in [0] : vector<16xf32>, vector<16xi32> -> vector<16xf32>
      %add3A_387 = arith.addf %add3A_380, %gather3A_386 : vector<16xf32>
      %xor3A_388 = arith.constant 1 : i32
      %xor3A_389 = vector.broadcast %xor3A_388 : i32 to vector<16xi32>
      %xor3A_390 = arith.xori %iota3A, %xor3A_389 : vector<16xi32>
      %broadcast_in_dim3A_391 = vector.shape_cast %xor3A_390 : vector<16xi32> to vector<16x1xi32>
      %gather3A_392 = vector.shape_cast %broadcast_in_dim3A_391 : vector<16x1xi32> to vector<16xi32>
      %gather3A_393 = tpu.dynamic_gather %add3A_387[%gather3A_392] in [0] : vector<16xf32>, vector<16xi32> -> vector<16xf32>
      %add3A_394 = arith.addf %add3A_387, %gather3A_393 : vector<16xf32>
      %div3A = arith.divf %add3A_227, %add3A_394 : vector<16xf32>
      %div3A_395 = arith.divf %add3A_273, %add3A_394 : vector<16xf32>
      %div3A_396 = arith.divf %add3A_319, %add3A_394 : vector<16xf32>
      %div3A_397 = arith.divf %add3A_365, %add3A_394 : vector<16xf32>
      %bitcast_convert_type3A_398 = tpu.bitcast %add3A_394 : vector<16xf32> -> vector<16xi32>
      %shift_right_arithmetic3A_399 = arith.constant 23 : i32
      %shift_right_arithmetic3A_400 = vector.broadcast %shift_right_arithmetic3A_399 : i32 to vector<16xi32>
      %shift_right_arithmetic3A_401 = arith.shrsi %bitcast_convert_type3A_398, %shift_right_arithmetic3A_400 : vector<16xi32>
      %and3A_402 = arith.constant 255 : i32
      %and3A_403 = vector.broadcast %and3A_402 : i32 to vector<16xi32>
      %and3A_404 = arith.andi %shift_right_arithmetic3A_401, %and3A_403 : vector<16xi32>
      %sub3A_405 = arith.constant 127 : i32
      %sub3A_406 = vector.broadcast %sub3A_405 : i32 to vector<16xi32>
      %sub3A_407 = arith.subi %and3A_404, %sub3A_406 : vector<16xi32>
      %and3A_408 = arith.constant 8388607 : i32
      %and3A_409 = vector.broadcast %and3A_408 : i32 to vector<16xi32>
      %and3A_410 = arith.andi %bitcast_convert_type3A_398, %and3A_409 : vector<16xi32>
      %or3A = arith.constant 1065353216 : i32
      %or3A_411 = vector.broadcast %or3A : i32 to vector<16xi32>
      %or3A_412 = arith.ori %and3A_410, %or3A_411 : vector<16xi32>
      %bitcast_convert_type3A_413 = tpu.bitcast %or3A_412 : vector<16xi32> -> vector<16xf32>
      %convert_element_type3A_414 = arith.sitofp %sub3A_407 : vector<16xi32> to vector<16xf32>
      %mul3A_415 = arith.constant 0.693147182 : f32
      %mul3A_416 = vector.broadcast %mul3A_415 : f32 to vector<16xf32>
      %mul3A_417 = arith.mulf %convert_element_type3A_414, %mul3A_416 : vector<16xf32>
      %sub3A_418 = arith.constant 1.000000e+00 : f32
      %sub3A_419 = vector.broadcast %sub3A_418 : f32 to vector<16xf32>
      %sub3A_420 = arith.subf %bitcast_convert_type3A_413, %sub3A_419 : vector<16xf32>
      %add3A_421 = arith.addf %mul3A_417, %sub3A_420 : vector<16xf32>
      %neg3A = arith.constant 0.000000e+00 : f32
      %neg3A_422 = vector.broadcast %neg3A : f32 to vector<16xf32>
      %neg3A_423 = arith.subf %neg3A_422, %add3A_421 : vector<16xf32>
      %exp3A = math.exp %neg3A_423 : vector<16xf32>
      %mul3A_424 = arith.mulf %add3A_394, %exp3A : vector<16xf32>
      %add3A_425 = arith.addf %add3A_421, %mul3A_424 : vector<16xf32>
      %sub3A_426 = arith.constant 1.000000e+00 : f32
      %sub3A_427 = vector.broadcast %sub3A_426 : f32 to vector<16xf32>
      %sub3A_428 = arith.subf %add3A_425, %sub3A_427 : vector<16xf32>
      %neg3A_429 = arith.constant 0.000000e+00 : f32
      %neg3A_430 = vector.broadcast %neg3A_429 : f32 to vector<16xf32>
      %neg3A_431 = arith.subf %neg3A_430, %sub3A_428 : vector<16xf32>
      %exp3A_432 = math.exp %neg3A_431 : vector<16xf32>
      %mul3A_433 = arith.mulf %add3A_394, %exp3A_432 : vector<16xf32>
      %add3A_434 = arith.addf %sub3A_428, %mul3A_433 : vector<16xf32>
      %sub3A_435 = arith.constant 1.000000e+00 : f32
      %sub3A_436 = vector.broadcast %sub3A_435 : f32 to vector<16xf32>
      %sub3A_437 = arith.subf %add3A_434, %sub3A_436 : vector<16xf32>
      %neg3A_438 = arith.constant 0.000000e+00 : f32
      %neg3A_439 = vector.broadcast %neg3A_438 : f32 to vector<16xf32>
      %neg3A_440 = arith.subf %neg3A_439, %sub3A_437 : vector<16xf32>
      %exp3A_441 = math.exp %neg3A_440 : vector<16xf32>
      %mul3A_442 = arith.mulf %add3A_394, %exp3A_441 : vector<16xf32>
      %add3A_443 = arith.addf %sub3A_437, %mul3A_442 : vector<16xf32>
      %sub3A_444 = arith.constant 1.000000e+00 : f32
      %sub3A_445 = vector.broadcast %sub3A_444 : f32 to vector<16xf32>
      %sub3A_446 = arith.subf %add3A_443, %sub3A_445 : vector<16xf32>
      %mul3A_447 = arith.constant 1.44269502 : f32
      %mul3A_448 = vector.broadcast %mul3A_447 : f32 to vector<16xf32>
      %mul3A_449 = arith.mulf %sub3A_446, %mul3A_448 : vector<16xf32>
      %convert_element_type3A_450 = arith.fptosi %mul3A_449 : vector<16xf32> to vector<16xi32>
      %convert_element_type3A_451 = arith.sitofp %convert_element_type3A_450 : vector<16xi32> to vector<16xf32>
      %mul3A_452 = arith.constant 0.693147182 : f32
      %mul3A_453 = vector.broadcast %mul3A_452 : f32 to vector<16xf32>
      %mul3A_454 = arith.mulf %convert_element_type3A_451, %mul3A_453 : vector<16xf32>
      %sub3A_455 = arith.subf %sub3A_446, %mul3A_454 : vector<16xf32>
      %sub3A_456 = arith.constant 127 : i32
      %sub3A_457 = vector.broadcast %sub3A_456 : i32 to vector<16xi32>
      %sub3A_458 = arith.subi %sub3A_457, %convert_element_type3A_450 : vector<16xi32>
      %shift_left3A = arith.constant 23 : i32
      %shift_left3A_459 = vector.broadcast %shift_left3A : i32 to vector<16xi32>
      %shift_left3A_460 = arith.shli %sub3A_458, %shift_left3A_459 : vector<16xi32>
      %bitcast_convert_type3A_461 = tpu.bitcast %shift_left3A_460 : vector<16xi32> -> vector<16xf32>
      %neg3A_462 = arith.constant 0.000000e+00 : f32
      %neg3A_463 = vector.broadcast %neg3A_462 : f32 to vector<16xf32>
      %neg3A_464 = arith.subf %neg3A_463, %sub3A_455 : vector<16xf32>
      %broadcast_in_dim3A_465 = arith.constant 2.50521079E-8 : f32
      %broadcast_in_dim3A_466 = vector.broadcast %broadcast_in_dim3A_465 : f32 to vector<16xf32>
      %mul3A_467 = arith.mulf %broadcast_in_dim3A_466, %neg3A_464 : vector<16xf32>
      %add3A_468 = arith.constant 2.755732E-7 : f32
      %add3A_469 = vector.broadcast %add3A_468 : f32 to vector<16xf32>
      %add3A_470 = arith.addf %mul3A_467, %add3A_469 : vector<16xf32>
      %mul3A_471 = arith.mulf %add3A_470, %neg3A_464 : vector<16xf32>
      %add3A_472 = arith.constant 2.75573188E-6 : f32
      %add3A_473 = vector.broadcast %add3A_472 : f32 to vector<16xf32>
      %add3A_474 = arith.addf %mul3A_471, %add3A_473 : vector<16xf32>
      %mul3A_475 = arith.mulf %add3A_474, %neg3A_464 : vector<16xf32>
      %add3A_476 = arith.constant 2.48015876E-5 : f32
      %add3A_477 = vector.broadcast %add3A_476 : f32 to vector<16xf32>
      %add3A_478 = arith.addf %mul3A_475, %add3A_477 : vector<16xf32>
      %mul3A_479 = arith.mulf %add3A_478, %neg3A_464 : vector<16xf32>
      %add3A_480 = arith.constant 1.98412701E-4 : f32
      %add3A_481 = vector.broadcast %add3A_480 : f32 to vector<16xf32>
      %add3A_482 = arith.addf %mul3A_479, %add3A_481 : vector<16xf32>
      %mul3A_483 = arith.mulf %add3A_482, %neg3A_464 : vector<16xf32>
      %add3A_484 = arith.constant 0.00138888892 : f32
      %add3A_485 = vector.broadcast %add3A_484 : f32 to vector<16xf32>
      %add3A_486 = arith.addf %mul3A_483, %add3A_485 : vector<16xf32>
      %mul3A_487 = arith.mulf %add3A_486, %neg3A_464 : vector<16xf32>
      %add3A_488 = arith.constant 0.00833333377 : f32
      %add3A_489 = vector.broadcast %add3A_488 : f32 to vector<16xf32>
      %add3A_490 = arith.addf %mul3A_487, %add3A_489 : vector<16xf32>
      %mul3A_491 = arith.mulf %add3A_490, %neg3A_464 : vector<16xf32>
      %add3A_492 = arith.constant 0.0416666679 : f32
      %add3A_493 = vector.broadcast %add3A_492 : f32 to vector<16xf32>
      %add3A_494 = arith.addf %mul3A_491, %add3A_493 : vector<16xf32>
      %mul3A_495 = arith.mulf %add3A_494, %neg3A_464 : vector<16xf32>
      %add3A_496 = arith.constant 0.166666672 : f32
      %add3A_497 = vector.broadcast %add3A_496 : f32 to vector<16xf32>
      %add3A_498 = arith.addf %mul3A_495, %add3A_497 : vector<16xf32>
      %mul3A_499 = arith.mulf %add3A_498, %neg3A_464 : vector<16xf32>
      %add3A_500 = arith.constant 5.000000e-01 : f32
      %add3A_501 = vector.broadcast %add3A_500 : f32 to vector<16xf32>
      %add3A_502 = arith.addf %mul3A_499, %add3A_501 : vector<16xf32>
      %mul3A_503 = arith.mulf %add3A_502, %neg3A_464 : vector<16xf32>
      %add3A_504 = arith.constant 1.000000e+00 : f32
      %add3A_505 = vector.broadcast %add3A_504 : f32 to vector<16xf32>
      %add3A_506 = arith.addf %mul3A_503, %add3A_505 : vector<16xf32>
      %mul3A_507 = arith.mulf %add3A_506, %neg3A_464 : vector<16xf32>
      %add3A_508 = arith.constant 1.000000e+00 : f32
      %add3A_509 = vector.broadcast %add3A_508 : f32 to vector<16xf32>
      %add3A_510 = arith.addf %mul3A_507, %add3A_509 : vector<16xf32>
      %mul3A_511 = arith.mulf %bitcast_convert_type3A_461, %add3A_510 : vector<16xf32>
      %mul3A_512 = arith.mulf %add3A_394, %mul3A_511 : vector<16xf32>
      %add3A_513 = arith.addf %sub3A_446, %mul3A_512 : vector<16xf32>
      %sub3A_514 = arith.constant 1.000000e+00 : f32
      %sub3A_515 = vector.broadcast %sub3A_514 : f32 to vector<16xf32>
      %sub3A_516 = arith.subf %add3A_513, %sub3A_515 : vector<16xf32>
      %sub3A_517 = arith.subf %mul3A_65, %sub3A_516 : vector<16xf32>
      %sub3A_518 = arith.subf %mul3A_104, %sub3A_516 : vector<16xf32>
      %sub3A_519 = arith.subf %mul3A_143, %sub3A_516 : vector<16xf32>
      %sub3A_520 = arith.subf %mul3A_182, %sub3A_516 : vector<16xf32>
      %gt3A = arith.constant 3.000000e-01 : f32
      %gt3A_521 = vector.broadcast %gt3A : f32 to vector<16xf32>
      %gt3A_522 = arith.cmpf ogt, %div3A, %gt3A_521 : vector<16xf32>
      %gt3A_523 = arith.constant 3.000000e-01 : f32
      %gt3A_524 = vector.broadcast %gt3A_523 : f32 to vector<16xf32>
      %gt3A_525 = arith.cmpf ogt, %div3A_395, %gt3A_524 : vector<16xf32>
      %gt3A_526 = arith.constant 3.000000e-01 : f32
      %gt3A_527 = vector.broadcast %gt3A_526 : f32 to vector<16xf32>
      %gt3A_528 = arith.cmpf ogt, %div3A_396, %gt3A_527 : vector<16xf32>
      %gt3A_529 = arith.constant 3.000000e-01 : f32
      %gt3A_530 = vector.broadcast %gt3A_529 : f32 to vector<16xf32>
      %gt3A_531 = arith.cmpf ogt, %div3A_397, %gt3A_530 : vector<16xf32>
      %select_n3A = arith.select %gt3A_522, %broadcast_in_dim3A_4, %broadcast_in_dim3A_6 : vector<16xi1>, vector<16xf32>
      %select_n3A_532 = arith.select %gt3A_525, %broadcast_in_dim3A_4, %broadcast_in_dim3A_6 : vector<16xi1>, vector<16xf32>
      %select_n3A_533 = arith.select %gt3A_528, %broadcast_in_dim3A_4, %broadcast_in_dim3A_6 : vector<16xi1>, vector<16xf32>
      %select_n3A_534 = arith.select %gt3A_531, %broadcast_in_dim3A_4, %broadcast_in_dim3A_6 : vector<16xi1>, vector<16xf32>
      %max3A_535 = arith.maximumf %div3A, %div3A_395 : vector<16xf32>
      %max3A_536 = arith.maximumf %div3A_396, %div3A_397 : vector<16xf32>
      %max3A_537 = arith.maximumf %max3A_535, %max3A_536 : vector<16xf32>
      %xor3A_538 = arith.constant 8 : i32
      %xor3A_539 = vector.broadcast %xor3A_538 : i32 to vector<16xi32>
      %xor3A_540 = arith.xori %iota3A, %xor3A_539 : vector<16xi32>
      %broadcast_in_dim3A_541 = vector.shape_cast %xor3A_540 : vector<16xi32> to vector<16x1xi32>
      %gather3A_542 = vector.shape_cast %broadcast_in_dim3A_541 : vector<16x1xi32> to vector<16xi32>
      %gather3A_543 = tpu.dynamic_gather %max3A_537[%gather3A_542] in [0] : vector<16xf32>, vector<16xi32> -> vector<16xf32>
      %max3A_544 = arith.maximumf %max3A_537, %gather3A_543 : vector<16xf32>
      %xor3A_545 = arith.constant 4 : i32
      %xor3A_546 = vector.broadcast %xor3A_545 : i32 to vector<16xi32>
      %xor3A_547 = arith.xori %iota3A, %xor3A_546 : vector<16xi32>
      %broadcast_in_dim3A_548 = vector.shape_cast %xor3A_547 : vector<16xi32> to vector<16x1xi32>
      %gather3A_549 = vector.shape_cast %broadcast_in_dim3A_548 : vector<16x1xi32> to vector<16xi32>
      %gather3A_550 = tpu.dynamic_gather %max3A_544[%gather3A_549] in [0] : vector<16xf32>, vector<16xi32> -> vector<16xf32>
      %max3A_551 = arith.maximumf %max3A_544, %gather3A_550 : vector<16xf32>
      %xor3A_552 = arith.constant 2 : i32
      %xor3A_553 = vector.broadcast %xor3A_552 : i32 to vector<16xi32>
      %xor3A_554 = arith.xori %iota3A, %xor3A_553 : vector<16xi32>
      %broadcast_in_dim3A_555 = vector.shape_cast %xor3A_554 : vector<16xi32> to vector<16x1xi32>
      %gather3A_556 = vector.shape_cast %broadcast_in_dim3A_555 : vector<16x1xi32> to vector<16xi32>
      %gather3A_557 = tpu.dynamic_gather %max3A_551[%gather3A_556] in [0] : vector<16xf32>, vector<16xi32> -> vector<16xf32>
      %max3A_558 = arith.maximumf %max3A_551, %gather3A_557 : vector<16xf32>
      %xor3A_559 = arith.constant 1 : i32
      %xor3A_560 = vector.broadcast %xor3A_559 : i32 to vector<16xi32>
      %xor3A_561 = arith.xori %iota3A, %xor3A_560 : vector<16xi32>
      %broadcast_in_dim3A_562 = vector.shape_cast %xor3A_561 : vector<16xi32> to vector<16x1xi32>
      %gather3A_563 = vector.shape_cast %broadcast_in_dim3A_562 : vector<16x1xi32> to vector<16xi32>
      %gather3A_564 = tpu.dynamic_gather %max3A_558[%gather3A_563] in [0] : vector<16xf32>, vector<16xi32> -> vector<16xf32>
      %max3A_565 = arith.maximumf %max3A_558, %gather3A_564 : vector<16xf32>
      %eq3A_566 = arith.cmpf oeq, %div3A, %max3A_565 : vector<16xf32>
      %add3A_567 = arith.constant 64 : i32
      %add3A_568 = vector.broadcast %add3A_567 : i32 to vector<16xi32>
      %add3A_569 = arith.addi %iota3A, %add3A_568 : vector<16xi32>
      %select_n3A_570 = arith.select %eq3A_566, %add3A_569, %broadcast_in_dim3A_8 : vector<16xi1>, vector<16xi32>
      %select_n3A_571 = arith.select %gt3A_522, %iota3A, %select_n3A_570 : vector<16xi1>, vector<16xi32>
      %add3A_572 = arith.constant 16 : i32
      %add3A_573 = vector.broadcast %add3A_572 : i32 to vector<16xi32>
      %add3A_574 = arith.addi %iota3A, %add3A_573 : vector<16xi32>
      %eq3A_575 = arith.cmpf oeq, %div3A_395, %max3A_565 : vector<16xf32>
      %add3A_576 = arith.constant 80 : i32
      %add3A_577 = vector.broadcast %add3A_576 : i32 to vector<16xi32>
      %add3A_578 = arith.addi %iota3A, %add3A_577 : vector<16xi32>
      %select_n3A_579 = arith.select %eq3A_575, %add3A_578, %broadcast_in_dim3A_8 : vector<16xi1>, vector<16xi32>
      %select_n3A_580 = arith.select %gt3A_525, %add3A_574, %select_n3A_579 : vector<16xi1>, vector<16xi32>
      %min3A = arith.minsi %select_n3A_571, %select_n3A_580 : vector<16xi32>
      %add3A_581 = arith.constant 32 : i32
      %add3A_582 = vector.broadcast %add3A_581 : i32 to vector<16xi32>
      %add3A_583 = arith.addi %iota3A, %add3A_582 : vector<16xi32>
      %eq3A_584 = arith.cmpf oeq, %div3A_396, %max3A_565 : vector<16xf32>
      %add3A_585 = arith.constant 96 : i32
      %add3A_586 = vector.broadcast %add3A_585 : i32 to vector<16xi32>
      %add3A_587 = arith.addi %iota3A, %add3A_586 : vector<16xi32>
      %select_n3A_588 = arith.select %eq3A_584, %add3A_587, %broadcast_in_dim3A_8 : vector<16xi1>, vector<16xi32>
      %select_n3A_589 = arith.select %gt3A_528, %add3A_583, %select_n3A_588 : vector<16xi1>, vector<16xi32>
      %add3A_590 = arith.constant 48 : i32
      %add3A_591 = vector.broadcast %add3A_590 : i32 to vector<16xi32>
      %add3A_592 = arith.addi %iota3A, %add3A_591 : vector<16xi32>
      %eq3A_593 = arith.cmpf oeq, %div3A_397, %max3A_565 : vector<16xf32>
      %add3A_594 = arith.constant 112 : i32
      %add3A_595 = vector.broadcast %add3A_594 : i32 to vector<16xi32>
      %add3A_596 = arith.addi %iota3A, %add3A_595 : vector<16xi32>
      %select_n3A_597 = arith.select %eq3A_593, %add3A_596, %broadcast_in_dim3A_8 : vector<16xi1>, vector<16xi32>
      %select_n3A_598 = arith.select %gt3A_531, %add3A_592, %select_n3A_597 : vector<16xi1>, vector<16xi32>
      %min3A_599 = arith.minsi %select_n3A_589, %select_n3A_598 : vector<16xi32>
      %min3A_600 = arith.minsi %min3A, %min3A_599 : vector<16xi32>
      %xor3A_601 = arith.constant 8 : i32
      %xor3A_602 = vector.broadcast %xor3A_601 : i32 to vector<16xi32>
      %xor3A_603 = arith.xori %iota3A, %xor3A_602 : vector<16xi32>
      %broadcast_in_dim3A_604 = vector.shape_cast %xor3A_603 : vector<16xi32> to vector<16x1xi32>
      %gather3A_605 = vector.shape_cast %broadcast_in_dim3A_604 : vector<16x1xi32> to vector<16xi32>
      %gather3A_606 = tpu.dynamic_gather %min3A_600[%gather3A_605] in [0] : vector<16xi32>, vector<16xi32> -> vector<16xi32>
      %min3A_607 = arith.minsi %min3A_600, %gather3A_606 : vector<16xi32>
      %xor3A_608 = arith.constant 4 : i32
      %xor3A_609 = vector.broadcast %xor3A_608 : i32 to vector<16xi32>
      %xor3A_610 = arith.xori %iota3A, %xor3A_609 : vector<16xi32>
      %broadcast_in_dim3A_611 = vector.shape_cast %xor3A_610 : vector<16xi32> to vector<16x1xi32>
      %gather3A_612 = vector.shape_cast %broadcast_in_dim3A_611 : vector<16x1xi32> to vector<16xi32>
      %gather3A_613 = tpu.dynamic_gather %min3A_607[%gather3A_612] in [0] : vector<16xi32>, vector<16xi32> -> vector<16xi32>
      %min3A_614 = arith.minsi %min3A_607, %gather3A_613 : vector<16xi32>
      %xor3A_615 = arith.constant 2 : i32
      %xor3A_616 = vector.broadcast %xor3A_615 : i32 to vector<16xi32>
      %xor3A_617 = arith.xori %iota3A, %xor3A_616 : vector<16xi32>
      %broadcast_in_dim3A_618 = vector.shape_cast %xor3A_617 : vector<16xi32> to vector<16x1xi32>
      %gather3A_619 = vector.shape_cast %broadcast_in_dim3A_618 : vector<16x1xi32> to vector<16xi32>
      %gather3A_620 = tpu.dynamic_gather %min3A_614[%gather3A_619] in [0] : vector<16xi32>, vector<16xi32> -> vector<16xi32>
      %min3A_621 = arith.minsi %min3A_614, %gather3A_620 : vector<16xi32>
      %xor3A_622 = arith.constant 1 : i32
      %xor3A_623 = vector.broadcast %xor3A_622 : i32 to vector<16xi32>
      %xor3A_624 = arith.xori %iota3A, %xor3A_623 : vector<16xi32>
      %broadcast_in_dim3A_625 = vector.shape_cast %xor3A_624 : vector<16xi32> to vector<16x1xi32>
      %gather3A_626 = vector.shape_cast %broadcast_in_dim3A_625 : vector<16x1xi32> to vector<16xi32>
      %gather3A_627 = tpu.dynamic_gather %min3A_621[%gather3A_626] in [0] : vector<16xi32>, vector<16xi32> -> vector<16xi32>
      %min3A_628 = arith.minsi %min3A_621, %gather3A_627 : vector<16xi32>
      %lt3A = arith.constant 64 : i32
      %lt3A_629 = vector.broadcast %lt3A : i32 to vector<16xi32>
      %lt3A_630 = arith.cmpi slt, %min3A_628, %lt3A_629 : vector<16xi32>
      %and3A_631 = arith.constant 63 : i32
      %and3A_632 = vector.broadcast %and3A_631 : i32 to vector<16xi32>
      %and3A_633 = arith.andi %min3A_628, %and3A_632 : vector<16xi32>
      %add3A_634 = arith.constant 0 : i32
      %add3A_635 = vector.broadcast %add3A_634 : i32 to vector<16xi32>
      %add3A_636 = arith.addi %iota3A, %add3A_635 : vector<16xi32>
      %eq3A_637 = arith.cmpi eq, %add3A_636, %and3A_633 : vector<16xi32>
      %select_n3A_638 = arith.select %eq3A_637, %broadcast_in_dim3A_4, %broadcast_in_dim3A_6 : vector<16xi1>, vector<16xf32>
      %select_n3A_639 = arith.select %lt3A_630, %select_n3A, %select_n3A_638 : vector<16xi1>, vector<16xf32>
      %add3A_640 = arith.constant 16 : i32
      %add3A_641 = vector.broadcast %add3A_640 : i32 to vector<16xi32>
      %add3A_642 = arith.addi %iota3A, %add3A_641 : vector<16xi32>
      %eq3A_643 = arith.cmpi eq, %add3A_642, %and3A_633 : vector<16xi32>
      %select_n3A_644 = arith.select %eq3A_643, %broadcast_in_dim3A_4, %broadcast_in_dim3A_6 : vector<16xi1>, vector<16xf32>
      %select_n3A_645 = arith.select %lt3A_630, %select_n3A_532, %select_n3A_644 : vector<16xi1>, vector<16xf32>
      %add3A_646 = arith.constant 32 : i32
      %add3A_647 = vector.broadcast %add3A_646 : i32 to vector<16xi32>
      %add3A_648 = arith.addi %iota3A, %add3A_647 : vector<16xi32>
      %eq3A_649 = arith.cmpi eq, %add3A_648, %and3A_633 : vector<16xi32>
      %select_n3A_650 = arith.select %eq3A_649, %broadcast_in_dim3A_4, %broadcast_in_dim3A_6 : vector<16xi1>, vector<16xf32>
      %select_n3A_651 = arith.select %lt3A_630, %select_n3A_533, %select_n3A_650 : vector<16xi1>, vector<16xf32>
      %add3A_652 = arith.constant 48 : i32
      %add3A_653 = vector.broadcast %add3A_652 : i32 to vector<16xi32>
      %add3A_654 = arith.addi %iota3A, %add3A_653 : vector<16xi32>
      %eq3A_655 = arith.cmpi eq, %add3A_654, %and3A_633 : vector<16xi32>
      %select_n3A_656 = arith.select %eq3A_655, %broadcast_in_dim3A_4, %broadcast_in_dim3A_6 : vector<16xi1>, vector<16xf32>
      %select_n3A_657 = arith.select %lt3A_630, %select_n3A_534, %select_n3A_656 : vector<16xi1>, vector<16xf32>
      %mul3A_658 = arith.mulf %select_n3A_639, %sub3A_517 : vector<16xf32>
      %mul3A_659 = arith.mulf %select_n3A_645, %sub3A_518 : vector<16xf32>
      %add3A_660 = arith.addf %mul3A_658, %mul3A_659 : vector<16xf32>
      %mul3A_661 = arith.mulf %select_n3A_651, %sub3A_519 : vector<16xf32>
      %add3A_662 = arith.addf %add3A_660, %mul3A_661 : vector<16xf32>
      %mul3A_663 = arith.mulf %select_n3A_657, %sub3A_520 : vector<16xf32>
      %add3A_664 = arith.addf %add3A_662, %mul3A_663 : vector<16xf32>
      %xor3A_665 = arith.constant 8 : i32
      %xor3A_666 = vector.broadcast %xor3A_665 : i32 to vector<16xi32>
      %xor3A_667 = arith.xori %iota3A, %xor3A_666 : vector<16xi32>
      %broadcast_in_dim3A_668 = vector.shape_cast %xor3A_667 : vector<16xi32> to vector<16x1xi32>
      %gather3A_669 = vector.shape_cast %broadcast_in_dim3A_668 : vector<16x1xi32> to vector<16xi32>
      %gather3A_670 = tpu.dynamic_gather %add3A_664[%gather3A_669] in [0] : vector<16xf32>, vector<16xi32> -> vector<16xf32>
      %add3A_671 = arith.addf %add3A_664, %gather3A_670 : vector<16xf32>
      %xor3A_672 = arith.constant 4 : i32
      %xor3A_673 = vector.broadcast %xor3A_672 : i32 to vector<16xi32>
      %xor3A_674 = arith.xori %iota3A, %xor3A_673 : vector<16xi32>
      %broadcast_in_dim3A_675 = vector.shape_cast %xor3A_674 : vector<16xi32> to vector<16x1xi32>
      %gather3A_676 = vector.shape_cast %broadcast_in_dim3A_675 : vector<16x1xi32> to vector<16xi32>
      %gather3A_677 = tpu.dynamic_gather %add3A_671[%gather3A_676] in [0] : vector<16xf32>, vector<16xi32> -> vector<16xf32>
      %add3A_678 = arith.addf %add3A_671, %gather3A_677 : vector<16xf32>
      %xor3A_679 = arith.constant 2 : i32
      %xor3A_680 = vector.broadcast %xor3A_679 : i32 to vector<16xi32>
      %xor3A_681 = arith.xori %iota3A, %xor3A_680 : vector<16xi32>
      %broadcast_in_dim3A_682 = vector.shape_cast %xor3A_681 : vector<16xi32> to vector<16x1xi32>
      %gather3A_683 = vector.shape_cast %broadcast_in_dim3A_682 : vector<16x1xi32> to vector<16xi32>
      %gather3A_684 = tpu.dynamic_gather %add3A_678[%gather3A_683] in [0] : vector<16xf32>, vector<16xi32> -> vector<16xf32>
      %add3A_685 = arith.addf %add3A_678, %gather3A_684 : vector<16xf32>
      %xor3A_686 = arith.constant 1 : i32
      %xor3A_687 = vector.broadcast %xor3A_686 : i32 to vector<16xi32>
      %xor3A_688 = arith.xori %iota3A, %xor3A_687 : vector<16xi32>
      %broadcast_in_dim3A_689 = vector.shape_cast %xor3A_688 : vector<16xi32> to vector<16x1xi32>
      %gather3A_690 = vector.shape_cast %broadcast_in_dim3A_689 : vector<16x1xi32> to vector<16xi32>
      %gather3A_691 = tpu.dynamic_gather %add3A_685[%gather3A_690] in [0] : vector<16xf32>, vector<16xi32> -> vector<16xf32>
      %add3A_692 = arith.addf %add3A_685, %gather3A_691 : vector<16xf32>
      %slice3A = vector.extract_strided_slice %and3A_633 {offsets = [0], sizes = [1], strides = [1]} : vector<16xi32> to vector<1xi32>
      %squeeze3A = vector.extract %slice3A[0] : i32 from vector<1xi32>
      %swap3A = arith.constant 0 : index
      %swap3A_693 = tpu.vector_load %arg5[%swap3A] {strides = array<i32>} : memref<320xf32, #tpu.memory_space<vmem>>, vector<16xf32>,
      %swap3A_694 = vector.shape_cast %swap3A_693 : vector<16xf32> to vector<16xf32>
      %swap3A_695 = vector.shape_cast %div3A : vector<16xf32> to vector<16xf32>
      tpu.vector_store %arg5[%swap3A], %swap3A_695 {strides = array<i32>} : memref<320xf32, #tpu.memory_space<vmem>>, vector<16xf32>,
      %swap3A_696 = arith.constant 16 : index
      %swap3A_697 = tpu.vector_load %arg5[%swap3A_696] {strides = array<i32>} : memref<320xf32, #tpu.memory_space<vmem>>, vector<16xf32>,
      %swap3A_698 = vector.shape_cast %swap3A_697 : vector<16xf32> to vector<16xf32>
      %swap3A_699 = vector.shape_cast %div3A_395 : vector<16xf32> to vector<16xf32>
      tpu.vector_store %arg5[%swap3A_696], %swap3A_699 {strides = array<i32>} : memref<320xf32, #tpu.memory_space<vmem>>, vector<16xf32>,
      %swap3A_700 = arith.constant 32 : index
      %swap3A_701 = tpu.vector_load %arg5[%swap3A_700] {strides = array<i32>} : memref<320xf32, #tpu.memory_space<vmem>>, vector<16xf32>,
      %swap3A_702 = vector.shape_cast %swap3A_701 : vector<16xf32> to vector<16xf32>
      %swap3A_703 = vector.shape_cast %div3A_396 : vector<16xf32> to vector<16xf32>
      tpu.vector_store %arg5[%swap3A_700], %swap3A_703 {strides = array<i32>} : memref<320xf32, #tpu.memory_space<vmem>>, vector<16xf32>,
      %swap3A_704 = arith.constant 48 : index
      %swap3A_705 = tpu.vector_load %arg5[%swap3A_704] {strides = array<i32>} : memref<320xf32, #tpu.memory_space<vmem>>, vector<16xf32>,
      %swap3A_706 = vector.shape_cast %swap3A_705 : vector<16xf32> to vector<16xf32>
      %swap3A_707 = vector.shape_cast %div3A_397 : vector<16xf32> to vector<16xf32>
      tpu.vector_store %arg5[%swap3A_704], %swap3A_707 {strides = array<i32>} : memref<320xf32, #tpu.memory_space<vmem>>, vector<16xf32>,
      %swap3A_708 = arith.constant 256 : index
      %swap3A_709 = tpu.vector_load %arg5[%swap3A_708] {strides = array<i32>} : memref<320xf32, #tpu.memory_space<vmem>>, vector<16xf32>,
      %swap3A_710 = vector.shape_cast %swap3A_709 : vector<16xf32> to vector<16xf32>
      %swap3A_711 = vector.shape_cast %add3A_692 : vector<16xf32> to vector<16xf32>
      tpu.vector_store %arg5[%swap3A_708], %swap3A_711 {strides = array<i32>} : memref<320xf32, #tpu.memory_space<vmem>>, vector<16xf32>,
      %get3A_712 = arith.constant 64 : index
      %get3A_713 = tpu.vector_load %arg4[%get3A_712] {strides = array<i32>} : memref<13312xf32, #tpu.memory_space<vmem>>, vector<16xf32>,
      %get3A_714 = vector.shape_cast %get3A_713 : vector<16xf32> to vector<16xf32>
      %get3A_715 = arith.constant 80 : index
      %get3A_716 = tpu.vector_load %arg4[%get3A_715] {strides = array<i32>} : memref<13312xf32, #tpu.memory_space<vmem>>, vector<16xf32>,
      %get3A_717 = vector.shape_cast %get3A_716 : vector<16xf32> to vector<16xf32>
      %get3A_718 = arith.constant 96 : index
      %get3A_719 = tpu.vector_load %arg4[%get3A_718] {strides = array<i32>} : memref<13312xf32, #tpu.memory_space<vmem>>, vector<16xf32>,
      %get3A_720 = vector.shape_cast %get3A_719 : vector<16xf32> to vector<16xf32>
      %get3A_721 = arith.constant 112 : index
      %get3A_722 = tpu.vector_load %arg4[%get3A_721] {strides = array<i32>} : memref<13312xf32, #tpu.memory_space<vmem>>, vector<16xf32>,
      %get3A_723 = vector.shape_cast %get3A_722 : vector<16xf32> to vector<16xf32>
      %get3A_724 = arith.constant 576 : index
      %get3A_725 = tpu.vector_load %arg4[%get3A_724] {strides = array<i32>} : memref<13312xf32, #tpu.memory_space<vmem>>, vector<16xf32>,
      %get3A_726 = vector.shape_cast %get3A_725 : vector<16xf32> to vector<16xf32>
      %get3A_727 = arith.constant 592 : index
      %get3A_728 = tpu.vector_load %arg4[%get3A_727] {strides = array<i32>} : memref<13312xf32, #tpu.memory_space<vmem>>, vector<16xf32>,
      %get3A_729 = vector.shape_cast %get3A_728 : vector<16xf32> to vector<16xf32>
      %get3A_730 = arith.constant 608 : index
      %get3A_731 = tpu.vector_load %arg4[%get3A_730] {strides = array<i32>} : memref<13312xf32, #tpu.memory_space<vmem>>, vector<16xf32>,
      %get3A_732 = vector.shape_cast %get3A_731 : vector<16xf32> to vector<16xf32>
      %get3A_733 = arith.constant 624 : index
      %get3A_734 = tpu.vector_load %arg4[%get3A_733] {strides = array<i32>} : memref<13312xf32, #tpu.memory_space<vmem>>, vector<16xf32>,
      %get3A_735 = vector.shape_cast %get3A_734 : vector<16xf32> to vector<16xf32>
      %add3A_736 = arith.constant 320 : i32
      %add3A_737 = arith.addi %add3A_736, %squeeze3A : i32
      %get3A_738 = arith.index_cast %add3A_737 : i32 to index
      %get3A_739 = tpu.vector_load %arg4[%get3A_738] {strides = array<i32>} : memref<13312xf32, #tpu.memory_space<vmem>>, vector<16xf32>,
      %get3A_740 = vector.shape_cast %get3A_739 : vector<16xf32> to vector<16xf32>
      %slice3A_741 = vector.extract_strided_slice %get3A_740 {offsets = [0], sizes = [1], strides = [1]} : vector<16xf32> to vector<1xf32>
      %squeeze3A_742 = vector.extract %slice3A_741[0] : f32 from vector<1xf32>
      %broadcast_in_dim3A_743 = vector.broadcast %squeeze3A_742 : f32 to vector<16xf32>
      %add3A_744 = arith.constant 832 : i32
      %add3A_745 = arith.addi %add3A_744, %squeeze3A : i32
      %get3A_746 = arith.index_cast %add3A_745 : i32 to index
      %get3A_747 = tpu.vector_load %arg4[%get3A_746] {strides = array<i32>} : memref<13312xf32, #tpu.memory_space<vmem>>, vector<16xf32>,
      %get3A_748 = vector.shape_cast %get3A_747 : vector<16xf32> to vector<16xf32>
      %slice3A_749 = vector.extract_strided_slice %get3A_748 {offsets = [0], sizes = [1], strides = [1]} : vector<16xf32> to vector<1xf32>
      %squeeze3A_750 = vector.extract %slice3A_749[0] : f32 from vector<1xf32>
      %broadcast_in_dim3A_751 = vector.broadcast %squeeze3A_750 : f32 to vector<16xf32>
      %mul3A_752 = arith.constant 64 : i32
      %mul3A_753 = arith.muli %squeeze3A, %mul3A_752 : i32
      %add3A_754 = arith.constant 1024 : i32
      %add3A_755 = arith.addi %add3A_754, %mul3A_753 : i32
      %add3A_756 = arith.constant 0 : i32
      %add3A_757 = arith.addi %add3A_755, %add3A_756 : i32
      %get3A_758 = arith.index_cast %add3A_757 : i32 to index
      %get3A_759 = tpu.vector_load %arg4[%get3A_758] {strides = array<i32>} : memref<13312xf32, #tpu.memory_space<vmem>>, vector<16xf32>,
      %get3A_760 = vector.shape_cast %get3A_759 : vector<16xf32> to vector<16xf32>
      %mul3A_761 = arith.constant 2.000000e+00 : f32
      %mul3A_762 = vector.broadcast %mul3A_761 : f32 to vector<16xf32>
      %mul3A_763 = arith.mulf %mul3A_762, %get3A_760 : vector<16xf32>
      %add3A_764 = arith.addf %get3A_726, %mul3A_763 : vector<16xf32>
      %add3A_765 = arith.addf %add3A_764, %broadcast_in_dim3A_751 : vector<16xf32>
      %add3A_766 = arith.addf %get3A_714, %broadcast_in_dim3A_743 : vector<16xf32>
      %add3A_767 = arith.constant 16 : i32
      %add3A_768 = arith.addi %add3A_755, %add3A_767 : i32
      %get3A_769 = arith.index_cast %add3A_768 : i32 to index
      %get3A_770 = tpu.vector_load %arg4[%get3A_769] {strides = array<i32>} : memref<13312xf32, #tpu.memory_space<vmem>>, vector<16xf32>,
      %get3A_771 = vector.shape_cast %get3A_770 : vector<16xf32> to vector<16xf32>
      %mul3A_772 = arith.constant 2.000000e+00 : f32
      %mul3A_773 = vector.broadcast %mul3A_772 : f32 to vector<16xf32>
      %mul3A_774 = arith.mulf %mul3A_773, %get3A_771 : vector<16xf32>
      %add3A_775 = arith.addf %get3A_729, %mul3A_774 : vector<16xf32>
      %add3A_776 = arith.addf %add3A_775, %broadcast_in_dim3A_751 : vector<16xf32>
      %add3A_777 = arith.addf %get3A_717, %broadcast_in_dim3A_743 : vector<16xf32>
      %add3A_778 = arith.constant 32 : i32
      %add3A_779 = arith.addi %add3A_755, %add3A_778 : i32
      %get3A_780 = arith.index_cast %add3A_779 : i32 to index
      %get3A_781 = tpu.vector_load %arg4[%get3A_780] {strides = array<i32>} : memref<13312xf32, #tpu.memory_space<vmem>>, vector<16xf32>,
      %get3A_782 = vector.shape_cast %get3A_781 : vector<16xf32> to vector<16xf32>
      %mul3A_783 = arith.constant 2.000000e+00 : f32
      %mul3A_784 = vector.broadcast %mul3A_783 : f32 to vector<16xf32>
      %mul3A_785 = arith.mulf %mul3A_784, %get3A_782 : vector<16xf32>
      %add3A_786 = arith.addf %get3A_732, %mul3A_785 : vector<16xf32>
      %add3A_787 = arith.addf %add3A_786, %broadcast_in_dim3A_751 : vector<16xf32>
      %add3A_788 = arith.addf %get3A_720, %broadcast_in_dim3A_743 : vector<16xf32>
      %add3A_789 = arith.constant 48 : i32
      %add3A_790 = arith.addi %add3A_755, %add3A_789 : i32
      %get3A_791 = arith.index_cast %add3A_790 : i32 to index
      %get3A_792 = tpu.vector_load %arg4[%get3A_791] {strides = array<i32>} : memref<13312xf32, #tpu.memory_space<vmem>>, vector<16xf32>,
      %get3A_793 = vector.shape_cast %get3A_792 : vector<16xf32> to vector<16xf32>
      %mul3A_794 = arith.constant 2.000000e+00 : f32
      %mul3A_795 = vector.broadcast %mul3A_794 : f32 to vector<16xf32>
      %mul3A_796 = arith.mulf %mul3A_795, %get3A_793 : vector<16xf32>
      %add3A_797 = arith.addf %get3A_735, %mul3A_796 : vector<16xf32>
      %add3A_798 = arith.addf %add3A_797, %broadcast_in_dim3A_751 : vector<16xf32>
      %add3A_799 = arith.addf %get3A_723, %broadcast_in_dim3A_743 : vector<16xf32>
      %max3A_800 = arith.constant 1.000000e-24 : f32
      %max3A_801 = vector.broadcast %max3A_800 : f32 to vector<16xf32>
      %max3A_802 = arith.maximumf %add3A_765, %max3A_801 : vector<16xf32>
      %bitcast_convert_type3A_803 = tpu.bitcast %max3A_802 : vector<16xf32> -> vector<16xi32>
      %shift_right_arithmetic3A_804 = arith.constant 1 : i32
      %shift_right_arithmetic3A_805 = vector.broadcast %shift_right_arithmetic3A_804 : i32 to vector<16xi32>
      %shift_right_arithmetic3A_806 = arith.shrsi %bitcast_convert_type3A_803, %shift_right_arithmetic3A_805 : vector<16xi32>
      %sub3A_807 = arith.constant 1597463007 : i32
      %sub3A_808 = vector.broadcast %sub3A_807 : i32 to vector<16xi32>
      %sub3A_809 = arith.subi %sub3A_808, %shift_right_arithmetic3A_806 : vector<16xi32>
      %bitcast_convert_type3A_810 = tpu.bitcast %sub3A_809 : vector<16xi32> -> vector<16xf32>
      %mul3A_811 = arith.constant 5.000000e-01 : f32
      %mul3A_812 = vector.broadcast %mul3A_811 : f32 to vector<16xf32>
      %mul3A_813 = arith.mulf %mul3A_812, %max3A_802 : vector<16xf32>
      %mul3A_814 = arith.mulf %mul3A_813, %bitcast_convert_type3A_810 : vector<16xf32>
      %mul3A_815 = arith.mulf %mul3A_814, %bitcast_convert_type3A_810 : vector<16xf32>
      %sub3A_816 = arith.constant 1.500000e+00 : f32
      %sub3A_817 = vector.broadcast %sub3A_816 : f32 to vector<16xf32>
      %sub3A_818 = arith.subf %sub3A_817, %mul3A_815 : vector<16xf32>
      %mul3A_819 = arith.mulf %bitcast_convert_type3A_810, %sub3A_818 : vector<16xf32>
      %mul3A_820 = arith.constant 5.000000e-01 : f32
      %mul3A_821 = vector.broadcast %mul3A_820 : f32 to vector<16xf32>
      %mul3A_822 = arith.mulf %mul3A_821, %max3A_802 : vector<16xf32>
      %mul3A_823 = arith.mulf %mul3A_822, %mul3A_819 : vector<16xf32>
      %mul3A_824 = arith.mulf %mul3A_823, %mul3A_819 : vector<16xf32>
      %sub3A_825 = arith.constant 1.500000e+00 : f32
      %sub3A_826 = vector.broadcast %sub3A_825 : f32 to vector<16xf32>
      %sub3A_827 = arith.subf %sub3A_826, %mul3A_824 : vector<16xf32>
      %mul3A_828 = arith.mulf %mul3A_819, %sub3A_827 : vector<16xf32>
      %mul3A_829 = arith.constant 5.000000e-01 : f32
      %mul3A_830 = vector.broadcast %mul3A_829 : f32 to vector<16xf32>
      %mul3A_831 = arith.mulf %mul3A_830, %max3A_802 : vector<16xf32>
      %mul3A_832 = arith.mulf %mul3A_831, %mul3A_828 : vector<16xf32>
      %mul3A_833 = arith.mulf %mul3A_832, %mul3A_828 : vector<16xf32>
      %sub3A_834 = arith.constant 1.500000e+00 : f32
      %sub3A_835 = vector.broadcast %sub3A_834 : f32 to vector<16xf32>
      %sub3A_836 = arith.subf %sub3A_835, %mul3A_833 : vector<16xf32>
      %mul3A_837 = arith.mulf %mul3A_828, %sub3A_836 : vector<16xf32>
      %mul3A_838 = arith.mulf %add3A_766, %mul3A_837 : vector<16xf32>
      %max3A_839 = arith.constant 1.000000e-24 : f32
      %max3A_840 = vector.broadcast %max3A_839 : f32 to vector<16xf32>
      %max3A_841 = arith.maximumf %add3A_776, %max3A_840 : vector<16xf32>
      %bitcast_convert_type3A_842 = tpu.bitcast %max3A_841 : vector<16xf32> -> vector<16xi32>
      %shift_right_arithmetic3A_843 = arith.constant 1 : i32
      %shift_right_arithmetic3A_844 = vector.broadcast %shift_right_arithmetic3A_843 : i32 to vector<16xi32>
      %shift_right_arithmetic3A_845 = arith.shrsi %bitcast_convert_type3A_842, %shift_right_arithmetic3A_844 : vector<16xi32>
      %sub3A_846 = arith.constant 1597463007 : i32
      %sub3A_847 = vector.broadcast %sub3A_846 : i32 to vector<16xi32>
      %sub3A_848 = arith.subi %sub3A_847, %shift_right_arithmetic3A_845 : vector<16xi32>
      %bitcast_convert_type3A_849 = tpu.bitcast %sub3A_848 : vector<16xi32> -> vector<16xf32>
      %mul3A_850 = arith.constant 5.000000e-01 : f32
      %mul3A_851 = vector.broadcast %mul3A_850 : f32 to vector<16xf32>
      %mul3A_852 = arith.mulf %mul3A_851, %max3A_841 : vector<16xf32>
      %mul3A_853 = arith.mulf %mul3A_852, %bitcast_convert_type3A_849 : vector<16xf32>
      %mul3A_854 = arith.mulf %mul3A_853, %bitcast_convert_type3A_849 : vector<16xf32>
      %sub3A_855 = arith.constant 1.500000e+00 : f32
      %sub3A_856 = vector.broadcast %sub3A_855 : f32 to vector<16xf32>
      %sub3A_857 = arith.subf %sub3A_856, %mul3A_854 : vector<16xf32>
      %mul3A_858 = arith.mulf %bitcast_convert_type3A_849, %sub3A_857 : vector<16xf32>
      %mul3A_859 = arith.constant 5.000000e-01 : f32
      %mul3A_860 = vector.broadcast %mul3A_859 : f32 to vector<16xf32>
      %mul3A_861 = arith.mulf %mul3A_860, %max3A_841 : vector<16xf32>
      %mul3A_862 = arith.mulf %mul3A_861, %mul3A_858 : vector<16xf32>
      %mul3A_863 = arith.mulf %mul3A_862, %mul3A_858 : vector<16xf32>
      %sub3A_864 = arith.constant 1.500000e+00 : f32
      %sub3A_865 = vector.broadcast %sub3A_864 : f32 to vector<16xf32>
      %sub3A_866 = arith.subf %sub3A_865, %mul3A_863 : vector<16xf32>
      %mul3A_867 = arith.mulf %mul3A_858, %sub3A_866 : vector<16xf32>
      %mul3A_868 = arith.constant 5.000000e-01 : f32
      %mul3A_869 = vector.broadcast %mul3A_868 : f32 to vector<16xf32>
      %mul3A_870 = arith.mulf %mul3A_869, %max3A_841 : vector<16xf32>
      %mul3A_871 = arith.mulf %mul3A_870, %mul3A_867 : vector<16xf32>
      %mul3A_872 = arith.mulf %mul3A_871, %mul3A_867 : vector<16xf32>
      %sub3A_873 = arith.constant 1.500000e+00 : f32
      %sub3A_874 = vector.broadcast %sub3A_873 : f32 to vector<16xf32>
      %sub3A_875 = arith.subf %sub3A_874, %mul3A_872 : vector<16xf32>
      %mul3A_876 = arith.mulf %mul3A_867, %sub3A_875 : vector<16xf32>
      %mul3A_877 = arith.mulf %add3A_777, %mul3A_876 : vector<16xf32>
      %max3A_878 = arith.constant 1.000000e-24 : f32
      %max3A_879 = vector.broadcast %max3A_878 : f32 to vector<16xf32>
      %max3A_880 = arith.maximumf %add3A_787, %max3A_879 : vector<16xf32>
      %bitcast_convert_type3A_881 = tpu.bitcast %max3A_880 : vector<16xf32> -> vector<16xi32>
      %shift_right_arithmetic3A_882 = arith.constant 1 : i32
      %shift_right_arithmetic3A_883 = vector.broadcast %shift_right_arithmetic3A_882 : i32 to vector<16xi32>
      %shift_right_arithmetic3A_884 = arith.shrsi %bitcast_convert_type3A_881, %shift_right_arithmetic3A_883 : vector<16xi32>
      %sub3A_885 = arith.constant 1597463007 : i32
      %sub3A_886 = vector.broadcast %sub3A_885 : i32 to vector<16xi32>
      %sub3A_887 = arith.subi %sub3A_886, %shift_right_arithmetic3A_884 : vector<16xi32>
      %bitcast_convert_type3A_888 = tpu.bitcast %sub3A_887 : vector<16xi32> -> vector<16xf32>
      %mul3A_889 = arith.constant 5.000000e-01 : f32
      %mul3A_890 = vector.broadcast %mul3A_889 : f32 to vector<16xf32>
      %mul3A_891 = arith.mulf %mul3A_890, %max3A_880 : vector<16xf32>
      %mul3A_892 = arith.mulf %mul3A_891, %bitcast_convert_type3A_888 : vector<16xf32>
      %mul3A_893 = arith.mulf %mul3A_892, %bitcast_convert_type3A_888 : vector<16xf32>
      %sub3A_894 = arith.constant 1.500000e+00 : f32
      %sub3A_895 = vector.broadcast %sub3A_894 : f32 to vector<16xf32>
      %sub3A_896 = arith.subf %sub3A_895, %mul3A_893 : vector<16xf32>
      %mul3A_897 = arith.mulf %bitcast_convert_type3A_888, %sub3A_896 : vector<16xf32>
      %mul3A_898 = arith.constant 5.000000e-01 : f32
      %mul3A_899 = vector.broadcast %mul3A_898 : f32 to vector<16xf32>
      %mul3A_900 = arith.mulf %mul3A_899, %max3A_880 : vector<16xf32>
      %mul3A_901 = arith.mulf %mul3A_900, %mul3A_897 : vector<16xf32>
      %mul3A_902 = arith.mulf %mul3A_901, %mul3A_897 : vector<16xf32>
      %sub3A_903 = arith.constant 1.500000e+00 : f32
      %sub3A_904 = vector.broadcast %sub3A_903 : f32 to vector<16xf32>
      %sub3A_905 = arith.subf %sub3A_904, %mul3A_902 : vector<16xf32>
      %mul3A_906 = arith.mulf %mul3A_897, %sub3A_905 : vector<16xf32>
      %mul3A_907 = arith.constant 5.000000e-01 : f32
      %mul3A_908 = vector.broadcast %mul3A_907 : f32 to vector<16xf32>
      %mul3A_909 = arith.mulf %mul3A_908, %max3A_880 : vector<16xf32>
      %mul3A_910 = arith.mulf %mul3A_909, %mul3A_906 : vector<16xf32>
      %mul3A_911 = arith.mulf %mul3A_910, %mul3A_906 : vector<16xf32>
      %sub3A_912 = arith.constant 1.500000e+00 : f32
      %sub3A_913 = vector.broadcast %sub3A_912 : f32 to vector<16xf32>
      %sub3A_914 = arith.subf %sub3A_913, %mul3A_911 : vector<16xf32>
      %mul3A_915 = arith.mulf %mul3A_906, %sub3A_914 : vector<16xf32>
      %mul3A_916 = arith.mulf %add3A_788, %mul3A_915 : vector<16xf32>
      %max3A_917 = arith.constant 1.000000e-24 : f32
      %max3A_918 = vector.broadcast %max3A_917 : f32 to vector<16xf32>
      %max3A_919 = arith.maximumf %add3A_798, %max3A_918 : vector<16xf32>
      %bitcast_convert_type3A_920 = tpu.bitcast %max3A_919 : vector<16xf32> -> vector<16xi32>
      %shift_right_arithmetic3A_921 = arith.constant 1 : i32
      %shift_right_arithmetic3A_922 = vector.broadcast %shift_right_arithmetic3A_921 : i32 to vector<16xi32>
      %shift_right_arithmetic3A_923 = arith.shrsi %bitcast_convert_type3A_920, %shift_right_arithmetic3A_922 : vector<16xi32>
      %sub3A_924 = arith.constant 1597463007 : i32
      %sub3A_925 = vector.broadcast %sub3A_924 : i32 to vector<16xi32>
      %sub3A_926 = arith.subi %sub3A_925, %shift_right_arithmetic3A_923 : vector<16xi32>
      %bitcast_convert_type3A_927 = tpu.bitcast %sub3A_926 : vector<16xi32> -> vector<16xf32>
      %mul3A_928 = arith.constant 5.000000e-01 : f32
      %mul3A_929 = vector.broadcast %mul3A_928 : f32 to vector<16xf32>
      %mul3A_930 = arith.mulf %mul3A_929, %max3A_919 : vector<16xf32>
      %mul3A_931 = arith.mulf %mul3A_930, %bitcast_convert_type3A_927 : vector<16xf32>
      %mul3A_932 = arith.mulf %mul3A_931, %bitcast_convert_type3A_927 : vector<16xf32>
      %sub3A_933 = arith.constant 1.500000e+00 : f32
      %sub3A_934 = vector.broadcast %sub3A_933 : f32 to vector<16xf32>
      %sub3A_935 = arith.subf %sub3A_934, %mul3A_932 : vector<16xf32>
      %mul3A_936 = arith.mulf %bitcast_convert_type3A_927, %sub3A_935 : vector<16xf32>
      %mul3A_937 = arith.constant 5.000000e-01 : f32
      %mul3A_938 = vector.broadcast %mul3A_937 : f32 to vector<16xf32>
      %mul3A_939 = arith.mulf %mul3A_938, %max3A_919 : vector<16xf32>
      %mul3A_940 = arith.mulf %mul3A_939, %mul3A_936 : vector<16xf32>
      %mul3A_941 = arith.mulf %mul3A_940, %mul3A_936 : vector<16xf32>
      %sub3A_942 = arith.constant 1.500000e+00 : f32
      %sub3A_943 = vector.broadcast %sub3A_942 : f32 to vector<16xf32>
      %sub3A_944 = arith.subf %sub3A_943, %mul3A_941 : vector<16xf32>
      %mul3A_945 = arith.mulf %mul3A_936, %sub3A_944 : vector<16xf32>
      %mul3A_946 = arith.constant 5.000000e-01 : f32
      %mul3A_947 = vector.broadcast %mul3A_946 : f32 to vector<16xf32>
      %mul3A_948 = arith.mulf %mul3A_947, %max3A_919 : vector<16xf32>
      %mul3A_949 = arith.mulf %mul3A_948, %mul3A_945 : vector<16xf32>
      %mul3A_950 = arith.mulf %mul3A_949, %mul3A_945 : vector<16xf32>
      %sub3A_951 = arith.constant 1.500000e+00 : f32
      %sub3A_952 = vector.broadcast %sub3A_951 : f32 to vector<16xf32>
      %sub3A_953 = arith.subf %sub3A_952, %mul3A_950 : vector<16xf32>
      %mul3A_954 = arith.mulf %mul3A_945, %sub3A_953 : vector<16xf32>
      %mul3A_955 = arith.mulf %add3A_799, %mul3A_954 : vector<16xf32>
      %broadcast_in_dim3A_956 = arith.constant 2.50521079E-8 : f32
      %broadcast_in_dim3A_957 = vector.broadcast %broadcast_in_dim3A_956 : f32 to vector<16xf32>
      %mul3A_958 = arith.mulf %broadcast_in_dim3A_957, %mul3A_838 : vector<16xf32>
      %add3A_959 = arith.constant 2.755732E-7 : f32
      %add3A_960 = vector.broadcast %add3A_959 : f32 to vector<16xf32>
      %add3A_961 = arith.addf %mul3A_958, %add3A_960 : vector<16xf32>
      %mul3A_962 = arith.mulf %add3A_961, %mul3A_838 : vector<16xf32>
      %add3A_963 = arith.constant 2.75573188E-6 : f32
      %add3A_964 = vector.broadcast %add3A_963 : f32 to vector<16xf32>
      %add3A_965 = arith.addf %mul3A_962, %add3A_964 : vector<16xf32>
      %mul3A_966 = arith.mulf %add3A_965, %mul3A_838 : vector<16xf32>
      %add3A_967 = arith.constant 2.48015876E-5 : f32
      %add3A_968 = vector.broadcast %add3A_967 : f32 to vector<16xf32>
      %add3A_969 = arith.addf %mul3A_966, %add3A_968 : vector<16xf32>
      %mul3A_970 = arith.mulf %add3A_969, %mul3A_838 : vector<16xf32>
      %add3A_971 = arith.constant 1.98412701E-4 : f32
      %add3A_972 = vector.broadcast %add3A_971 : f32 to vector<16xf32>
      %add3A_973 = arith.addf %mul3A_970, %add3A_972 : vector<16xf32>
      %mul3A_974 = arith.mulf %add3A_973, %mul3A_838 : vector<16xf32>
      %add3A_975 = arith.constant 0.00138888892 : f32
      %add3A_976 = vector.broadcast %add3A_975 : f32 to vector<16xf32>
      %add3A_977 = arith.addf %mul3A_974, %add3A_976 : vector<16xf32>
      %mul3A_978 = arith.mulf %add3A_977, %mul3A_838 : vector<16xf32>
      %add3A_979 = arith.constant 0.00833333377 : f32
      %add3A_980 = vector.broadcast %add3A_979 : f32 to vector<16xf32>
      %add3A_981 = arith.addf %mul3A_978, %add3A_980 : vector<16xf32>
      %mul3A_982 = arith.mulf %add3A_981, %mul3A_838 : vector<16xf32>
      %add3A_983 = arith.constant 0.0416666679 : f32
      %add3A_984 = vector.broadcast %add3A_983 : f32 to vector<16xf32>
      %add3A_985 = arith.addf %mul3A_982, %add3A_984 : vector<16xf32>
      %mul3A_986 = arith.mulf %add3A_985, %mul3A_838 : vector<16xf32>
      %add3A_987 = arith.constant 0.166666672 : f32
      %add3A_988 = vector.broadcast %add3A_987 : f32 to vector<16xf32>
      %add3A_989 = arith.addf %mul3A_986, %add3A_988 : vector<16xf32>
      %mul3A_990 = arith.mulf %add3A_989, %mul3A_838 : vector<16xf32>
      %add3A_991 = arith.constant 5.000000e-01 : f32
      %add3A_992 = vector.broadcast %add3A_991 : f32 to vector<16xf32>
      %add3A_993 = arith.addf %mul3A_990, %add3A_992 : vector<16xf32>
      %mul3A_994 = arith.mulf %add3A_993, %mul3A_838 : vector<16xf32>
      %add3A_995 = arith.constant 1.000000e+00 : f32
      %add3A_996 = vector.broadcast %add3A_995 : f32 to vector<16xf32>
      %add3A_997 = arith.addf %mul3A_994, %add3A_996 : vector<16xf32>
      %mul3A_998 = arith.mulf %add3A_997, %mul3A_838 : vector<16xf32>
      %add3A_999 = arith.constant 1.000000e+00 : f32
      %add3A_1000 = vector.broadcast %add3A_999 : f32 to vector<16xf32>
      %add3A_1001 = arith.addf %mul3A_998, %add3A_1000 : vector<16xf32>
      %broadcast_in_dim3A_1002 = arith.constant 2.50521079E-8 : f32
      %broadcast_in_dim3A_1003 = vector.broadcast %broadcast_in_dim3A_1002 : f32 to vector<16xf32>
      %mul3A_1004 = arith.mulf %broadcast_in_dim3A_1003, %mul3A_877 : vector<16xf32>
      %add3A_1005 = arith.constant 2.755732E-7 : f32
      %add3A_1006 = vector.broadcast %add3A_1005 : f32 to vector<16xf32>
      %add3A_1007 = arith.addf %mul3A_1004, %add3A_1006 : vector<16xf32>
      %mul3A_1008 = arith.mulf %add3A_1007, %mul3A_877 : vector<16xf32>
      %add3A_1009 = arith.constant 2.75573188E-6 : f32
      %add3A_1010 = vector.broadcast %add3A_1009 : f32 to vector<16xf32>
      %add3A_1011 = arith.addf %mul3A_1008, %add3A_1010 : vector<16xf32>
      %mul3A_1012 = arith.mulf %add3A_1011, %mul3A_877 : vector<16xf32>
      %add3A_1013 = arith.constant 2.48015876E-5 : f32
      %add3A_1014 = vector.broadcast %add3A_1013 : f32 to vector<16xf32>
      %add3A_1015 = arith.addf %mul3A_1012, %add3A_1014 : vector<16xf32>
      %mul3A_1016 = arith.mulf %add3A_1015, %mul3A_877 : vector<16xf32>
      %add3A_1017 = arith.constant 1.98412701E-4 : f32
      %add3A_1018 = vector.broadcast %add3A_1017 : f32 to vector<16xf32>
      %add3A_1019 = arith.addf %mul3A_1016, %add3A_1018 : vector<16xf32>
      %mul3A_1020 = arith.mulf %add3A_1019, %mul3A_877 : vector<16xf32>
      %add3A_1021 = arith.constant 0.00138888892 : f32
      %add3A_1022 = vector.broadcast %add3A_1021 : f32 to vector<16xf32>
      %add3A_1023 = arith.addf %mul3A_1020, %add3A_1022 : vector<16xf32>
      %mul3A_1024 = arith.mulf %add3A_1023, %mul3A_877 : vector<16xf32>
      %add3A_1025 = arith.constant 0.00833333377 : f32
      %add3A_1026 = vector.broadcast %add3A_1025 : f32 to vector<16xf32>
      %add3A_1027 = arith.addf %mul3A_1024, %add3A_1026 : vector<16xf32>
      %mul3A_1028 = arith.mulf %add3A_1027, %mul3A_877 : vector<16xf32>
      %add3A_1029 = arith.constant 0.0416666679 : f32
      %add3A_1030 = vector.broadcast %add3A_1029 : f32 to vector<16xf32>
      %add3A_1031 = arith.addf %mul3A_1028, %add3A_1030 : vector<16xf32>
      %mul3A_1032 = arith.mulf %add3A_1031, %mul3A_877 : vector<16xf32>
      %add3A_1033 = arith.constant 0.166666672 : f32
      %add3A_1034 = vector.broadcast %add3A_1033 : f32 to vector<16xf32>
      %add3A_1035 = arith.addf %mul3A_1032, %add3A_1034 : vector<16xf32>
      %mul3A_1036 = arith.mulf %add3A_1035, %mul3A_877 : vector<16xf32>
      %add3A_1037 = arith.constant 5.000000e-01 : f32
      %add3A_1038 = vector.broadcast %add3A_1037 : f32 to vector<16xf32>
      %add3A_1039 = arith.addf %mul3A_1036, %add3A_1038 : vector<16xf32>
      %mul3A_1040 = arith.mulf %add3A_1039, %mul3A_877 : vector<16xf32>
      %add3A_1041 = arith.constant 1.000000e+00 : f32
      %add3A_1042 = vector.broadcast %add3A_1041 : f32 to vector<16xf32>
      %add3A_1043 = arith.addf %mul3A_1040, %add3A_1042 : vector<16xf32>
      %mul3A_1044 = arith.mulf %add3A_1043, %mul3A_877 : vector<16xf32>
      %add3A_1045 = arith.constant 1.000000e+00 : f32
      %add3A_1046 = vector.broadcast %add3A_1045 : f32 to vector<16xf32>
      %add3A_1047 = arith.addf %mul3A_1044, %add3A_1046 : vector<16xf32>
      %broadcast_in_dim3A_1048 = arith.constant 2.50521079E-8 : f32
      %broadcast_in_dim3A_1049 = vector.broadcast %broadcast_in_dim3A_1048 : f32 to vector<16xf32>
      %mul3A_1050 = arith.mulf %broadcast_in_dim3A_1049, %mul3A_916 : vector<16xf32>
      %add3A_1051 = arith.constant 2.755732E-7 : f32
      %add3A_1052 = vector.broadcast %add3A_1051 : f32 to vector<16xf32>
      %add3A_1053 = arith.addf %mul3A_1050, %add3A_1052 : vector<16xf32>
      %mul3A_1054 = arith.mulf %add3A_1053, %mul3A_916 : vector<16xf32>
      %add3A_1055 = arith.constant 2.75573188E-6 : f32
      %add3A_1056 = vector.broadcast %add3A_1055 : f32 to vector<16xf32>
      %add3A_1057 = arith.addf %mul3A_1054, %add3A_1056 : vector<16xf32>
      %mul3A_1058 = arith.mulf %add3A_1057, %mul3A_916 : vector<16xf32>
      %add3A_1059 = arith.constant 2.48015876E-5 : f32
      %add3A_1060 = vector.broadcast %add3A_1059 : f32 to vector<16xf32>
      %add3A_1061 = arith.addf %mul3A_1058, %add3A_1060 : vector<16xf32>
      %mul3A_1062 = arith.mulf %add3A_1061, %mul3A_916 : vector<16xf32>
      %add3A_1063 = arith.constant 1.98412701E-4 : f32
      %add3A_1064 = vector.broadcast %add3A_1063 : f32 to vector<16xf32>
      %add3A_1065 = arith.addf %mul3A_1062, %add3A_1064 : vector<16xf32>
      %mul3A_1066 = arith.mulf %add3A_1065, %mul3A_916 : vector<16xf32>
      %add3A_1067 = arith.constant 0.00138888892 : f32
      %add3A_1068 = vector.broadcast %add3A_1067 : f32 to vector<16xf32>
      %add3A_1069 = arith.addf %mul3A_1066, %add3A_1068 : vector<16xf32>
      %mul3A_1070 = arith.mulf %add3A_1069, %mul3A_916 : vector<16xf32>
      %add3A_1071 = arith.constant 0.00833333377 : f32
      %add3A_1072 = vector.broadcast %add3A_1071 : f32 to vector<16xf32>
      %add3A_1073 = arith.addf %mul3A_1070, %add3A_1072 : vector<16xf32>
      %mul3A_1074 = arith.mulf %add3A_1073, %mul3A_916 : vector<16xf32>
      %add3A_1075 = arith.constant 0.0416666679 : f32
      %add3A_1076 = vector.broadcast %add3A_1075 : f32 to vector<16xf32>
      %add3A_1077 = arith.addf %mul3A_1074, %add3A_1076 : vector<16xf32>
      %mul3A_1078 = arith.mulf %add3A_1077, %mul3A_916 : vector<16xf32>
      %add3A_1079 = arith.constant 0.166666672 : f32
      %add3A_1080 = vector.broadcast %add3A_1079 : f32 to vector<16xf32>
      %add3A_1081 = arith.addf %mul3A_1078, %add3A_1080 : vector<16xf32>
      %mul3A_1082 = arith.mulf %add3A_1081, %mul3A_916 : vector<16xf32>
      %add3A_1083 = arith.constant 5.000000e-01 : f32
      %add3A_1084 = vector.broadcast %add3A_1083 : f32 to vector<16xf32>
      %add3A_1085 = arith.addf %mul3A_1082, %add3A_1084 : vector<16xf32>
      %mul3A_1086 = arith.mulf %add3A_1085, %mul3A_916 : vector<16xf32>
      %add3A_1087 = arith.constant 1.000000e+00 : f32
      %add3A_1088 = vector.broadcast %add3A_1087 : f32 to vector<16xf32>
      %add3A_1089 = arith.addf %mul3A_1086, %add3A_1088 : vector<16xf32>
      %mul3A_1090 = arith.mulf %add3A_1089, %mul3A_916 : vector<16xf32>
      %add3A_1091 = arith.constant 1.000000e+00 : f32
      %add3A_1092 = vector.broadcast %add3A_1091 : f32 to vector<16xf32>
      %add3A_1093 = arith.addf %mul3A_1090, %add3A_1092 : vector<16xf32>
      %broadcast_in_dim3A_1094 = arith.constant 2.50521079E-8 : f32
      %broadcast_in_dim3A_1095 = vector.broadcast %broadcast_in_dim3A_1094 : f32 to vector<16xf32>
      %mul3A_1096 = arith.mulf %broadcast_in_dim3A_1095, %mul3A_955 : vector<16xf32>
      %add3A_1097 = arith.constant 2.755732E-7 : f32
      %add3A_1098 = vector.broadcast %add3A_1097 : f32 to vector<16xf32>
      %add3A_1099 = arith.addf %mul3A_1096, %add3A_1098 : vector<16xf32>
      %mul3A_1100 = arith.mulf %add3A_1099, %mul3A_955 : vector<16xf32>
      %add3A_1101 = arith.constant 2.75573188E-6 : f32
      %add3A_1102 = vector.broadcast %add3A_1101 : f32 to vector<16xf32>
      %add3A_1103 = arith.addf %mul3A_1100, %add3A_1102 : vector<16xf32>
      %mul3A_1104 = arith.mulf %add3A_1103, %mul3A_955 : vector<16xf32>
      %add3A_1105 = arith.constant 2.48015876E-5 : f32
      %add3A_1106 = vector.broadcast %add3A_1105 : f32 to vector<16xf32>
      %add3A_1107 = arith.addf %mul3A_1104, %add3A_1106 : vector<16xf32>
      %mul3A_1108 = arith.mulf %add3A_1107, %mul3A_955 : vector<16xf32>
      %add3A_1109 = arith.constant 1.98412701E-4 : f32
      %add3A_1110 = vector.broadcast %add3A_1109 : f32 to vector<16xf32>
      %add3A_1111 = arith.addf %mul3A_1108, %add3A_1110 : vector<16xf32>
      %mul3A_1112 = arith.mulf %add3A_1111, %mul3A_955 : vector<16xf32>
      %add3A_1113 = arith.constant 0.00138888892 : f32
      %add3A_1114 = vector.broadcast %add3A_1113 : f32 to vector<16xf32>
      %add3A_1115 = arith.addf %mul3A_1112, %add3A_1114 : vector<16xf32>
      %mul3A_1116 = arith.mulf %add3A_1115, %mul3A_955 : vector<16xf32>
      %add3A_1117 = arith.constant 0.00833333377 : f32
      %add3A_1118 = vector.broadcast %add3A_1117 : f32 to vector<16xf32>
      %add3A_1119 = arith.addf %mul3A_1116, %add3A_1118 : vector<16xf32>
      %mul3A_1120 = arith.mulf %add3A_1119, %mul3A_955 : vector<16xf32>
      %add3A_1121 = arith.constant 0.0416666679 : f32
      %add3A_1122 = vector.broadcast %add3A_1121 : f32 to vector<16xf32>
      %add3A_1123 = arith.addf %mul3A_1120, %add3A_1122 : vector<16xf32>
      %mul3A_1124 = arith.mulf %add3A_1123, %mul3A_955 : vector<16xf32>
      %add3A_1125 = arith.constant 0.166666672 : f32
      %add3A_1126 = vector.broadcast %add3A_1125 : f32 to vector<16xf32>
      %add3A_1127 = arith.addf %mul3A_1124, %add3A_1126 : vector<16xf32>
      %mul3A_1128 = arith.mulf %add3A_1127, %mul3A_955 : vector<16xf32>
      %add3A_1129 = arith.constant 5.000000e-01 : f32
      %add3A_1130 = vector.broadcast %add3A_1129 : f32 to vector<16xf32>
      %add3A_1131 = arith.addf %mul3A_1128, %add3A_1130 : vector<16xf32>
      %mul3A_1132 = arith.mulf %add3A_1131, %mul3A_955 : vector<16xf32>
      %add3A_1133 = arith.constant 1.000000e+00 : f32
      %add3A_1134 = vector.broadcast %add3A_1133 : f32 to vector<16xf32>
      %add3A_1135 = arith.addf %mul3A_1132, %add3A_1134 : vector<16xf32>
      %mul3A_1136 = arith.mulf %add3A_1135, %mul3A_955 : vector<16xf32>
      %add3A_1137 = arith.constant 1.000000e+00 : f32
      %add3A_1138 = vector.broadcast %add3A_1137 : f32 to vector<16xf32>
      %add3A_1139 = arith.addf %mul3A_1136, %add3A_1138 : vector<16xf32>
      %add3A_1140 = arith.addf %add3A_1001, %add3A_1047 : vector<16xf32>
      %add3A_1141 = arith.addf %add3A_1140, %add3A_1093 : vector<16xf32>
      %add3A_1142 = arith.addf %add3A_1141, %add3A_1139 : vector<16xf32>
      %xor3A_1143 = arith.constant 8 : i32
      %xor3A_1144 = vector.broadcast %xor3A_1143 : i32 to vector<16xi32>
      %xor3A_1145 = arith.xori %iota3A, %xor3A_1144 : vector<16xi32>
      %broadcast_in_dim3A_1146 = vector.shape_cast %xor3A_1145 : vector<16xi32> to vector<16x1xi32>
      %gather3A_1147 = vector.shape_cast %broadcast_in_dim3A_1146 : vector<16x1xi32> to vector<16xi32>
      %gather3A_1148 = tpu.dynamic_gather %add3A_1142[%gather3A_1147] in [0] : vector<16xf32>, vector<16xi32> -> vector<16xf32>
      %add3A_1149 = arith.addf %add3A_1142, %gather3A_1148 : vector<16xf32>
      %xor3A_1150 = arith.constant 4 : i32
      %xor3A_1151 = vector.broadcast %xor3A_1150 : i32 to vector<16xi32>
      %xor3A_1152 = arith.xori %iota3A, %xor3A_1151 : vector<16xi32>
      %broadcast_in_dim3A_1153 = vector.shape_cast %xor3A_1152 : vector<16xi32> to vector<16x1xi32>
      %gather3A_1154 = vector.shape_cast %broadcast_in_dim3A_1153 : vector<16x1xi32> to vector<16xi32>
      %gather3A_1155 = tpu.dynamic_gather %add3A_1149[%gather3A_1154] in [0] : vector<16xf32>, vector<16xi32> -> vector<16xf32>
      %add3A_1156 = arith.addf %add3A_1149, %gather3A_1155 : vector<16xf32>
      %xor3A_1157 = arith.constant 2 : i32
      %xor3A_1158 = vector.broadcast %xor3A_1157 : i32 to vector<16xi32>
      %xor3A_1159 = arith.xori %iota3A, %xor3A_1158 : vector<16xi32>
      %broadcast_in_dim3A_1160 = vector.shape_cast %xor3A_1159 : vector<16xi32> to vector<16x1xi32>
      %gather3A_1161 = vector.shape_cast %broadcast_in_dim3A_1160 : vector<16x1xi32> to vector<16xi32>
      %gather3A_1162 = tpu.dynamic_gather %add3A_1156[%gather3A_1161] in [0] : vector<16xf32>, vector<16xi32> -> vector<16xf32>
      %add3A_1163 = arith.addf %add3A_1156, %gather3A_1162 : vector<16xf32>
      %xor3A_1164 = arith.constant 1 : i32
      %xor3A_1165 = vector.broadcast %xor3A_1164 : i32 to vector<16xi32>
      %xor3A_1166 = arith.xori %iota3A, %xor3A_1165 : vector<16xi32>
      %broadcast_in_dim3A_1167 = vector.shape_cast %xor3A_1166 : vector<16xi32> to vector<16x1xi32>
      %gather3A_1168 = vector.shape_cast %broadcast_in_dim3A_1167 : vector<16x1xi32> to vector<16xi32>
      %gather3A_1169 = tpu.dynamic_gather %add3A_1163[%gather3A_1168] in [0] : vector<16xf32>, vector<16xi32> -> vector<16xf32>
      %add3A_1170 = arith.addf %add3A_1163, %gather3A_1169 : vector<16xf32>
      %div3A_1171 = arith.divf %add3A_1001, %add3A_1170 : vector<16xf32>
      %div3A_1172 = arith.divf %add3A_1047, %add3A_1170 : vector<16xf32>
      %div3A_1173 = arith.divf %add3A_1093, %add3A_1170 : vector<16xf32>
      %div3A_1174 = arith.divf %add3A_1139, %add3A_1170 : vector<16xf32>
      %bitcast_convert_type3A_1175 = tpu.bitcast %add3A_1170 : vector<16xf32> -> vector<16xi32>
      %shift_right_arithmetic3A_1176 = arith.constant 23 : i32
      %shift_right_arithmetic3A_1177 = vector.broadcast %shift_right_arithmetic3A_1176 : i32 to vector<16xi32>
      %shift_right_arithmetic3A_1178 = arith.shrsi %bitcast_convert_type3A_1175, %shift_right_arithmetic3A_1177 : vector<16xi32>
      %and3A_1179 = arith.constant 255 : i32
      %and3A_1180 = vector.broadcast %and3A_1179 : i32 to vector<16xi32>
      %and3A_1181 = arith.andi %shift_right_arithmetic3A_1178, %and3A_1180 : vector<16xi32>
      %sub3A_1182 = arith.constant 127 : i32
      %sub3A_1183 = vector.broadcast %sub3A_1182 : i32 to vector<16xi32>
      %sub3A_1184 = arith.subi %and3A_1181, %sub3A_1183 : vector<16xi32>
      %and3A_1185 = arith.constant 8388607 : i32
      %and3A_1186 = vector.broadcast %and3A_1185 : i32 to vector<16xi32>
      %and3A_1187 = arith.andi %bitcast_convert_type3A_1175, %and3A_1186 : vector<16xi32>
      %or3A_1188 = arith.constant 1065353216 : i32
      %or3A_1189 = vector.broadcast %or3A_1188 : i32 to vector<16xi32>
      %or3A_1190 = arith.ori %and3A_1187, %or3A_1189 : vector<16xi32>
      %bitcast_convert_type3A_1191 = tpu.bitcast %or3A_1190 : vector<16xi32> -> vector<16xf32>
      %convert_element_type3A_1192 = arith.sitofp %sub3A_1184 : vector<16xi32> to vector<16xf32>
      %mul3A_1193 = arith.constant 0.693147182 : f32
      %mul3A_1194 = vector.broadcast %mul3A_1193 : f32 to vector<16xf32>
      %mul3A_1195 = arith.mulf %convert_element_type3A_1192, %mul3A_1194 : vector<16xf32>
      %sub3A_1196 = arith.constant 1.000000e+00 : f32
      %sub3A_1197 = vector.broadcast %sub3A_1196 : f32 to vector<16xf32>
      %sub3A_1198 = arith.subf %bitcast_convert_type3A_1191, %sub3A_1197 : vector<16xf32>
      %add3A_1199 = arith.addf %mul3A_1195, %sub3A_1198 : vector<16xf32>
      %neg3A_1200 = arith.constant 0.000000e+00 : f32
      %neg3A_1201 = vector.broadcast %neg3A_1200 : f32 to vector<16xf32>
      %neg3A_1202 = arith.subf %neg3A_1201, %add3A_1199 : vector<16xf32>
      %exp3A_1203 = math.exp %neg3A_1202 : vector<16xf32>
      %mul3A_1204 = arith.mulf %add3A_1170, %exp3A_1203 : vector<16xf32>
      %add3A_1205 = arith.addf %add3A_1199, %mul3A_1204 : vector<16xf32>
      %sub3A_1206 = arith.constant 1.000000e+00 : f32
      %sub3A_1207 = vector.broadcast %sub3A_1206 : f32 to vector<16xf32>
      %sub3A_1208 = arith.subf %add3A_1205, %sub3A_1207 : vector<16xf32>
      %neg3A_1209 = arith.constant 0.000000e+00 : f32
      %neg3A_1210 = vector.broadcast %neg3A_1209 : f32 to vector<16xf32>
      %neg3A_1211 = arith.subf %neg3A_1210, %sub3A_1208 : vector<16xf32>
      %exp3A_1212 = math.exp %neg3A_1211 : vector<16xf32>
      %mul3A_1213 = arith.mulf %add3A_1170, %exp3A_1212 : vector<16xf32>
      %add3A_1214 = arith.addf %sub3A_1208, %mul3A_1213 : vector<16xf32>
      %sub3A_1215 = arith.constant 1.000000e+00 : f32
      %sub3A_1216 = vector.broadcast %sub3A_1215 : f32 to vector<16xf32>
      %sub3A_1217 = arith.subf %add3A_1214, %sub3A_1216 : vector<16xf32>
      %neg3A_1218 = arith.constant 0.000000e+00 : f32
      %neg3A_1219 = vector.broadcast %neg3A_1218 : f32 to vector<16xf32>
      %neg3A_1220 = arith.subf %neg3A_1219, %sub3A_1217 : vector<16xf32>
      %exp3A_1221 = math.exp %neg3A_1220 : vector<16xf32>
      %mul3A_1222 = arith.mulf %add3A_1170, %exp3A_1221 : vector<16xf32>
      %add3A_1223 = arith.addf %sub3A_1217, %mul3A_1222 : vector<16xf32>
      %sub3A_1224 = arith.constant 1.000000e+00 : f32
      %sub3A_1225 = vector.broadcast %sub3A_1224 : f32 to vector<16xf32>
      %sub3A_1226 = arith.subf %add3A_1223, %sub3A_1225 : vector<16xf32>
      %mul3A_1227 = arith.constant 1.44269502 : f32
      %mul3A_1228 = vector.broadcast %mul3A_1227 : f32 to vector<16xf32>
      %mul3A_1229 = arith.mulf %sub3A_1226, %mul3A_1228 : vector<16xf32>
      %convert_element_type3A_1230 = arith.fptosi %mul3A_1229 : vector<16xf32> to vector<16xi32>
      %convert_element_type3A_1231 = arith.sitofp %convert_element_type3A_1230 : vector<16xi32> to vector<16xf32>
      %mul3A_1232 = arith.constant 0.693147182 : f32
      %mul3A_1233 = vector.broadcast %mul3A_1232 : f32 to vector<16xf32>
      %mul3A_1234 = arith.mulf %convert_element_type3A_1231, %mul3A_1233 : vector<16xf32>
      %sub3A_1235 = arith.subf %sub3A_1226, %mul3A_1234 : vector<16xf32>
      %sub3A_1236 = arith.constant 127 : i32
      %sub3A_1237 = vector.broadcast %sub3A_1236 : i32 to vector<16xi32>
      %sub3A_1238 = arith.subi %sub3A_1237, %convert_element_type3A_1230 : vector<16xi32>
      %shift_left3A_1239 = arith.constant 23 : i32
      %shift_left3A_1240 = vector.broadcast %shift_left3A_1239 : i32 to vector<16xi32>
      %shift_left3A_1241 = arith.shli %sub3A_1238, %shift_left3A_1240 : vector<16xi32>
      %bitcast_convert_type3A_1242 = tpu.bitcast %shift_left3A_1241 : vector<16xi32> -> vector<16xf32>
      %neg3A_1243 = arith.constant 0.000000e+00 : f32
      %neg3A_1244 = vector.broadcast %neg3A_1243 : f32 to vector<16xf32>
      %neg3A_1245 = arith.subf %neg3A_1244, %sub3A_1235 : vector<16xf32>
      %broadcast_in_dim3A_1246 = arith.constant 2.50521079E-8 : f32
      %broadcast_in_dim3A_1247 = vector.broadcast %broadcast_in_dim3A_1246 : f32 to vector<16xf32>
      %mul3A_1248 = arith.mulf %broadcast_in_dim3A_1247, %neg3A_1245 : vector<16xf32>
      %add3A_1249 = arith.constant 2.755732E-7 : f32
      %add3A_1250 = vector.broadcast %add3A_1249 : f32 to vector<16xf32>
      %add3A_1251 = arith.addf %mul3A_1248, %add3A_1250 : vector<16xf32>
      %mul3A_1252 = arith.mulf %add3A_1251, %neg3A_1245 : vector<16xf32>
      %add3A_1253 = arith.constant 2.75573188E-6 : f32
      %add3A_1254 = vector.broadcast %add3A_1253 : f32 to vector<16xf32>
      %add3A_1255 = arith.addf %mul3A_1252, %add3A_1254 : vector<16xf32>
      %mul3A_1256 = arith.mulf %add3A_1255, %neg3A_1245 : vector<16xf32>
      %add3A_1257 = arith.constant 2.48015876E-5 : f32
      %add3A_1258 = vector.broadcast %add3A_1257 : f32 to vector<16xf32>
      %add3A_1259 = arith.addf %mul3A_1256, %add3A_1258 : vector<16xf32>
      %mul3A_1260 = arith.mulf %add3A_1259, %neg3A_1245 : vector<16xf32>
      %add3A_1261 = arith.constant 1.98412701E-4 : f32
      %add3A_1262 = vector.broadcast %add3A_1261 : f32 to vector<16xf32>
      %add3A_1263 = arith.addf %mul3A_1260, %add3A_1262 : vector<16xf32>
      %mul3A_1264 = arith.mulf %add3A_1263, %neg3A_1245 : vector<16xf32>
      %add3A_1265 = arith.constant 0.00138888892 : f32
      %add3A_1266 = vector.broadcast %add3A_1265 : f32 to vector<16xf32>
      %add3A_1267 = arith.addf %mul3A_1264, %add3A_1266 : vector<16xf32>
      %mul3A_1268 = arith.mulf %add3A_1267, %neg3A_1245 : vector<16xf32>
      %add3A_1269 = arith.constant 0.00833333377 : f32
      %add3A_1270 = vector.broadcast %add3A_1269 : f32 to vector<16xf32>
      %add3A_1271 = arith.addf %mul3A_1268, %add3A_1270 : vector<16xf32>
      %mul3A_1272 = arith.mulf %add3A_1271, %neg3A_1245 : vector<16xf32>
      %add3A_1273 = arith.constant 0.0416666679 : f32
      %add3A_1274 = vector.broadcast %add3A_1273 : f32 to vector<16xf32>
      %add3A_1275 = arith.addf %mul3A_1272, %add3A_1274 : vector<16xf32>
      %mul3A_1276 = arith.mulf %add3A_1275, %neg3A_1245 : vector<16xf32>
      %add3A_1277 = arith.constant 0.166666672 : f32
      %add3A_1278 = vector.broadcast %add3A_1277 : f32 to vector<16xf32>
      %add3A_1279 = arith.addf %mul3A_1276, %add3A_1278 : vector<16xf32>
      %mul3A_1280 = arith.mulf %add3A_1279, %neg3A_1245 : vector<16xf32>
      %add3A_1281 = arith.constant 5.000000e-01 : f32
      %add3A_1282 = vector.broadcast %add3A_1281 : f32 to vector<16xf32>
      %add3A_1283 = arith.addf %mul3A_1280, %add3A_1282 : vector<16xf32>
      %mul3A_1284 = arith.mulf %add3A_1283, %neg3A_1245 : vector<16xf32>
      %add3A_1285 = arith.constant 1.000000e+00 : f32
      %add3A_1286 = vector.broadcast %add3A_1285 : f32 to vector<16xf32>
      %add3A_1287 = arith.addf %mul3A_1284, %add3A_1286 : vector<16xf32>
      %mul3A_1288 = arith.mulf %add3A_1287, %neg3A_1245 : vector<16xf32>
      %add3A_1289 = arith.constant 1.000000e+00 : f32
      %add3A_1290 = vector.broadcast %add3A_1289 : f32 to vector<16xf32>
      %add3A_1291 = arith.addf %mul3A_1288, %add3A_1290 : vector<16xf32>
      %mul3A_1292 = arith.mulf %bitcast_convert_type3A_1242, %add3A_1291 : vector<16xf32>
      %mul3A_1293 = arith.mulf %add3A_1170, %mul3A_1292 : vector<16xf32>
      %add3A_1294 = arith.addf %sub3A_1226, %mul3A_1293 : vector<16xf32>
      %sub3A_1295 = arith.constant 1.000000e+00 : f32
      %sub3A_1296 = vector.broadcast %sub3A_1295 : f32 to vector<16xf32>
      %sub3A_1297 = arith.subf %add3A_1294, %sub3A_1296 : vector<16xf32>
      %sub3A_1298 = arith.subf %mul3A_838, %sub3A_1297 : vector<16xf32>
      %sub3A_1299 = arith.subf %mul3A_877, %sub3A_1297 : vector<16xf32>
      %sub3A_1300 = arith.subf %mul3A_916, %sub3A_1297 : vector<16xf32>
      %sub3A_1301 = arith.subf %mul3A_955, %sub3A_1297 : vector<16xf32>
      %gt3A_1302 = arith.constant 3.000000e-01 : f32
      %gt3A_1303 = vector.broadcast %gt3A_1302 : f32 to vector<16xf32>
      %gt3A_1304 = arith.cmpf ogt, %div3A_1171, %gt3A_1303 : vector<16xf32>
      %gt3A_1305 = arith.constant 3.000000e-01 : f32
      %gt3A_1306 = vector.broadcast %gt3A_1305 : f32 to vector<16xf32>
      %gt3A_1307 = arith.cmpf ogt, %div3A_1172, %gt3A_1306 : vector<16xf32>
      %gt3A_1308 = arith.constant 3.000000e-01 : f32
      %gt3A_1309 = vector.broadcast %gt3A_1308 : f32 to vector<16xf32>
      %gt3A_1310 = arith.cmpf ogt, %div3A_1173, %gt3A_1309 : vector<16xf32>
      %gt3A_1311 = arith.constant 3.000000e-01 : f32
      %gt3A_1312 = vector.broadcast %gt3A_1311 : f32 to vector<16xf32>
      %gt3A_1313 = arith.cmpf ogt, %div3A_1174, %gt3A_1312 : vector<16xf32>
      %select_n3A_1314 = arith.select %gt3A_1304, %broadcast_in_dim3A_4, %broadcast_in_dim3A_6 : vector<16xi1>, vector<16xf32>
      %select_n3A_1315 = arith.select %gt3A_1307, %broadcast_in_dim3A_4, %broadcast_in_dim3A_6 : vector<16xi1>, vector<16xf32>
      %select_n3A_1316 = arith.select %gt3A_1310, %broadcast_in_dim3A_4, %broadcast_in_dim3A_6 : vector<16xi1>, vector<16xf32>
      %select_n3A_1317 = arith.select %gt3A_1313, %broadcast_in_dim3A_4, %broadcast_in_dim3A_6 : vector<16xi1>, vector<16xf32>
      %max3A_1318 = arith.maximumf %div3A_1171, %div3A_1172 : vector<16xf32>
      %max3A_1319 = arith.maximumf %div3A_1173, %div3A_1174 : vector<16xf32>
      %max3A_1320 = arith.maximumf %max3A_1318, %max3A_1319 : vector<16xf32>
      %xor3A_1321 = arith.constant 8 : i32
      %xor3A_1322 = vector.broadcast %xor3A_1321 : i32 to vector<16xi32>
      %xor3A_1323 = arith.xori %iota3A, %xor3A_1322 : vector<16xi32>
      %broadcast_in_dim3A_1324 = vector.shape_cast %xor3A_1323 : vector<16xi32> to vector<16x1xi32>
      %gather3A_1325 = vector.shape_cast %broadcast_in_dim3A_1324 : vector<16x1xi32> to vector<16xi32>
      %gather3A_1326 = tpu.dynamic_gather %max3A_1320[%gather3A_1325] in [0] : vector<16xf32>, vector<16xi32> -> vector<16xf32>
      %max3A_1327 = arith.maximumf %max3A_1320, %gather3A_1326 : vector<16xf32>
      %xor3A_1328 = arith.constant 4 : i32
      %xor3A_1329 = vector.broadcast %xor3A_1328 : i32 to vector<16xi32>
      %xor3A_1330 = arith.xori %iota3A, %xor3A_1329 : vector<16xi32>
      %broadcast_in_dim3A_1331 = vector.shape_cast %xor3A_1330 : vector<16xi32> to vector<16x1xi32>
      %gather3A_1332 = vector.shape_cast %broadcast_in_dim3A_1331 : vector<16x1xi32> to vector<16xi32>
      %gather3A_1333 = tpu.dynamic_gather %max3A_1327[%gather3A_1332] in [0] : vector<16xf32>, vector<16xi32> -> vector<16xf32>
      %max3A_1334 = arith.maximumf %max3A_1327, %gather3A_1333 : vector<16xf32>
      %xor3A_1335 = arith.constant 2 : i32
      %xor3A_1336 = vector.broadcast %xor3A_1335 : i32 to vector<16xi32>
      %xor3A_1337 = arith.xori %iota3A, %xor3A_1336 : vector<16xi32>
      %broadcast_in_dim3A_1338 = vector.shape_cast %xor3A_1337 : vector<16xi32> to vector<16x1xi32>
      %gather3A_1339 = vector.shape_cast %broadcast_in_dim3A_1338 : vector<16x1xi32> to vector<16xi32>
      %gather3A_1340 = tpu.dynamic_gather %max3A_1334[%gather3A_1339] in [0] : vector<16xf32>, vector<16xi32> -> vector<16xf32>
      %max3A_1341 = arith.maximumf %max3A_1334, %gather3A_1340 : vector<16xf32>
      %xor3A_1342 = arith.constant 1 : i32
      %xor3A_1343 = vector.broadcast %xor3A_1342 : i32 to vector<16xi32>
      %xor3A_1344 = arith.xori %iota3A, %xor3A_1343 : vector<16xi32>
      %broadcast_in_dim3A_1345 = vector.shape_cast %xor3A_1344 : vector<16xi32> to vector<16x1xi32>
      %gather3A_1346 = vector.shape_cast %broadcast_in_dim3A_1345 : vector<16x1xi32> to vector<16xi32>
      %gather3A_1347 = tpu.dynamic_gather %max3A_1341[%gather3A_1346] in [0] : vector<16xf32>, vector<16xi32> -> vector<16xf32>
      %max3A_1348 = arith.maximumf %max3A_1341, %gather3A_1347 : vector<16xf32>
      %eq3A_1349 = arith.cmpf oeq, %div3A_1171, %max3A_1348 : vector<16xf32>
      %add3A_1350 = arith.constant 64 : i32
      %add3A_1351 = vector.broadcast %add3A_1350 : i32 to vector<16xi32>
      %add3A_1352 = arith.addi %iota3A, %add3A_1351 : vector<16xi32>
      %select_n3A_1353 = arith.select %eq3A_1349, %add3A_1352, %broadcast_in_dim3A_8 : vector<16xi1>, vector<16xi32>
      %select_n3A_1354 = arith.select %gt3A_1304, %iota3A, %select_n3A_1353 : vector<16xi1>, vector<16xi32>
      %add3A_1355 = arith.constant 16 : i32
      %add3A_1356 = vector.broadcast %add3A_1355 : i32 to vector<16xi32>
      %add3A_1357 = arith.addi %iota3A, %add3A_1356 : vector<16xi32>
      %eq3A_1358 = arith.cmpf oeq, %div3A_1172, %max3A_1348 : vector<16xf32>
      %add3A_1359 = arith.constant 80 : i32
      %add3A_1360 = vector.broadcast %add3A_1359 : i32 to vector<16xi32>
      %add3A_1361 = arith.addi %iota3A, %add3A_1360 : vector<16xi32>
      %select_n3A_1362 = arith.select %eq3A_1358, %add3A_1361, %broadcast_in_dim3A_8 : vector<16xi1>, vector<16xi32>
      %select_n3A_1363 = arith.select %gt3A_1307, %add3A_1357, %select_n3A_1362 : vector<16xi1>, vector<16xi32>
      %min3A_1364 = arith.minsi %select_n3A_1354, %select_n3A_1363 : vector<16xi32>
      %add3A_1365 = arith.constant 32 : i32
      %add3A_1366 = vector.broadcast %add3A_1365 : i32 to vector<16xi32>
      %add3A_1367 = arith.addi %iota3A, %add3A_1366 : vector<16xi32>
      %eq3A_1368 = arith.cmpf oeq, %div3A_1173, %max3A_1348 : vector<16xf32>
      %add3A_1369 = arith.constant 96 : i32
      %add3A_1370 = vector.broadcast %add3A_1369 : i32 to vector<16xi32>
      %add3A_1371 = arith.addi %iota3A, %add3A_1370 : vector<16xi32>
      %select_n3A_1372 = arith.select %eq3A_1368, %add3A_1371, %broadcast_in_dim3A_8 : vector<16xi1>, vector<16xi32>
      %select_n3A_1373 = arith.select %gt3A_1310, %add3A_1367, %select_n3A_1372 : vector<16xi1>, vector<16xi32>
      %add3A_1374 = arith.constant 48 : i32
      %add3A_1375 = vector.broadcast %add3A_1374 : i32 to vector<16xi32>
      %add3A_1376 = arith.addi %iota3A, %add3A_1375 : vector<16xi32>
      %eq3A_1377 = arith.cmpf oeq, %div3A_1174, %max3A_1348 : vector<16xf32>
      %add3A_1378 = arith.constant 112 : i32
      %add3A_1379 = vector.broadcast %add3A_1378 : i32 to vector<16xi32>
      %add3A_1380 = arith.addi %iota3A, %add3A_1379 : vector<16xi32>
      %select_n3A_1381 = arith.select %eq3A_1377, %add3A_1380, %broadcast_in_dim3A_8 : vector<16xi1>, vector<16xi32>
      %select_n3A_1382 = arith.select %gt3A_1313, %add3A_1376, %select_n3A_1381 : vector<16xi1>, vector<16xi32>
      %min3A_1383 = arith.minsi %select_n3A_1373, %select_n3A_1382 : vector<16xi32>
      %min3A_1384 = arith.minsi %min3A_1364, %min3A_1383 : vector<16xi32>
      %xor3A_1385 = arith.constant 8 : i32
      %xor3A_1386 = vector.broadcast %xor3A_1385 : i32 to vector<16xi32>
      %xor3A_1387 = arith.xori %iota3A, %xor3A_1386 : vector<16xi32>
      %broadcast_in_dim3A_1388 = vector.shape_cast %xor3A_1387 : vector<16xi32> to vector<16x1xi32>
      %gather3A_1389 = vector.shape_cast %broadcast_in_dim3A_1388 : vector<16x1xi32> to vector<16xi32>
      %gather3A_1390 = tpu.dynamic_gather %min3A_1384[%gather3A_1389] in [0] : vector<16xi32>, vector<16xi32> -> vector<16xi32>
      %min3A_1391 = arith.minsi %min3A_1384, %gather3A_1390 : vector<16xi32>
      %xor3A_1392 = arith.constant 4 : i32
      %xor3A_1393 = vector.broadcast %xor3A_1392 : i32 to vector<16xi32>
      %xor3A_1394 = arith.xori %iota3A, %xor3A_1393 : vector<16xi32>
      %broadcast_in_dim3A_1395 = vector.shape_cast %xor3A_1394 : vector<16xi32> to vector<16x1xi32>
      %gather3A_1396 = vector.shape_cast %broadcast_in_dim3A_1395 : vector<16x1xi32> to vector<16xi32>
      %gather3A_1397 = tpu.dynamic_gather %min3A_1391[%gather3A_1396] in [0] : vector<16xi32>, vector<16xi32> -> vector<16xi32>
      %min3A_1398 = arith.minsi %min3A_1391, %gather3A_1397 : vector<16xi32>
      %xor3A_1399 = arith.constant 2 : i32
      %xor3A_1400 = vector.broadcast %xor3A_1399 : i32 to vector<16xi32>
      %xor3A_1401 = arith.xori %iota3A, %xor3A_1400 : vector<16xi32>
      %broadcast_in_dim3A_1402 = vector.shape_cast %xor3A_1401 : vector<16xi32> to vector<16x1xi32>
      %gather3A_1403 = vector.shape_cast %broadcast_in_dim3A_1402 : vector<16x1xi32> to vector<16xi32>
      %gather3A_1404 = tpu.dynamic_gather %min3A_1398[%gather3A_1403] in [0] : vector<16xi32>, vector<16xi32> -> vector<16xi32>
      %min3A_1405 = arith.minsi %min3A_1398, %gather3A_1404 : vector<16xi32>
      %xor3A_1406 = arith.constant 1 : i32
      %xor3A_1407 = vector.broadcast %xor3A_1406 : i32 to vector<16xi32>
      %xor3A_1408 = arith.xori %iota3A, %xor3A_1407 : vector<16xi32>
      %broadcast_in_dim3A_1409 = vector.shape_cast %xor3A_1408 : vector<16xi32> to vector<16x1xi32>
      %gather3A_1410 = vector.shape_cast %broadcast_in_dim3A_1409 : vector<16x1xi32> to vector<16xi32>
      %gather3A_1411 = tpu.dynamic_gather %min3A_1405[%gather3A_1410] in [0] : vector<16xi32>, vector<16xi32> -> vector<16xi32>
      %min3A_1412 = arith.minsi %min3A_1405, %gather3A_1411 : vector<16xi32>
      %lt3A_1413 = arith.constant 64 : i32
      %lt3A_1414 = vector.broadcast %lt3A_1413 : i32 to vector<16xi32>
      %lt3A_1415 = arith.cmpi slt, %min3A_1412, %lt3A_1414 : vector<16xi32>
      %and3A_1416 = arith.constant 63 : i32
      %and3A_1417 = vector.broadcast %and3A_1416 : i32 to vector<16xi32>
      %and3A_1418 = arith.andi %min3A_1412, %and3A_1417 : vector<16xi32>
      %add3A_1419 = arith.constant 0 : i32
      %add3A_1420 = vector.broadcast %add3A_1419 : i32 to vector<16xi32>
      %add3A_1421 = arith.addi %iota3A, %add3A_1420 : vector<16xi32>
      %eq3A_1422 = arith.cmpi eq, %add3A_1421, %and3A_1418 : vector<16xi32>
      %select_n3A_1423 = arith.select %eq3A_1422, %broadcast_in_dim3A_4, %broadcast_in_dim3A_6 : vector<16xi1>, vector<16xf32>
      %select_n3A_1424 = arith.select %lt3A_1415, %select_n3A_1314, %select_n3A_1423 : vector<16xi1>, vector<16xf32>
      %add3A_1425 = arith.constant 16 : i32
      %add3A_1426 = vector.broadcast %add3A_1425 : i32 to vector<16xi32>
      %add3A_1427 = arith.addi %iota3A, %add3A_1426 : vector<16xi32>
      %eq3A_1428 = arith.cmpi eq, %add3A_1427, %and3A_1418 : vector<16xi32>
      %select_n3A_1429 = arith.select %eq3A_1428, %broadcast_in_dim3A_4, %broadcast_in_dim3A_6 : vector<16xi1>, vector<16xf32>
      %select_n3A_1430 = arith.select %lt3A_1415, %select_n3A_1315, %select_n3A_1429 : vector<16xi1>, vector<16xf32>
      %add3A_1431 = arith.constant 32 : i32
      %add3A_1432 = vector.broadcast %add3A_1431 : i32 to vector<16xi32>
      %add3A_1433 = arith.addi %iota3A, %add3A_1432 : vector<16xi32>
      %eq3A_1434 = arith.cmpi eq, %add3A_1433, %and3A_1418 : vector<16xi32>
      %select_n3A_1435 = arith.select %eq3A_1434, %broadcast_in_dim3A_4, %broadcast_in_dim3A_6 : vector<16xi1>, vector<16xf32>
      %select_n3A_1436 = arith.select %lt3A_1415, %select_n3A_1316, %select_n3A_1435 : vector<16xi1>, vector<16xf32>
      %add3A_1437 = arith.constant 48 : i32
      %add3A_1438 = vector.broadcast %add3A_1437 : i32 to vector<16xi32>
      %add3A_1439 = arith.addi %iota3A, %add3A_1438 : vector<16xi32>
      %eq3A_1440 = arith.cmpi eq, %add3A_1439, %and3A_1418 : vector<16xi32>
      %select_n3A_1441 = arith.select %eq3A_1440, %broadcast_in_dim3A_4, %broadcast_in_dim3A_6 : vector<16xi1>, vector<16xf32>
      %select_n3A_1442 = arith.select %lt3A_1415, %select_n3A_1317, %select_n3A_1441 : vector<16xi1>, vector<16xf32>
      %mul3A_1443 = arith.mulf %select_n3A_1424, %sub3A_1298 : vector<16xf32>
      %mul3A_1444 = arith.mulf %select_n3A_1430, %sub3A_1299 : vector<16xf32>
      %add3A_1445 = arith.addf %mul3A_1443, %mul3A_1444 : vector<16xf32>
      %mul3A_1446 = arith.mulf %select_n3A_1436, %sub3A_1300 : vector<16xf32>
      %add3A_1447 = arith.addf %add3A_1445, %mul3A_1446 : vector<16xf32>
      %mul3A_1448 = arith.mulf %select_n3A_1442, %sub3A_1301 : vector<16xf32>
      %add3A_1449 = arith.addf %add3A_1447, %mul3A_1448 : vector<16xf32>
      %xor3A_1450 = arith.constant 8 : i32
      %xor3A_1451 = vector.broadcast %xor3A_1450 : i32 to vector<16xi32>
      %xor3A_1452 = arith.xori %iota3A, %xor3A_1451 : vector<16xi32>
      %broadcast_in_dim3A_1453 = vector.shape_cast %xor3A_1452 : vector<16xi32> to vector<16x1xi32>
      %gather3A_1454 = vector.shape_cast %broadcast_in_dim3A_1453 : vector<16x1xi32> to vector<16xi32>
      %gather3A_1455 = tpu.dynamic_gather %add3A_1449[%gather3A_1454] in [0] : vector<16xf32>, vector<16xi32> -> vector<16xf32>
      %add3A_1456 = arith.addf %add3A_1449, %gather3A_1455 : vector<16xf32>
      %xor3A_1457 = arith.constant 4 : i32
      %xor3A_1458 = vector.broadcast %xor3A_1457 : i32 to vector<16xi32>
      %xor3A_1459 = arith.xori %iota3A, %xor3A_1458 : vector<16xi32>
      %broadcast_in_dim3A_1460 = vector.shape_cast %xor3A_1459 : vector<16xi32> to vector<16x1xi32>
      %gather3A_1461 = vector.shape_cast %broadcast_in_dim3A_1460 : vector<16x1xi32> to vector<16xi32>
      %gather3A_1462 = tpu.dynamic_gather %add3A_1456[%gather3A_1461] in [0] : vector<16xf32>, vector<16xi32> -> vector<16xf32>
      %add3A_1463 = arith.addf %add3A_1456, %gather3A_1462 : vector<16xf32>
      %xor3A_1464 = arith.constant 2 : i32
      %xor3A_1465 = vector.broadcast %xor3A_1464 : i32 to vector<16xi32>
      %xor3A_1466 = arith.xori %iota3A, %xor3A_1465 : vector<16xi32>
      %broadcast_in_dim3A_1467 = vector.shape_cast %xor3A_1466 : vector<16xi32> to vector<16x1xi32>
      %gather3A_1468 = vector.shape_cast %broadcast_in_dim3A_1467 : vector<16x1xi32> to vector<16xi32>
      %gather3A_1469 = tpu.dynamic_gather %add3A_1463[%gather3A_1468] in [0] : vector<16xf32>, vector<16xi32> -> vector<16xf32>
      %add3A_1470 = arith.addf %add3A_1463, %gather3A_1469 : vector<16xf32>
      %xor3A_1471 = arith.constant 1 : i32
      %xor3A_1472 = vector.broadcast %xor3A_1471 : i32 to vector<16xi32>
      %xor3A_1473 = arith.xori %iota3A, %xor3A_1472 : vector<16xi32>
      %broadcast_in_dim3A_1474 = vector.shape_cast %xor3A_1473 : vector<16xi32> to vector<16x1xi32>
      %gather3A_1475 = vector.shape_cast %broadcast_in_dim3A_1474 : vector<16x1xi32> to vector<16xi32>
      %gather3A_1476 = tpu.dynamic_gather %add3A_1470[%gather3A_1475] in [0] : vector<16xf32>, vector<16xi32> -> vector<16xf32>
      %add3A_1477 = arith.addf %add3A_1470, %gather3A_1476 : vector<16xf32>
      %slice3A_1478 = vector.extract_strided_slice %and3A_1418 {offsets = [0], sizes = [1], strides = [1]} : vector<16xi32> to vector<1xi32>
      %squeeze3A_1479 = vector.extract %slice3A_1478[0] : i32 from vector<1xi32>
      %swap3A_1480 = arith.constant 64 : index
      %swap3A_1481 = tpu.vector_load %arg5[%swap3A_1480] {strides = array<i32>} : memref<320xf32, #tpu.memory_space<vmem>>, vector<16xf32>,
      %swap3A_1482 = vector.shape_cast %swap3A_1481 : vector<16xf32> to vector<16xf32>
      %swap3A_1483 = vector.shape_cast %div3A_1171 : vector<16xf32> to vector<16xf32>
      tpu.vector_store %arg5[%swap3A_1480], %swap3A_1483 {strides = array<i32>} : memref<320xf32, #tpu.memory_space<vmem>>, vector<16xf32>,
      %swap3A_1484 = arith.constant 80 : index
      %swap3A_1485 = tpu.vector_load %arg5[%swap3A_1484] {strides = array<i32>} : memref<320xf32, #tpu.memory_space<vmem>>, vector<16xf32>,
      %swap3A_1486 = vector.shape_cast %swap3A_1485 : vector<16xf32> to vector<16xf32>
      %swap3A_1487 = vector.shape_cast %div3A_1172 : vector<16xf32> to vector<16xf32>
      tpu.vector_store %arg5[%swap3A_1484], %swap3A_1487 {strides = array<i32>} : memref<320xf32, #tpu.memory_space<vmem>>, vector<16xf32>,
      %swap3A_1488 = arith.constant 96 : index
      %swap3A_1489 = tpu.vector_load %arg5[%swap3A_1488] {strides = array<i32>} : memref<320xf32, #tpu.memory_space<vmem>>, vector<16xf32>,
      %swap3A_1490 = vector.shape_cast %swap3A_1489 : vector<16xf32> to vector<16xf32>
      %swap3A_1491 = vector.shape_cast %div3A_1173 : vector<16xf32> to vector<16xf32>
      tpu.vector_store %arg5[%swap3A_1488], %swap3A_1491 {strides = array<i32>} : memref<320xf32, #tpu.memory_space<vmem>>, vector<16xf32>,
      %swap3A_1492 = arith.constant 112 : index
      %swap3A_1493 = tpu.vector_load %arg5[%swap3A_1492] {strides = array<i32>} : memref<320xf32, #tpu.memory_space<vmem>>, vector<16xf32>,
      %swap3A_1494 = vector.shape_cast %swap3A_1493 : vector<16xf32> to vector<16xf32>
      %swap3A_1495 = vector.shape_cast %div3A_1174 : vector<16xf32> to vector<16xf32>
      tpu.vector_store %arg5[%swap3A_1492], %swap3A_1495 {strides = array<i32>} : memref<320xf32, #tpu.memory_space<vmem>>, vector<16xf32>,
      %swap3A_1496 = arith.constant 272 : index
      %swap3A_1497 = tpu.vector_load %arg5[%swap3A_1496] {strides = array<i32>} : memref<320xf32, #tpu.memory_space<vmem>>, vector<16xf32>,
      %swap3A_1498 = vector.shape_cast %swap3A_1497 : vector<16xf32> to vector<16xf32>
      %swap3A_1499 = vector.shape_cast %add3A_1477 : vector<16xf32> to vector<16xf32>
      tpu.vector_store %arg5[%swap3A_1496], %swap3A_1499 {strides = array<i32>} : memref<320xf32, #tpu.memory_space<vmem>>, vector<16xf32>,
      %get3A_1500 = arith.constant 128 : index
      %get3A_1501 = tpu.vector_load %arg4[%get3A_1500] {strides = array<i32>} : memref<13312xf32, #tpu.memory_space<vmem>>, vector<16xf32>,
      %get3A_1502 = vector.shape_cast %get3A_1501 : vector<16xf32> to vector<16xf32>
      %get3A_1503 = arith.constant 144 : index
      %get3A_1504 = tpu.vector_load %arg4[%get3A_1503] {strides = array<i32>} : memref<13312xf32, #tpu.memory_space<vmem>>, vector<16xf32>,
      %get3A_1505 = vector.shape_cast %get3A_1504 : vector<16xf32> to vector<16xf32>
      %get3A_1506 = arith.constant 160 : index
      %get3A_1507 = tpu.vector_load %arg4[%get3A_1506] {strides = array<i32>} : memref<13312xf32, #tpu.memory_space<vmem>>, vector<16xf32>,
      %get3A_1508 = vector.shape_cast %get3A_1507 : vector<16xf32> to vector<16xf32>
      %get3A_1509 = arith.constant 176 : index
      %get3A_1510 = tpu.vector_load %arg4[%get3A_1509] {strides = array<i32>} : memref<13312xf32, #tpu.memory_space<vmem>>, vector<16xf32>,
      %get3A_1511 = vector.shape_cast %get3A_1510 : vector<16xf32> to vector<16xf32>
      %get3A_1512 = arith.constant 640 : index
      %get3A_1513 = tpu.vector_load %arg4[%get3A_1512] {strides = array<i32>} : memref<13312xf32, #tpu.memory_space<vmem>>, vector<16xf32>,
      %get3A_1514 = vector.shape_cast %get3A_1513 : vector<16xf32> to vector<16xf32>
      %get3A_1515 = arith.constant 656 : index
      %get3A_1516 = tpu.vector_load %arg4[%get3A_1515] {strides = array<i32>} : memref<13312xf32, #tpu.memory_space<vmem>>, vector<16xf32>,
      %get3A_1517 = vector.shape_cast %get3A_1516 : vector<16xf32> to vector<16xf32>
      %get3A_1518 = arith.constant 672 : index
      %get3A_1519 = tpu.vector_load %arg4[%get3A_1518] {strides = array<i32>} : memref<13312xf32, #tpu.memory_space<vmem>>, vector<16xf32>,
      %get3A_1520 = vector.shape_cast %get3A_1519 : vector<16xf32> to vector<16xf32>
      %get3A_1521 = arith.constant 688 : index
      %get3A_1522 = tpu.vector_load %arg4[%get3A_1521] {strides = array<i32>} : memref<13312xf32, #tpu.memory_space<vmem>>, vector<16xf32>,
      %get3A_1523 = vector.shape_cast %get3A_1522 : vector<16xf32> to vector<16xf32>
      %add3A_1524 = arith.constant 384 : i32
      %add3A_1525 = arith.addi %add3A_1524, %squeeze3A_1479 : i32
      %get3A_1526 = arith.index_cast %add3A_1525 : i32 to index
      %get3A_1527 = tpu.vector_load %arg4[%get3A_1526] {strides = array<i32>} : memref<13312xf32, #tpu.memory_space<vmem>>, vector<16xf32>,
      %get3A_1528 = vector.shape_cast %get3A_1527 : vector<16xf32> to vector<16xf32>
      %slice3A_1529 = vector.extract_strided_slice %get3A_1528 {offsets = [0], sizes = [1], strides = [1]} : vector<16xf32> to vector<1xf32>
      %squeeze3A_1530 = vector.extract %slice3A_1529[0] : f32 from vector<1xf32>
      %broadcast_in_dim3A_1531 = vector.broadcast %squeeze3A_1530 : f32 to vector<16xf32>
      %add3A_1532 = arith.constant 896 : i32
      %add3A_1533 = arith.addi %add3A_1532, %squeeze3A_1479 : i32
      %get3A_1534 = arith.index_cast %add3A_1533 : i32 to index
      %get3A_1535 = tpu.vector_load %arg4[%get3A_1534] {strides = array<i32>} : memref<13312xf32, #tpu.memory_space<vmem>>, vector<16xf32>,
      %get3A_1536 = vector.shape_cast %get3A_1535 : vector<16xf32> to vector<16xf32>
      %slice3A_1537 = vector.extract_strided_slice %get3A_1536 {offsets = [0], sizes = [1], strides = [1]} : vector<16xf32> to vector<1xf32>
      %squeeze3A_1538 = vector.extract %slice3A_1537[0] : f32 from vector<1xf32>
      %broadcast_in_dim3A_1539 = vector.broadcast %squeeze3A_1538 : f32 to vector<16xf32>
      %mul3A_1540 = arith.constant 64 : i32
      %mul3A_1541 = arith.muli %squeeze3A_1479, %mul3A_1540 : i32
      %add3A_1542 = arith.constant 5120 : i32
      %add3A_1543 = arith.addi %add3A_1542, %mul3A_1541 : i32
      %add3A_1544 = arith.constant 0 : i32
      %add3A_1545 = arith.addi %add3A_1543, %add3A_1544 : i32
      %get3A_1546 = arith.index_cast %add3A_1545 : i32 to index
      %get3A_1547 = tpu.vector_load %arg4[%get3A_1546] {strides = array<i32>} : memref<13312xf32, #tpu.memory_space<vmem>>, vector<16xf32>,
      %get3A_1548 = vector.shape_cast %get3A_1547 : vector<16xf32> to vector<16xf32>
      %mul3A_1549 = arith.constant 2.000000e+00 : f32
      %mul3A_1550 = vector.broadcast %mul3A_1549 : f32 to vector<16xf32>
      %mul3A_1551 = arith.mulf %mul3A_1550, %get3A_1548 : vector<16xf32>
      %add3A_1552 = arith.addf %get3A_1514, %mul3A_1551 : vector<16xf32>
      %add3A_1553 = arith.addf %add3A_1552, %broadcast_in_dim3A_1539 : vector<16xf32>
      %add3A_1554 = arith.addf %get3A_1502, %broadcast_in_dim3A_1531 : vector<16xf32>
      %add3A_1555 = arith.constant 16 : i32
      %add3A_1556 = arith.addi %add3A_1543, %add3A_1555 : i32
      %get3A_1557 = arith.index_cast %add3A_1556 : i32 to index
      %get3A_1558 = tpu.vector_load %arg4[%get3A_1557] {strides = array<i32>} : memref<13312xf32, #tpu.memory_space<vmem>>, vector<16xf32>,
      %get3A_1559 = vector.shape_cast %get3A_1558 : vector<16xf32> to vector<16xf32>
      %mul3A_1560 = arith.constant 2.000000e+00 : f32
      %mul3A_1561 = vector.broadcast %mul3A_1560 : f32 to vector<16xf32>
      %mul3A_1562 = arith.mulf %mul3A_1561, %get3A_1559 : vector<16xf32>
      %add3A_1563 = arith.addf %get3A_1517, %mul3A_1562 : vector<16xf32>
      %add3A_1564 = arith.addf %add3A_1563, %broadcast_in_dim3A_1539 : vector<16xf32>
      %add3A_1565 = arith.addf %get3A_1505, %broadcast_in_dim3A_1531 : vector<16xf32>
      %add3A_1566 = arith.constant 32 : i32
      %add3A_1567 = arith.addi %add3A_1543, %add3A_1566 : i32
      %get3A_1568 = arith.index_cast %add3A_1567 : i32 to index
      %get3A_1569 = tpu.vector_load %arg4[%get3A_1568] {strides = array<i32>} : memref<13312xf32, #tpu.memory_space<vmem>>, vector<16xf32>,
      %get3A_1570 = vector.shape_cast %get3A_1569 : vector<16xf32> to vector<16xf32>
      %mul3A_1571 = arith.constant 2.000000e+00 : f32
      %mul3A_1572 = vector.broadcast %mul3A_1571 : f32 to vector<16xf32>
      %mul3A_1573 = arith.mulf %mul3A_1572, %get3A_1570 : vector<16xf32>
      %add3A_1574 = arith.addf %get3A_1520, %mul3A_1573 : vector<16xf32>
      %add3A_1575 = arith.addf %add3A_1574, %broadcast_in_dim3A_1539 : vector<16xf32>
      %add3A_1576 = arith.addf %get3A_1508, %broadcast_in_dim3A_1531 : vector<16xf32>
      %add3A_1577 = arith.constant 48 : i32
      %add3A_1578 = arith.addi %add3A_1543, %add3A_1577 : i32
      %get3A_1579 = arith.index_cast %add3A_1578 : i32 to index
      %get3A_1580 = tpu.vector_load %arg4[%get3A_1579] {strides = array<i32>} : memref<13312xf32, #tpu.memory_space<vmem>>, vector<16xf32>,
      %get3A_1581 = vector.shape_cast %get3A_1580 : vector<16xf32> to vector<16xf32>
      %mul3A_1582 = arith.constant 2.000000e+00 : f32
      %mul3A_1583 = vector.broadcast %mul3A_1582 : f32 to vector<16xf32>
      %mul3A_1584 = arith.mulf %mul3A_1583, %get3A_1581 : vector<16xf32>
      %add3A_1585 = arith.addf %get3A_1523, %mul3A_1584 : vector<16xf32>
      %add3A_1586 = arith.addf %add3A_1585, %broadcast_in_dim3A_1539 : vector<16xf32>
      %add3A_1587 = arith.addf %get3A_1511, %broadcast_in_dim3A_1531 : vector<16xf32>
      %max3A_1588 = arith.constant 1.000000e-24 : f32
      %max3A_1589 = vector.broadcast %max3A_1588 : f32 to vector<16xf32>
      %max3A_1590 = arith.maximumf %add3A_1553, %max3A_1589 : vector<16xf32>
      %bitcast_convert_type3A_1591 = tpu.bitcast %max3A_1590 : vector<16xf32> -> vector<16xi32>
      %shift_right_arithmetic3A_1592 = arith.constant 1 : i32
      %shift_right_arithmetic3A_1593 = vector.broadcast %shift_right_arithmetic3A_1592 : i32 to vector<16xi32>
      %shift_right_arithmetic3A_1594 = arith.shrsi %bitcast_convert_type3A_1591, %shift_right_arithmetic3A_1593 : vector<16xi32>
      %sub3A_1595 = arith.constant 1597463007 : i32
      %sub3A_1596 = vector.broadcast %sub3A_1595 : i32 to vector<16xi32>
      %sub3A_1597 = arith.subi %sub3A_1596, %shift_right_arithmetic3A_1594 : vector<16xi32>
      %bitcast_convert_type3A_1598 = tpu.bitcast %sub3A_1597 : vector<16xi32> -> vector<16xf32>
      %mul3A_1599 = arith.constant 5.000000e-01 : f32
      %mul3A_1600 = vector.broadcast %mul3A_1599 : f32 to vector<16xf32>
      %mul3A_1601 = arith.mulf %mul3A_1600, %max3A_1590 : vector<16xf32>
      %mul3A_1602 = arith.mulf %mul3A_1601, %bitcast_convert_type3A_1598 : vector<16xf32>
      %mul3A_1603 = arith.mulf %mul3A_1602, %bitcast_convert_type3A_1598 : vector<16xf32>
      %sub3A_1604 = arith.constant 1.500000e+00 : f32
      %sub3A_1605 = vector.broadcast %sub3A_1604 : f32 to vector<16xf32>
      %sub3A_1606 = arith.subf %sub3A_1605, %mul3A_1603 : vector<16xf32>
      %mul3A_1607 = arith.mulf %bitcast_convert_type3A_1598, %sub3A_1606 : vector<16xf32>
      %mul3A_1608 = arith.constant 5.000000e-01 : f32
      %mul3A_1609 = vector.broadcast %mul3A_1608 : f32 to vector<16xf32>
      %mul3A_1610 = arith.mulf %mul3A_1609, %max3A_1590 : vector<16xf32>
      %mul3A_1611 = arith.mulf %mul3A_1610, %mul3A_1607 : vector<16xf32>
      %mul3A_1612 = arith.mulf %mul3A_1611, %mul3A_1607 : vector<16xf32>
      %sub3A_1613 = arith.constant 1.500000e+00 : f32
      %sub3A_1614 = vector.broadcast %sub3A_1613 : f32 to vector<16xf32>
      %sub3A_1615 = arith.subf %sub3A_1614, %mul3A_1612 : vector<16xf32>
      %mul3A_1616 = arith.mulf %mul3A_1607, %sub3A_1615 : vector<16xf32>
      %mul3A_1617 = arith.constant 5.000000e-01 : f32
      %mul3A_1618 = vector.broadcast %mul3A_1617 : f32 to vector<16xf32>
      %mul3A_1619 = arith.mulf %mul3A_1618, %max3A_1590 : vector<16xf32>
      %mul3A_1620 = arith.mulf %mul3A_1619, %mul3A_1616 : vector<16xf32>
      %mul3A_1621 = arith.mulf %mul3A_1620, %mul3A_1616 : vector<16xf32>
      %sub3A_1622 = arith.constant 1.500000e+00 : f32
      %sub3A_1623 = vector.broadcast %sub3A_1622 : f32 to vector<16xf32>
      %sub3A_1624 = arith.subf %sub3A_1623, %mul3A_1621 : vector<16xf32>
      %mul3A_1625 = arith.mulf %mul3A_1616, %sub3A_1624 : vector<16xf32>
      %mul3A_1626 = arith.mulf %add3A_1554, %mul3A_1625 : vector<16xf32>
      %max3A_1627 = arith.constant 1.000000e-24 : f32
      %max3A_1628 = vector.broadcast %max3A_1627 : f32 to vector<16xf32>
      %max3A_1629 = arith.maximumf %add3A_1564, %max3A_1628 : vector<16xf32>
      %bitcast_convert_type3A_1630 = tpu.bitcast %max3A_1629 : vector<16xf32> -> vector<16xi32>
      %shift_right_arithmetic3A_1631 = arith.constant 1 : i32
      %shift_right_arithmetic3A_1632 = vector.broadcast %shift_right_arithmetic3A_1631 : i32 to vector<16xi32>
      %shift_right_arithmetic3A_1633 = arith.shrsi %bitcast_convert_type3A_1630, %shift_right_arithmetic3A_1632 : vector<16xi32>
      %sub3A_1634 = arith.constant 1597463007 : i32
      %sub3A_1635 = vector.broadcast %sub3A_1634 : i32 to vector<16xi32>
      %sub3A_1636 = arith.subi %sub3A_1635, %shift_right_arithmetic3A_1633 : vector<16xi32>
      %bitcast_convert_type3A_1637 = tpu.bitcast %sub3A_1636 : vector<16xi32> -> vector<16xf32>
      %mul3A_1638 = arith.constant 5.000000e-01 : f32
      %mul3A_1639 = vector.broadcast %mul3A_1638 : f32 to vector<16xf32>
      %mul3A_1640 = arith.mulf %mul3A_1639, %max3A_1629 : vector<16xf32>
      %mul3A_1641 = arith.mulf %mul3A_1640, %bitcast_convert_type3A_1637 : vector<16xf32>
      %mul3A_1642 = arith.mulf %mul3A_1641, %bitcast_convert_type3A_1637 : vector<16xf32>
      %sub3A_1643 = arith.constant 1.500000e+00 : f32
      %sub3A_1644 = vector.broadcast %sub3A_1643 : f32 to vector<16xf32>
      %sub3A_1645 = arith.subf %sub3A_1644, %mul3A_1642 : vector<16xf32>
      %mul3A_1646 = arith.mulf %bitcast_convert_type3A_1637, %sub3A_1645 : vector<16xf32>
      %mul3A_1647 = arith.constant 5.000000e-01 : f32
      %mul3A_1648 = vector.broadcast %mul3A_1647 : f32 to vector<16xf32>
      %mul3A_1649 = arith.mulf %mul3A_1648, %max3A_1629 : vector<16xf32>
      %mul3A_1650 = arith.mulf %mul3A_1649, %mul3A_1646 : vector<16xf32>
      %mul3A_1651 = arith.mulf %mul3A_1650, %mul3A_1646 : vector<16xf32>
      %sub3A_1652 = arith.constant 1.500000e+00 : f32
      %sub3A_1653 = vector.broadcast %sub3A_1652 : f32 to vector<16xf32>
      %sub3A_1654 = arith.subf %sub3A_1653, %mul3A_1651 : vector<16xf32>
      %mul3A_1655 = arith.mulf %mul3A_1646, %sub3A_1654 : vector<16xf32>
      %mul3A_1656 = arith.constant 5.000000e-01 : f32
      %mul3A_1657 = vector.broadcast %mul3A_1656 : f32 to vector<16xf32>
      %mul3A_1658 = arith.mulf %mul3A_1657, %max3A_1629 : vector<16xf32>
      %mul3A_1659 = arith.mulf %mul3A_1658, %mul3A_1655 : vector<16xf32>
      %mul3A_1660 = arith.mulf %mul3A_1659, %mul3A_1655 : vector<16xf32>
      %sub3A_1661 = arith.constant 1.500000e+00 : f32
      %sub3A_1662 = vector.broadcast %sub3A_1661 : f32 to vector<16xf32>
      %sub3A_1663 = arith.subf %sub3A_1662, %mul3A_1660 : vector<16xf32>
      %mul3A_1664 = arith.mulf %mul3A_1655, %sub3A_1663 : vector<16xf32>
      %mul3A_1665 = arith.mulf %add3A_1565, %mul3A_1664 : vector<16xf32>
      %max3A_1666 = arith.constant 1.000000e-24 : f32
      %max3A_1667 = vector.broadcast %max3A_1666 : f32 to vector<16xf32>
      %max3A_1668 = arith.maximumf %add3A_1575, %max3A_1667 : vector<16xf32>
      %bitcast_convert_type3A_1669 = tpu.bitcast %max3A_1668 : vector<16xf32> -> vector<16xi32>
      %shift_right_arithmetic3A_1670 = arith.constant 1 : i32
      %shift_right_arithmetic3A_1671 = vector.broadcast %shift_right_arithmetic3A_1670 : i32 to vector<16xi32>
      %shift_right_arithmetic3A_1672 = arith.shrsi %bitcast_convert_type3A_1669, %shift_right_arithmetic3A_1671 : vector<16xi32>
      %sub3A_1673 = arith.constant 1597463007 : i32
      %sub3A_1674 = vector.broadcast %sub3A_1673 : i32 to vector<16xi32>
      %sub3A_1675 = arith.subi %sub3A_1674, %shift_right_arithmetic3A_1672 : vector<16xi32>
      %bitcast_convert_type3A_1676 = tpu.bitcast %sub3A_1675 : vector<16xi32> -> vector<16xf32>
      %mul3A_1677 = arith.constant 5.000000e-01 : f32
      %mul3A_1678 = vector.broadcast %mul3A_1677 : f32 to vector<16xf32>
      %mul3A_1679 = arith.mulf %mul3A_1678, %max3A_1668 : vector<16xf32>
      %mul3A_1680 = arith.mulf %mul3A_1679, %bitcast_convert_type3A_1676 : vector<16xf32>
      %mul3A_1681 = arith.mulf %mul3A_1680, %bitcast_convert_type3A_1676 : vector<16xf32>
      %sub3A_1682 = arith.constant 1.500000e+00 : f32
      %sub3A_1683 = vector.broadcast %sub3A_1682 : f32 to vector<16xf32>
      %sub3A_1684 = arith.subf %sub3A_1683, %mul3A_1681 : vector<16xf32>
      %mul3A_1685 = arith.mulf %bitcast_convert_type3A_1676, %sub3A_1684 : vector<16xf32>
      %mul3A_1686 = arith.constant 5.000000e-01 : f32
      %mul3A_1687 = vector.broadcast %mul3A_1686 : f32 to vector<16xf32>
      %mul3A_1688 = arith.mulf %mul3A_1687, %max3A_1668 : vector<16xf32>
      %mul3A_1689 = arith.mulf %mul3A_1688, %mul3A_1685 : vector<16xf32>
      %mul3A_1690 = arith.mulf %mul3A_1689, %mul3A_1685 : vector<16xf32>
      %sub3A_1691 = arith.constant 1.500000e+00 : f32
      %sub3A_1692 = vector.broadcast %sub3A_1691 : f32 to vector<16xf32>
      %sub3A_1693 = arith.subf %sub3A_1692, %mul3A_1690 : vector<16xf32>
      %mul3A_1694 = arith.mulf %mul3A_1685, %sub3A_1693 : vector<16xf32>
      %mul3A_1695 = arith.constant 5.000000e-01 : f32
      %mul3A_1696 = vector.broadcast %mul3A_1695 : f32 to vector<16xf32>
      %mul3A_1697 = arith.mulf %mul3A_1696, %max3A_1668 : vector<16xf32>
      %mul3A_1698 = arith.mulf %mul3A_1697, %mul3A_1694 : vector<16xf32>
      %mul3A_1699 = arith.mulf %mul3A_1698, %mul3A_1694 : vector<16xf32>
      %sub3A_1700 = arith.constant 1.500000e+00 : f32
      %sub3A_1701 = vector.broadcast %sub3A_1700 : f32 to vector<16xf32>
      %sub3A_1702 = arith.subf %sub3A_1701, %mul3A_1699 : vector<16xf32>
      %mul3A_1703 = arith.mulf %mul3A_1694, %sub3A_1702 : vector<16xf32>
      %mul3A_1704 = arith.mulf %add3A_1576, %mul3A_1703 : vector<16xf32>
      %max3A_1705 = arith.constant 1.000000e-24 : f32
      %max3A_1706 = vector.broadcast %max3A_1705 : f32 to vector<16xf32>
      %max3A_1707 = arith.maximumf %add3A_1586, %max3A_1706 : vector<16xf32>
      %bitcast_convert_type3A_1708 = tpu.bitcast %max3A_1707 : vector<16xf32> -> vector<16xi32>
      %shift_right_arithmetic3A_1709 = arith.constant 1 : i32
      %shift_right_arithmetic3A_1710 = vector.broadcast %shift_right_arithmetic3A_1709 : i32 to vector<16xi32>
      %shift_right_arithmetic3A_1711 = arith.shrsi %bitcast_convert_type3A_1708, %shift_right_arithmetic3A_1710 : vector<16xi32>
      %sub3A_1712 = arith.constant 1597463007 : i32
      %sub3A_1713 = vector.broadcast %sub3A_1712 : i32 to vector<16xi32>
      %sub3A_1714 = arith.subi %sub3A_1713, %shift_right_arithmetic3A_1711 : vector<16xi32>
      %bitcast_convert_type3A_1715 = tpu.bitcast %sub3A_1714 : vector<16xi32> -> vector<16xf32>
      %mul3A_1716 = arith.constant 5.000000e-01 : f32
      %mul3A_1717 = vector.broadcast %mul3A_1716 : f32 to vector<16xf32>
      %mul3A_1718 = arith.mulf %mul3A_1717, %max3A_1707 : vector<16xf32>
      %mul3A_1719 = arith.mulf %mul3A_1718, %bitcast_convert_type3A_1715 : vector<16xf32>
      %mul3A_1720 = arith.mulf %mul3A_1719, %bitcast_convert_type3A_1715 : vector<16xf32>
      %sub3A_1721 = arith.constant 1.500000e+00 : f32
      %sub3A_1722 = vector.broadcast %sub3A_1721 : f32 to vector<16xf32>
      %sub3A_1723 = arith.subf %sub3A_1722, %mul3A_1720 : vector<16xf32>
      %mul3A_1724 = arith.mulf %bitcast_convert_type3A_1715, %sub3A_1723 : vector<16xf32>
      %mul3A_1725 = arith.constant 5.000000e-01 : f32
      %mul3A_1726 = vector.broadcast %mul3A_1725 : f32 to vector<16xf32>
      %mul3A_1727 = arith.mulf %mul3A_1726, %max3A_1707 : vector<16xf32>
      %mul3A_1728 = arith.mulf %mul3A_1727, %mul3A_1724 : vector<16xf32>
      %mul3A_1729 = arith.mulf %mul3A_1728, %mul3A_1724 : vector<16xf32>
      %sub3A_1730 = arith.constant 1.500000e+00 : f32
      %sub3A_1731 = vector.broadcast %sub3A_1730 : f32 to vector<16xf32>
      %sub3A_1732 = arith.subf %sub3A_1731, %mul3A_1729 : vector<16xf32>
      %mul3A_1733 = arith.mulf %mul3A_1724, %sub3A_1732 : vector<16xf32>
      %mul3A_1734 = arith.constant 5.000000e-01 : f32
      %mul3A_1735 = vector.broadcast %mul3A_1734 : f32 to vector<16xf32>
      %mul3A_1736 = arith.mulf %mul3A_1735, %max3A_1707 : vector<16xf32>
      %mul3A_1737 = arith.mulf %mul3A_1736, %mul3A_1733 : vector<16xf32>
      %mul3A_1738 = arith.mulf %mul3A_1737, %mul3A_1733 : vector<16xf32>
      %sub3A_1739 = arith.constant 1.500000e+00 : f32
      %sub3A_1740 = vector.broadcast %sub3A_1739 : f32 to vector<16xf32>
      %sub3A_1741 = arith.subf %sub3A_1740, %mul3A_1738 : vector<16xf32>
      %mul3A_1742 = arith.mulf %mul3A_1733, %sub3A_1741 : vector<16xf32>
      %mul3A_1743 = arith.mulf %add3A_1587, %mul3A_1742 : vector<16xf32>
      %broadcast_in_dim3A_1744 = arith.constant 2.50521079E-8 : f32
      %broadcast_in_dim3A_1745 = vector.broadcast %broadcast_in_dim3A_1744 : f32 to vector<16xf32>
      %mul3A_1746 = arith.mulf %broadcast_in_dim3A_1745, %mul3A_1626 : vector<16xf32>
      %add3A_1747 = arith.constant 2.755732E-7 : f32
      %add3A_1748 = vector.broadcast %add3A_1747 : f32 to vector<16xf32>
      %add3A_1749 = arith.addf %mul3A_1746, %add3A_1748 : vector<16xf32>
      %mul3A_1750 = arith.mulf %add3A_1749, %mul3A_1626 : vector<16xf32>
      %add3A_1751 = arith.constant 2.75573188E-6 : f32
      %add3A_1752 = vector.broadcast %add3A_1751 : f32 to vector<16xf32>
      %add3A_1753 = arith.addf %mul3A_1750, %add3A_1752 : vector<16xf32>
      %mul3A_1754 = arith.mulf %add3A_1753, %mul3A_1626 : vector<16xf32>
      %add3A_1755 = arith.constant 2.48015876E-5 : f32
      %add3A_1756 = vector.broadcast %add3A_1755 : f32 to vector<16xf32>
      %add3A_1757 = arith.addf %mul3A_1754, %add3A_1756 : vector<16xf32>
      %mul3A_1758 = arith.mulf %add3A_1757, %mul3A_1626 : vector<16xf32>
      %add3A_1759 = arith.constant 1.98412701E-4 : f32
      %add3A_1760 = vector.broadcast %add3A_1759 : f32 to vector<16xf32>
      %add3A_1761 = arith.addf %mul3A_1758, %add3A_1760 : vector<16xf32>
      %mul3A_1762 = arith.mulf %add3A_1761, %mul3A_1626 : vector<16xf32>
      %add3A_1763 = arith.constant 0.00138888892 : f32
      %add3A_1764 = vector.broadcast %add3A_1763 : f32 to vector<16xf32>
      %add3A_1765 = arith.addf %mul3A_1762, %add3A_1764 : vector<16xf32>
      %mul3A_1766 = arith.mulf %add3A_1765, %mul3A_1626 : vector<16xf32>
      %add3A_1767 = arith.constant 0.00833333377 : f32
      %add3A_1768 = vector.broadcast %add3A_1767 : f32 to vector<16xf32>
      %add3A_1769 = arith.addf %mul3A_1766, %add3A_1768 : vector<16xf32>
      %mul3A_1770 = arith.mulf %add3A_1769, %mul3A_1626 : vector<16xf32>
      %add3A_1771 = arith.constant 0.0416666679 : f32
      %add3A_1772 = vector.broadcast %add3A_1771 : f32 to vector<16xf32>
      %add3A_1773 = arith.addf %mul3A_1770, %add3A_1772 : vector<16xf32>
      %mul3A_1774 = arith.mulf %add3A_1773, %mul3A_1626 : vector<16xf32>
      %add3A_1775 = arith.constant 0.166666672 : f32
      %add3A_1776 = vector.broadcast %add3A_1775 : f32 to vector<16xf32>
      %add3A_1777 = arith.addf %mul3A_1774, %add3A_1776 : vector<16xf32>
      %mul3A_1778 = arith.mulf %add3A_1777, %mul3A_1626 : vector<16xf32>
      %add3A_1779 = arith.constant 5.000000e-01 : f32
      %add3A_1780 = vector.broadcast %add3A_1779 : f32 to vector<16xf32>
      %add3A_1781 = arith.addf %mul3A_1778, %add3A_1780 : vector<16xf32>
      %mul3A_1782 = arith.mulf %add3A_1781, %mul3A_1626 : vector<16xf32>
      %add3A_1783 = arith.constant 1.000000e+00 : f32
      %add3A_1784 = vector.broadcast %add3A_1783 : f32 to vector<16xf32>
      %add3A_1785 = arith.addf %mul3A_1782, %add3A_1784 : vector<16xf32>
      %mul3A_1786 = arith.mulf %add3A_1785, %mul3A_1626 : vector<16xf32>
      %add3A_1787 = arith.constant 1.000000e+00 : f32
      %add3A_1788 = vector.broadcast %add3A_1787 : f32 to vector<16xf32>
      %add3A_1789 = arith.addf %mul3A_1786, %add3A_1788 : vector<16xf32>
      %broadcast_in_dim3A_1790 = arith.constant 2.50521079E-8 : f32
      %broadcast_in_dim3A_1791 = vector.broadcast %broadcast_in_dim3A_1790 : f32 to vector<16xf32>
      %mul3A_1792 = arith.mulf %broadcast_in_dim3A_1791, %mul3A_1665 : vector<16xf32>
      %add3A_1793 = arith.constant 2.755732E-7 : f32
      %add3A_1794 = vector.broadcast %add3A_1793 : f32 to vector<16xf32>
      %add3A_1795 = arith.addf %mul3A_1792, %add3A_1794 : vector<16xf32>
      %mul3A_1796 = arith.mulf %add3A_1795, %mul3A_1665 : vector<16xf32>
      %add3A_1797 = arith.constant 2.75573188E-6 : f32
      %add3A_1798 = vector.broadcast %add3A_1797 : f32 to vector<16xf32>
      %add3A_1799 = arith.addf %mul3A_1796, %add3A_1798 : vector<16xf32>
      %mul3A_1800 = arith.mulf %add3A_1799, %mul3A_1665 : vector<16xf32>
      %add3A_1801 = arith.constant 2.48015876E-5 : f32
      %add3A_1802 = vector.broadcast %add3A_1801 : f32 to vector<16xf32>
      %add3A_1803 = arith.addf %mul3A_1800, %add3A_1802 : vector<16xf32>
      %mul3A_1804 = arith.mulf %add3A_1803, %mul3A_1665 : vector<16xf32>
      %add3A_1805 = arith.constant 1.98412701E-4 : f32
      %add3A_1806 = vector.broadcast %add3A_1805 : f32 to vector<16xf32>
      %add3A_1807 = arith.addf %mul3A_1804, %add3A_1806 : vector<16xf32>
      %mul3A_1808 = arith.mulf %add3A_1807, %mul3A_1665 : vector<16xf32>
      %add3A_1809 = arith.constant 0.00138888892 : f32
      %add3A_1810 = vector.broadcast %add3A_1809 : f32 to vector<16xf32>
      %add3A_1811 = arith.addf %mul3A_1808, %add3A_1810 : vector<16xf32>
      %mul3A_1812 = arith.mulf %add3A_1811, %mul3A_1665 : vector<16xf32>
      %add3A_1813 = arith.constant 0.00833333377 : f32
      %add3A_1814 = vector.broadcast %add3A_1813 : f32 to vector<16xf32>
      %add3A_1815 = arith.addf %mul3A_1812, %add3A_1814 : vector<16xf32>
      %mul3A_1816 = arith.mulf %add3A_1815, %mul3A_1665 : vector<16xf32>
      %add3A_1817 = arith.constant 0.0416666679 : f32
      %add3A_1818 = vector.broadcast %add3A_1817 : f32 to vector<16xf32>
      %add3A_1819 = arith.addf %mul3A_1816, %add3A_1818 : vector<16xf32>
      %mul3A_1820 = arith.mulf %add3A_1819, %mul3A_1665 : vector<16xf32>
      %add3A_1821 = arith.constant 0.166666672 : f32
      %add3A_1822 = vector.broadcast %add3A_1821 : f32 to vector<16xf32>
      %add3A_1823 = arith.addf %mul3A_1820, %add3A_1822 : vector<16xf32>
      %mul3A_1824 = arith.mulf %add3A_1823, %mul3A_1665 : vector<16xf32>
      %add3A_1825 = arith.constant 5.000000e-01 : f32
      %add3A_1826 = vector.broadcast %add3A_1825 : f32 to vector<16xf32>
      %add3A_1827 = arith.addf %mul3A_1824, %add3A_1826 : vector<16xf32>
      %mul3A_1828 = arith.mulf %add3A_1827, %mul3A_1665 : vector<16xf32>
      %add3A_1829 = arith.constant 1.000000e+00 : f32
      %add3A_1830 = vector.broadcast %add3A_1829 : f32 to vector<16xf32>
      %add3A_1831 = arith.addf %mul3A_1828, %add3A_1830 : vector<16xf32>
      %mul3A_1832 = arith.mulf %add3A_1831, %mul3A_1665 : vector<16xf32>
      %add3A_1833 = arith.constant 1.000000e+00 : f32
      %add3A_1834 = vector.broadcast %add3A_1833 : f32 to vector<16xf32>
      %add3A_1835 = arith.addf %mul3A_1832, %add3A_1834 : vector<16xf32>
      %broadcast_in_dim3A_1836 = arith.constant 2.50521079E-8 : f32
      %broadcast_in_dim3A_1837 = vector.broadcast %broadcast_in_dim3A_1836 : f32 to vector<16xf32>
      %mul3A_1838 = arith.mulf %broadcast_in_dim3A_1837, %mul3A_1704 : vector<16xf32>
      %add3A_1839 = arith.constant 2.755732E-7 : f32
      %add3A_1840 = vector.broadcast %add3A_1839 : f32 to vector<16xf32>
      %add3A_1841 = arith.addf %mul3A_1838, %add3A_1840 : vector<16xf32>
      %mul3A_1842 = arith.mulf %add3A_1841, %mul3A_1704 : vector<16xf32>
      %add3A_1843 = arith.constant 2.75573188E-6 : f32
      %add3A_1844 = vector.broadcast %add3A_1843 : f32 to vector<16xf32>
      %add3A_1845 = arith.addf %mul3A_1842, %add3A_1844 : vector<16xf32>
      %mul3A_1846 = arith.mulf %add3A_1845, %mul3A_1704 : vector<16xf32>
      %add3A_1847 = arith.constant 2.48015876E-5 : f32
      %add3A_1848 = vector.broadcast %add3A_1847 : f32 to vector<16xf32>
      %add3A_1849 = arith.addf %mul3A_1846, %add3A_1848 : vector<16xf32>
      %mul3A_1850 = arith.mulf %add3A_1849, %mul3A_1704 : vector<16xf32>
      %add3A_1851 = arith.constant 1.98412701E-4 : f32
      %add3A_1852 = vector.broadcast %add3A_1851 : f32 to vector<16xf32>
      %add3A_1853 = arith.addf %mul3A_1850, %add3A_1852 : vector<16xf32>
      %mul3A_1854 = arith.mulf %add3A_1853, %mul3A_1704 : vector<16xf32>
      %add3A_1855 = arith.constant 0.00138888892 : f32
      %add3A_1856 = vector.broadcast %add3A_1855 : f32 to vector<16xf32>
      %add3A_1857 = arith.addf %mul3A_1854, %add3A_1856 : vector<16xf32>
      %mul3A_1858 = arith.mulf %add3A_1857, %mul3A_1704 : vector<16xf32>
      %add3A_1859 = arith.constant 0.00833333377 : f32
      %add3A_1860 = vector.broadcast %add3A_1859 : f32 to vector<16xf32>
      %add3A_1861 = arith.addf %mul3A_1858, %add3A_1860 : vector<16xf32>
      %mul3A_1862 = arith.mulf %add3A_1861, %mul3A_1704 : vector<16xf32>
      %add3A_1863 = arith.constant 0.0416666679 : f32
      %add3A_1864 = vector.broadcast %add3A_1863 : f32 to vector<16xf32>
      %add3A_1865 = arith.addf %mul3A_1862, %add3A_1864 : vector<16xf32>
      %mul3A_1866 = arith.mulf %add3A_1865, %mul3A_1704 : vector<16xf32>
      %add3A_1867 = arith.constant 0.166666672 : f32
      %add3A_1868 = vector.broadcast %add3A_1867 : f32 to vector<16xf32>
      %add3A_1869 = arith.addf %mul3A_1866, %add3A_1868 : vector<16xf32>
      %mul3A_1870 = arith.mulf %add3A_1869, %mul3A_1704 : vector<16xf32>
      %add3A_1871 = arith.constant 5.000000e-01 : f32
      %add3A_1872 = vector.broadcast %add3A_1871 : f32 to vector<16xf32>
      %add3A_1873 = arith.addf %mul3A_1870, %add3A_1872 : vector<16xf32>
      %mul3A_1874 = arith.mulf %add3A_1873, %mul3A_1704 : vector<16xf32>
      %add3A_1875 = arith.constant 1.000000e+00 : f32
      %add3A_1876 = vector.broadcast %add3A_1875 : f32 to vector<16xf32>
      %add3A_1877 = arith.addf %mul3A_1874, %add3A_1876 : vector<16xf32>
      %mul3A_1878 = arith.mulf %add3A_1877, %mul3A_1704 : vector<16xf32>
      %add3A_1879 = arith.constant 1.000000e+00 : f32
      %add3A_1880 = vector.broadcast %add3A_1879 : f32 to vector<16xf32>
      %add3A_1881 = arith.addf %mul3A_1878, %add3A_1880 : vector<16xf32>
      %broadcast_in_dim3A_1882 = arith.constant 2.50521079E-8 : f32
      %broadcast_in_dim3A_1883 = vector.broadcast %broadcast_in_dim3A_1882 : f32 to vector<16xf32>
      %mul3A_1884 = arith.mulf %broadcast_in_dim3A_1883, %mul3A_1743 : vector<16xf32>
      %add3A_1885 = arith.constant 2.755732E-7 : f32
      %add3A_1886 = vector.broadcast %add3A_1885 : f32 to vector<16xf32>
      %add3A_1887 = arith.addf %mul3A_1884, %add3A_1886 : vector<16xf32>
      %mul3A_1888 = arith.mulf %add3A_1887, %mul3A_1743 : vector<16xf32>
      %add3A_1889 = arith.constant 2.75573188E-6 : f32
      %add3A_1890 = vector.broadcast %add3A_1889 : f32 to vector<16xf32>
      %add3A_1891 = arith.addf %mul3A_1888, %add3A_1890 : vector<16xf32>
      %mul3A_1892 = arith.mulf %add3A_1891, %mul3A_1743 : vector<16xf32>
      %add3A_1893 = arith.constant 2.48015876E-5 : f32
      %add3A_1894 = vector.broadcast %add3A_1893 : f32 to vector<16xf32>
      %add3A_1895 = arith.addf %mul3A_1892, %add3A_1894 : vector<16xf32>
      %mul3A_1896 = arith.mulf %add3A_1895, %mul3A_1743 : vector<16xf32>
      %add3A_1897 = arith.constant 1.98412701E-4 : f32
      %add3A_1898 = vector.broadcast %add3A_1897 : f32 to vector<16xf32>
      %add3A_1899 = arith.addf %mul3A_1896, %add3A_1898 : vector<16xf32>
      %mul3A_1900 = arith.mulf %add3A_1899, %mul3A_1743 : vector<16xf32>
      %add3A_1901 = arith.constant 0.00138888892 : f32
      %add3A_1902 = vector.broadcast %add3A_1901 : f32 to vector<16xf32>
      %add3A_1903 = arith.addf %mul3A_1900, %add3A_1902 : vector<16xf32>
      %mul3A_1904 = arith.mulf %add3A_1903, %mul3A_1743 : vector<16xf32>
      %add3A_1905 = arith.constant 0.00833333377 : f32
      %add3A_1906 = vector.broadcast %add3A_1905 : f32 to vector<16xf32>
      %add3A_1907 = arith.addf %mul3A_1904, %add3A_1906 : vector<16xf32>
      %mul3A_1908 = arith.mulf %add3A_1907, %mul3A_1743 : vector<16xf32>
      %add3A_1909 = arith.constant 0.0416666679 : f32
      %add3A_1910 = vector.broadcast %add3A_1909 : f32 to vector<16xf32>
      %add3A_1911 = arith.addf %mul3A_1908, %add3A_1910 : vector<16xf32>
      %mul3A_1912 = arith.mulf %add3A_1911, %mul3A_1743 : vector<16xf32>
      %add3A_1913 = arith.constant 0.166666672 : f32
      %add3A_1914 = vector.broadcast %add3A_1913 : f32 to vector<16xf32>
      %add3A_1915 = arith.addf %mul3A_1912, %add3A_1914 : vector<16xf32>
      %mul3A_1916 = arith.mulf %add3A_1915, %mul3A_1743 : vector<16xf32>
      %add3A_1917 = arith.constant 5.000000e-01 : f32
      %add3A_1918 = vector.broadcast %add3A_1917 : f32 to vector<16xf32>
      %add3A_1919 = arith.addf %mul3A_1916, %add3A_1918 : vector<16xf32>
      %mul3A_1920 = arith.mulf %add3A_1919, %mul3A_1743 : vector<16xf32>
      %add3A_1921 = arith.constant 1.000000e+00 : f32
      %add3A_1922 = vector.broadcast %add3A_1921 : f32 to vector<16xf32>
      %add3A_1923 = arith.addf %mul3A_1920, %add3A_1922 : vector<16xf32>
      %mul3A_1924 = arith.mulf %add3A_1923, %mul3A_1743 : vector<16xf32>
      %add3A_1925 = arith.constant 1.000000e+00 : f32
      %add3A_1926 = vector.broadcast %add3A_1925 : f32 to vector<16xf32>
      %add3A_1927 = arith.addf %mul3A_1924, %add3A_1926 : vector<16xf32>
      %add3A_1928 = arith.addf %add3A_1789, %add3A_1835 : vector<16xf32>
      %add3A_1929 = arith.addf %add3A_1928, %add3A_1881 : vector<16xf32>
      %add3A_1930 = arith.addf %add3A_1929, %add3A_1927 : vector<16xf32>
      %xor3A_1931 = arith.constant 8 : i32
      %xor3A_1932 = vector.broadcast %xor3A_1931 : i32 to vector<16xi32>
      %xor3A_1933 = arith.xori %iota3A, %xor3A_1932 : vector<16xi32>
      %broadcast_in_dim3A_1934 = vector.shape_cast %xor3A_1933 : vector<16xi32> to vector<16x1xi32>
      %gather3A_1935 = vector.shape_cast %broadcast_in_dim3A_1934 : vector<16x1xi32> to vector<16xi32>
      %gather3A_1936 = tpu.dynamic_gather %add3A_1930[%gather3A_1935] in [0] : vector<16xf32>, vector<16xi32> -> vector<16xf32>
      %add3A_1937 = arith.addf %add3A_1930, %gather3A_1936 : vector<16xf32>
      %xor3A_1938 = arith.constant 4 : i32
      %xor3A_1939 = vector.broadcast %xor3A_1938 : i32 to vector<16xi32>
      %xor3A_1940 = arith.xori %iota3A, %xor3A_1939 : vector<16xi32>
      %broadcast_in_dim3A_1941 = vector.shape_cast %xor3A_1940 : vector<16xi32> to vector<16x1xi32>
      %gather3A_1942 = vector.shape_cast %broadcast_in_dim3A_1941 : vector<16x1xi32> to vector<16xi32>
      %gather3A_1943 = tpu.dynamic_gather %add3A_1937[%gather3A_1942] in [0] : vector<16xf32>, vector<16xi32> -> vector<16xf32>
      %add3A_1944 = arith.addf %add3A_1937, %gather3A_1943 : vector<16xf32>
      %xor3A_1945 = arith.constant 2 : i32
      %xor3A_1946 = vector.broadcast %xor3A_1945 : i32 to vector<16xi32>
      %xor3A_1947 = arith.xori %iota3A, %xor3A_1946 : vector<16xi32>
      %broadcast_in_dim3A_1948 = vector.shape_cast %xor3A_1947 : vector<16xi32> to vector<16x1xi32>
      %gather3A_1949 = vector.shape_cast %broadcast_in_dim3A_1948 : vector<16x1xi32> to vector<16xi32>
      %gather3A_1950 = tpu.dynamic_gather %add3A_1944[%gather3A_1949] in [0] : vector<16xf32>, vector<16xi32> -> vector<16xf32>
      %add3A_1951 = arith.addf %add3A_1944, %gather3A_1950 : vector<16xf32>
      %xor3A_1952 = arith.constant 1 : i32
      %xor3A_1953 = vector.broadcast %xor3A_1952 : i32 to vector<16xi32>
      %xor3A_1954 = arith.xori %iota3A, %xor3A_1953 : vector<16xi32>
      %broadcast_in_dim3A_1955 = vector.shape_cast %xor3A_1954 : vector<16xi32> to vector<16x1xi32>
      %gather3A_1956 = vector.shape_cast %broadcast_in_dim3A_1955 : vector<16x1xi32> to vector<16xi32>
      %gather3A_1957 = tpu.dynamic_gather %add3A_1951[%gather3A_1956] in [0] : vector<16xf32>, vector<16xi32> -> vector<16xf32>
      %add3A_1958 = arith.addf %add3A_1951, %gather3A_1957 : vector<16xf32>
      %div3A_1959 = arith.divf %add3A_1789, %add3A_1958 : vector<16xf32>
      %div3A_1960 = arith.divf %add3A_1835, %add3A_1958 : vector<16xf32>
      %div3A_1961 = arith.divf %add3A_1881, %add3A_1958 : vector<16xf32>
      %div3A_1962 = arith.divf %add3A_1927, %add3A_1958 : vector<16xf32>
      %bitcast_convert_type3A_1963 = tpu.bitcast %add3A_1958 : vector<16xf32> -> vector<16xi32>
      %shift_right_arithmetic3A_1964 = arith.constant 23 : i32
      %shift_right_arithmetic3A_1965 = vector.broadcast %shift_right_arithmetic3A_1964 : i32 to vector<16xi32>
      %shift_right_arithmetic3A_1966 = arith.shrsi %bitcast_convert_type3A_1963, %shift_right_arithmetic3A_1965 : vector<16xi32>
      %and3A_1967 = arith.constant 255 : i32
      %and3A_1968 = vector.broadcast %and3A_1967 : i32 to vector<16xi32>
      %and3A_1969 = arith.andi %shift_right_arithmetic3A_1966, %and3A_1968 : vector<16xi32>
      %sub3A_1970 = arith.constant 127 : i32
      %sub3A_1971 = vector.broadcast %sub3A_1970 : i32 to vector<16xi32>
      %sub3A_1972 = arith.subi %and3A_1969, %sub3A_1971 : vector<16xi32>
      %and3A_1973 = arith.constant 8388607 : i32
      %and3A_1974 = vector.broadcast %and3A_1973 : i32 to vector<16xi32>
      %and3A_1975 = arith.andi %bitcast_convert_type3A_1963, %and3A_1974 : vector<16xi32>
      %or3A_1976 = arith.constant 1065353216 : i32
      %or3A_1977 = vector.broadcast %or3A_1976 : i32 to vector<16xi32>
      %or3A_1978 = arith.ori %and3A_1975, %or3A_1977 : vector<16xi32>
      %bitcast_convert_type3A_1979 = tpu.bitcast %or3A_1978 : vector<16xi32> -> vector<16xf32>
      %convert_element_type3A_1980 = arith.sitofp %sub3A_1972 : vector<16xi32> to vector<16xf32>
      %mul3A_1981 = arith.constant 0.693147182 : f32
      %mul3A_1982 = vector.broadcast %mul3A_1981 : f32 to vector<16xf32>
      %mul3A_1983 = arith.mulf %convert_element_type3A_1980, %mul3A_1982 : vector<16xf32>
      %sub3A_1984 = arith.constant 1.000000e+00 : f32
      %sub3A_1985 = vector.broadcast %sub3A_1984 : f32 to vector<16xf32>
      %sub3A_1986 = arith.subf %bitcast_convert_type3A_1979, %sub3A_1985 : vector<16xf32>
      %add3A_1987 = arith.addf %mul3A_1983, %sub3A_1986 : vector<16xf32>
      %neg3A_1988 = arith.constant 0.000000e+00 : f32
      %neg3A_1989 = vector.broadcast %neg3A_1988 : f32 to vector<16xf32>
      %neg3A_1990 = arith.subf %neg3A_1989, %add3A_1987 : vector<16xf32>
      %exp3A_1991 = math.exp %neg3A_1990 : vector<16xf32>
      %mul3A_1992 = arith.mulf %add3A_1958, %exp3A_1991 : vector<16xf32>
      %add3A_1993 = arith.addf %add3A_1987, %mul3A_1992 : vector<16xf32>
      %sub3A_1994 = arith.constant 1.000000e+00 : f32
      %sub3A_1995 = vector.broadcast %sub3A_1994 : f32 to vector<16xf32>
      %sub3A_1996 = arith.subf %add3A_1993, %sub3A_1995 : vector<16xf32>
      %neg3A_1997 = arith.constant 0.000000e+00 : f32
      %neg3A_1998 = vector.broadcast %neg3A_1997 : f32 to vector<16xf32>
      %neg3A_1999 = arith.subf %neg3A_1998, %sub3A_1996 : vector<16xf32>
      %exp3A_2000 = math.exp %neg3A_1999 : vector<16xf32>
      %mul3A_2001 = arith.mulf %add3A_1958, %exp3A_2000 : vector<16xf32>
      %add3A_2002 = arith.addf %sub3A_1996, %mul3A_2001 : vector<16xf32>
      %sub3A_2003 = arith.constant 1.000000e+00 : f32
      %sub3A_2004 = vector.broadcast %sub3A_2003 : f32 to vector<16xf32>
      %sub3A_2005 = arith.subf %add3A_2002, %sub3A_2004 : vector<16xf32>
      %neg3A_2006 = arith.constant 0.000000e+00 : f32
      %neg3A_2007 = vector.broadcast %neg3A_2006 : f32 to vector<16xf32>
      %neg3A_2008 = arith.subf %neg3A_2007, %sub3A_2005 : vector<16xf32>
      %exp3A_2009 = math.exp %neg3A_2008 : vector<16xf32>
      %mul3A_2010 = arith.mulf %add3A_1958, %exp3A_2009 : vector<16xf32>
      %add3A_2011 = arith.addf %sub3A_2005, %mul3A_2010 : vector<16xf32>
      %sub3A_2012 = arith.constant 1.000000e+00 : f32
      %sub3A_2013 = vector.broadcast %sub3A_2012 : f32 to vector<16xf32>
      %sub3A_2014 = arith.subf %add3A_2011, %sub3A_2013 : vector<16xf32>
      %mul3A_2015 = arith.constant 1.44269502 : f32
      %mul3A_2016 = vector.broadcast %mul3A_2015 : f32 to vector<16xf32>
      %mul3A_2017 = arith.mulf %sub3A_2014, %mul3A_2016 : vector<16xf32>
      %convert_element_type3A_2018 = arith.fptosi %mul3A_2017 : vector<16xf32> to vector<16xi32>
      %convert_element_type3A_2019 = arith.sitofp %convert_element_type3A_2018 : vector<16xi32> to vector<16xf32>
      %mul3A_2020 = arith.constant 0.693147182 : f32
      %mul3A_2021 = vector.broadcast %mul3A_2020 : f32 to vector<16xf32>
      %mul3A_2022 = arith.mulf %convert_element_type3A_2019, %mul3A_2021 : vector<16xf32>
      %sub3A_2023 = arith.subf %sub3A_2014, %mul3A_2022 : vector<16xf32>
      %sub3A_2024 = arith.constant 127 : i32
      %sub3A_2025 = vector.broadcast %sub3A_2024 : i32 to vector<16xi32>
      %sub3A_2026 = arith.subi %sub3A_2025, %convert_element_type3A_2018 : vector<16xi32>
      %shift_left3A_2027 = arith.constant 23 : i32
      %shift_left3A_2028 = vector.broadcast %shift_left3A_2027 : i32 to vector<16xi32>
      %shift_left3A_2029 = arith.shli %sub3A_2026, %shift_left3A_2028 : vector<16xi32>
      %bitcast_convert_type3A_2030 = tpu.bitcast %shift_left3A_2029 : vector<16xi32> -> vector<16xf32>
      %neg3A_2031 = arith.constant 0.000000e+00 : f32
      %neg3A_2032 = vector.broadcast %neg3A_2031 : f32 to vector<16xf32>
      %neg3A_2033 = arith.subf %neg3A_2032, %sub3A_2023 : vector<16xf32>
      %broadcast_in_dim3A_2034 = arith.constant 2.50521079E-8 : f32
      %broadcast_in_dim3A_2035 = vector.broadcast %broadcast_in_dim3A_2034 : f32 to vector<16xf32>
      %mul3A_2036 = arith.mulf %broadcast_in_dim3A_2035, %neg3A_2033 : vector<16xf32>
      %add3A_2037 = arith.constant 2.755732E-7 : f32
      %add3A_2038 = vector.broadcast %add3A_2037 : f32 to vector<16xf32>
      %add3A_2039 = arith.addf %mul3A_2036, %add3A_2038 : vector<16xf32>
      %mul3A_2040 = arith.mulf %add3A_2039, %neg3A_2033 : vector<16xf32>
      %add3A_2041 = arith.constant 2.75573188E-6 : f32
      %add3A_2042 = vector.broadcast %add3A_2041 : f32 to vector<16xf32>
      %add3A_2043 = arith.addf %mul3A_2040, %add3A_2042 : vector<16xf32>
      %mul3A_2044 = arith.mulf %add3A_2043, %neg3A_2033 : vector<16xf32>
      %add3A_2045 = arith.constant 2.48015876E-5 : f32
      %add3A_2046 = vector.broadcast %add3A_2045 : f32 to vector<16xf32>
      %add3A_2047 = arith.addf %mul3A_2044, %add3A_2046 : vector<16xf32>
      %mul3A_2048 = arith.mulf %add3A_2047, %neg3A_2033 : vector<16xf32>
      %add3A_2049 = arith.constant 1.98412701E-4 : f32
      %add3A_2050 = vector.broadcast %add3A_2049 : f32 to vector<16xf32>
      %add3A_2051 = arith.addf %mul3A_2048, %add3A_2050 : vector<16xf32>
      %mul3A_2052 = arith.mulf %add3A_2051, %neg3A_2033 : vector<16xf32>
      %add3A_2053 = arith.constant 0.00138888892 : f32
      %add3A_2054 = vector.broadcast %add3A_2053 : f32 to vector<16xf32>
      %add3A_2055 = arith.addf %mul3A_2052, %add3A_2054 : vector<16xf32>
      %mul3A_2056 = arith.mulf %add3A_2055, %neg3A_2033 : vector<16xf32>
      %add3A_2057 = arith.constant 0.00833333377 : f32
      %add3A_2058 = vector.broadcast %add3A_2057 : f32 to vector<16xf32>
      %add3A_2059 = arith.addf %mul3A_2056, %add3A_2058 : vector<16xf32>
      %mul3A_2060 = arith.mulf %add3A_2059, %neg3A_2033 : vector<16xf32>
      %add3A_2061 = arith.constant 0.0416666679 : f32
      %add3A_2062 = vector.broadcast %add3A_2061 : f32 to vector<16xf32>
      %add3A_2063 = arith.addf %mul3A_2060, %add3A_2062 : vector<16xf32>
      %mul3A_2064 = arith.mulf %add3A_2063, %neg3A_2033 : vector<16xf32>
      %add3A_2065 = arith.constant 0.166666672 : f32
      %add3A_2066 = vector.broadcast %add3A_2065 : f32 to vector<16xf32>
      %add3A_2067 = arith.addf %mul3A_2064, %add3A_2066 : vector<16xf32>
      %mul3A_2068 = arith.mulf %add3A_2067, %neg3A_2033 : vector<16xf32>
      %add3A_2069 = arith.constant 5.000000e-01 : f32
      %add3A_2070 = vector.broadcast %add3A_2069 : f32 to vector<16xf32>
      %add3A_2071 = arith.addf %mul3A_2068, %add3A_2070 : vector<16xf32>
      %mul3A_2072 = arith.mulf %add3A_2071, %neg3A_2033 : vector<16xf32>
      %add3A_2073 = arith.constant 1.000000e+00 : f32
      %add3A_2074 = vector.broadcast %add3A_2073 : f32 to vector<16xf32>
      %add3A_2075 = arith.addf %mul3A_2072, %add3A_2074 : vector<16xf32>
      %mul3A_2076 = arith.mulf %add3A_2075, %neg3A_2033 : vector<16xf32>
      %add3A_2077 = arith.constant 1.000000e+00 : f32
      %add3A_2078 = vector.broadcast %add3A_2077 : f32 to vector<16xf32>
      %add3A_2079 = arith.addf %mul3A_2076, %add3A_2078 : vector<16xf32>
      %mul3A_2080 = arith.mulf %bitcast_convert_type3A_2030, %add3A_2079 : vector<16xf32>
      %mul3A_2081 = arith.mulf %add3A_1958, %mul3A_2080 : vector<16xf32>
      %add3A_2082 = arith.addf %sub3A_2014, %mul3A_2081 : vector<16xf32>
      %sub3A_2083 = arith.constant 1.000000e+00 : f32
      %sub3A_2084 = vector.broadcast %sub3A_2083 : f32 to vector<16xf32>
      %sub3A_2085 = arith.subf %add3A_2082, %sub3A_2084 : vector<16xf32>
      %sub3A_2086 = arith.subf %mul3A_1626, %sub3A_2085 : vector<16xf32>
      %sub3A_2087 = arith.subf %mul3A_1665, %sub3A_2085 : vector<16xf32>
      %sub3A_2088 = arith.subf %mul3A_1704, %sub3A_2085 : vector<16xf32>
      %sub3A_2089 = arith.subf %mul3A_1743, %sub3A_2085 : vector<16xf32>
      %gt3A_2090 = arith.constant 3.000000e-01 : f32
      %gt3A_2091 = vector.broadcast %gt3A_2090 : f32 to vector<16xf32>
      %gt3A_2092 = arith.cmpf ogt, %div3A_1959, %gt3A_2091 : vector<16xf32>
      %gt3A_2093 = arith.constant 3.000000e-01 : f32
      %gt3A_2094 = vector.broadcast %gt3A_2093 : f32 to vector<16xf32>
      %gt3A_2095 = arith.cmpf ogt, %div3A_1960, %gt3A_2094 : vector<16xf32>
      %gt3A_2096 = arith.constant 3.000000e-01 : f32
      %gt3A_2097 = vector.broadcast %gt3A_2096 : f32 to vector<16xf32>
      %gt3A_2098 = arith.cmpf ogt, %div3A_1961, %gt3A_2097 : vector<16xf32>
      %gt3A_2099 = arith.constant 3.000000e-01 : f32
      %gt3A_2100 = vector.broadcast %gt3A_2099 : f32 to vector<16xf32>
      %gt3A_2101 = arith.cmpf ogt, %div3A_1962, %gt3A_2100 : vector<16xf32>
      %select_n3A_2102 = arith.select %gt3A_2092, %broadcast_in_dim3A_4, %broadcast_in_dim3A_6 : vector<16xi1>, vector<16xf32>
      %select_n3A_2103 = arith.select %gt3A_2095, %broadcast_in_dim3A_4, %broadcast_in_dim3A_6 : vector<16xi1>, vector<16xf32>
      %select_n3A_2104 = arith.select %gt3A_2098, %broadcast_in_dim3A_4, %broadcast_in_dim3A_6 : vector<16xi1>, vector<16xf32>
      %select_n3A_2105 = arith.select %gt3A_2101, %broadcast_in_dim3A_4, %broadcast_in_dim3A_6 : vector<16xi1>, vector<16xf32>
      %max3A_2106 = arith.maximumf %div3A_1959, %div3A_1960 : vector<16xf32>
      %max3A_2107 = arith.maximumf %div3A_1961, %div3A_1962 : vector<16xf32>
      %max3A_2108 = arith.maximumf %max3A_2106, %max3A_2107 : vector<16xf32>
      %xor3A_2109 = arith.constant 8 : i32
      %xor3A_2110 = vector.broadcast %xor3A_2109 : i32 to vector<16xi32>
      %xor3A_2111 = arith.xori %iota3A, %xor3A_2110 : vector<16xi32>
      %broadcast_in_dim3A_2112 = vector.shape_cast %xor3A_2111 : vector<16xi32> to vector<16x1xi32>
      %gather3A_2113 = vector.shape_cast %broadcast_in_dim3A_2112 : vector<16x1xi32> to vector<16xi32>
      %gather3A_2114 = tpu.dynamic_gather %max3A_2108[%gather3A_2113] in [0] : vector<16xf32>, vector<16xi32> -> vector<16xf32>
      %max3A_2115 = arith.maximumf %max3A_2108, %gather3A_2114 : vector<16xf32>
      %xor3A_2116 = arith.constant 4 : i32
      %xor3A_2117 = vector.broadcast %xor3A_2116 : i32 to vector<16xi32>
      %xor3A_2118 = arith.xori %iota3A, %xor3A_2117 : vector<16xi32>
      %broadcast_in_dim3A_2119 = vector.shape_cast %xor3A_2118 : vector<16xi32> to vector<16x1xi32>
      %gather3A_2120 = vector.shape_cast %broadcast_in_dim3A_2119 : vector<16x1xi32> to vector<16xi32>
      %gather3A_2121 = tpu.dynamic_gather %max3A_2115[%gather3A_2120] in [0] : vector<16xf32>, vector<16xi32> -> vector<16xf32>
      %max3A_2122 = arith.maximumf %max3A_2115, %gather3A_2121 : vector<16xf32>
      %xor3A_2123 = arith.constant 2 : i32
      %xor3A_2124 = vector.broadcast %xor3A_2123 : i32 to vector<16xi32>
      %xor3A_2125 = arith.xori %iota3A, %xor3A_2124 : vector<16xi32>
      %broadcast_in_dim3A_2126 = vector.shape_cast %xor3A_2125 : vector<16xi32> to vector<16x1xi32>
      %gather3A_2127 = vector.shape_cast %broadcast_in_dim3A_2126 : vector<16x1xi32> to vector<16xi32>
      %gather3A_2128 = tpu.dynamic_gather %max3A_2122[%gather3A_2127] in [0] : vector<16xf32>, vector<16xi32> -> vector<16xf32>
      %max3A_2129 = arith.maximumf %max3A_2122, %gather3A_2128 : vector<16xf32>
      %xor3A_2130 = arith.constant 1 : i32
      %xor3A_2131 = vector.broadcast %xor3A_2130 : i32 to vector<16xi32>
      %xor3A_2132 = arith.xori %iota3A, %xor3A_2131 : vector<16xi32>
      %broadcast_in_dim3A_2133 = vector.shape_cast %xor3A_2132 : vector<16xi32> to vector<16x1xi32>
      %gather3A_2134 = vector.shape_cast %broadcast_in_dim3A_2133 : vector<16x1xi32> to vector<16xi32>
      %gather3A_2135 = tpu.dynamic_gather %max3A_2129[%gather3A_2134] in [0] : vector<16xf32>, vector<16xi32> -> vector<16xf32>
      %max3A_2136 = arith.maximumf %max3A_2129, %gather3A_2135 : vector<16xf32>
      %eq3A_2137 = arith.cmpf oeq, %div3A_1959, %max3A_2136 : vector<16xf32>
      %add3A_2138 = arith.constant 64 : i32
      %add3A_2139 = vector.broadcast %add3A_2138 : i32 to vector<16xi32>
      %add3A_2140 = arith.addi %iota3A, %add3A_2139 : vector<16xi32>
      %select_n3A_2141 = arith.select %eq3A_2137, %add3A_2140, %broadcast_in_dim3A_8 : vector<16xi1>, vector<16xi32>
      %select_n3A_2142 = arith.select %gt3A_2092, %iota3A, %select_n3A_2141 : vector<16xi1>, vector<16xi32>
      %add3A_2143 = arith.constant 16 : i32
      %add3A_2144 = vector.broadcast %add3A_2143 : i32 to vector<16xi32>
      %add3A_2145 = arith.addi %iota3A, %add3A_2144 : vector<16xi32>
      %eq3A_2146 = arith.cmpf oeq, %div3A_1960, %max3A_2136 : vector<16xf32>
      %add3A_2147 = arith.constant 80 : i32
      %add3A_2148 = vector.broadcast %add3A_2147 : i32 to vector<16xi32>
      %add3A_2149 = arith.addi %iota3A, %add3A_2148 : vector<16xi32>
      %select_n3A_2150 = arith.select %eq3A_2146, %add3A_2149, %broadcast_in_dim3A_8 : vector<16xi1>, vector<16xi32>
      %select_n3A_2151 = arith.select %gt3A_2095, %add3A_2145, %select_n3A_2150 : vector<16xi1>, vector<16xi32>
      %min3A_2152 = arith.minsi %select_n3A_2142, %select_n3A_2151 : vector<16xi32>
      %add3A_2153 = arith.constant 32 : i32
      %add3A_2154 = vector.broadcast %add3A_2153 : i32 to vector<16xi32>
      %add3A_2155 = arith.addi %iota3A, %add3A_2154 : vector<16xi32>
      %eq3A_2156 = arith.cmpf oeq, %div3A_1961, %max3A_2136 : vector<16xf32>
      %add3A_2157 = arith.constant 96 : i32
      %add3A_2158 = vector.broadcast %add3A_2157 : i32 to vector<16xi32>
      %add3A_2159 = arith.addi %iota3A, %add3A_2158 : vector<16xi32>
      %select_n3A_2160 = arith.select %eq3A_2156, %add3A_2159, %broadcast_in_dim3A_8 : vector<16xi1>, vector<16xi32>
      %select_n3A_2161 = arith.select %gt3A_2098, %add3A_2155, %select_n3A_2160 : vector<16xi1>, vector<16xi32>
      %add3A_2162 = arith.constant 48 : i32
      %add3A_2163 = vector.broadcast %add3A_2162 : i32 to vector<16xi32>
      %add3A_2164 = arith.addi %iota3A, %add3A_2163 : vector<16xi32>
      %eq3A_2165 = arith.cmpf oeq, %div3A_1962, %max3A_2136 : vector<16xf32>
      %add3A_2166 = arith.constant 112 : i32
      %add3A_2167 = vector.broadcast %add3A_2166 : i32 to vector<16xi32>
      %add3A_2168 = arith.addi %iota3A, %add3A_2167 : vector<16xi32>
      %select_n3A_2169 = arith.select %eq3A_2165, %add3A_2168, %broadcast_in_dim3A_8 : vector<16xi1>, vector<16xi32>
      %select_n3A_2170 = arith.select %gt3A_2101, %add3A_2164, %select_n3A_2169 : vector<16xi1>, vector<16xi32>
      %min3A_2171 = arith.minsi %select_n3A_2161, %select_n3A_2170 : vector<16xi32>
      %min3A_2172 = arith.minsi %min3A_2152, %min3A_2171 : vector<16xi32>
      %xor3A_2173 = arith.constant 8 : i32
      %xor3A_2174 = vector.broadcast %xor3A_2173 : i32 to vector<16xi32>
      %xor3A_2175 = arith.xori %iota3A, %xor3A_2174 : vector<16xi32>
      %broadcast_in_dim3A_2176 = vector.shape_cast %xor3A_2175 : vector<16xi32> to vector<16x1xi32>
      %gather3A_2177 = vector.shape_cast %broadcast_in_dim3A_2176 : vector<16x1xi32> to vector<16xi32>
      %gather3A_2178 = tpu.dynamic_gather %min3A_2172[%gather3A_2177] in [0] : vector<16xi32>, vector<16xi32> -> vector<16xi32>
      %min3A_2179 = arith.minsi %min3A_2172, %gather3A_2178 : vector<16xi32>
      %xor3A_2180 = arith.constant 4 : i32
      %xor3A_2181 = vector.broadcast %xor3A_2180 : i32 to vector<16xi32>
      %xor3A_2182 = arith.xori %iota3A, %xor3A_2181 : vector<16xi32>
      %broadcast_in_dim3A_2183 = vector.shape_cast %xor3A_2182 : vector<16xi32> to vector<16x1xi32>
      %gather3A_2184 = vector.shape_cast %broadcast_in_dim3A_2183 : vector<16x1xi32> to vector<16xi32>
      %gather3A_2185 = tpu.dynamic_gather %min3A_2179[%gather3A_2184] in [0] : vector<16xi32>, vector<16xi32> -> vector<16xi32>
      %min3A_2186 = arith.minsi %min3A_2179, %gather3A_2185 : vector<16xi32>
      %xor3A_2187 = arith.constant 2 : i32
      %xor3A_2188 = vector.broadcast %xor3A_2187 : i32 to vector<16xi32>
      %xor3A_2189 = arith.xori %iota3A, %xor3A_2188 : vector<16xi32>
      %broadcast_in_dim3A_2190 = vector.shape_cast %xor3A_2189 : vector<16xi32> to vector<16x1xi32>
      %gather3A_2191 = vector.shape_cast %broadcast_in_dim3A_2190 : vector<16x1xi32> to vector<16xi32>
      %gather3A_2192 = tpu.dynamic_gather %min3A_2186[%gather3A_2191] in [0] : vector<16xi32>, vector<16xi32> -> vector<16xi32>
      %min3A_2193 = arith.minsi %min3A_2186, %gather3A_2192 : vector<16xi32>
      %xor3A_2194 = arith.constant 1 : i32
      %xor3A_2195 = vector.broadcast %xor3A_2194 : i32 to vector<16xi32>
      %xor3A_2196 = arith.xori %iota3A, %xor3A_2195 : vector<16xi32>
      %broadcast_in_dim3A_2197 = vector.shape_cast %xor3A_2196 : vector<16xi32> to vector<16x1xi32>
      %gather3A_2198 = vector.shape_cast %broadcast_in_dim3A_2197 : vector<16x1xi32> to vector<16xi32>
      %gather3A_2199 = tpu.dynamic_gather %min3A_2193[%gather3A_2198] in [0] : vector<16xi32>, vector<16xi32> -> vector<16xi32>
      %min3A_2200 = arith.minsi %min3A_2193, %gather3A_2199 : vector<16xi32>
      %lt3A_2201 = arith.constant 64 : i32
      %lt3A_2202 = vector.broadcast %lt3A_2201 : i32 to vector<16xi32>
      %lt3A_2203 = arith.cmpi slt, %min3A_2200, %lt3A_2202 : vector<16xi32>
      %and3A_2204 = arith.constant 63 : i32
      %and3A_2205 = vector.broadcast %and3A_2204 : i32 to vector<16xi32>
      %and3A_2206 = arith.andi %min3A_2200, %and3A_2205 : vector<16xi32>
      %add3A_2207 = arith.constant 0 : i32
      %add3A_2208 = vector.broadcast %add3A_2207 : i32 to vector<16xi32>
      %add3A_2209 = arith.addi %iota3A, %add3A_2208 : vector<16xi32>
      %eq3A_2210 = arith.cmpi eq, %add3A_2209, %and3A_2206 : vector<16xi32>
      %select_n3A_2211 = arith.select %eq3A_2210, %broadcast_in_dim3A_4, %broadcast_in_dim3A_6 : vector<16xi1>, vector<16xf32>
      %select_n3A_2212 = arith.select %lt3A_2203, %select_n3A_2102, %select_n3A_2211 : vector<16xi1>, vector<16xf32>
      %add3A_2213 = arith.constant 16 : i32
      %add3A_2214 = vector.broadcast %add3A_2213 : i32 to vector<16xi32>
      %add3A_2215 = arith.addi %iota3A, %add3A_2214 : vector<16xi32>
      %eq3A_2216 = arith.cmpi eq, %add3A_2215, %and3A_2206 : vector<16xi32>
      %select_n3A_2217 = arith.select %eq3A_2216, %broadcast_in_dim3A_4, %broadcast_in_dim3A_6 : vector<16xi1>, vector<16xf32>
      %select_n3A_2218 = arith.select %lt3A_2203, %select_n3A_2103, %select_n3A_2217 : vector<16xi1>, vector<16xf32>
      %add3A_2219 = arith.constant 32 : i32
      %add3A_2220 = vector.broadcast %add3A_2219 : i32 to vector<16xi32>
      %add3A_2221 = arith.addi %iota3A, %add3A_2220 : vector<16xi32>
      %eq3A_2222 = arith.cmpi eq, %add3A_2221, %and3A_2206 : vector<16xi32>
      %select_n3A_2223 = arith.select %eq3A_2222, %broadcast_in_dim3A_4, %broadcast_in_dim3A_6 : vector<16xi1>, vector<16xf32>
      %select_n3A_2224 = arith.select %lt3A_2203, %select_n3A_2104, %select_n3A_2223 : vector<16xi1>, vector<16xf32>
      %add3A_2225 = arith.constant 48 : i32
      %add3A_2226 = vector.broadcast %add3A_2225 : i32 to vector<16xi32>
      %add3A_2227 = arith.addi %iota3A, %add3A_2226 : vector<16xi32>
      %eq3A_2228 = arith.cmpi eq, %add3A_2227, %and3A_2206 : vector<16xi32>
      %select_n3A_2229 = arith.select %eq3A_2228, %broadcast_in_dim3A_4, %broadcast_in_dim3A_6 : vector<16xi1>, vector<16xf32>
      %select_n3A_2230 = arith.select %lt3A_2203, %select_n3A_2105, %select_n3A_2229 : vector<16xi1>, vector<16xf32>
      %mul3A_2231 = arith.mulf %select_n3A_2212, %sub3A_2086 : vector<16xf32>
      %mul3A_2232 = arith.mulf %select_n3A_2218, %sub3A_2087 : vector<16xf32>
      %add3A_2233 = arith.addf %mul3A_2231, %mul3A_2232 : vector<16xf32>
      %mul3A_2234 = arith.mulf %select_n3A_2224, %sub3A_2088 : vector<16xf32>
      %add3A_2235 = arith.addf %add3A_2233, %mul3A_2234 : vector<16xf32>
      %mul3A_2236 = arith.mulf %select_n3A_2230, %sub3A_2089 : vector<16xf32>
      %add3A_2237 = arith.addf %add3A_2235, %mul3A_2236 : vector<16xf32>
      %xor3A_2238 = arith.constant 8 : i32
      %xor3A_2239 = vector.broadcast %xor3A_2238 : i32 to vector<16xi32>
      %xor3A_2240 = arith.xori %iota3A, %xor3A_2239 : vector<16xi32>
      %broadcast_in_dim3A_2241 = vector.shape_cast %xor3A_2240 : vector<16xi32> to vector<16x1xi32>
      %gather3A_2242 = vector.shape_cast %broadcast_in_dim3A_2241 : vector<16x1xi32> to vector<16xi32>
      %gather3A_2243 = tpu.dynamic_gather %add3A_2237[%gather3A_2242] in [0] : vector<16xf32>, vector<16xi32> -> vector<16xf32>
      %add3A_2244 = arith.addf %add3A_2237, %gather3A_2243 : vector<16xf32>
      %xor3A_2245 = arith.constant 4 : i32
      %xor3A_2246 = vector.broadcast %xor3A_2245 : i32 to vector<16xi32>
      %xor3A_2247 = arith.xori %iota3A, %xor3A_2246 : vector<16xi32>
      %broadcast_in_dim3A_2248 = vector.shape_cast %xor3A_2247 : vector<16xi32> to vector<16x1xi32>
      %gather3A_2249 = vector.shape_cast %broadcast_in_dim3A_2248 : vector<16x1xi32> to vector<16xi32>
      %gather3A_2250 = tpu.dynamic_gather %add3A_2244[%gather3A_2249] in [0] : vector<16xf32>, vector<16xi32> -> vector<16xf32>
      %add3A_2251 = arith.addf %add3A_2244, %gather3A_2250 : vector<16xf32>
      %xor3A_2252 = arith.constant 2 : i32
      %xor3A_2253 = vector.broadcast %xor3A_2252 : i32 to vector<16xi32>
      %xor3A_2254 = arith.xori %iota3A, %xor3A_2253 : vector<16xi32>
      %broadcast_in_dim3A_2255 = vector.shape_cast %xor3A_2254 : vector<16xi32> to vector<16x1xi32>
      %gather3A_2256 = vector.shape_cast %broadcast_in_dim3A_2255 : vector<16x1xi32> to vector<16xi32>
      %gather3A_2257 = tpu.dynamic_gather %add3A_2251[%gather3A_2256] in [0] : vector<16xf32>, vector<16xi32> -> vector<16xf32>
      %add3A_2258 = arith.addf %add3A_2251, %gather3A_2257 : vector<16xf32>
      %xor3A_2259 = arith.constant 1 : i32
      %xor3A_2260 = vector.broadcast %xor3A_2259 : i32 to vector<16xi32>
      %xor3A_2261 = arith.xori %iota3A, %xor3A_2260 : vector<16xi32>
      %broadcast_in_dim3A_2262 = vector.shape_cast %xor3A_2261 : vector<16xi32> to vector<16x1xi32>
      %gather3A_2263 = vector.shape_cast %broadcast_in_dim3A_2262 : vector<16x1xi32> to vector<16xi32>
      %gather3A_2264 = tpu.dynamic_gather %add3A_2258[%gather3A_2263] in [0] : vector<16xf32>, vector<16xi32> -> vector<16xf32>
      %add3A_2265 = arith.addf %add3A_2258, %gather3A_2264 : vector<16xf32>
      %slice3A_2266 = vector.extract_strided_slice %and3A_2206 {offsets = [0], sizes = [1], strides = [1]} : vector<16xi32> to vector<1xi32>
      %squeeze3A_2267 = vector.extract %slice3A_2266[0] : i32 from vector<1xi32>
      %swap3A_2268 = arith.constant 128 : index
      %swap3A_2269 = tpu.vector_load %arg5[%swap3A_2268] {strides = array<i32>} : memref<320xf32, #tpu.memory_space<vmem>>, vector<16xf32>,
      %swap3A_2270 = vector.shape_cast %swap3A_2269 : vector<16xf32> to vector<16xf32>
      %swap3A_2271 = vector.shape_cast %div3A_1959 : vector<16xf32> to vector<16xf32>
      tpu.vector_store %arg5[%swap3A_2268], %swap3A_2271 {strides = array<i32>} : memref<320xf32, #tpu.memory_space<vmem>>, vector<16xf32>,
      %swap3A_2272 = arith.constant 144 : index
      %swap3A_2273 = tpu.vector_load %arg5[%swap3A_2272] {strides = array<i32>} : memref<320xf32, #tpu.memory_space<vmem>>, vector<16xf32>,
      %swap3A_2274 = vector.shape_cast %swap3A_2273 : vector<16xf32> to vector<16xf32>
      %swap3A_2275 = vector.shape_cast %div3A_1960 : vector<16xf32> to vector<16xf32>
      tpu.vector_store %arg5[%swap3A_2272], %swap3A_2275 {strides = array<i32>} : memref<320xf32, #tpu.memory_space<vmem>>, vector<16xf32>,
      %swap3A_2276 = arith.constant 160 : index
      %swap3A_2277 = tpu.vector_load %arg5[%swap3A_2276] {strides = array<i32>} : memref<320xf32, #tpu.memory_space<vmem>>, vector<16xf32>,
      %swap3A_2278 = vector.shape_cast %swap3A_2277 : vector<16xf32> to vector<16xf32>
      %swap3A_2279 = vector.shape_cast %div3A_1961 : vector<16xf32> to vector<16xf32>
      tpu.vector_store %arg5[%swap3A_2276], %swap3A_2279 {strides = array<i32>} : memref<320xf32, #tpu.memory_space<vmem>>, vector<16xf32>,
      %swap3A_2280 = arith.constant 176 : index
      %swap3A_2281 = tpu.vector_load %arg5[%swap3A_2280] {strides = array<i32>} : memref<320xf32, #tpu.memory_space<vmem>>, vector<16xf32>,
      %swap3A_2282 = vector.shape_cast %swap3A_2281 : vector<16xf32> to vector<16xf32>
      %swap3A_2283 = vector.shape_cast %div3A_1962 : vector<16xf32> to vector<16xf32>
      tpu.vector_store %arg5[%swap3A_2280], %swap3A_2283 {strides = array<i32>} : memref<320xf32, #tpu.memory_space<vmem>>, vector<16xf32>,
      %swap3A_2284 = arith.constant 288 : index
      %swap3A_2285 = tpu.vector_load %arg5[%swap3A_2284] {strides = array<i32>} : memref<320xf32, #tpu.memory_space<vmem>>, vector<16xf32>,
      %swap3A_2286 = vector.shape_cast %swap3A_2285 : vector<16xf32> to vector<16xf32>
      %swap3A_2287 = vector.shape_cast %add3A_2265 : vector<16xf32> to vector<16xf32>
      tpu.vector_store %arg5[%swap3A_2284], %swap3A_2287 {strides = array<i32>} : memref<320xf32, #tpu.memory_space<vmem>>, vector<16xf32>,
      %get3A_2288 = arith.constant 192 : index
      %get3A_2289 = tpu.vector_load %arg4[%get3A_2288] {strides = array<i32>} : memref<13312xf32, #tpu.memory_space<vmem>>, vector<16xf32>,
      %get3A_2290 = vector.shape_cast %get3A_2289 : vector<16xf32> to vector<16xf32>
      %get3A_2291 = arith.constant 208 : index
      %get3A_2292 = tpu.vector_load %arg4[%get3A_2291] {strides = array<i32>} : memref<13312xf32, #tpu.memory_space<vmem>>, vector<16xf32>,
      %get3A_2293 = vector.shape_cast %get3A_2292 : vector<16xf32> to vector<16xf32>
      %get3A_2294 = arith.constant 224 : index
      %get3A_2295 = tpu.vector_load %arg4[%get3A_2294] {strides = array<i32>} : memref<13312xf32, #tpu.memory_space<vmem>>, vector<16xf32>,
      %get3A_2296 = vector.shape_cast %get3A_2295 : vector<16xf32> to vector<16xf32>
      %get3A_2297 = arith.constant 240 : index
      %get3A_2298 = tpu.vector_load %arg4[%get3A_2297] {strides = array<i32>} : memref<13312xf32, #tpu.memory_space<vmem>>, vector<16xf32>,
      %get3A_2299 = vector.shape_cast %get3A_2298 : vector<16xf32> to vector<16xf32>
      %get3A_2300 = arith.constant 704 : index
      %get3A_2301 = tpu.vector_load %arg4[%get3A_2300] {strides = array<i32>} : memref<13312xf32, #tpu.memory_space<vmem>>, vector<16xf32>,
      %get3A_2302 = vector.shape_cast %get3A_2301 : vector<16xf32> to vector<16xf32>
      %get3A_2303 = arith.constant 720 : index
      %get3A_2304 = tpu.vector_load %arg4[%get3A_2303] {strides = array<i32>} : memref<13312xf32, #tpu.memory_space<vmem>>, vector<16xf32>,
      %get3A_2305 = vector.shape_cast %get3A_2304 : vector<16xf32> to vector<16xf32>
      %get3A_2306 = arith.constant 736 : index
      %get3A_2307 = tpu.vector_load %arg4[%get3A_2306] {strides = array<i32>} : memref<13312xf32, #tpu.memory_space<vmem>>, vector<16xf32>,
      %get3A_2308 = vector.shape_cast %get3A_2307 : vector<16xf32> to vector<16xf32>
      %get3A_2309 = arith.constant 752 : index
      %get3A_2310 = tpu.vector_load %arg4[%get3A_2309] {strides = array<i32>} : memref<13312xf32, #tpu.memory_space<vmem>>, vector<16xf32>,
      %get3A_2311 = vector.shape_cast %get3A_2310 : vector<16xf32> to vector<16xf32>
      %add3A_2312 = arith.constant 448 : i32
      %add3A_2313 = arith.addi %add3A_2312, %squeeze3A_2267 : i32
      %get3A_2314 = arith.index_cast %add3A_2313 : i32 to index
      %get3A_2315 = tpu.vector_load %arg4[%get3A_2314] {strides = array<i32>} : memref<13312xf32, #tpu.memory_space<vmem>>, vector<16xf32>,
      %get3A_2316 = vector.shape_cast %get3A_2315 : vector<16xf32> to vector<16xf32>
      %slice3A_2317 = vector.extract_strided_slice %get3A_2316 {offsets = [0], sizes = [1], strides = [1]} : vector<16xf32> to vector<1xf32>
      %squeeze3A_2318 = vector.extract %slice3A_2317[0] : f32 from vector<1xf32>
      %broadcast_in_dim3A_2319 = vector.broadcast %squeeze3A_2318 : f32 to vector<16xf32>
      %add3A_2320 = arith.constant 960 : i32
      %add3A_2321 = arith.addi %add3A_2320, %squeeze3A_2267 : i32
      %get3A_2322 = arith.index_cast %add3A_2321 : i32 to index
      %get3A_2323 = tpu.vector_load %arg4[%get3A_2322] {strides = array<i32>} : memref<13312xf32, #tpu.memory_space<vmem>>, vector<16xf32>,
      %get3A_2324 = vector.shape_cast %get3A_2323 : vector<16xf32> to vector<16xf32>
      %slice3A_2325 = vector.extract_strided_slice %get3A_2324 {offsets = [0], sizes = [1], strides = [1]} : vector<16xf32> to vector<1xf32>
      %squeeze3A_2326 = vector.extract %slice3A_2325[0] : f32 from vector<1xf32>
      %broadcast_in_dim3A_2327 = vector.broadcast %squeeze3A_2326 : f32 to vector<16xf32>
      %mul3A_2328 = arith.constant 64 : i32
      %mul3A_2329 = arith.muli %squeeze3A_2267, %mul3A_2328 : i32
      %add3A_2330 = arith.constant 9216 : i32
      %add3A_2331 = arith.addi %add3A_2330, %mul3A_2329 : i32
      %add3A_2332 = arith.constant 0 : i32
      %add3A_2333 = arith.addi %add3A_2331, %add3A_2332 : i32
      %get3A_2334 = arith.index_cast %add3A_2333 : i32 to index
      %get3A_2335 = tpu.vector_load %arg4[%get3A_2334] {strides = array<i32>} : memref<13312xf32, #tpu.memory_space<vmem>>, vector<16xf32>,
      %get3A_2336 = vector.shape_cast %get3A_2335 : vector<16xf32> to vector<16xf32>
      %mul3A_2337 = arith.constant 2.000000e+00 : f32
      %mul3A_2338 = vector.broadcast %mul3A_2337 : f32 to vector<16xf32>
      %mul3A_2339 = arith.mulf %mul3A_2338, %get3A_2336 : vector<16xf32>
      %add3A_2340 = arith.addf %get3A_2302, %mul3A_2339 : vector<16xf32>
      %add3A_2341 = arith.addf %add3A_2340, %broadcast_in_dim3A_2327 : vector<16xf32>
      %add3A_2342 = arith.addf %get3A_2290, %broadcast_in_dim3A_2319 : vector<16xf32>
      %add3A_2343 = arith.constant 16 : i32
      %add3A_2344 = arith.addi %add3A_2331, %add3A_2343 : i32
      %get3A_2345 = arith.index_cast %add3A_2344 : i32 to index
      %get3A_2346 = tpu.vector_load %arg4[%get3A_2345] {strides = array<i32>} : memref<13312xf32, #tpu.memory_space<vmem>>, vector<16xf32>,
      %get3A_2347 = vector.shape_cast %get3A_2346 : vector<16xf32> to vector<16xf32>
      %mul3A_2348 = arith.constant 2.000000e+00 : f32
      %mul3A_2349 = vector.broadcast %mul3A_2348 : f32 to vector<16xf32>
      %mul3A_2350 = arith.mulf %mul3A_2349, %get3A_2347 : vector<16xf32>
      %add3A_2351 = arith.addf %get3A_2305, %mul3A_2350 : vector<16xf32>
      %add3A_2352 = arith.addf %add3A_2351, %broadcast_in_dim3A_2327 : vector<16xf32>
      %add3A_2353 = arith.addf %get3A_2293, %broadcast_in_dim3A_2319 : vector<16xf32>
      %add3A_2354 = arith.constant 32 : i32
      %add3A_2355 = arith.addi %add3A_2331, %add3A_2354 : i32
      %get3A_2356 = arith.index_cast %add3A_2355 : i32 to index
      %get3A_2357 = tpu.vector_load %arg4[%get3A_2356] {strides = array<i32>} : memref<13312xf32, #tpu.memory_space<vmem>>, vector<16xf32>,
      %get3A_2358 = vector.shape_cast %get3A_2357 : vector<16xf32> to vector<16xf32>
      %mul3A_2359 = arith.constant 2.000000e+00 : f32
      %mul3A_2360 = vector.broadcast %mul3A_2359 : f32 to vector<16xf32>
      %mul3A_2361 = arith.mulf %mul3A_2360, %get3A_2358 : vector<16xf32>
      %add3A_2362 = arith.addf %get3A_2308, %mul3A_2361 : vector<16xf32>
      %add3A_2363 = arith.addf %add3A_2362, %broadcast_in_dim3A_2327 : vector<16xf32>
      %add3A_2364 = arith.addf %get3A_2296, %broadcast_in_dim3A_2319 : vector<16xf32>
      %add3A_2365 = arith.constant 48 : i32
      %add3A_2366 = arith.addi %add3A_2331, %add3A_2365 : i32
      %get3A_2367 = arith.index_cast %add3A_2366 : i32 to index
      %get3A_2368 = tpu.vector_load %arg4[%get3A_2367] {strides = array<i32>} : memref<13312xf32, #tpu.memory_space<vmem>>, vector<16xf32>,
      %get3A_2369 = vector.shape_cast %get3A_2368 : vector<16xf32> to vector<16xf32>
      %mul3A_2370 = arith.constant 2.000000e+00 : f32
      %mul3A_2371 = vector.broadcast %mul3A_2370 : f32 to vector<16xf32>
      %mul3A_2372 = arith.mulf %mul3A_2371, %get3A_2369 : vector<16xf32>
      %add3A_2373 = arith.addf %get3A_2311, %mul3A_2372 : vector<16xf32>
      %add3A_2374 = arith.addf %add3A_2373, %broadcast_in_dim3A_2327 : vector<16xf32>
      %add3A_2375 = arith.addf %get3A_2299, %broadcast_in_dim3A_2319 : vector<16xf32>
      %max3A_2376 = arith.constant 1.000000e-24 : f32
      %max3A_2377 = vector.broadcast %max3A_2376 : f32 to vector<16xf32>
      %max3A_2378 = arith.maximumf %add3A_2341, %max3A_2377 : vector<16xf32>
      %bitcast_convert_type3A_2379 = tpu.bitcast %max3A_2378 : vector<16xf32> -> vector<16xi32>
      %shift_right_arithmetic3A_2380 = arith.constant 1 : i32
      %shift_right_arithmetic3A_2381 = vector.broadcast %shift_right_arithmetic3A_2380 : i32 to vector<16xi32>
      %shift_right_arithmetic3A_2382 = arith.shrsi %bitcast_convert_type3A_2379, %shift_right_arithmetic3A_2381 : vector<16xi32>
      %sub3A_2383 = arith.constant 1597463007 : i32
      %sub3A_2384 = vector.broadcast %sub3A_2383 : i32 to vector<16xi32>
      %sub3A_2385 = arith.subi %sub3A_2384, %shift_right_arithmetic3A_2382 : vector<16xi32>
      %bitcast_convert_type3A_2386 = tpu.bitcast %sub3A_2385 : vector<16xi32> -> vector<16xf32>
      %mul3A_2387 = arith.constant 5.000000e-01 : f32
      %mul3A_2388 = vector.broadcast %mul3A_2387 : f32 to vector<16xf32>
      %mul3A_2389 = arith.mulf %mul3A_2388, %max3A_2378 : vector<16xf32>
      %mul3A_2390 = arith.mulf %mul3A_2389, %bitcast_convert_type3A_2386 : vector<16xf32>
      %mul3A_2391 = arith.mulf %mul3A_2390, %bitcast_convert_type3A_2386 : vector<16xf32>
      %sub3A_2392 = arith.constant 1.500000e+00 : f32
      %sub3A_2393 = vector.broadcast %sub3A_2392 : f32 to vector<16xf32>
      %sub3A_2394 = arith.subf %sub3A_2393, %mul3A_2391 : vector<16xf32>
      %mul3A_2395 = arith.mulf %bitcast_convert_type3A_2386, %sub3A_2394 : vector<16xf32>
      %mul3A_2396 = arith.constant 5.000000e-01 : f32
      %mul3A_2397 = vector.broadcast %mul3A_2396 : f32 to vector<16xf32>
      %mul3A_2398 = arith.mulf %mul3A_2397, %max3A_2378 : vector<16xf32>
      %mul3A_2399 = arith.mulf %mul3A_2398, %mul3A_2395 : vector<16xf32>
      %mul3A_2400 = arith.mulf %mul3A_2399, %mul3A_2395 : vector<16xf32>
      %sub3A_2401 = arith.constant 1.500000e+00 : f32
      %sub3A_2402 = vector.broadcast %sub3A_2401 : f32 to vector<16xf32>
      %sub3A_2403 = arith.subf %sub3A_2402, %mul3A_2400 : vector<16xf32>
      %mul3A_2404 = arith.mulf %mul3A_2395, %sub3A_2403 : vector<16xf32>
      %mul3A_2405 = arith.constant 5.000000e-01 : f32
      %mul3A_2406 = vector.broadcast %mul3A_2405 : f32 to vector<16xf32>
      %mul3A_2407 = arith.mulf %mul3A_2406, %max3A_2378 : vector<16xf32>
      %mul3A_2408 = arith.mulf %mul3A_2407, %mul3A_2404 : vector<16xf32>
      %mul3A_2409 = arith.mulf %mul3A_2408, %mul3A_2404 : vector<16xf32>
      %sub3A_2410 = arith.constant 1.500000e+00 : f32
      %sub3A_2411 = vector.broadcast %sub3A_2410 : f32 to vector<16xf32>
      %sub3A_2412 = arith.subf %sub3A_2411, %mul3A_2409 : vector<16xf32>
      %mul3A_2413 = arith.mulf %mul3A_2404, %sub3A_2412 : vector<16xf32>
      %mul3A_2414 = arith.mulf %add3A_2342, %mul3A_2413 : vector<16xf32>
      %max3A_2415 = arith.constant 1.000000e-24 : f32
      %max3A_2416 = vector.broadcast %max3A_2415 : f32 to vector<16xf32>
      %max3A_2417 = arith.maximumf %add3A_2352, %max3A_2416 : vector<16xf32>
      %bitcast_convert_type3A_2418 = tpu.bitcast %max3A_2417 : vector<16xf32> -> vector<16xi32>
      %shift_right_arithmetic3A_2419 = arith.constant 1 : i32
      %shift_right_arithmetic3A_2420 = vector.broadcast %shift_right_arithmetic3A_2419 : i32 to vector<16xi32>
      %shift_right_arithmetic3A_2421 = arith.shrsi %bitcast_convert_type3A_2418, %shift_right_arithmetic3A_2420 : vector<16xi32>
      %sub3A_2422 = arith.constant 1597463007 : i32
      %sub3A_2423 = vector.broadcast %sub3A_2422 : i32 to vector<16xi32>
      %sub3A_2424 = arith.subi %sub3A_2423, %shift_right_arithmetic3A_2421 : vector<16xi32>
      %bitcast_convert_type3A_2425 = tpu.bitcast %sub3A_2424 : vector<16xi32> -> vector<16xf32>
      %mul3A_2426 = arith.constant 5.000000e-01 : f32
      %mul3A_2427 = vector.broadcast %mul3A_2426 : f32 to vector<16xf32>
      %mul3A_2428 = arith.mulf %mul3A_2427, %max3A_2417 : vector<16xf32>
      %mul3A_2429 = arith.mulf %mul3A_2428, %bitcast_convert_type3A_2425 : vector<16xf32>
      %mul3A_2430 = arith.mulf %mul3A_2429, %bitcast_convert_type3A_2425 : vector<16xf32>
      %sub3A_2431 = arith.constant 1.500000e+00 : f32
      %sub3A_2432 = vector.broadcast %sub3A_2431 : f32 to vector<16xf32>
      %sub3A_2433 = arith.subf %sub3A_2432, %mul3A_2430 : vector<16xf32>
      %mul3A_2434 = arith.mulf %bitcast_convert_type3A_2425, %sub3A_2433 : vector<16xf32>
      %mul3A_2435 = arith.constant 5.000000e-01 : f32
      %mul3A_2436 = vector.broadcast %mul3A_2435 : f32 to vector<16xf32>
      %mul3A_2437 = arith.mulf %mul3A_2436, %max3A_2417 : vector<16xf32>
      %mul3A_2438 = arith.mulf %mul3A_2437, %mul3A_2434 : vector<16xf32>
      %mul3A_2439 = arith.mulf %mul3A_2438, %mul3A_2434 : vector<16xf32>
      %sub3A_2440 = arith.constant 1.500000e+00 : f32
      %sub3A_2441 = vector.broadcast %sub3A_2440 : f32 to vector<16xf32>
      %sub3A_2442 = arith.subf %sub3A_2441, %mul3A_2439 : vector<16xf32>
      %mul3A_2443 = arith.mulf %mul3A_2434, %sub3A_2442 : vector<16xf32>
      %mul3A_2444 = arith.constant 5.000000e-01 : f32
      %mul3A_2445 = vector.broadcast %mul3A_2444 : f32 to vector<16xf32>
      %mul3A_2446 = arith.mulf %mul3A_2445, %max3A_2417 : vector<16xf32>
      %mul3A_2447 = arith.mulf %mul3A_2446, %mul3A_2443 : vector<16xf32>
      %mul3A_2448 = arith.mulf %mul3A_2447, %mul3A_2443 : vector<16xf32>
      %sub3A_2449 = arith.constant 1.500000e+00 : f32
      %sub3A_2450 = vector.broadcast %sub3A_2449 : f32 to vector<16xf32>
      %sub3A_2451 = arith.subf %sub3A_2450, %mul3A_2448 : vector<16xf32>
      %mul3A_2452 = arith.mulf %mul3A_2443, %sub3A_2451 : vector<16xf32>
      %mul3A_2453 = arith.mulf %add3A_2353, %mul3A_2452 : vector<16xf32>
      %max3A_2454 = arith.constant 1.000000e-24 : f32
      %max3A_2455 = vector.broadcast %max3A_2454 : f32 to vector<16xf32>
      %max3A_2456 = arith.maximumf %add3A_2363, %max3A_2455 : vector<16xf32>
      %bitcast_convert_type3A_2457 = tpu.bitcast %max3A_2456 : vector<16xf32> -> vector<16xi32>
      %shift_right_arithmetic3A_2458 = arith.constant 1 : i32
      %shift_right_arithmetic3A_2459 = vector.broadcast %shift_right_arithmetic3A_2458 : i32 to vector<16xi32>
      %shift_right_arithmetic3A_2460 = arith.shrsi %bitcast_convert_type3A_2457, %shift_right_arithmetic3A_2459 : vector<16xi32>
      %sub3A_2461 = arith.constant 1597463007 : i32
      %sub3A_2462 = vector.broadcast %sub3A_2461 : i32 to vector<16xi32>
      %sub3A_2463 = arith.subi %sub3A_2462, %shift_right_arithmetic3A_2460 : vector<16xi32>
      %bitcast_convert_type3A_2464 = tpu.bitcast %sub3A_2463 : vector<16xi32> -> vector<16xf32>
      %mul3A_2465 = arith.constant 5.000000e-01 : f32
      %mul3A_2466 = vector.broadcast %mul3A_2465 : f32 to vector<16xf32>
      %mul3A_2467 = arith.mulf %mul3A_2466, %max3A_2456 : vector<16xf32>
      %mul3A_2468 = arith.mulf %mul3A_2467, %bitcast_convert_type3A_2464 : vector<16xf32>
      %mul3A_2469 = arith.mulf %mul3A_2468, %bitcast_convert_type3A_2464 : vector<16xf32>
      %sub3A_2470 = arith.constant 1.500000e+00 : f32
      %sub3A_2471 = vector.broadcast %sub3A_2470 : f32 to vector<16xf32>
      %sub3A_2472 = arith.subf %sub3A_2471, %mul3A_2469 : vector<16xf32>
      %mul3A_2473 = arith.mulf %bitcast_convert_type3A_2464, %sub3A_2472 : vector<16xf32>
      %mul3A_2474 = arith.constant 5.000000e-01 : f32
      %mul3A_2475 = vector.broadcast %mul3A_2474 : f32 to vector<16xf32>
      %mul3A_2476 = arith.mulf %mul3A_2475, %max3A_2456 : vector<16xf32>
      %mul3A_2477 = arith.mulf %mul3A_2476, %mul3A_2473 : vector<16xf32>
      %mul3A_2478 = arith.mulf %mul3A_2477, %mul3A_2473 : vector<16xf32>
      %sub3A_2479 = arith.constant 1.500000e+00 : f32
      %sub3A_2480 = vector.broadcast %sub3A_2479 : f32 to vector<16xf32>
      %sub3A_2481 = arith.subf %sub3A_2480, %mul3A_2478 : vector<16xf32>
      %mul3A_2482 = arith.mulf %mul3A_2473, %sub3A_2481 : vector<16xf32>
      %mul3A_2483 = arith.constant 5.000000e-01 : f32
      %mul3A_2484 = vector.broadcast %mul3A_2483 : f32 to vector<16xf32>
      %mul3A_2485 = arith.mulf %mul3A_2484, %max3A_2456 : vector<16xf32>
      %mul3A_2486 = arith.mulf %mul3A_2485, %mul3A_2482 : vector<16xf32>
      %mul3A_2487 = arith.mulf %mul3A_2486, %mul3A_2482 : vector<16xf32>
      %sub3A_2488 = arith.constant 1.500000e+00 : f32
      %sub3A_2489 = vector.broadcast %sub3A_2488 : f32 to vector<16xf32>
      %sub3A_2490 = arith.subf %sub3A_2489, %mul3A_2487 : vector<16xf32>
      %mul3A_2491 = arith.mulf %mul3A_2482, %sub3A_2490 : vector<16xf32>
      %mul3A_2492 = arith.mulf %add3A_2364, %mul3A_2491 : vector<16xf32>
      %max3A_2493 = arith.constant 1.000000e-24 : f32
      %max3A_2494 = vector.broadcast %max3A_2493 : f32 to vector<16xf32>
      %max3A_2495 = arith.maximumf %add3A_2374, %max3A_2494 : vector<16xf32>
      %bitcast_convert_type3A_2496 = tpu.bitcast %max3A_2495 : vector<16xf32> -> vector<16xi32>
      %shift_right_arithmetic3A_2497 = arith.constant 1 : i32
      %shift_right_arithmetic3A_2498 = vector.broadcast %shift_right_arithmetic3A_2497 : i32 to vector<16xi32>
      %shift_right_arithmetic3A_2499 = arith.shrsi %bitcast_convert_type3A_2496, %shift_right_arithmetic3A_2498 : vector<16xi32>
      %sub3A_2500 = arith.constant 1597463007 : i32
      %sub3A_2501 = vector.broadcast %sub3A_2500 : i32 to vector<16xi32>
      %sub3A_2502 = arith.subi %sub3A_2501, %shift_right_arithmetic3A_2499 : vector<16xi32>
      %bitcast_convert_type3A_2503 = tpu.bitcast %sub3A_2502 : vector<16xi32> -> vector<16xf32>
      %mul3A_2504 = arith.constant 5.000000e-01 : f32
      %mul3A_2505 = vector.broadcast %mul3A_2504 : f32 to vector<16xf32>
      %mul3A_2506 = arith.mulf %mul3A_2505, %max3A_2495 : vector<16xf32>
      %mul3A_2507 = arith.mulf %mul3A_2506, %bitcast_convert_type3A_2503 : vector<16xf32>
      %mul3A_2508 = arith.mulf %mul3A_2507, %bitcast_convert_type3A_2503 : vector<16xf32>
      %sub3A_2509 = arith.constant 1.500000e+00 : f32
      %sub3A_2510 = vector.broadcast %sub3A_2509 : f32 to vector<16xf32>
      %sub3A_2511 = arith.subf %sub3A_2510, %mul3A_2508 : vector<16xf32>
      %mul3A_2512 = arith.mulf %bitcast_convert_type3A_2503, %sub3A_2511 : vector<16xf32>
      %mul3A_2513 = arith.constant 5.000000e-01 : f32
      %mul3A_2514 = vector.broadcast %mul3A_2513 : f32 to vector<16xf32>
      %mul3A_2515 = arith.mulf %mul3A_2514, %max3A_2495 : vector<16xf32>
      %mul3A_2516 = arith.mulf %mul3A_2515, %mul3A_2512 : vector<16xf32>
      %mul3A_2517 = arith.mulf %mul3A_2516, %mul3A_2512 : vector<16xf32>
      %sub3A_2518 = arith.constant 1.500000e+00 : f32
      %sub3A_2519 = vector.broadcast %sub3A_2518 : f32 to vector<16xf32>
      %sub3A_2520 = arith.subf %sub3A_2519, %mul3A_2517 : vector<16xf32>
      %mul3A_2521 = arith.mulf %mul3A_2512, %sub3A_2520 : vector<16xf32>
      %mul3A_2522 = arith.constant 5.000000e-01 : f32
      %mul3A_2523 = vector.broadcast %mul3A_2522 : f32 to vector<16xf32>
      %mul3A_2524 = arith.mulf %mul3A_2523, %max3A_2495 : vector<16xf32>
      %mul3A_2525 = arith.mulf %mul3A_2524, %mul3A_2521 : vector<16xf32>
      %mul3A_2526 = arith.mulf %mul3A_2525, %mul3A_2521 : vector<16xf32>
      %sub3A_2527 = arith.constant 1.500000e+00 : f32
      %sub3A_2528 = vector.broadcast %sub3A_2527 : f32 to vector<16xf32>
      %sub3A_2529 = arith.subf %sub3A_2528, %mul3A_2526 : vector<16xf32>
      %mul3A_2530 = arith.mulf %mul3A_2521, %sub3A_2529 : vector<16xf32>
      %mul3A_2531 = arith.mulf %add3A_2375, %mul3A_2530 : vector<16xf32>
      %broadcast_in_dim3A_2532 = arith.constant 2.50521079E-8 : f32
      %broadcast_in_dim3A_2533 = vector.broadcast %broadcast_in_dim3A_2532 : f32 to vector<16xf32>
      %mul3A_2534 = arith.mulf %broadcast_in_dim3A_2533, %mul3A_2414 : vector<16xf32>
      %add3A_2535 = arith.constant 2.755732E-7 : f32
      %add3A_2536 = vector.broadcast %add3A_2535 : f32 to vector<16xf32>
      %add3A_2537 = arith.addf %mul3A_2534, %add3A_2536 : vector<16xf32>
      %mul3A_2538 = arith.mulf %add3A_2537, %mul3A_2414 : vector<16xf32>
      %add3A_2539 = arith.constant 2.75573188E-6 : f32
      %add3A_2540 = vector.broadcast %add3A_2539 : f32 to vector<16xf32>
      %add3A_2541 = arith.addf %mul3A_2538, %add3A_2540 : vector<16xf32>
      %mul3A_2542 = arith.mulf %add3A_2541, %mul3A_2414 : vector<16xf32>
      %add3A_2543 = arith.constant 2.48015876E-5 : f32
      %add3A_2544 = vector.broadcast %add3A_2543 : f32 to vector<16xf32>
      %add3A_2545 = arith.addf %mul3A_2542, %add3A_2544 : vector<16xf32>
      %mul3A_2546 = arith.mulf %add3A_2545, %mul3A_2414 : vector<16xf32>
      %add3A_2547 = arith.constant 1.98412701E-4 : f32
      %add3A_2548 = vector.broadcast %add3A_2547 : f32 to vector<16xf32>
      %add3A_2549 = arith.addf %mul3A_2546, %add3A_2548 : vector<16xf32>
      %mul3A_2550 = arith.mulf %add3A_2549, %mul3A_2414 : vector<16xf32>
      %add3A_2551 = arith.constant 0.00138888892 : f32
      %add3A_2552 = vector.broadcast %add3A_2551 : f32 to vector<16xf32>
      %add3A_2553 = arith.addf %mul3A_2550, %add3A_2552 : vector<16xf32>
      %mul3A_2554 = arith.mulf %add3A_2553, %mul3A_2414 : vector<16xf32>
      %add3A_2555 = arith.constant 0.00833333377 : f32
      %add3A_2556 = vector.broadcast %add3A_2555 : f32 to vector<16xf32>
      %add3A_2557 = arith.addf %mul3A_2554, %add3A_2556 : vector<16xf32>
      %mul3A_2558 = arith.mulf %add3A_2557, %mul3A_2414 : vector<16xf32>
      %add3A_2559 = arith.constant 0.0416666679 : f32
      %add3A_2560 = vector.broadcast %add3A_2559 : f32 to vector<16xf32>
      %add3A_2561 = arith.addf %mul3A_2558, %add3A_2560 : vector<16xf32>
      %mul3A_2562 = arith.mulf %add3A_2561, %mul3A_2414 : vector<16xf32>
      %add3A_2563 = arith.constant 0.166666672 : f32
      %add3A_2564 = vector.broadcast %add3A_2563 : f32 to vector<16xf32>
      %add3A_2565 = arith.addf %mul3A_2562, %add3A_2564 : vector<16xf32>
      %mul3A_2566 = arith.mulf %add3A_2565, %mul3A_2414 : vector<16xf32>
      %add3A_2567 = arith.constant 5.000000e-01 : f32
      %add3A_2568 = vector.broadcast %add3A_2567 : f32 to vector<16xf32>
      %add3A_2569 = arith.addf %mul3A_2566, %add3A_2568 : vector<16xf32>
      %mul3A_2570 = arith.mulf %add3A_2569, %mul3A_2414 : vector<16xf32>
      %add3A_2571 = arith.constant 1.000000e+00 : f32
      %add3A_2572 = vector.broadcast %add3A_2571 : f32 to vector<16xf32>
      %add3A_2573 = arith.addf %mul3A_2570, %add3A_2572 : vector<16xf32>
      %mul3A_2574 = arith.mulf %add3A_2573, %mul3A_2414 : vector<16xf32>
      %add3A_2575 = arith.constant 1.000000e+00 : f32
      %add3A_2576 = vector.broadcast %add3A_2575 : f32 to vector<16xf32>
      %add3A_2577 = arith.addf %mul3A_2574, %add3A_2576 : vector<16xf32>
      %broadcast_in_dim3A_2578 = arith.constant 2.50521079E-8 : f32
      %broadcast_in_dim3A_2579 = vector.broadcast %broadcast_in_dim3A_2578 : f32 to vector<16xf32>
      %mul3A_2580 = arith.mulf %broadcast_in_dim3A_2579, %mul3A_2453 : vector<16xf32>
      %add3A_2581 = arith.constant 2.755732E-7 : f32
      %add3A_2582 = vector.broadcast %add3A_2581 : f32 to vector<16xf32>
      %add3A_2583 = arith.addf %mul3A_2580, %add3A_2582 : vector<16xf32>
      %mul3A_2584 = arith.mulf %add3A_2583, %mul3A_2453 : vector<16xf32>
      %add3A_2585 = arith.constant 2.75573188E-6 : f32
      %add3A_2586 = vector.broadcast %add3A_2585 : f32 to vector<16xf32>
      %add3A_2587 = arith.addf %mul3A_2584, %add3A_2586 : vector<16xf32>
      %mul3A_2588 = arith.mulf %add3A_2587, %mul3A_2453 : vector<16xf32>
      %add3A_2589 = arith.constant 2.48015876E-5 : f32
      %add3A_2590 = vector.broadcast %add3A_2589 : f32 to vector<16xf32>
      %add3A_2591 = arith.addf %mul3A_2588, %add3A_2590 : vector<16xf32>
      %mul3A_2592 = arith.mulf %add3A_2591, %mul3A_2453 : vector<16xf32>
      %add3A_2593 = arith.constant 1.98412701E-4 : f32
      %add3A_2594 = vector.broadcast %add3A_2593 : f32 to vector<16xf32>
      %add3A_2595 = arith.addf %mul3A_2592, %add3A_2594 : vector<16xf32>
      %mul3A_2596 = arith.mulf %add3A_2595, %mul3A_2453 : vector<16xf32>
      %add3A_2597 = arith.constant 0.00138888892 : f32
      %add3A_2598 = vector.broadcast %add3A_2597 : f32 to vector<16xf32>
      %add3A_2599 = arith.addf %mul3A_2596, %add3A_2598 : vector<16xf32>
      %mul3A_2600 = arith.mulf %add3A_2599, %mul3A_2453 : vector<16xf32>
      %add3A_2601 = arith.constant 0.00833333377 : f32
      %add3A_2602 = vector.broadcast %add3A_2601 : f32 to vector<16xf32>
      %add3A_2603 = arith.addf %mul3A_2600, %add3A_2602 : vector<16xf32>
      %mul3A_2604 = arith.mulf %add3A_2603, %mul3A_2453 : vector<16xf32>
      %add3A_2605 = arith.constant 0.0416666679 : f32
      %add3A_2606 = vector.broadcast %add3A_2605 : f32 to vector<16xf32>
      %add3A_2607 = arith.addf %mul3A_2604, %add3A_2606 : vector<16xf32>
      %mul3A_2608 = arith.mulf %add3A_2607, %mul3A_2453 : vector<16xf32>
      %add3A_2609 = arith.constant 0.166666672 : f32
      %add3A_2610 = vector.broadcast %add3A_2609 : f32 to vector<16xf32>
      %add3A_2611 = arith.addf %mul3A_2608, %add3A_2610 : vector<16xf32>
      %mul3A_2612 = arith.mulf %add3A_2611, %mul3A_2453 : vector<16xf32>
      %add3A_2613 = arith.constant 5.000000e-01 : f32
      %add3A_2614 = vector.broadcast %add3A_2613 : f32 to vector<16xf32>
      %add3A_2615 = arith.addf %mul3A_2612, %add3A_2614 : vector<16xf32>
      %mul3A_2616 = arith.mulf %add3A_2615, %mul3A_2453 : vector<16xf32>
      %add3A_2617 = arith.constant 1.000000e+00 : f32
      %add3A_2618 = vector.broadcast %add3A_2617 : f32 to vector<16xf32>
      %add3A_2619 = arith.addf %mul3A_2616, %add3A_2618 : vector<16xf32>
      %mul3A_2620 = arith.mulf %add3A_2619, %mul3A_2453 : vector<16xf32>
      %add3A_2621 = arith.constant 1.000000e+00 : f32
      %add3A_2622 = vector.broadcast %add3A_2621 : f32 to vector<16xf32>
      %add3A_2623 = arith.addf %mul3A_2620, %add3A_2622 : vector<16xf32>
      %broadcast_in_dim3A_2624 = arith.constant 2.50521079E-8 : f32
      %broadcast_in_dim3A_2625 = vector.broadcast %broadcast_in_dim3A_2624 : f32 to vector<16xf32>
      %mul3A_2626 = arith.mulf %broadcast_in_dim3A_2625, %mul3A_2492 : vector<16xf32>
      %add3A_2627 = arith.constant 2.755732E-7 : f32
      %add3A_2628 = vector.broadcast %add3A_2627 : f32 to vector<16xf32>
      %add3A_2629 = arith.addf %mul3A_2626, %add3A_2628 : vector<16xf32>
      %mul3A_2630 = arith.mulf %add3A_2629, %mul3A_2492 : vector<16xf32>
      %add3A_2631 = arith.constant 2.75573188E-6 : f32
      %add3A_2632 = vector.broadcast %add3A_2631 : f32 to vector<16xf32>
      %add3A_2633 = arith.addf %mul3A_2630, %add3A_2632 : vector<16xf32>
      %mul3A_2634 = arith.mulf %add3A_2633, %mul3A_2492 : vector<16xf32>
      %add3A_2635 = arith.constant 2.48015876E-5 : f32
      %add3A_2636 = vector.broadcast %add3A_2635 : f32 to vector<16xf32>
      %add3A_2637 = arith.addf %mul3A_2634, %add3A_2636 : vector<16xf32>
      %mul3A_2638 = arith.mulf %add3A_2637, %mul3A_2492 : vector<16xf32>
      %add3A_2639 = arith.constant 1.98412701E-4 : f32
      %add3A_2640 = vector.broadcast %add3A_2639 : f32 to vector<16xf32>
      %add3A_2641 = arith.addf %mul3A_2638, %add3A_2640 : vector<16xf32>
      %mul3A_2642 = arith.mulf %add3A_2641, %mul3A_2492 : vector<16xf32>
      %add3A_2643 = arith.constant 0.00138888892 : f32
      %add3A_2644 = vector.broadcast %add3A_2643 : f32 to vector<16xf32>
      %add3A_2645 = arith.addf %mul3A_2642, %add3A_2644 : vector<16xf32>
      %mul3A_2646 = arith.mulf %add3A_2645, %mul3A_2492 : vector<16xf32>
      %add3A_2647 = arith.constant 0.00833333377 : f32
      %add3A_2648 = vector.broadcast %add3A_2647 : f32 to vector<16xf32>
      %add3A_2649 = arith.addf %mul3A_2646, %add3A_2648 : vector<16xf32>
      %mul3A_2650 = arith.mulf %add3A_2649, %mul3A_2492 : vector<16xf32>
      %add3A_2651 = arith.constant 0.0416666679 : f32
      %add3A_2652 = vector.broadcast %add3A_2651 : f32 to vector<16xf32>
      %add3A_2653 = arith.addf %mul3A_2650, %add3A_2652 : vector<16xf32>
      %mul3A_2654 = arith.mulf %add3A_2653, %mul3A_2492 : vector<16xf32>
      %add3A_2655 = arith.constant 0.166666672 : f32
      %add3A_2656 = vector.broadcast %add3A_2655 : f32 to vector<16xf32>
      %add3A_2657 = arith.addf %mul3A_2654, %add3A_2656 : vector<16xf32>
      %mul3A_2658 = arith.mulf %add3A_2657, %mul3A_2492 : vector<16xf32>
      %add3A_2659 = arith.constant 5.000000e-01 : f32
      %add3A_2660 = vector.broadcast %add3A_2659 : f32 to vector<16xf32>
      %add3A_2661 = arith.addf %mul3A_2658, %add3A_2660 : vector<16xf32>
      %mul3A_2662 = arith.mulf %add3A_2661, %mul3A_2492 : vector<16xf32>
      %add3A_2663 = arith.constant 1.000000e+00 : f32
      %add3A_2664 = vector.broadcast %add3A_2663 : f32 to vector<16xf32>
      %add3A_2665 = arith.addf %mul3A_2662, %add3A_2664 : vector<16xf32>
      %mul3A_2666 = arith.mulf %add3A_2665, %mul3A_2492 : vector<16xf32>
      %add3A_2667 = arith.constant 1.000000e+00 : f32
      %add3A_2668 = vector.broadcast %add3A_2667 : f32 to vector<16xf32>
      %add3A_2669 = arith.addf %mul3A_2666, %add3A_2668 : vector<16xf32>
      %broadcast_in_dim3A_2670 = arith.constant 2.50521079E-8 : f32
      %broadcast_in_dim3A_2671 = vector.broadcast %broadcast_in_dim3A_2670 : f32 to vector<16xf32>
      %mul3A_2672 = arith.mulf %broadcast_in_dim3A_2671, %mul3A_2531 : vector<16xf32>
      %add3A_2673 = arith.constant 2.755732E-7 : f32
      %add3A_2674 = vector.broadcast %add3A_2673 : f32 to vector<16xf32>
      %add3A_2675 = arith.addf %mul3A_2672, %add3A_2674 : vector<16xf32>
      %mul3A_2676 = arith.mulf %add3A_2675, %mul3A_2531 : vector<16xf32>
      %add3A_2677 = arith.constant 2.75573188E-6 : f32
      %add3A_2678 = vector.broadcast %add3A_2677 : f32 to vector<16xf32>
      %add3A_2679 = arith.addf %mul3A_2676, %add3A_2678 : vector<16xf32>
      %mul3A_2680 = arith.mulf %add3A_2679, %mul3A_2531 : vector<16xf32>
      %add3A_2681 = arith.constant 2.48015876E-5 : f32
      %add3A_2682 = vector.broadcast %add3A_2681 : f32 to vector<16xf32>
      %add3A_2683 = arith.addf %mul3A_2680, %add3A_2682 : vector<16xf32>
      %mul3A_2684 = arith.mulf %add3A_2683, %mul3A_2531 : vector<16xf32>
      %add3A_2685 = arith.constant 1.98412701E-4 : f32
      %add3A_2686 = vector.broadcast %add3A_2685 : f32 to vector<16xf32>
      %add3A_2687 = arith.addf %mul3A_2684, %add3A_2686 : vector<16xf32>
      %mul3A_2688 = arith.mulf %add3A_2687, %mul3A_2531 : vector<16xf32>
      %add3A_2689 = arith.constant 0.00138888892 : f32
      %add3A_2690 = vector.broadcast %add3A_2689 : f32 to vector<16xf32>
      %add3A_2691 = arith.addf %mul3A_2688, %add3A_2690 : vector<16xf32>
      %mul3A_2692 = arith.mulf %add3A_2691, %mul3A_2531 : vector<16xf32>
      %add3A_2693 = arith.constant 0.00833333377 : f32
      %add3A_2694 = vector.broadcast %add3A_2693 : f32 to vector<16xf32>
      %add3A_2695 = arith.addf %mul3A_2692, %add3A_2694 : vector<16xf32>
      %mul3A_2696 = arith.mulf %add3A_2695, %mul3A_2531 : vector<16xf32>
      %add3A_2697 = arith.constant 0.0416666679 : f32
      %add3A_2698 = vector.broadcast %add3A_2697 : f32 to vector<16xf32>
      %add3A_2699 = arith.addf %mul3A_2696, %add3A_2698 : vector<16xf32>
      %mul3A_2700 = arith.mulf %add3A_2699, %mul3A_2531 : vector<16xf32>
      %add3A_2701 = arith.constant 0.166666672 : f32
      %add3A_2702 = vector.broadcast %add3A_2701 : f32 to vector<16xf32>
      %add3A_2703 = arith.addf %mul3A_2700, %add3A_2702 : vector<16xf32>
      %mul3A_2704 = arith.mulf %add3A_2703, %mul3A_2531 : vector<16xf32>
      %add3A_2705 = arith.constant 5.000000e-01 : f32
      %add3A_2706 = vector.broadcast %add3A_2705 : f32 to vector<16xf32>
      %add3A_2707 = arith.addf %mul3A_2704, %add3A_2706 : vector<16xf32>
      %mul3A_2708 = arith.mulf %add3A_2707, %mul3A_2531 : vector<16xf32>
      %add3A_2709 = arith.constant 1.000000e+00 : f32
      %add3A_2710 = vector.broadcast %add3A_2709 : f32 to vector<16xf32>
      %add3A_2711 = arith.addf %mul3A_2708, %add3A_2710 : vector<16xf32>
      %mul3A_2712 = arith.mulf %add3A_2711, %mul3A_2531 : vector<16xf32>
      %add3A_2713 = arith.constant 1.000000e+00 : f32
      %add3A_2714 = vector.broadcast %add3A_2713 : f32 to vector<16xf32>
      %add3A_2715 = arith.addf %mul3A_2712, %add3A_2714 : vector<16xf32>
      %add3A_2716 = arith.addf %add3A_2577, %add3A_2623 : vector<16xf32>
      %add3A_2717 = arith.addf %add3A_2716, %add3A_2669 : vector<16xf32>
      %add3A_2718 = arith.addf %add3A_2717, %add3A_2715 : vector<16xf32>
      %xor3A_2719 = arith.constant 8 : i32
      %xor3A_2720 = vector.broadcast %xor3A_2719 : i32 to vector<16xi32>
      %xor3A_2721 = arith.xori %iota3A, %xor3A_2720 : vector<16xi32>
      %broadcast_in_dim3A_2722 = vector.shape_cast %xor3A_2721 : vector<16xi32> to vector<16x1xi32>
      %gather3A_2723 = vector.shape_cast %broadcast_in_dim3A_2722 : vector<16x1xi32> to vector<16xi32>
      %gather3A_2724 = tpu.dynamic_gather %add3A_2718[%gather3A_2723] in [0] : vector<16xf32>, vector<16xi32> -> vector<16xf32>
      %add3A_2725 = arith.addf %add3A_2718, %gather3A_2724 : vector<16xf32>
      %xor3A_2726 = arith.constant 4 : i32
      %xor3A_2727 = vector.broadcast %xor3A_2726 : i32 to vector<16xi32>
      %xor3A_2728 = arith.xori %iota3A, %xor3A_2727 : vector<16xi32>
      %broadcast_in_dim3A_2729 = vector.shape_cast %xor3A_2728 : vector<16xi32> to vector<16x1xi32>
      %gather3A_2730 = vector.shape_cast %broadcast_in_dim3A_2729 : vector<16x1xi32> to vector<16xi32>
      %gather3A_2731 = tpu.dynamic_gather %add3A_2725[%gather3A_2730] in [0] : vector<16xf32>, vector<16xi32> -> vector<16xf32>
      %add3A_2732 = arith.addf %add3A_2725, %gather3A_2731 : vector<16xf32>
      %xor3A_2733 = arith.constant 2 : i32
      %xor3A_2734 = vector.broadcast %xor3A_2733 : i32 to vector<16xi32>
      %xor3A_2735 = arith.xori %iota3A, %xor3A_2734 : vector<16xi32>
      %broadcast_in_dim3A_2736 = vector.shape_cast %xor3A_2735 : vector<16xi32> to vector<16x1xi32>
      %gather3A_2737 = vector.shape_cast %broadcast_in_dim3A_2736 : vector<16x1xi32> to vector<16xi32>
      %gather3A_2738 = tpu.dynamic_gather %add3A_2732[%gather3A_2737] in [0] : vector<16xf32>, vector<16xi32> -> vector<16xf32>
      %add3A_2739 = arith.addf %add3A_2732, %gather3A_2738 : vector<16xf32>
      %xor3A_2740 = arith.constant 1 : i32
      %xor3A_2741 = vector.broadcast %xor3A_2740 : i32 to vector<16xi32>
      %xor3A_2742 = arith.xori %iota3A, %xor3A_2741 : vector<16xi32>
      %broadcast_in_dim3A_2743 = vector.shape_cast %xor3A_2742 : vector<16xi32> to vector<16x1xi32>
      %gather3A_2744 = vector.shape_cast %broadcast_in_dim3A_2743 : vector<16x1xi32> to vector<16xi32>
      %gather3A_2745 = tpu.dynamic_gather %add3A_2739[%gather3A_2744] in [0] : vector<16xf32>, vector<16xi32> -> vector<16xf32>
      %add3A_2746 = arith.addf %add3A_2739, %gather3A_2745 : vector<16xf32>
      %div3A_2747 = arith.divf %add3A_2577, %add3A_2746 : vector<16xf32>
      %div3A_2748 = arith.divf %add3A_2623, %add3A_2746 : vector<16xf32>
      %div3A_2749 = arith.divf %add3A_2669, %add3A_2746 : vector<16xf32>
      %div3A_2750 = arith.divf %add3A_2715, %add3A_2746 : vector<16xf32>
      %bitcast_convert_type3A_2751 = tpu.bitcast %add3A_2746 : vector<16xf32> -> vector<16xi32>
      %shift_right_arithmetic3A_2752 = arith.constant 23 : i32
      %shift_right_arithmetic3A_2753 = vector.broadcast %shift_right_arithmetic3A_2752 : i32 to vector<16xi32>
      %shift_right_arithmetic3A_2754 = arith.shrsi %bitcast_convert_type3A_2751, %shift_right_arithmetic3A_2753 : vector<16xi32>
      %and3A_2755 = arith.constant 255 : i32
      %and3A_2756 = vector.broadcast %and3A_2755 : i32 to vector<16xi32>
      %and3A_2757 = arith.andi %shift_right_arithmetic3A_2754, %and3A_2756 : vector<16xi32>
      %sub3A_2758 = arith.constant 127 : i32
      %sub3A_2759 = vector.broadcast %sub3A_2758 : i32 to vector<16xi32>
      %sub3A_2760 = arith.subi %and3A_2757, %sub3A_2759 : vector<16xi32>
      %and3A_2761 = arith.constant 8388607 : i32
      %and3A_2762 = vector.broadcast %and3A_2761 : i32 to vector<16xi32>
      %and3A_2763 = arith.andi %bitcast_convert_type3A_2751, %and3A_2762 : vector<16xi32>
      %or3A_2764 = arith.constant 1065353216 : i32
      %or3A_2765 = vector.broadcast %or3A_2764 : i32 to vector<16xi32>
      %or3A_2766 = arith.ori %and3A_2763, %or3A_2765 : vector<16xi32>
      %bitcast_convert_type3A_2767 = tpu.bitcast %or3A_2766 : vector<16xi32> -> vector<16xf32>
      %convert_element_type3A_2768 = arith.sitofp %sub3A_2760 : vector<16xi32> to vector<16xf32>
      %mul3A_2769 = arith.constant 0.693147182 : f32
      %mul3A_2770 = vector.broadcast %mul3A_2769 : f32 to vector<16xf32>
      %mul3A_2771 = arith.mulf %convert_element_type3A_2768, %mul3A_2770 : vector<16xf32>
      %sub3A_2772 = arith.constant 1.000000e+00 : f32
      %sub3A_2773 = vector.broadcast %sub3A_2772 : f32 to vector<16xf32>
      %sub3A_2774 = arith.subf %bitcast_convert_type3A_2767, %sub3A_2773 : vector<16xf32>
      %add3A_2775 = arith.addf %mul3A_2771, %sub3A_2774 : vector<16xf32>
      %neg3A_2776 = arith.constant 0.000000e+00 : f32
      %neg3A_2777 = vector.broadcast %neg3A_2776 : f32 to vector<16xf32>
      %neg3A_2778 = arith.subf %neg3A_2777, %add3A_2775 : vector<16xf32>
      %exp3A_2779 = math.exp %neg3A_2778 : vector<16xf32>
      %mul3A_2780 = arith.mulf %add3A_2746, %exp3A_2779 : vector<16xf32>
      %add3A_2781 = arith.addf %add3A_2775, %mul3A_2780 : vector<16xf32>
      %sub3A_2782 = arith.constant 1.000000e+00 : f32
      %sub3A_2783 = vector.broadcast %sub3A_2782 : f32 to vector<16xf32>
      %sub3A_2784 = arith.subf %add3A_2781, %sub3A_2783 : vector<16xf32>
      %neg3A_2785 = arith.constant 0.000000e+00 : f32
      %neg3A_2786 = vector.broadcast %neg3A_2785 : f32 to vector<16xf32>
      %neg3A_2787 = arith.subf %neg3A_2786, %sub3A_2784 : vector<16xf32>
      %exp3A_2788 = math.exp %neg3A_2787 : vector<16xf32>
      %mul3A_2789 = arith.mulf %add3A_2746, %exp3A_2788 : vector<16xf32>
      %add3A_2790 = arith.addf %sub3A_2784, %mul3A_2789 : vector<16xf32>
      %sub3A_2791 = arith.constant 1.000000e+00 : f32
      %sub3A_2792 = vector.broadcast %sub3A_2791 : f32 to vector<16xf32>
      %sub3A_2793 = arith.subf %add3A_2790, %sub3A_2792 : vector<16xf32>
      %neg3A_2794 = arith.constant 0.000000e+00 : f32
      %neg3A_2795 = vector.broadcast %neg3A_2794 : f32 to vector<16xf32>
      %neg3A_2796 = arith.subf %neg3A_2795, %sub3A_2793 : vector<16xf32>
      %exp3A_2797 = math.exp %neg3A_2796 : vector<16xf32>
      %mul3A_2798 = arith.mulf %add3A_2746, %exp3A_2797 : vector<16xf32>
      %add3A_2799 = arith.addf %sub3A_2793, %mul3A_2798 : vector<16xf32>
      %sub3A_2800 = arith.constant 1.000000e+00 : f32
      %sub3A_2801 = vector.broadcast %sub3A_2800 : f32 to vector<16xf32>
      %sub3A_2802 = arith.subf %add3A_2799, %sub3A_2801 : vector<16xf32>
      %mul3A_2803 = arith.constant 1.44269502 : f32
      %mul3A_2804 = vector.broadcast %mul3A_2803 : f32 to vector<16xf32>
      %mul3A_2805 = arith.mulf %sub3A_2802, %mul3A_2804 : vector<16xf32>
      %convert_element_type3A_2806 = arith.fptosi %mul3A_2805 : vector<16xf32> to vector<16xi32>
      %convert_element_type3A_2807 = arith.sitofp %convert_element_type3A_2806 : vector<16xi32> to vector<16xf32>
      %mul3A_2808 = arith.constant 0.693147182 : f32
      %mul3A_2809 = vector.broadcast %mul3A_2808 : f32 to vector<16xf32>
      %mul3A_2810 = arith.mulf %convert_element_type3A_2807, %mul3A_2809 : vector<16xf32>
      %sub3A_2811 = arith.subf %sub3A_2802, %mul3A_2810 : vector<16xf32>
      %sub3A_2812 = arith.constant 127 : i32
      %sub3A_2813 = vector.broadcast %sub3A_2812 : i32 to vector<16xi32>
      %sub3A_2814 = arith.subi %sub3A_2813, %convert_element_type3A_2806 : vector<16xi32>
      %shift_left3A_2815 = arith.constant 23 : i32
      %shift_left3A_2816 = vector.broadcast %shift_left3A_2815 : i32 to vector<16xi32>
      %shift_left3A_2817 = arith.shli %sub3A_2814, %shift_left3A_2816 : vector<16xi32>
      %bitcast_convert_type3A_2818 = tpu.bitcast %shift_left3A_2817 : vector<16xi32> -> vector<16xf32>
      %neg3A_2819 = arith.constant 0.000000e+00 : f32
      %neg3A_2820 = vector.broadcast %neg3A_2819 : f32 to vector<16xf32>
      %neg3A_2821 = arith.subf %neg3A_2820, %sub3A_2811 : vector<16xf32>
      %broadcast_in_dim3A_2822 = arith.constant 2.50521079E-8 : f32
      %broadcast_in_dim3A_2823 = vector.broadcast %broadcast_in_dim3A_2822 : f32 to vector<16xf32>
      %mul3A_2824 = arith.mulf %broadcast_in_dim3A_2823, %neg3A_2821 : vector<16xf32>
      %add3A_2825 = arith.constant 2.755732E-7 : f32
      %add3A_2826 = vector.broadcast %add3A_2825 : f32 to vector<16xf32>
      %add3A_2827 = arith.addf %mul3A_2824, %add3A_2826 : vector<16xf32>
      %mul3A_2828 = arith.mulf %add3A_2827, %neg3A_2821 : vector<16xf32>
      %add3A_2829 = arith.constant 2.75573188E-6 : f32
      %add3A_2830 = vector.broadcast %add3A_2829 : f32 to vector<16xf32>
      %add3A_2831 = arith.addf %mul3A_2828, %add3A_2830 : vector<16xf32>
      %mul3A_2832 = arith.mulf %add3A_2831, %neg3A_2821 : vector<16xf32>
      %add3A_2833 = arith.constant 2.48015876E-5 : f32
      %add3A_2834 = vector.broadcast %add3A_2833 : f32 to vector<16xf32>
      %add3A_2835 = arith.addf %mul3A_2832, %add3A_2834 : vector<16xf32>
      %mul3A_2836 = arith.mulf %add3A_2835, %neg3A_2821 : vector<16xf32>
      %add3A_2837 = arith.constant 1.98412701E-4 : f32
      %add3A_2838 = vector.broadcast %add3A_2837 : f32 to vector<16xf32>
      %add3A_2839 = arith.addf %mul3A_2836, %add3A_2838 : vector<16xf32>
      %mul3A_2840 = arith.mulf %add3A_2839, %neg3A_2821 : vector<16xf32>
      %add3A_2841 = arith.constant 0.00138888892 : f32
      %add3A_2842 = vector.broadcast %add3A_2841 : f32 to vector<16xf32>
      %add3A_2843 = arith.addf %mul3A_2840, %add3A_2842 : vector<16xf32>
      %mul3A_2844 = arith.mulf %add3A_2843, %neg3A_2821 : vector<16xf32>
      %add3A_2845 = arith.constant 0.00833333377 : f32
      %add3A_2846 = vector.broadcast %add3A_2845 : f32 to vector<16xf32>
      %add3A_2847 = arith.addf %mul3A_2844, %add3A_2846 : vector<16xf32>
      %mul3A_2848 = arith.mulf %add3A_2847, %neg3A_2821 : vector<16xf32>
      %add3A_2849 = arith.constant 0.0416666679 : f32
      %add3A_2850 = vector.broadcast %add3A_2849 : f32 to vector<16xf32>
      %add3A_2851 = arith.addf %mul3A_2848, %add3A_2850 : vector<16xf32>
      %mul3A_2852 = arith.mulf %add3A_2851, %neg3A_2821 : vector<16xf32>
      %add3A_2853 = arith.constant 0.166666672 : f32
      %add3A_2854 = vector.broadcast %add3A_2853 : f32 to vector<16xf32>
      %add3A_2855 = arith.addf %mul3A_2852, %add3A_2854 : vector<16xf32>
      %mul3A_2856 = arith.mulf %add3A_2855, %neg3A_2821 : vector<16xf32>
      %add3A_2857 = arith.constant 5.000000e-01 : f32
      %add3A_2858 = vector.broadcast %add3A_2857 : f32 to vector<16xf32>
      %add3A_2859 = arith.addf %mul3A_2856, %add3A_2858 : vector<16xf32>
      %mul3A_2860 = arith.mulf %add3A_2859, %neg3A_2821 : vector<16xf32>
      %add3A_2861 = arith.constant 1.000000e+00 : f32
      %add3A_2862 = vector.broadcast %add3A_2861 : f32 to vector<16xf32>
      %add3A_2863 = arith.addf %mul3A_2860, %add3A_2862 : vector<16xf32>
      %mul3A_2864 = arith.mulf %add3A_2863, %neg3A_2821 : vector<16xf32>
      %add3A_2865 = arith.constant 1.000000e+00 : f32
      %add3A_2866 = vector.broadcast %add3A_2865 : f32 to vector<16xf32>
      %add3A_2867 = arith.addf %mul3A_2864, %add3A_2866 : vector<16xf32>
      %mul3A_2868 = arith.mulf %bitcast_convert_type3A_2818, %add3A_2867 : vector<16xf32>
      %mul3A_2869 = arith.mulf %add3A_2746, %mul3A_2868 : vector<16xf32>
      %add3A_2870 = arith.addf %sub3A_2802, %mul3A_2869 : vector<16xf32>
      %sub3A_2871 = arith.constant 1.000000e+00 : f32
      %sub3A_2872 = vector.broadcast %sub3A_2871 : f32 to vector<16xf32>
      %sub3A_2873 = arith.subf %add3A_2870, %sub3A_2872 : vector<16xf32>
      %sub3A_2874 = arith.subf %mul3A_2414, %sub3A_2873 : vector<16xf32>
      %sub3A_2875 = arith.subf %mul3A_2453, %sub3A_2873 : vector<16xf32>
      %sub3A_2876 = arith.subf %mul3A_2492, %sub3A_2873 : vector<16xf32>
      %sub3A_2877 = arith.subf %mul3A_2531, %sub3A_2873 : vector<16xf32>
      %gt3A_2878 = arith.constant 3.000000e-01 : f32
      %gt3A_2879 = vector.broadcast %gt3A_2878 : f32 to vector<16xf32>
      %gt3A_2880 = arith.cmpf ogt, %div3A_2747, %gt3A_2879 : vector<16xf32>
      %gt3A_2881 = arith.constant 3.000000e-01 : f32
      %gt3A_2882 = vector.broadcast %gt3A_2881 : f32 to vector<16xf32>
      %gt3A_2883 = arith.cmpf ogt, %div3A_2748, %gt3A_2882 : vector<16xf32>
      %gt3A_2884 = arith.constant 3.000000e-01 : f32
      %gt3A_2885 = vector.broadcast %gt3A_2884 : f32 to vector<16xf32>
      %gt3A_2886 = arith.cmpf ogt, %div3A_2749, %gt3A_2885 : vector<16xf32>
      %gt3A_2887 = arith.constant 3.000000e-01 : f32
      %gt3A_2888 = vector.broadcast %gt3A_2887 : f32 to vector<16xf32>
      %gt3A_2889 = arith.cmpf ogt, %div3A_2750, %gt3A_2888 : vector<16xf32>
      %select_n3A_2890 = arith.select %gt3A_2880, %broadcast_in_dim3A_4, %broadcast_in_dim3A_6 : vector<16xi1>, vector<16xf32>
      %select_n3A_2891 = arith.select %gt3A_2883, %broadcast_in_dim3A_4, %broadcast_in_dim3A_6 : vector<16xi1>, vector<16xf32>
      %select_n3A_2892 = arith.select %gt3A_2886, %broadcast_in_dim3A_4, %broadcast_in_dim3A_6 : vector<16xi1>, vector<16xf32>
      %select_n3A_2893 = arith.select %gt3A_2889, %broadcast_in_dim3A_4, %broadcast_in_dim3A_6 : vector<16xi1>, vector<16xf32>
      %max3A_2894 = arith.maximumf %div3A_2747, %div3A_2748 : vector<16xf32>
      %max3A_2895 = arith.maximumf %div3A_2749, %div3A_2750 : vector<16xf32>
      %max3A_2896 = arith.maximumf %max3A_2894, %max3A_2895 : vector<16xf32>
      %xor3A_2897 = arith.constant 8 : i32
      %xor3A_2898 = vector.broadcast %xor3A_2897 : i32 to vector<16xi32>
      %xor3A_2899 = arith.xori %iota3A, %xor3A_2898 : vector<16xi32>
      %broadcast_in_dim3A_2900 = vector.shape_cast %xor3A_2899 : vector<16xi32> to vector<16x1xi32>
      %gather3A_2901 = vector.shape_cast %broadcast_in_dim3A_2900 : vector<16x1xi32> to vector<16xi32>
      %gather3A_2902 = tpu.dynamic_gather %max3A_2896[%gather3A_2901] in [0] : vector<16xf32>, vector<16xi32> -> vector<16xf32>
      %max3A_2903 = arith.maximumf %max3A_2896, %gather3A_2902 : vector<16xf32>
      %xor3A_2904 = arith.constant 4 : i32
      %xor3A_2905 = vector.broadcast %xor3A_2904 : i32 to vector<16xi32>
      %xor3A_2906 = arith.xori %iota3A, %xor3A_2905 : vector<16xi32>
      %broadcast_in_dim3A_2907 = vector.shape_cast %xor3A_2906 : vector<16xi32> to vector<16x1xi32>
      %gather3A_2908 = vector.shape_cast %broadcast_in_dim3A_2907 : vector<16x1xi32> to vector<16xi32>
      %gather3A_2909 = tpu.dynamic_gather %max3A_2903[%gather3A_2908] in [0] : vector<16xf32>, vector<16xi32> -> vector<16xf32>
      %max3A_2910 = arith.maximumf %max3A_2903, %gather3A_2909 : vector<16xf32>
      %xor3A_2911 = arith.constant 2 : i32
      %xor3A_2912 = vector.broadcast %xor3A_2911 : i32 to vector<16xi32>
      %xor3A_2913 = arith.xori %iota3A, %xor3A_2912 : vector<16xi32>
      %broadcast_in_dim3A_2914 = vector.shape_cast %xor3A_2913 : vector<16xi32> to vector<16x1xi32>
      %gather3A_2915 = vector.shape_cast %broadcast_in_dim3A_2914 : vector<16x1xi32> to vector<16xi32>
      %gather3A_2916 = tpu.dynamic_gather %max3A_2910[%gather3A_2915] in [0] : vector<16xf32>, vector<16xi32> -> vector<16xf32>
      %max3A_2917 = arith.maximumf %max3A_2910, %gather3A_2916 : vector<16xf32>
      %xor3A_2918 = arith.constant 1 : i32
      %xor3A_2919 = vector.broadcast %xor3A_2918 : i32 to vector<16xi32>
      %xor3A_2920 = arith.xori %iota3A, %xor3A_2919 : vector<16xi32>
      %broadcast_in_dim3A_2921 = vector.shape_cast %xor3A_2920 : vector<16xi32> to vector<16x1xi32>
      %gather3A_2922 = vector.shape_cast %broadcast_in_dim3A_2921 : vector<16x1xi32> to vector<16xi32>
      %gather3A_2923 = tpu.dynamic_gather %max3A_2917[%gather3A_2922] in [0] : vector<16xf32>, vector<16xi32> -> vector<16xf32>
      %max3A_2924 = arith.maximumf %max3A_2917, %gather3A_2923 : vector<16xf32>
      %eq3A_2925 = arith.cmpf oeq, %div3A_2747, %max3A_2924 : vector<16xf32>
      %add3A_2926 = arith.constant 64 : i32
      %add3A_2927 = vector.broadcast %add3A_2926 : i32 to vector<16xi32>
      %add3A_2928 = arith.addi %iota3A, %add3A_2927 : vector<16xi32>
      %select_n3A_2929 = arith.select %eq3A_2925, %add3A_2928, %broadcast_in_dim3A_8 : vector<16xi1>, vector<16xi32>
      %select_n3A_2930 = arith.select %gt3A_2880, %iota3A, %select_n3A_2929 : vector<16xi1>, vector<16xi32>
      %add3A_2931 = arith.constant 16 : i32
      %add3A_2932 = vector.broadcast %add3A_2931 : i32 to vector<16xi32>
      %add3A_2933 = arith.addi %iota3A, %add3A_2932 : vector<16xi32>
      %eq3A_2934 = arith.cmpf oeq, %div3A_2748, %max3A_2924 : vector<16xf32>
      %add3A_2935 = arith.constant 80 : i32
      %add3A_2936 = vector.broadcast %add3A_2935 : i32 to vector<16xi32>
      %add3A_2937 = arith.addi %iota3A, %add3A_2936 : vector<16xi32>
      %select_n3A_2938 = arith.select %eq3A_2934, %add3A_2937, %broadcast_in_dim3A_8 : vector<16xi1>, vector<16xi32>
      %select_n3A_2939 = arith.select %gt3A_2883, %add3A_2933, %select_n3A_2938 : vector<16xi1>, vector<16xi32>
      %min3A_2940 = arith.minsi %select_n3A_2930, %select_n3A_2939 : vector<16xi32>
      %add3A_2941 = arith.constant 32 : i32
      %add3A_2942 = vector.broadcast %add3A_2941 : i32 to vector<16xi32>
      %add3A_2943 = arith.addi %iota3A, %add3A_2942 : vector<16xi32>
      %eq3A_2944 = arith.cmpf oeq, %div3A_2749, %max3A_2924 : vector<16xf32>
      %add3A_2945 = arith.constant 96 : i32
      %add3A_2946 = vector.broadcast %add3A_2945 : i32 to vector<16xi32>
      %add3A_2947 = arith.addi %iota3A, %add3A_2946 : vector<16xi32>
      %select_n3A_2948 = arith.select %eq3A_2944, %add3A_2947, %broadcast_in_dim3A_8 : vector<16xi1>, vector<16xi32>
      %select_n3A_2949 = arith.select %gt3A_2886, %add3A_2943, %select_n3A_2948 : vector<16xi1>, vector<16xi32>
      %add3A_2950 = arith.constant 48 : i32
      %add3A_2951 = vector.broadcast %add3A_2950 : i32 to vector<16xi32>
      %add3A_2952 = arith.addi %iota3A, %add3A_2951 : vector<16xi32>
      %eq3A_2953 = arith.cmpf oeq, %div3A_2750, %max3A_2924 : vector<16xf32>
      %add3A_2954 = arith.constant 112 : i32
      %add3A_2955 = vector.broadcast %add3A_2954 : i32 to vector<16xi32>
      %add3A_2956 = arith.addi %iota3A, %add3A_2955 : vector<16xi32>
      %select_n3A_2957 = arith.select %eq3A_2953, %add3A_2956, %broadcast_in_dim3A_8 : vector<16xi1>, vector<16xi32>
      %select_n3A_2958 = arith.select %gt3A_2889, %add3A_2952, %select_n3A_2957 : vector<16xi1>, vector<16xi32>
      %min3A_2959 = arith.minsi %select_n3A_2949, %select_n3A_2958 : vector<16xi32>
      %min3A_2960 = arith.minsi %min3A_2940, %min3A_2959 : vector<16xi32>
      %xor3A_2961 = arith.constant 8 : i32
      %xor3A_2962 = vector.broadcast %xor3A_2961 : i32 to vector<16xi32>
      %xor3A_2963 = arith.xori %iota3A, %xor3A_2962 : vector<16xi32>
      %broadcast_in_dim3A_2964 = vector.shape_cast %xor3A_2963 : vector<16xi32> to vector<16x1xi32>
      %gather3A_2965 = vector.shape_cast %broadcast_in_dim3A_2964 : vector<16x1xi32> to vector<16xi32>
      %gather3A_2966 = tpu.dynamic_gather %min3A_2960[%gather3A_2965] in [0] : vector<16xi32>, vector<16xi32> -> vector<16xi32>
      %min3A_2967 = arith.minsi %min3A_2960, %gather3A_2966 : vector<16xi32>
      %xor3A_2968 = arith.constant 4 : i32
      %xor3A_2969 = vector.broadcast %xor3A_2968 : i32 to vector<16xi32>
      %xor3A_2970 = arith.xori %iota3A, %xor3A_2969 : vector<16xi32>
      %broadcast_in_dim3A_2971 = vector.shape_cast %xor3A_2970 : vector<16xi32> to vector<16x1xi32>
      %gather3A_2972 = vector.shape_cast %broadcast_in_dim3A_2971 : vector<16x1xi32> to vector<16xi32>
      %gather3A_2973 = tpu.dynamic_gather %min3A_2967[%gather3A_2972] in [0] : vector<16xi32>, vector<16xi32> -> vector<16xi32>
      %min3A_2974 = arith.minsi %min3A_2967, %gather3A_2973 : vector<16xi32>
      %xor3A_2975 = arith.constant 2 : i32
      %xor3A_2976 = vector.broadcast %xor3A_2975 : i32 to vector<16xi32>
      %xor3A_2977 = arith.xori %iota3A, %xor3A_2976 : vector<16xi32>
      %broadcast_in_dim3A_2978 = vector.shape_cast %xor3A_2977 : vector<16xi32> to vector<16x1xi32>
      %gather3A_2979 = vector.shape_cast %broadcast_in_dim3A_2978 : vector<16x1xi32> to vector<16xi32>
      %gather3A_2980 = tpu.dynamic_gather %min3A_2974[%gather3A_2979] in [0] : vector<16xi32>, vector<16xi32> -> vector<16xi32>
      %min3A_2981 = arith.minsi %min3A_2974, %gather3A_2980 : vector<16xi32>
      %xor3A_2982 = arith.constant 1 : i32
      %xor3A_2983 = vector.broadcast %xor3A_2982 : i32 to vector<16xi32>
      %xor3A_2984 = arith.xori %iota3A, %xor3A_2983 : vector<16xi32>
      %broadcast_in_dim3A_2985 = vector.shape_cast %xor3A_2984 : vector<16xi32> to vector<16x1xi32>
      %gather3A_2986 = vector.shape_cast %broadcast_in_dim3A_2985 : vector<16x1xi32> to vector<16xi32>
      %gather3A_2987 = tpu.dynamic_gather %min3A_2981[%gather3A_2986] in [0] : vector<16xi32>, vector<16xi32> -> vector<16xi32>
      %min3A_2988 = arith.minsi %min3A_2981, %gather3A_2987 : vector<16xi32>
      %lt3A_2989 = arith.constant 64 : i32
      %lt3A_2990 = vector.broadcast %lt3A_2989 : i32 to vector<16xi32>
      %lt3A_2991 = arith.cmpi slt, %min3A_2988, %lt3A_2990 : vector<16xi32>
      %and3A_2992 = arith.constant 63 : i32
      %and3A_2993 = vector.broadcast %and3A_2992 : i32 to vector<16xi32>
      %and3A_2994 = arith.andi %min3A_2988, %and3A_2993 : vector<16xi32>
      %add3A_2995 = arith.constant 0 : i32
      %add3A_2996 = vector.broadcast %add3A_2995 : i32 to vector<16xi32>
      %add3A_2997 = arith.addi %iota3A, %add3A_2996 : vector<16xi32>
      %eq3A_2998 = arith.cmpi eq, %add3A_2997, %and3A_2994 : vector<16xi32>
      %select_n3A_2999 = arith.select %eq3A_2998, %broadcast_in_dim3A_4, %broadcast_in_dim3A_6 : vector<16xi1>, vector<16xf32>
      %select_n3A_3000 = arith.select %lt3A_2991, %select_n3A_2890, %select_n3A_2999 : vector<16xi1>, vector<16xf32>
      %add3A_3001 = arith.constant 16 : i32
      %add3A_3002 = vector.broadcast %add3A_3001 : i32 to vector<16xi32>
      %add3A_3003 = arith.addi %iota3A, %add3A_3002 : vector<16xi32>
      %eq3A_3004 = arith.cmpi eq, %add3A_3003, %and3A_2994 : vector<16xi32>
      %select_n3A_3005 = arith.select %eq3A_3004, %broadcast_in_dim3A_4, %broadcast_in_dim3A_6 : vector<16xi1>, vector<16xf32>
      %select_n3A_3006 = arith.select %lt3A_2991, %select_n3A_2891, %select_n3A_3005 : vector<16xi1>, vector<16xf32>
      %add3A_3007 = arith.constant 32 : i32
      %add3A_3008 = vector.broadcast %add3A_3007 : i32 to vector<16xi32>
      %add3A_3009 = arith.addi %iota3A, %add3A_3008 : vector<16xi32>
      %eq3A_3010 = arith.cmpi eq, %add3A_3009, %and3A_2994 : vector<16xi32>
      %select_n3A_3011 = arith.select %eq3A_3010, %broadcast_in_dim3A_4, %broadcast_in_dim3A_6 : vector<16xi1>, vector<16xf32>
      %select_n3A_3012 = arith.select %lt3A_2991, %select_n3A_2892, %select_n3A_3011 : vector<16xi1>, vector<16xf32>
      %add3A_3013 = arith.constant 48 : i32
      %add3A_3014 = vector.broadcast %add3A_3013 : i32 to vector<16xi32>
      %add3A_3015 = arith.addi %iota3A, %add3A_3014 : vector<16xi32>
      %eq3A_3016 = arith.cmpi eq, %add3A_3015, %and3A_2994 : vector<16xi32>
      %select_n3A_3017 = arith.select %eq3A_3016, %broadcast_in_dim3A_4, %broadcast_in_dim3A_6 : vector<16xi1>, vector<16xf32>
      %select_n3A_3018 = arith.select %lt3A_2991, %select_n3A_2893, %select_n3A_3017 : vector<16xi1>, vector<16xf32>
      %mul3A_3019 = arith.mulf %select_n3A_3000, %sub3A_2874 : vector<16xf32>
      %mul3A_3020 = arith.mulf %select_n3A_3006, %sub3A_2875 : vector<16xf32>
      %add3A_3021 = arith.addf %mul3A_3019, %mul3A_3020 : vector<16xf32>
      %mul3A_3022 = arith.mulf %select_n3A_3012, %sub3A_2876 : vector<16xf32>
      %add3A_3023 = arith.addf %add3A_3021, %mul3A_3022 : vector<16xf32>
      %mul3A_3024 = arith.mulf %select_n3A_3018, %sub3A_2877 : vector<16xf32>
      %add3A_3025 = arith.addf %add3A_3023, %mul3A_3024 : vector<16xf32>
      %xor3A_3026 = arith.constant 8 : i32
      %xor3A_3027 = vector.broadcast %xor3A_3026 : i32 to vector<16xi32>
      %xor3A_3028 = arith.xori %iota3A, %xor3A_3027 : vector<16xi32>
      %broadcast_in_dim3A_3029 = vector.shape_cast %xor3A_3028 : vector<16xi32> to vector<16x1xi32>
      %gather3A_3030 = vector.shape_cast %broadcast_in_dim3A_3029 : vector<16x1xi32> to vector<16xi32>
      %gather3A_3031 = tpu.dynamic_gather %add3A_3025[%gather3A_3030] in [0] : vector<16xf32>, vector<16xi32> -> vector<16xf32>
      %add3A_3032 = arith.addf %add3A_3025, %gather3A_3031 : vector<16xf32>
      %xor3A_3033 = arith.constant 4 : i32
      %xor3A_3034 = vector.broadcast %xor3A_3033 : i32 to vector<16xi32>
      %xor3A_3035 = arith.xori %iota3A, %xor3A_3034 : vector<16xi32>
      %broadcast_in_dim3A_3036 = vector.shape_cast %xor3A_3035 : vector<16xi32> to vector<16x1xi32>
      %gather3A_3037 = vector.shape_cast %broadcast_in_dim3A_3036 : vector<16x1xi32> to vector<16xi32>
      %gather3A_3038 = tpu.dynamic_gather %add3A_3032[%gather3A_3037] in [0] : vector<16xf32>, vector<16xi32> -> vector<16xf32>
      %add3A_3039 = arith.addf %add3A_3032, %gather3A_3038 : vector<16xf32>
      %xor3A_3040 = arith.constant 2 : i32
      %xor3A_3041 = vector.broadcast %xor3A_3040 : i32 to vector<16xi32>
      %xor3A_3042 = arith.xori %iota3A, %xor3A_3041 : vector<16xi32>
      %broadcast_in_dim3A_3043 = vector.shape_cast %xor3A_3042 : vector<16xi32> to vector<16x1xi32>
      %gather3A_3044 = vector.shape_cast %broadcast_in_dim3A_3043 : vector<16x1xi32> to vector<16xi32>
      %gather3A_3045 = tpu.dynamic_gather %add3A_3039[%gather3A_3044] in [0] : vector<16xf32>, vector<16xi32> -> vector<16xf32>
      %add3A_3046 = arith.addf %add3A_3039, %gather3A_3045 : vector<16xf32>
      %xor3A_3047 = arith.constant 1 : i32
      %xor3A_3048 = vector.broadcast %xor3A_3047 : i32 to vector<16xi32>
      %xor3A_3049 = arith.xori %iota3A, %xor3A_3048 : vector<16xi32>
      %broadcast_in_dim3A_3050 = vector.shape_cast %xor3A_3049 : vector<16xi32> to vector<16x1xi32>
      %gather3A_3051 = vector.shape_cast %broadcast_in_dim3A_3050 : vector<16x1xi32> to vector<16xi32>
      %gather3A_3052 = tpu.dynamic_gather %add3A_3046[%gather3A_3051] in [0] : vector<16xf32>, vector<16xi32> -> vector<16xf32>
      %add3A_3053 = arith.addf %add3A_3046, %gather3A_3052 : vector<16xf32>
      %slice3A_3054 = vector.extract_strided_slice %and3A_2994 {offsets = [0], sizes = [1], strides = [1]} : vector<16xi32> to vector<1xi32>
      %squeeze3A_3055 = vector.extract %slice3A_3054[0] : i32 from vector<1xi32>
      %swap3A_3056 = arith.constant 192 : index
      %swap3A_3057 = tpu.vector_load %arg5[%swap3A_3056] {strides = array<i32>} : memref<320xf32, #tpu.memory_space<vmem>>, vector<16xf32>,
      %swap3A_3058 = vector.shape_cast %swap3A_3057 : vector<16xf32> to vector<16xf32>
      %swap3A_3059 = vector.shape_cast %div3A_2747 : vector<16xf32> to vector<16xf32>
      tpu.vector_store %arg5[%swap3A_3056], %swap3A_3059 {strides = array<i32>} : memref<320xf32, #tpu.memory_space<vmem>>, vector<16xf32>,
      %swap3A_3060 = arith.constant 208 : index
      %swap3A_3061 = tpu.vector_load %arg5[%swap3A_3060] {strides = array<i32>} : memref<320xf32, #tpu.memory_space<vmem>>, vector<16xf32>,
      %swap3A_3062 = vector.shape_cast %swap3A_3061 : vector<16xf32> to vector<16xf32>
      %swap3A_3063 = vector.shape_cast %div3A_2748 : vector<16xf32> to vector<16xf32>
      tpu.vector_store %arg5[%swap3A_3060], %swap3A_3063 {strides = array<i32>} : memref<320xf32, #tpu.memory_space<vmem>>, vector<16xf32>,
      %swap3A_3064 = arith.constant 224 : index
      %swap3A_3065 = tpu.vector_load %arg5[%swap3A_3064] {strides = array<i32>} : memref<320xf32, #tpu.memory_space<vmem>>, vector<16xf32>,
      %swap3A_3066 = vector.shape_cast %swap3A_3065 : vector<16xf32> to vector<16xf32>
      %swap3A_3067 = vector.shape_cast %div3A_2749 : vector<16xf32> to vector<16xf32>
      tpu.vector_store %arg5[%swap3A_3064], %swap3A_3067 {strides = array<i32>} : memref<320xf32, #tpu.memory_space<vmem>>, vector<16xf32>,
      %swap3A_3068 = arith.constant 240 : index
      %swap3A_3069 = tpu.vector_load %arg5[%swap3A_3068] {strides = array<i32>} : memref<320xf32, #tpu.memory_space<vmem>>, vector<16xf32>,
      %swap3A_3070 = vector.shape_cast %swap3A_3069 : vector<16xf32> to vector<16xf32>
      %swap3A_3071 = vector.shape_cast %div3A_2750 : vector<16xf32> to vector<16xf32>
      tpu.vector_store %arg5[%swap3A_3068], %swap3A_3071 {strides = array<i32>} : memref<320xf32, #tpu.memory_space<vmem>>, vector<16xf32>,
      %swap3A_3072 = arith.constant 304 : index
      %swap3A_3073 = tpu.vector_load %arg5[%swap3A_3072] {strides = array<i32>} : memref<320xf32, #tpu.memory_space<vmem>>, vector<16xf32>,
      %swap3A_3074 = vector.shape_cast %swap3A_3073 : vector<16xf32> to vector<16xf32>
      %swap3A_3075 = vector.shape_cast %add3A_3053 : vector<16xf32> to vector<16xf32>
      tpu.vector_store %arg5[%swap3A_3072], %swap3A_3075 {strides = array<i32>} : memref<320xf32, #tpu.memory_space<vmem>>, vector<16xf32>,
      "tpu.region"() ({
        %run_scoped3A = tpu.sem_alloc : memref<!tpu.dma_semaphore, #tpu.memory_space<semaphore_mem>>
        tpu.enqueue_dma source(%arg5 : memref<320xf32, #tpu.memory_space<vmem>>) target(%arg3 : memref<320xf32, #tpu.memory_space<hbm>>) target_semaphore(%run_scoped3A : memref<!tpu.dma_semaphore, #tpu.memory_space<semaphore_mem>>)
        tpu.wait_dma2 semaphore(%run_scoped3A : memref<!tpu.dma_semaphore, #tpu.memory_space<semaphore_mem>>) src(%arg5 : memref<320xf32, #tpu.memory_space<vmem>>) dst(%arg3 : memref<320xf32, #tpu.memory_space<hbm>>)
        tpu.yield
      }) : () -> ()
    } else {
    }
    return
  }
}

module attributes {stable_mosaic.version = 14 : i64} {
  func.func @_precompute_body(%arg0: memref<1x4096xf32, #tpu.memory_space<vmem>>, %arg1: memref<64x4096xf32, #tpu.memory_space<vmem>>, %arg2: memref<128x4096xf32, #tpu.memory_space<vmem>>, %arg3: memref<4x32xf32, #tpu.memory_space<vmem>>, %arg4: memref<128x8192xf32, #tpu.memory_space<vmem>>, %arg5: memref<4x32xf32, #tpu.memory_space<vmem>>, %arg6: memref<208x64xf32, #tpu.memory_space<vmem>>) attributes {dimension_semantics = [], scalar_prefetch = 0 : i64, scratch_operands = 0 : i64, tpu.core_type = #tpu.core_type<tc>} {
    %get3A = arith.constant 0 : index
    %get3A_0 = arith.constant 0 : index
    %get3A_1 = vector.load %arg0[%get3A, %get3A_0] : memref<1x4096xf32, #tpu.memory_space<vmem>>, vector<1x4096xf32>
    %get3A_2 = arith.constant 0 : index
    %get3A_3 = arith.constant 0 : index
    %get3A_4 = vector.load %arg1[%get3A_2, %get3A_3] : memref<64x4096xf32, #tpu.memory_space<vmem>>, vector<64x4096xf32>
    %get3A_5 = arith.constant 0 : index
    %get3A_6 = arith.constant 0 : index
    %get3A_7 = vector.load %arg2[%get3A_5, %get3A_6] : memref<128x4096xf32, #tpu.memory_space<vmem>>, vector<128x4096xf32>
    %get3A_8 = arith.constant 0 : index
    %get3A_9 = arith.constant 0 : index
    %get3A_10 = vector.load %arg4[%get3A_8, %get3A_9] : memref<128x8192xf32, #tpu.memory_space<vmem>>, vector<128x8192xf32>
    %get3A_11 = arith.constant 0 : index
    %get3A_12 = arith.constant 0 : index
    %get3A_13 = vector.load %arg3[%get3A_11, %get3A_12] : memref<4x32xf32, #tpu.memory_space<vmem>>, vector<4x32xf32>
    %get3A_14 = arith.constant 0 : index
    %get3A_15 = arith.constant 0 : index
    %get3A_16 = vector.load %arg5[%get3A_14, %get3A_15] : memref<4x32xf32, #tpu.memory_space<vmem>>, vector<4x32xf32>
    %dot_general3A = arith.constant dense<0.000000e+00> : vector<1x128xf32>
    %dot_general3A_17 = tpu.matmul %get3A_1, %get3A_7, %dot_general3A {dimension_numbers = #tpu.dot_dimension_numbers<[1], [1], [0], [0], [0, 0, 1, 0], [], []>, transpose_lhs_hint = false} : vector<1x4096xf32>, vector<128x4096xf32>, vector<1x128xf32> -> vector<1x128xf32>
    %slice3A = vector.extract_strided_slice %get3A_10 {offsets = [0, 0], sizes = [128, 4096], strides = [1, 1]} : vector<128x8192xf32> to vector<128x4096xf32>
    %dot_general3A_18 = arith.constant dense<0.000000e+00> : vector<64x128xf32>
    %dot_general3A_19 = tpu.matmul %get3A_4, %slice3A, %dot_general3A_18 {dimension_numbers = #tpu.dot_dimension_numbers<[1], [1], [0], [0], [0, 0, 1, 0], [], []>, transpose_lhs_hint = false} : vector<64x4096xf32>, vector<128x4096xf32>, vector<64x128xf32> -> vector<64x128xf32>
    %slice3A_20 = vector.extract_strided_slice %get3A_10 {offsets = [0, 4096], sizes = [128, 4096], strides = [1, 1]} : vector<128x8192xf32> to vector<128x4096xf32>
    %dot_general3A_21 = arith.constant dense<0.000000e+00> : vector<64x128xf32>
    %dot_general3A_22 = tpu.matmul %get3A_4, %slice3A_20, %dot_general3A_21 {dimension_numbers = #tpu.dot_dimension_numbers<[1], [1], [0], [0], [0, 0, 1, 0], [], []>, transpose_lhs_hint = false} : vector<64x4096xf32>, vector<128x4096xf32>, vector<64x128xf32> -> vector<64x128xf32>
    %broadcast_in_dim3A = arith.constant 1.000000e+00 : f32
    %broadcast_in_dim3A_23 = vector.broadcast %broadcast_in_dim3A : f32 to vector<1x32xf32>
    %slice3A_24 = vector.extract_strided_slice %dot_general3A_17 {offsets = [0, 0], sizes = [1, 32], strides = [1, 1]} : vector<1x128xf32> to vector<1x32xf32>
    %slice3A_25 = vector.extract_strided_slice %get3A_13 {offsets = [0, 0], sizes = [1, 32], strides = [1, 1]} : vector<4x32xf32> to vector<1x32xf32>
    %add3A = arith.addf %slice3A_24, %slice3A_25 : vector<1x32xf32>
    %mul3A = arith.mulf %add3A, %add3A : vector<1x32xf32>
    %reduce_sum3A = vector.shape_cast %mul3A : vector<1x32xf32> to vector<1x1x32xf32>
    %reduce_sum3A_26 = arith.constant dense<0.000000e+00> : vector<1xf32>
    %reduce_sum3A_27 = vector.multi_reduction <add>, %reduce_sum3A, %reduce_sum3A_26 [1, 2] : vector<1x1x32xf32> to vector<1xf32>
    %reduce_sum3A_28 = vector.shape_cast %reduce_sum3A_27 : vector<1xf32> to vector<1x1x1xf32>
    %reduce_sum3A_29 = vector.extract %reduce_sum3A_28[0, 0, 0] : f32 from vector<1x1x1xf32>
    %sqrt3A = math.sqrt %reduce_sum3A_29 : f32
    %max3A = arith.constant 9.99999996E-13 : f32
    %max3A_30 = arith.maximumf %sqrt3A, %max3A : f32
    %div3A = vector.broadcast %max3A_30 : f32 to vector<1x32xf32>
    %div3A_31 = arith.divf %add3A, %div3A : vector<1x32xf32>
    %slice3A_32 = vector.extract_strided_slice %dot_general3A_19 {offsets = [0, 0], sizes = [64, 32], strides = [1, 1]} : vector<64x128xf32> to vector<64x32xf32>
    %slice3A_33 = vector.extract_strided_slice %get3A_16 {offsets = [0, 0], sizes = [1, 32], strides = [1, 1]} : vector<4x32xf32> to vector<1x32xf32>
    %add3A_34 = vector.broadcast %slice3A_33 : vector<1x32xf32> to vector<64x32xf32>
    %add3A_35 = arith.addf %slice3A_32, %add3A_34 : vector<64x32xf32>
    %slice3A_36 = vector.extract_strided_slice %dot_general3A_22 {offsets = [0, 0], sizes = [64, 32], strides = [1, 1]} : vector<64x128xf32> to vector<64x32xf32>
    %dot_general3A_37 = arith.constant dense<0.000000e+00> : vector<1x64xf32>
    %dot_general3A_38 = tpu.matmul %div3A_31, %add3A_35, %dot_general3A_37 {dimension_numbers = #tpu.dot_dimension_numbers<[1], [1], [0], [0], [0, 0, 1, 0], [], []>, transpose_lhs_hint = false} : vector<1x32xf32>, vector<64x32xf32>, vector<1x64xf32> -> vector<1x64xf32>
    %dot_general3A_39 = arith.constant dense<0.000000e+00> : vector<1x64xf32>
    %dot_general3A_40 = tpu.matmul %div3A_31, %slice3A_36, %dot_general3A_39 {dimension_numbers = #tpu.dot_dimension_numbers<[1], [1], [0], [0], [0, 0, 1, 0], [], []>, transpose_lhs_hint = false} : vector<1x32xf32>, vector<64x32xf32>, vector<1x64xf32> -> vector<1x64xf32>
    %mul3A_41 = arith.mulf %add3A_35, %add3A_35 : vector<64x32xf32>
    %dot_general3A_42 = arith.constant dense<0.000000e+00> : vector<1x64xf32>
    %dot_general3A_43 = tpu.matmul %broadcast_in_dim3A_23, %mul3A_41, %dot_general3A_42 {dimension_numbers = #tpu.dot_dimension_numbers<[1], [1], [0], [0], [0, 0, 1, 0], [], []>, transpose_lhs_hint = false} : vector<1x32xf32>, vector<64x32xf32>, vector<1x64xf32> -> vector<1x64xf32>
    %mul3A_44 = arith.mulf %slice3A_36, %slice3A_36 : vector<64x32xf32>
    %dot_general3A_45 = arith.constant dense<0.000000e+00> : vector<1x64xf32>
    %dot_general3A_46 = tpu.matmul %broadcast_in_dim3A_23, %mul3A_44, %dot_general3A_45 {dimension_numbers = #tpu.dot_dimension_numbers<[1], [1], [0], [0], [0, 0, 1, 0], [], []>, transpose_lhs_hint = false} : vector<1x32xf32>, vector<64x32xf32>, vector<1x64xf32> -> vector<1x64xf32>
    %slice3A_47 = vector.extract_strided_slice %dot_general3A_17 {offsets = [0, 32], sizes = [1, 32], strides = [1, 1]} : vector<1x128xf32> to vector<1x32xf32>
    %slice3A_48 = vector.extract_strided_slice %get3A_13 {offsets = [1, 0], sizes = [1, 32], strides = [1, 1]} : vector<4x32xf32> to vector<1x32xf32>
    %add3A_49 = arith.addf %slice3A_47, %slice3A_48 : vector<1x32xf32>
    %mul3A_50 = arith.mulf %add3A_49, %add3A_49 : vector<1x32xf32>
    %reduce_sum3A_51 = vector.shape_cast %mul3A_50 : vector<1x32xf32> to vector<1x1x32xf32>
    %reduce_sum3A_52 = arith.constant dense<0.000000e+00> : vector<1xf32>
    %reduce_sum3A_53 = vector.multi_reduction <add>, %reduce_sum3A_51, %reduce_sum3A_52 [1, 2] : vector<1x1x32xf32> to vector<1xf32>
    %reduce_sum3A_54 = vector.shape_cast %reduce_sum3A_53 : vector<1xf32> to vector<1x1x1xf32>
    %reduce_sum3A_55 = vector.extract %reduce_sum3A_54[0, 0, 0] : f32 from vector<1x1x1xf32>
    %sqrt3A_56 = math.sqrt %reduce_sum3A_55 : f32
    %max3A_57 = arith.constant 9.99999996E-13 : f32
    %max3A_58 = arith.maximumf %sqrt3A_56, %max3A_57 : f32
    %div3A_59 = vector.broadcast %max3A_58 : f32 to vector<1x32xf32>
    %div3A_60 = arith.divf %add3A_49, %div3A_59 : vector<1x32xf32>
    %slice3A_61 = vector.extract_strided_slice %dot_general3A_19 {offsets = [0, 32], sizes = [64, 32], strides = [1, 1]} : vector<64x128xf32> to vector<64x32xf32>
    %slice3A_62 = vector.extract_strided_slice %get3A_16 {offsets = [1, 0], sizes = [1, 32], strides = [1, 1]} : vector<4x32xf32> to vector<1x32xf32>
    %add3A_63 = vector.broadcast %slice3A_62 : vector<1x32xf32> to vector<64x32xf32>
    %add3A_64 = arith.addf %slice3A_61, %add3A_63 : vector<64x32xf32>
    %slice3A_65 = vector.extract_strided_slice %dot_general3A_22 {offsets = [0, 32], sizes = [64, 32], strides = [1, 1]} : vector<64x128xf32> to vector<64x32xf32>
    %dot_general3A_66 = arith.constant dense<0.000000e+00> : vector<1x64xf32>
    %dot_general3A_67 = tpu.matmul %div3A_60, %add3A_64, %dot_general3A_66 {dimension_numbers = #tpu.dot_dimension_numbers<[1], [1], [0], [0], [0, 0, 1, 0], [], []>, transpose_lhs_hint = false} : vector<1x32xf32>, vector<64x32xf32>, vector<1x64xf32> -> vector<1x64xf32>
    %dot_general3A_68 = arith.constant dense<0.000000e+00> : vector<1x64xf32>
    %dot_general3A_69 = tpu.matmul %div3A_60, %slice3A_65, %dot_general3A_68 {dimension_numbers = #tpu.dot_dimension_numbers<[1], [1], [0], [0], [0, 0, 1, 0], [], []>, transpose_lhs_hint = false} : vector<1x32xf32>, vector<64x32xf32>, vector<1x64xf32> -> vector<1x64xf32>
    %mul3A_70 = arith.mulf %add3A_64, %add3A_64 : vector<64x32xf32>
    %dot_general3A_71 = arith.constant dense<0.000000e+00> : vector<1x64xf32>
    %dot_general3A_72 = tpu.matmul %broadcast_in_dim3A_23, %mul3A_70, %dot_general3A_71 {dimension_numbers = #tpu.dot_dimension_numbers<[1], [1], [0], [0], [0, 0, 1, 0], [], []>, transpose_lhs_hint = false} : vector<1x32xf32>, vector<64x32xf32>, vector<1x64xf32> -> vector<1x64xf32>
    %mul3A_73 = arith.mulf %slice3A_65, %slice3A_65 : vector<64x32xf32>
    %dot_general3A_74 = arith.constant dense<0.000000e+00> : vector<1x64xf32>
    %dot_general3A_75 = tpu.matmul %broadcast_in_dim3A_23, %mul3A_73, %dot_general3A_74 {dimension_numbers = #tpu.dot_dimension_numbers<[1], [1], [0], [0], [0, 0, 1, 0], [], []>, transpose_lhs_hint = false} : vector<1x32xf32>, vector<64x32xf32>, vector<1x64xf32> -> vector<1x64xf32>
    %dot_general3A_76 = arith.constant dense<0.000000e+00> : vector<64x64xf32>
    %dot_general3A_77 = tpu.matmul %slice3A_65, %add3A_64, %dot_general3A_76 {dimension_numbers = #tpu.dot_dimension_numbers<[1], [1], [0], [0], [0, 0, 1, 0], [], []>, transpose_lhs_hint = false} : vector<64x32xf32>, vector<64x32xf32>, vector<64x64xf32> -> vector<64x64xf32>
    %slice3A_78 = vector.extract_strided_slice %dot_general3A_17 {offsets = [0, 64], sizes = [1, 32], strides = [1, 1]} : vector<1x128xf32> to vector<1x32xf32>
    %slice3A_79 = vector.extract_strided_slice %get3A_13 {offsets = [2, 0], sizes = [1, 32], strides = [1, 1]} : vector<4x32xf32> to vector<1x32xf32>
    %add3A_80 = arith.addf %slice3A_78, %slice3A_79 : vector<1x32xf32>
    %mul3A_81 = arith.mulf %add3A_80, %add3A_80 : vector<1x32xf32>
    %reduce_sum3A_82 = vector.shape_cast %mul3A_81 : vector<1x32xf32> to vector<1x1x32xf32>
    %reduce_sum3A_83 = arith.constant dense<0.000000e+00> : vector<1xf32>
    %reduce_sum3A_84 = vector.multi_reduction <add>, %reduce_sum3A_82, %reduce_sum3A_83 [1, 2] : vector<1x1x32xf32> to vector<1xf32>
    %reduce_sum3A_85 = vector.shape_cast %reduce_sum3A_84 : vector<1xf32> to vector<1x1x1xf32>
    %reduce_sum3A_86 = vector.extract %reduce_sum3A_85[0, 0, 0] : f32 from vector<1x1x1xf32>
    %sqrt3A_87 = math.sqrt %reduce_sum3A_86 : f32
    %max3A_88 = arith.constant 9.99999996E-13 : f32
    %max3A_89 = arith.maximumf %sqrt3A_87, %max3A_88 : f32
    %div3A_90 = vector.broadcast %max3A_89 : f32 to vector<1x32xf32>
    %div3A_91 = arith.divf %add3A_80, %div3A_90 : vector<1x32xf32>
    %slice3A_92 = vector.extract_strided_slice %dot_general3A_19 {offsets = [0, 64], sizes = [64, 32], strides = [1, 1]} : vector<64x128xf32> to vector<64x32xf32>
    %slice3A_93 = vector.extract_strided_slice %get3A_16 {offsets = [2, 0], sizes = [1, 32], strides = [1, 1]} : vector<4x32xf32> to vector<1x32xf32>
    %add3A_94 = vector.broadcast %slice3A_93 : vector<1x32xf32> to vector<64x32xf32>
    %add3A_95 = arith.addf %slice3A_92, %add3A_94 : vector<64x32xf32>
    %slice3A_96 = vector.extract_strided_slice %dot_general3A_22 {offsets = [0, 64], sizes = [64, 32], strides = [1, 1]} : vector<64x128xf32> to vector<64x32xf32>
    %dot_general3A_97 = arith.constant dense<0.000000e+00> : vector<1x64xf32>
    %dot_general3A_98 = tpu.matmul %div3A_91, %add3A_95, %dot_general3A_97 {dimension_numbers = #tpu.dot_dimension_numbers<[1], [1], [0], [0], [0, 0, 1, 0], [], []>, transpose_lhs_hint = false} : vector<1x32xf32>, vector<64x32xf32>, vector<1x64xf32> -> vector<1x64xf32>
    %dot_general3A_99 = arith.constant dense<0.000000e+00> : vector<1x64xf32>
    %dot_general3A_100 = tpu.matmul %div3A_91, %slice3A_96, %dot_general3A_99 {dimension_numbers = #tpu.dot_dimension_numbers<[1], [1], [0], [0], [0, 0, 1, 0], [], []>, transpose_lhs_hint = false} : vector<1x32xf32>, vector<64x32xf32>, vector<1x64xf32> -> vector<1x64xf32>
    %mul3A_101 = arith.mulf %add3A_95, %add3A_95 : vector<64x32xf32>
    %dot_general3A_102 = arith.constant dense<0.000000e+00> : vector<1x64xf32>
    %dot_general3A_103 = tpu.matmul %broadcast_in_dim3A_23, %mul3A_101, %dot_general3A_102 {dimension_numbers = #tpu.dot_dimension_numbers<[1], [1], [0], [0], [0, 0, 1, 0], [], []>, transpose_lhs_hint = false} : vector<1x32xf32>, vector<64x32xf32>, vector<1x64xf32> -> vector<1x64xf32>
    %mul3A_104 = arith.mulf %slice3A_96, %slice3A_96 : vector<64x32xf32>
    %dot_general3A_105 = arith.constant dense<0.000000e+00> : vector<1x64xf32>
    %dot_general3A_106 = tpu.matmul %broadcast_in_dim3A_23, %mul3A_104, %dot_general3A_105 {dimension_numbers = #tpu.dot_dimension_numbers<[1], [1], [0], [0], [0, 0, 1, 0], [], []>, transpose_lhs_hint = false} : vector<1x32xf32>, vector<64x32xf32>, vector<1x64xf32> -> vector<1x64xf32>
    %dot_general3A_107 = arith.constant dense<0.000000e+00> : vector<64x64xf32>
    %dot_general3A_108 = tpu.matmul %slice3A_96, %add3A_95, %dot_general3A_107 {dimension_numbers = #tpu.dot_dimension_numbers<[1], [1], [0], [0], [0, 0, 1, 0], [], []>, transpose_lhs_hint = false} : vector<64x32xf32>, vector<64x32xf32>, vector<64x64xf32> -> vector<64x64xf32>
    %slice3A_109 = vector.extract_strided_slice %dot_general3A_17 {offsets = [0, 96], sizes = [1, 32], strides = [1, 1]} : vector<1x128xf32> to vector<1x32xf32>
    %slice3A_110 = vector.extract_strided_slice %get3A_13 {offsets = [3, 0], sizes = [1, 32], strides = [1, 1]} : vector<4x32xf32> to vector<1x32xf32>
    %add3A_111 = arith.addf %slice3A_109, %slice3A_110 : vector<1x32xf32>
    %mul3A_112 = arith.mulf %add3A_111, %add3A_111 : vector<1x32xf32>
    %reduce_sum3A_113 = vector.shape_cast %mul3A_112 : vector<1x32xf32> to vector<1x1x32xf32>
    %reduce_sum3A_114 = arith.constant dense<0.000000e+00> : vector<1xf32>
    %reduce_sum3A_115 = vector.multi_reduction <add>, %reduce_sum3A_113, %reduce_sum3A_114 [1, 2] : vector<1x1x32xf32> to vector<1xf32>
    %reduce_sum3A_116 = vector.shape_cast %reduce_sum3A_115 : vector<1xf32> to vector<1x1x1xf32>
    %reduce_sum3A_117 = vector.extract %reduce_sum3A_116[0, 0, 0] : f32 from vector<1x1x1xf32>
    %sqrt3A_118 = math.sqrt %reduce_sum3A_117 : f32
    %max3A_119 = arith.constant 9.99999996E-13 : f32
    %max3A_120 = arith.maximumf %sqrt3A_118, %max3A_119 : f32
    %div3A_121 = vector.broadcast %max3A_120 : f32 to vector<1x32xf32>
    %div3A_122 = arith.divf %add3A_111, %div3A_121 : vector<1x32xf32>
    %slice3A_123 = vector.extract_strided_slice %dot_general3A_19 {offsets = [0, 96], sizes = [64, 32], strides = [1, 1]} : vector<64x128xf32> to vector<64x32xf32>
    %slice3A_124 = vector.extract_strided_slice %get3A_16 {offsets = [3, 0], sizes = [1, 32], strides = [1, 1]} : vector<4x32xf32> to vector<1x32xf32>
    %add3A_125 = vector.broadcast %slice3A_124 : vector<1x32xf32> to vector<64x32xf32>
    %add3A_126 = arith.addf %slice3A_123, %add3A_125 : vector<64x32xf32>
    %slice3A_127 = vector.extract_strided_slice %dot_general3A_22 {offsets = [0, 96], sizes = [64, 32], strides = [1, 1]} : vector<64x128xf32> to vector<64x32xf32>
    %dot_general3A_128 = arith.constant dense<0.000000e+00> : vector<1x64xf32>
    %dot_general3A_129 = tpu.matmul %div3A_122, %add3A_126, %dot_general3A_128 {dimension_numbers = #tpu.dot_dimension_numbers<[1], [1], [0], [0], [0, 0, 1, 0], [], []>, transpose_lhs_hint = false} : vector<1x32xf32>, vector<64x32xf32>, vector<1x64xf32> -> vector<1x64xf32>
    %dot_general3A_130 = arith.constant dense<0.000000e+00> : vector<1x64xf32>
    %dot_general3A_131 = tpu.matmul %div3A_122, %slice3A_127, %dot_general3A_130 {dimension_numbers = #tpu.dot_dimension_numbers<[1], [1], [0], [0], [0, 0, 1, 0], [], []>, transpose_lhs_hint = false} : vector<1x32xf32>, vector<64x32xf32>, vector<1x64xf32> -> vector<1x64xf32>
    %mul3A_132 = arith.mulf %add3A_126, %add3A_126 : vector<64x32xf32>
    %dot_general3A_133 = arith.constant dense<0.000000e+00> : vector<1x64xf32>
    %dot_general3A_134 = tpu.matmul %broadcast_in_dim3A_23, %mul3A_132, %dot_general3A_133 {dimension_numbers = #tpu.dot_dimension_numbers<[1], [1], [0], [0], [0, 0, 1, 0], [], []>, transpose_lhs_hint = false} : vector<1x32xf32>, vector<64x32xf32>, vector<1x64xf32> -> vector<1x64xf32>
    %mul3A_135 = arith.mulf %slice3A_127, %slice3A_127 : vector<64x32xf32>
    %dot_general3A_136 = arith.constant dense<0.000000e+00> : vector<1x64xf32>
    %dot_general3A_137 = tpu.matmul %broadcast_in_dim3A_23, %mul3A_135, %dot_general3A_136 {dimension_numbers = #tpu.dot_dimension_numbers<[1], [1], [0], [0], [0, 0, 1, 0], [], []>, transpose_lhs_hint = false} : vector<1x32xf32>, vector<64x32xf32>, vector<1x64xf32> -> vector<1x64xf32>
    %dot_general3A_138 = arith.constant dense<0.000000e+00> : vector<64x64xf32>
    %dot_general3A_139 = tpu.matmul %slice3A_127, %add3A_126, %dot_general3A_138 {dimension_numbers = #tpu.dot_dimension_numbers<[1], [1], [0], [0], [0, 0, 1, 0], [], []>, transpose_lhs_hint = false} : vector<64x32xf32>, vector<64x32xf32>, vector<64x64xf32> -> vector<64x64xf32>
    %concatenate3A = tpu.concatenate %dot_general3A_38, %dot_general3A_67, %dot_general3A_98, %dot_general3A_129, %dot_general3A_40, %dot_general3A_69, %dot_general3A_100, %dot_general3A_131, %dot_general3A_43, %dot_general3A_72, %dot_general3A_103, %dot_general3A_134, %dot_general3A_46, %dot_general3A_75, %dot_general3A_106, %dot_general3A_137, %dot_general3A_77, %dot_general3A_108, %dot_general3A_139 in 0 : vector<1x64xf32>, vector<1x64xf32>, vector<1x64xf32>, vector<1x64xf32>, vector<1x64xf32>, vector<1x64xf32>, vector<1x64xf32>, vector<1x64xf32>, vector<1x64xf32>, vector<1x64xf32>, vector<1x64xf32>, vector<1x64xf32>, vector<1x64xf32>, vector<1x64xf32>, vector<1x64xf32>, vector<1x64xf32>, vector<64x64xf32>, vector<64x64xf32>, vector<64x64xf32> -> vector<208x64xf32>
    %swap3A = arith.constant 0 : index
    %swap3A_140 = arith.constant 0 : index
    %swap3A_141 = vector.load %arg6[%swap3A, %swap3A_140] : memref<208x64xf32, #tpu.memory_space<vmem>>, vector<208x64xf32>
    tpu.vector_store %arg6[%swap3A, %swap3A_140], %concatenate3A {strides = array<i32>} : memref<208x64xf32, #tpu.memory_space<vmem>>, vector<208x64xf32>,
    return
  }
}

</mosaic_0001>

<sc_bundles>
// kernel: kernel.4.cloned.1.call-start
scs
__scs_entry_jumppad:
0x0: {  	(pc) =	sbr.rel $0x88, $3  }
0x1: {  	(tag) =	ssettag $0x0;
	lr =	simm.s32 $0x1  }
0x2: {  	[smem:$0x3F9B] =	sst lr;
	_ =	strace $0xD0000000  }
0x3: {  	_ = 	snop  }
0x4: {  	_ = 	snop  }
0x5: {  	_ = 	snop  }
0x6: {  	_ = 	snop  }
0x7: {  	_ = 	snop  }
__scs_overlays_trampoline_lowered:
0x8: {  	[smem:$0x3FAA] =	sst s0  }
0x9: {  	[smem:$0x3FAB] =	sst s1  }
0xa: {  	[smem:$0x3FAC] =	sst s2  }
0xb: {  	[smem:$0x3FAD] =	sst s3  }
0xc: {  	[smem:$0x3FAE] =	sst s4  }
0xd: {  	[smem:$0x3FAF] =	sst s5  }
0xe: {  	[smem:$0x3FB0] =	sst s6  }
0xf: {  	[smem:$0x3FB1] =	sst s7  }
0x10: {  	[smem:$0x3FB2] =	sst s8  }
0x11: {  	[smem:$0x3FB3] =	sst s9;
	s0 =	simm.s32 @!p0 $0x0  }
0x12: {  	s1 =	sld [smem:$0x3F99];
	s0 =	simm.s32 @p0 $0x1  }
0x13: {  	[smem:$0x3FB4] =	sst s0;
	s0 =	simm.s32 @!p1 $0x0  }
0x14: {  	s2 =	sld [smem:$0x3F98];
	s0 =	simm.s32 @p1 $0x1  }
0x15: {  	[smem:$0x3FB5] =	sst s0;
	s0 =	simm.s32 @!p2 $0x0  }
0x16: {  	s3 =	sld [smem:$0x3FDB];
	s0 =	simm.s32 @p2 $0x1  }
0x17: {  	s4 =	simm.s32 $0x1BF5;
	[smem:$0x3FB7] =	sst s0  }
0x18: {  	s0 =	sld [smem:$0x3F9A];
	_ =	swait.ge [sflag:s4], $0x0  }
0x19: {  	s7 =	sld [smem:$0x3F9B]  }
0x1a: {  	s8 =	sadd.s32 $0xFFFFE003, lr  }
0x1b: {  	s9 =	sadd.s32 $0xFFFFFEF7, lr;
	s5 =	simm.s32 $0xFFFFFFFF;
	p2 =	slt.u32 s8, $0xFFFFF086  }
0x1c: {  	p1 =	slt.u32 s9, $0xF7A;
	s5 =	simm.s32 @!p2 $0x0  }
0x1d: {  	s5 =	simm.s32 @p1 $0x1;
	p0 =	seq.s32 s7, s2  }
0x1e: {  	s7 =	smul.u32 @!p0 $0xF7A, s2;
	p2 =	seq.s32 @!p0 s5, $0x0  }
0x1f: {  	s9 =	smul.u32 $0xF7A, s1;
	s8 =	simm.s32 @!p0 $0x1BF5;
	p2 =	por !p2, p0  }
0x20: {  	[sflag:s8] =	ssyncset.s32 @!p0 $0xFFFFF086;
	s6 =	sadd.s32 @!p0 s3, s7;
	s7 =	simm.s32 @!p0 $0x108  }
0x21: {  	s3 =	sadd.s32 s3, s9;
	s6 =	sadd.s32 @!p0 $0x88, s6;
	s7 =	simm.s32 @p2 $0x1082  }
0x22: {  	[simem:s7], [sflag:s8] =	dma.local @!p0 [hbm:s6], $0xF7A  }
0x23: {  	s9 =	sor.u32 $0xD0000000, s2;
	s6 =	simm.s32 $0x108;
	_ =	swait.ge @!p0 [sflag:s8], $0x0  }
0x24: {  	s3 =	sadd.s32 $0x88, s3;
	s6 =	simm.s32 @!p1 $0x1082;
	[sflag:s4] =	ssyncset.s32 $0xFFFFF086  }
0x25: {  	[simem:s6], [sflag:s4] =	dma.local [hbm:s3], $0xF7A  }
0x26: {  	[smem:$0x3F9B] =	sst s1;
	(tag) =	ssettag s2;
	_ =	strace s9  }
0x27: {  	s1 =	sld [smem:$0x3FAB]  }
0x28: {  	s2 =	sld [smem:$0x3FAC]  }
0x29: {  	s4 =	sld [smem:$0x3FAE]  }
0x2a: {  	p0 =	seq.s32 s5, $0x0;
	s5 =	sld [smem:$0x3FAF]  }
0x2b: {  	s6 =	sld [smem:$0x3FB0]  }
0x2c: {  	s7 =	sld [smem:$0x3FB1]  }
0x2d: {  	s3 =	simm.s32 $0x108;
	s8 =	sld [smem:$0x3FB2]  }
0x2e: {  	s3 =	simm.s32 @!p0 $0x1082;
	s9 =	sld [smem:$0x3FB3]  }
0x2f: {  	lr =	sadd.s32 s0, s3;
	s0 =	sld [smem:$0x3FAA]  }
0x30: {  	s3 =	sld [smem:$0x3FAD]  }
0x31: {  	[smem:$0x3FB6] =	sst s10  }
0x32: {  	s10 =	sld [smem:$0x3FB4];
	_ =	sdelay $0x3  }
0x33: {  	p0 =	seq.s32 s10, $0x1;
	s10 =	sld [smem:$0x3FB6];
	_ =	sdelay $0x3  }
0x34: {  	[smem:$0x3FB6] =	sst s10  }
0x35: {  	s10 =	sld [smem:$0x3FB5];
	_ =	sdelay $0x3  }
0x36: {  	p1 =	seq.s32 s10, $0x1;
	s10 =	sld [smem:$0x3FB6];
	_ =	sdelay $0x3  }
0x37: {  	[smem:$0x3FB6] =	sst s10  }
0x38: {  	s10 =	sld [smem:$0x3FB7]  }
0x39: {  	_ = 	snop;
	(pc) =	sbr.ind lr, $3  }
0x3a: {  	_ = 	snop  }
0x3b: {  	_ = 	snop  }
0x3c: {  	p2 =	seq.s32 s10, $0x1;
	s10 =	sld [smem:$0x3FB6]  }
0x3d: {  	_ =	shalt  }
0x3e: {  	_ =	shalt  }
0x3f: {  	_ =	shalt  }
0x40: {  	_ =	shalt  }
0x41: {  	_ =	shalt  }
0x42: {  	_ =	shalt  }
0x43: {  	_ =	shalt  }
0x44: {  	_ =	shalt  }
0x45: {  	_ =	shalt  }
0x46: {  	_ =	shalt  }
0x47: {  	_ =	shalt  }
0x48: {  	_ =	shalt  }
0x49: {  	_ =	shalt  }
0x4a: {  	_ =	shalt  }
0x4b: {  	_ =	shalt  }
0x4c: {  	_ =	shalt  }
0x4d: {  	_ =	shalt  }
0x4e: {  	_ =	shalt  }
0x4f: {  	_ =	shalt  }
0x50: {  	_ =	shalt  }
0x51: {  	_ =	shalt  }
0x52: {  	_ =	shalt  }
0x53: {  	_ =	shalt  }
0x54: {  	_ =	shalt  }
0x55: {  	_ =	shalt  }
0x56: {  	_ =	shalt  }
0x57: {  	_ =	shalt  }
0x58: {  	_ =	shalt  }
0x59: {  	_ =	shalt  }
0x5a: {  	_ =	shalt  }
0x5b: {  	_ =	shalt  }
0x5c: {  	_ =	shalt  }
0x5d: {  	_ =	shalt  }
0x5e: {  	_ =	shalt  }
0x5f: {  	_ =	shalt  }
0x60: {  	_ =	shalt  }
0x61: {  	_ =	shalt  }
0x62: {  	_ =	shalt  }
0x63: {  	_ =	shalt  }
0x64: {  	_ =	shalt  }
0x65: {  	_ =	shalt  }
0x66: {  	_ =	shalt  }
0x67: {  	_ =	shalt  }
0x68: {  	_ =	shalt  }
0x69: {  	_ =	shalt  }
0x6a: {  	_ =	shalt  }
0x6b: {  	_ =	shalt  }
0x6c: {  	_ =	shalt  }
0x6d: {  	_ =	shalt  }
0x6e: {  	_ =	shalt  }
0x6f: {  	_ =	shalt  }
0x70: {  	_ =	shalt  }
0x71: {  	_ =	shalt  }
0x72: {  	_ =	shalt  }
0x73: {  	_ =	shalt  }
0x74: {  	_ =	shalt  }
0x75: {  	_ =	shalt  }
0x76: {  	_ =	shalt  }
0x77: {  	_ =	shalt  }
0x78: {  	_ =	shalt  }
0x79: {  	_ =	shalt  }
0x7a: {  	_ =	shalt  }
0x7b: {  	_ =	shalt  }
0x7c: {  	_ =	shalt  }
0x7d: {  	_ =	shalt  }
0x7e: {  	_ =	shalt  }
0x7f: {  	_ =	shalt  }
0x80: {  	_ =	shalt  }
0x81: {  	_ =	shalt  }
0x82: {  	_ =	shalt  }
0x83: {  	_ =	shalt  }
0x84: {  	_ =	shalt  }
0x85: {  	_ =	shalt  }
0x86: {  	_ =	shalt  }
0x87: {  	_ =	shalt  }
.Lfunc_end0:
.L_simem_size_0:
called_computation_lowered:
.L_overlay_start_0:
0x88: {  	s0 =	sld [smem:$0x3FD9]  }
0x89: {  	s1 =	sld [smem:$0x3FFE];
	_ =	sdelay $0x3  }
0x8a: {  	s0 =	sadd.s32 s1, s0  }
0x8b: {  	[smem:$0x3FC2] =	sst s0  }
0x8c: {  	_ = 	snop  }
0x8d: {  	(tm) =	ssettm $0x1  }
0x8e: {  	s15 =	sld [smem:$0x3FFB];
	_ =	sdelay $0x3  }
0x8f: {  	_ =	strace s15  }
0x90: {  	s0 =	sld [smem:$0x3FFC];
	_ =	sdelay $0x3  }
0x91: {  	_ =	strace s0  }
0x92: {  	s0 =	sld [smem:$0x3FFD];
	_ =	sdelay $0x3  }
0x93: {  	_ =	strace s0  }
0x94: {  	_ =	strace $0x8FFFFFFF  }
0x95: {  	s16 =	sld [smem:$0x3FDB];
	_ =	sdelay $0x1  }
0x96: {  	s17 =	simm.s32 $_scs_section_size  }
0x97: {  	s2 =	simm.s32 $_size__tile_overlayer_lowered;
	s3 =	simm.s32 $_tile_overlayer_lowered  }
0x98: {  	s20 =	simm.s32 $0x1BFF;
	s19 =	sshll.u32 s3, $0x1;
	s0 =	sadd.s32 s17, s16  }
0x99: {  	s4 =	simm.s32 $0x0;
	s18 =	sshll.u32 s2, $0x1;
	s2 =	sadd.s32 s19, s0  }
0x9a: {  	[timem:s4], [sflag:s20] =	dma.local [hbm:s2], s18  }
0x9b: {  	_ =	swait.ge [sflag:s20], s18  }
0x9c: {  	s1 =	ssub.s32 $0x0, s18;
	[sflag:s20] =	ssyncset.done $0x0  }
0x9d: {  	[sflag:s20] =	ssyncadd.s32 s1;
	_ =	sdelay $0x1  }
0x9e: {  	s21 =	simm.s32 $0x1B8B  }
0x9f: {  	_ =	swait.ge [sflag:s21], $0x1  }
0xa0: {  	[sflag:s21] =	ssyncset.done $0x0  }
0xa1: {  	s23 =	simm.s32 $0x1B8E;
	s22 =	sld [smem:$0x3FFE];
	[sflag:s21] =	ssyncadd.s32 $0xFFFFFFFF  }
0xa2: {  	s24 =	simm.s32 $execute0_lowered;
	[smem:$0x3FD2] =	sst s23  }
0xa3: {  	s2 =	sshll.u32 s24, $0x1;
	_ =	strace $0x80000046;
	[dreg:$0x1] =	wrdreg $0xFFFFFFFF  }
0xa4: {  	s25 =	simm.s32 $_size_execute0_lowered;
	s0 =	sadd.s32 s0, s2;
	[dreg:$0x0] =	wrdreg $0x0  }
0xa5: {  	s2 =	sshll.u32 s25, $0x1;
	[dreg:$0x2] =	wrdreg s0  }
0xa6: {  	[dreg:$0x3] =	wrdreg s2  }
0xa7: {  	[dreg:$0x4] =	wrdreg $0xC0  }
0xa8: {  	_ =	task [dreg:s4], $0x5FFFF  }
0xa9: {  	[dreg:$0x1] =	wrdreg $0xFFFFFFFF  }
0xaa: {  	[dreg:$0x0] =	wrdreg $0x60  }
0xab: {  	[dreg:$0x2] =	wrdreg s22  }
0xac: {  	[dreg:$0x3] =	wrdreg $0x9  }
0xad: {  	_ =	task.clear_ibuf [dreg:s4], $0x4FFFF;
	_ =	strace $0x90000046  }
0xae: {  	s26 =	simm.s32 $0x9;
	_ =	strace $0x80000048  }
0xaf: {  	_ =	swait.ge [sflag:s26], $0x1  }
0xb0: {  	[sflag:s26] =	ssyncadd.s32 $0xFFFFFFFF  }
0xb1: {  	_ =	strace $0x90000048  }
0xb2: {  	_ =	sfence  }
0xb3: {  	s28 =	sld [smem:$0x0];
	_ =	sdelay $0x1  }
0xb4: {  	s29 =	srdreg.scid  }
0xb5: {  	s30 =	sshll.u32 s29, $0xD;
	s31 =	sshrl.u32 s29, $0x2  }
0xb6: {  	s1 =	sand.u32 $0x1, s29;
	s2 =	sand.u32 $0x4000, s30;
	s0 =	sadd.s32 s31, s28  }
0xb7: {  	s1 =	sor.u32 s2, s1;
	s0 =	sshll.u32 s0, $0x11  }
0xb8: {  	s0 =	sor.u32 s0, s1  }
0xb9: {  	s0 =	sadd.s32 $0x8F2B, s0  }
0xba: {  	[sflag:s0] =	ssyncadd.remote.s32 $0x1  }
0xbb: {  	_ =	sfence.sel $0xFFFF  }
0xbc: {  	[dreg:$0x0] =	wrdreg $0xFFFFFFFF;
	(pc) =	sbr.abs _section_cstart, $3  }
0xbd: {  	[dreg:$0x1] =	wrdreg $0xFFFFFFFF  }
0xbe: {  	_ =	task.clear_ibuf [dreg:s4], $0x2FFFF;
	_ =	strace $0x9FFFFFFF  }
0xbf: {  	(tm) =	ssettm $0x7FFFFFFF  }
tec
execute0_lowered:
.L_overlay_start_1:
0x0: {  	(tag) =	ssettag $0x1  }
0x1: {  	s1 =	rddreg [dreg:$0x0];
	s2 =	stileid.u32  }
0x2: {  	s0 =	rddreg [dreg:$0x1];
	_ =	strace $0x80000047;
	p0 =	sne.s32 s2, $0x0  }
0x3: {  	_ =	sfence.sel @p0 $0x180000  }
0x4: {  	[bflag:$0x0] =	sbarrier.arrive @p0 $0xFFFF  }
0x5: {  	_ =	strace @p0 $0x90000047  }
0x6: {  	[bflag:$0x2] =	sbarrier.arrive @p0 $0xFFFF  }
0x7: {  	_ =	shalt @p0  }
.LBB2_1:
0x8: {  	s2 =	sadd.s32 $0xC00, s1;
	s3 =	simm.s32 $0x0;
	s17 =	simm.s32 $0x1  }
0x9: {  	[tilespmem:s3], [sflag:$0x1] =	stream.linear.gather [hbm4b:s2+s3], $0x3400, $0x38;
	[tilespmem:$0x3580] =	vst v63  }
0xa: {  	_ =	swait.ge [sflag:s17], $0x3400  }
0xb: {  	[sflag:s17] =	ssyncset.done $0x0  }
0xc: {  	[sflag:s17] =	ssyncadd.s32 $0xFFFFCC00  }
0xd: {  	v0 =	vld [tilespmem:$0x200]  }
0xe: {  	v1 =	vld [tilespmem:$0x210]  }
0xf: {  	v2 =	vld [tilespmem:$0x220]  }
0x10: {  	v3 =	vld [tilespmem:$0x230];
	_ =	sdelay $0x3  }
0x11: {  	v0 =	vmax.f32 v0, $1.000000020e-24;
	v1 =	vmax.f32 v1, $1.000000020e-24;
	v2 =	vmax.f32 v2, $1.000000020e-24  }
0x12: {  	v3 =	vmax.f32 v3, $1.000000020e-24;
	v4 =	vshra.s32 v0, $0x1;
	v0 =	vmul.f32 $5.000000000e-01, v0  }
0x13: {  	v6 =	vshra.s32 v1, $0x1;
	v1 =	vmul.f32 $5.000000000e-01, v1;
	v7 =	vshra.s32 v2, $0x1  }
0x14: {  	v2 =	vmul.f32 $5.000000000e-01, v2;
	v4 =	vsub.s32 $0x5F3759DF, v4;
	v6 =	vsub.s32 $0x5F3759DF, v6  }
0x15: {  	v7 =	vsub.s32 $0x5F3759DF, v7;
	v5 =	vmul.f32 v4, v0;
	v8 =	vmul.f32 v6, v1  }
0x16: {  	v10 =	vshra.s32 v3, $0x1;
	v3 =	vmul.f32 $5.000000000e-01, v3;
	v9 =	vmul.f32 v7, v2  }
0x17: {  	v10 =	vsub.s32 $0x5F3759DF, v10;
	v5 =	vmul.f32 v4, v5;
	v8 =	vmul.f32 v6, v8  }
0x18: {  	v11 =	vmul.f32 v10, v3;
	v9 =	vmul.f32 v7, v9  }
0x19: {  	v5 =	vsub.f32 $1.500000000e+00, v5;
	v8 =	vsub.f32 $1.500000000e+00, v8  }
0x1a: {  	v11 =	vmul.f32 v10, v11;
	v9 =	vsub.f32 $1.500000000e+00, v9  }
0x1b: {  	v4 =	vmul.f32 v4, v5;
	v37 =	vmul.f32 v6, v8  }
0x1c: {  	v39 =	vsub.f32 $1.500000000e+00, v11;
	v38 =	vmul.f32 v7, v9  }
0x1d: {  	v40 =	vmul.f32 v4, v0;
	v41 =	vmul.f32 v37, v1  }
0x1e: {  	v7 =	vmul.f32 v10, v39;
	v42 =	vmul.f32 v38, v2  }
0x1f: {  	v8 =	vmul.f32 v40, v4;
	v9 =	vmul.f32 v41, v37  }
0x20: {  	v44 =	vmul.f32 v7, v3;
	v43 =	vmul.f32 v42, v38  }
0x21: {  	v8 =	vsub.f32 $1.500000000e+00, v8;
	v9 =	vsub.f32 $1.500000000e+00, v9  }
0x22: {  	v11 =	vmul.f32 v44, v7;
	v10 =	vsub.f32 $1.500000000e+00, v43  }
0x23: {  	v4 =	vmul.f32 v8, v4;
	v5 =	vmul.f32 v9, v37  }
0x24: {  	v45 =	vsub.f32 $1.500000000e+00, v11;
	v6 =	vmul.f32 v10, v38  }
0x25: {  	v0 =	vmul.f32 v4, v0;
	v1 =	vmul.f32 v5, v1  }
0x26: {  	v7 =	vmul.f32 v45, v7;
	v2 =	vmul.f32 v6, v2  }
0x27: {  	v46 =	vld [tilespmem:$0x0];
	v0 =	vmul.f32 v0, v4;
	v1 =	vmul.f32 v1, v5  }
0x28: {  	v47 =	vld [tilespmem:$0x10];
	v3 =	vmul.f32 v7, v3;
	v2 =	vmul.f32 v2, v6  }
0x29: {  	v48 =	vld [tilespmem:$0x20];
	v0 =	vsub.f32 $1.500000000e+00, v0;
	v1 =	vsub.f32 $1.500000000e+00, v1  }
0x2a: {  	v3 =	vmul.f32 v3, v7;
	v2 =	vsub.f32 $1.500000000e+00, v2  }
0x2b: {  	v49 =	vld [tilespmem:$0x30];
	v0 =	vmul.f32 v0, v4;
	v1 =	vmul.f32 v1, v5  }
0x2c: {  	v3 =	vsub.f32 $1.500000000e+00, v3;
	v2 =	vmul.f32 v2, v6  }
0x2d: {  	v14 =	vmul.f32 v0, v46;
	v15 =	vmul.f32 v1, v47  }
0x2e: {  	v50 =	vmul.f32 v3, v7;
	v13 =	vmul.f32 v2, v48  }
0x2f: {  	v51 =	vmul.f32 $2.505210790e-08, v14;
	v52 =	vmul.f32 $2.505210790e-08, v15  }
0x30: {  	v16 =	vmul.f32 v50, v49  }
0x31: {  	v53 =	vmul.f32 $2.505210790e-08, v13;
	v1 =	vadd.f32 $2.755732000e-07, v51;
	v2 =	vadd.f32 $2.755732000e-07, v52  }
0x32: {  	v54 =	vmul.f32 $2.505210790e-08, v16  }
0x33: {  	v0 =	vadd.f32 $2.755732000e-07, v53;
	v1 =	vmul.f32 v1, v14;
	v2 =	vmul.f32 v2, v15  }
0x34: {  	v3 =	vadd.f32 $2.755732000e-07, v54  }
0x35: {  	v0 =	vmul.f32 v0, v13;
	v1 =	vadd.f32 $2.755731880e-06, v1;
	v2 =	vadd.f32 $2.755731880e-06, v2  }
0x36: {  	v3 =	vmul.f32 v3, v16  }
0x37: {  	v0 =	vadd.f32 $2.755731880e-06, v0;
	v1 =	vmul.f32 v1, v14;
	v2 =	vmul.f32 v2, v15  }
0x38: {  	v3 =	vadd.f32 $2.755731880e-06, v3  }
0x39: {  	v0 =	vmul.f32 v0, v13;
	v1 =	vadd.f32 $2.480158760e-05, v1;
	v2 =	vadd.f32 $2.480158760e-05, v2  }
0x3a: {  	v3 =	vmul.f32 v3, v16  }
0x3b: {  	v0 =	vadd.f32 $2.480158760e-05, v0;
	v1 =	vmul.f32 v1, v14;
	v2 =	vmul.f32 v2, v15  }
0x3c: {  	v3 =	vadd.f32 $2.480158760e-05, v3  }
0x3d: {  	v0 =	vmul.f32 v0, v13;
	v1 =	vadd.f32 $1.984127010e-04, v1;
	v2 =	vadd.f32 $1.984127010e-04, v2  }
0x3e: {  	v3 =	vmul.f32 v3, v16  }
0x3f: {  	v0 =	vadd.f32 $1.984127010e-04, v0;
	v1 =	vmul.f32 v1, v14;
	v2 =	vmul.f32 v2, v15  }
0x40: {  	v3 =	vadd.f32 $1.984127010e-04, v3  }
0x41: {  	v0 =	vmul.f32 v0, v13;
	v1 =	vadd.f32 $1.388888920e-03, v1;
	v2 =	vadd.f32 $1.388888920e-03, v2  }
0x42: {  	v3 =	vmul.f32 v3, v16  }
0x43: {  	v0 =	vadd.f32 $1.388888920e-03, v0;
	v1 =	vmul.f32 v1, v14;
	v2 =	vmul.f32 v2, v15  }
0x44: {  	v3 =	vadd.f32 $1.388888920e-03, v3  }
0x45: {  	v0 =	vmul.f32 v0, v13;
	v1 =	vadd.f32 $8.333333770e-03, v1;
	v2 =	vadd.f32 $8.333333770e-03, v2  }
0x46: {  	v3 =	vmul.f32 v3, v16  }
0x47: {  	v0 =	vadd.f32 $8.333333770e-03, v0;
	v1 =	vmul.f32 v1, v14;
	v2 =	vmul.f32 v2, v15  }
0x48: {  	v3 =	vadd.f32 $8.333333770e-03, v3  }
0x49: {  	v0 =	vmul.f32 v0, v13;
	v1 =	vadd.f32 $4.166666790e-02, v1;
	v2 =	vadd.f32 $4.166666790e-02, v2  }
0x4a: {  	v3 =	vmul.f32 v3, v16  }
0x4b: {  	v0 =	vadd.f32 $4.166666790e-02, v0;
	v1 =	vmul.f32 v1, v14;
	v2 =	vmul.f32 v2, v15  }
0x4c: {  	v3 =	vadd.f32 $4.166666790e-02, v3  }
0x4d: {  	v0 =	vmul.f32 v0, v13;
	v1 =	vadd.f32 $1.666666720e-01, v1;
	v2 =	vadd.f32 $1.666666720e-01, v2  }
0x4e: {  	v3 =	vmul.f32 v3, v16  }
0x4f: {  	v0 =	vadd.f32 $1.666666720e-01, v0;
	v1 =	vmul.f32 v1, v14;
	v2 =	vmul.f32 v2, v15  }
0x50: {  	v3 =	vadd.f32 $1.666666720e-01, v3  }
0x51: {  	v0 =	vmul.f32 v0, v13;
	v1 =	vadd.f32 $5.000000000e-01, v1;
	v2 =	vadd.f32 $5.000000000e-01, v2  }
0x52: {  	v3 =	vmul.f32 v3, v16  }
0x53: {  	v0 =	vadd.f32 $5.000000000e-01, v0;
	v1 =	vmul.f32 v1, v14;
	v2 =	vmul.f32 v2, v15  }
0x54: {  	v3 =	vadd.f32 $5.000000000e-01, v3  }
0x55: {  	v0 =	vmul.f32 v0, v13;
	v1 =	vadd.f32 $1.000000000e+00, v1;
	v2 =	vadd.f32 $1.000000000e+00, v2  }
0x56: {  	v3 =	vmul.f32 v3, v16  }
0x57: {  	v0 =	vadd.f32 $1.000000000e+00, v0;
	v1 =	vmul.f32 v1, v14;
	v2 =	vmul.f32 v2, v15  }
0x58: {  	v59 =	vimm.s32 $0xFEDCBA98;
	v3 =	vadd.f32 $1.000000000e+00, v3  }
0x59: {  	v0 =	vmul.f32 v0, v13;
	v55 =	vadd.f32 $1.000000000e+00, v1;
	v56 =	vadd.f32 $1.000000000e+00, v2  }
0x5a: {  	v60 =	vimm.s32 $0x76543210;
	v58 =	vmul.f32 v3, v16;
	v1 =	vunpack.c.l.s4.s8 v59  }
0x5b: {  	v3 =	vunpack.c.l.s4.s8 v60;
	v57 =	vadd.f32 $1.000000000e+00, v0;
	v2 =	vadd.f32 v56, v55  }
0x5c: {  	v12 =	vimm.s32 $0xBA98FEDC;
	v17 =	vimm.s32 $0x32107654;
	v1 =	vunpack.c.0.s8.s32 v1  }
0x5d: {  	v61 =	vadd.f32 $1.000000000e+00, v58;
	v63 =	vunpack.c.0.s8.s32 v3;
	v62 =	vadd.f32 v57, v2  }
0x5e: {  	v8 =	vunpack.c.l.s4.s8 v17;
	v3 =	vunpack.c.l.s4.s8 v12;
	v1 =	vand.u32 $0xF, v1  }
0x5f: {  	v0 =	vcombine.low v1, v63;
	v18 =	vadd.f32 v61, v62  }
0x60: {  	v20 =	vunpack.c.0.s8.s32 v8;
	v19 =	vunpack.c.0.s8.s32 v3  }
0x61: {  	v22 =	vimm.s32 $0xDCFE98BA;
	v23 =	vimm.s32 $0x54761032;
	v21 =	vperm.xlane v18, v0  }
0x62: {  	v24 =	vunpack.c.l.s4.s8 v22;
	v25 =	vunpack.c.l.s4.s8 v23;
	v1 =	vcombine.low v20, v19  }
0x63: {  	v3 =	vadd.f32 v18, v21  }
0x64: {  	v8 =	vunpack.c.0.s8.s32 v25;
	v2 =	vunpack.c.0.s8.s32 v24;
	v1 =	vand.u32 $0xF, v1  }
0x65: {  	v26 =	vimm.s32 $0xEFCDAB89;
	v27 =	vimm.s32 $0x67452301;
	v9 =	vperm.xlane v3, v1  }
0x66: {  	v28 =	vunpack.c.l.s4.s8 v26;
	v29 =	vunpack.c.l.s4.s8 v27;
	v2 =	vcombine.low v8, v2  }
0x67: {  	v3 =	vadd.f32 v3, v9  }
0x68: {  	v30 =	vunpack.c.0.s8.s32 v29;
	v8 =	vunpack.c.0.s8.s32 v28;
	v2 =	vand.u32 $0xF, v2  }
0x69: {  	v31 =	vperm.xlane v3, v2  }
0x6a: {  	v8 =	vcombine.low v30, v8  }
0x6b: {  	v32 =	vadd.f32 v3, v31  }
0x6c: {  	v3 =	vand.u32 $0xF, v8  }
0x6d: {  	v8 =	vperm.xlane v32, v3;
	_ =	sdelay $0x1  }
0x6e: {  	v8 =	vadd.f32 v32, v8;
	_ =	sdelay $0x1  }
0x6f: {  	v9 =	vshrl.u32 v8, $0x17  }
0x70: {  	v9 =	vand.u32 $0xFF, v9  }
0x71: {  	v9 =	vadd.s32 $0xFFFFFF81, v9  }
0x72: {  	v33 =	vand.u32 $0x7FFFFF, v8;
	v9 =	vcvt.s32.f32 v9  }
0x73: {  	v10 =	vor.u32 $0x3F800000, v33  }
0x74: {  	v10 =	vadd.f32 $-1.000000000e+00, v10;
	v9 =	vmul.f32 $6.931471820e-01, v9;
	_ =	sdelay $0x1  }
0x75: {  	v9 =	vadd.f32 v9, v10;
	_ =	sdelay $0x1  }
0x76: {  	v10 =	vsub.f32 $0.0e+00, v9;
	_ =	sdelay $0x1  }
0x77: {  	v10 =	vmul.f32 $1.442695020e+00, v10  }
0x78: {  	(erf) = vrcp.f32 v8  }
0x79: {  	(erf) = vpow2.f32 v10;
	_ =	sdelay $0x7  }
0x7a: {  	v34 =	vpop (erf)  }
0x7b: {  	v35 =	vpop (erf)  }
0x7c: {  	v11 =	vmul.f32 v35, v8;
	_ =	sdelay $0x1  }
0x7d: {  	v9 =	vadd.f32 v11, v9;
	_ =	sdelay $0x1  }
0x7e: {  	v9 =	vadd.f32 $-1.000000000e+00, v9;
	_ =	sdelay $0x1  }
0x7f: {  	v36 =	vsub.f32 $0.0e+00, v9;
	_ =	sdelay $0x1  }
0x80: {  	v11 =	vmul.f32 $1.442695020e+00, v36;
	_ =	sdelay $0x1  }
0x81: {  	(erf) = vpow2.f32 v11;
	_ =	sdelay $0x8  }
0x82: {  	v11 =	vpop (erf)  }
0x83: {  	v11 =	vmul.f32 v11, v8;
	_ =	sdelay $0x1  }
0x84: {  	v9 =	vadd.f32 v11, v9;
	_ =	sdelay $0x1  }
0x85: {  	v9 =	vadd.f32 $-1.000000000e+00, v9;
	_ =	sdelay $0x1  }
0x86: {  	v37 =	vsub.f32 $0.0e+00, v9;
	_ =	sdelay $0x1  }
0x87: {  	v11 =	vmul.f32 $1.442695020e+00, v37;
	_ =	sdelay $0x1  }
0x88: {  	(erf) = vpow2.f32 v11;
	_ =	sdelay $0x8  }
0x89: {  	v11 =	vpop (erf)  }
0x8a: {  	v11 =	vmul.f32 v11, v8;
	_ =	sdelay $0x1  }
0x8b: {  	v9 =	vadd.f32 v11, v9;
	_ =	sdelay $0x1  }
0x8c: {  	v17 =	vadd.f32 $-1.000000000e+00, v9;
	_ =	sdelay $0x1  }
0x8d: {  	v9 =	vmul.f32 $1.442695020e+00, v17;
	_ =	sdelay $0x1  }
0x8e: {  	v9 =	vtrunc.f32 v9  }
0x8f: {  	v18 =	vcvt.f32.s32 v9;
	_ =	sdelay $0x1  }
0x90: {  	v9 =	vcvt.s32.f32 v18;
	_ =	sdelay $0x1  }
0x91: {  	v9 =	vmul.f32 $6.931471820e-01, v9;
	_ =	sdelay $0x1  }
0x92: {  	v9 =	vsub.f32 v9, v17;
	_ =	sdelay $0x1  }
0x93: {  	v19 =	vadd.f32 $0.0e+00, v9;
	_ =	sdelay $0x1  }
0x94: {  	v9 =	vmul.f32 $2.505210790e-08, v19;
	_ =	sdelay $0x1  }
0x95: {  	v9 =	vadd.f32 $2.755732000e-07, v9;
	_ =	sdelay $0x1  }
0x96: {  	v9 =	vmul.f32 v9, v19;
	_ =	sdelay $0x1  }
0x97: {  	v9 =	vadd.f32 $2.755731880e-06, v9;
	_ =	sdelay $0x1  }
0x98: {  	v9 =	vmul.f32 v9, v19;
	_ =	sdelay $0x1  }
0x99: {  	v9 =	vadd.f32 $2.480158760e-05, v9;
	_ =	sdelay $0x1  }
0x9a: {  	v9 =	vmul.f32 v9, v19;
	_ =	sdelay $0x1  }
0x9b: {  	v20 =	vmul.f32 v34, v55;
	v21 =	vmul.f32 v34, v56;
	v9 =	vadd.f32 $1.984127010e-04, v9  }
0x9c: {  	v22 =	vmul.f32 v34, v57;
	v23 =	vmul.f32 v34, v61  }
0x9d: {  	v9 =	vmul.f32 v9, v19  }
0x9e: {  	v5 =	vmax.f32 v20, v21;
	v6 =	vmax.f32 v22, v23  }
0x9f: {  	v5 =	vmax.f32 v5, v6;
	v38 =	vadd.f32 $1.388888920e-03, v9  }
0xa0: {  	v6 =	vperm.xlane v5, v0  }
0xa1: {  	v4 =	vmul.f32 v38, v19  }
0xa2: {  	v5 =	vmax.f32 v5, v6  }
0xa3: {  	v6 =	vperm.xlane v5, v1;
	v4 =	vadd.f32 $8.333333770e-03, v4;
	_ =	sdelay $0x1  }
0xa4: {  	v5 =	vmax.f32 v5, v6;
	v4 =	vmul.f32 v4, v19  }
0xa5: {  	v6 =	vperm.xlane v5, v2  }
0xa6: {  	v4 =	vadd.f32 $4.166666790e-02, v4  }
0xa7: {  	v5 =	vmax.f32 v5, v6  }
0xa8: {  	vm1 =	vgt.f32 v20, $3.000000120e-01;
	v6 =	vperm.xlane v5, v3;
	v4 =	vmul.f32 v4, v19  }
0xa9: {  	vm2 =	vgt.f32 v21, $3.000000120e-01;
	vm0 =	vgt.f32 v23, $3.000000120e-01;
	vm15 =	vgt.f32 v22, $3.000000120e-01  }
0xaa: {  	v39 =	vmax.f32 v5, v6;
	v5 =	vlaneseq.u32;
	v4 =	vadd.f32 $1.666666720e-01, v4  }
0xab: {  	vm3 =	veq.f32 v21, v39;
	vm4 =	veq.f32 v20, v39;
	v6 =	vor.u32 $0x10, v5  }
0xac: {  	vm13 =	veq.f32 v23, v39;
	v11 =	vor.u32 $0x70, v5;
	v4 =	vmul.f32 v4, v19  }
0xad: {  	v10 =	vor.u32 $0x40, v5;
	v12 =	vnsel vm13, $0xC0, v11;
	v9 =	vor.u32 $0x50, v5  }
0xae: {  	v40 =	vnsel vm3, $0xC0, v9;
	v24 =	vadd.f32 $5.000000000e-01, v4;
	v4 =	vor.u32 $0x30, v5  }
0xaf: {  	v25 =	vsel vm2, v6, v40;
	v27 =	vsel vm0, v4, v12;
	v12 =	vor.u32 $0x60, v5  }
0xb0: {  	vm14 =	veq.f32 v22, v39;
	v26 =	vmin.u32 v25, v10;
	v41 =	vmin.u32 v27, v12  }
0xb1: {  	v7 =	vor.u32 $0x20, v5;
	v25 =	vsel vm4, v26, v25;
	v42 =	vsel vm14, v41, v27  }
0xb2: {  	v25 =	vsel vm1, v5, v25;
	v26 =	vsel vm15, v7, v42  }
0xb3: {  	v24 =	vmul.f32 v24, v19;
	v25 =	vmin.u32 v25, v26  }
0xb4: {  	v26 =	vperm.xlane v25, v0  }
0xb5: {  	v24 =	vadd.f32 $1.000000000e+00, v24  }
0xb6: {  	vm8 =	vlt.s32 v25, v26  }
0xb7: {  	v19 =	vmul.f32 v24, v19;
	v43 =	vsel vm8, v25, v26  }
0xb8: {  	v25 =	vperm.xlane v43, v1  }
0xb9: {  	v18 =	vshll.u32 v18, $0x17;
	v19 =	vadd.f32 $1.000000000e+00, v19  }
0xba: {  	v18 =	vsub.s32 $0x3F800000, v18;
	vm4 =	vlt.s32 v43, v25  }
0xbb: {  	v18 =	vmul.f32 v18, v19;
	v44 =	vsel vm4, v43, v25  }
0xbc: {  	v45 =	vperm.xlane v44, v2  }
0xbd: {  	v8 =	vmul.f32 v18, v8  }
0xbe: {  	vm4 =	vlt.s32 v44, v45  }
0xbf: {  	v8 =	vadd.f32 v8, v17;
	v46 =	vsel vm4, v44, v45  }
0xc0: {  	v19 =	vperm.xlane v46, v3  }
0xc1: {  	v47 =	vadd.f32 $-1.000000000e+00, v8;
	v8 =	vimm.f32 $0.0e+00  }
0xc2: {  	v48 =	vsel vm1, $0x3F800000, v8;
	v49 =	vsel vm2, $0x3F800000, v8;
	vm4 =	vlt.s32 v46, v19  }
0xc3: {  	v51 =	vsel vm15, $0x3F800000, v8;
	v56 =	vsel vm0, $0x3F800000, v8;
	v17 =	vsel vm4, v46, v19  }
0xc4: {  	v14 =	vsub.f32 v14, v47;
	v15 =	vsub.f32 v15, v47;
	v50 =	vand.u32 $0x3F, v17  }
0xc5: {  	v13 =	vsub.f32 v13, v47;
	vm9 =	veq.s32 v50, v5;
	vm10 =	veq.s32 v50, v6  }
0xc6: {  	vm11 =	vlt.s32 v17, $0x40;
	v52 =	vsel vm9, $0x3F800000, v8;
	v53 =	vsel vm10, $0x3F800000, v8  }
0xc7: {  	vm12 =	veq.s32 v50, v7;
	v17 =	vsel vm11, v48, v52;
	v54 =	vsel vm11, v49, v53  }
0xc8: {  	v55 =	vsel vm12, $0x3F800000, v8;
	v14 =	vmul.f32 v14, v17;
	v15 =	vmul.f32 v15, v54  }
0xc9: {  	v16 =	vsub.f32 v16, v47;
	vm13 =	veq.s32 v50, v4;
	v57 =	vsel vm11, v51, v55  }
0xca: {  	v58 =	vsel vm13, $0x3F800000, v8;
	v13 =	vmul.f32 v13, v57;
	v14 =	vadd.f32 v15, v14  }
0xcb: {  	v59 =	vsel vm11, v56, v58  }
0xcc: {  	v60 =	vmul.f32 v16, v59;
	v13 =	vadd.f32 v14, v13  }
0xcd: {  	(v2sf) =	vpush v50, $0x0  }
0xce: {  	v13 =	vadd.f32 v13, v60;
	_ =	sdelay $0x1  }
0xcf: {  	v14 =	vperm.xlane v13, v0;
	_ =	sdelay $0x1  }
0xd0: {  	v13 =	vadd.f32 v13, v14;
	_ =	sdelay $0x1  }
0xd1: {  	v14 =	vperm.xlane v13, v1;
	_ =	sdelay $0x1  }
0xd2: {  	v13 =	vadd.f32 v13, v14;
	_ =	sdelay $0x1  }
0xd3: {  	v14 =	vperm.xlane v13, v2;
	_ =	sdelay $0x1  }
0xd4: {  	v13 =	vadd.f32 v13, v14;
	_ =	sdelay $0x1  }
0xd5: {  	[tilespmem:$0x3400] =	vst v20;
	s4 =	spop (v2sf);
	v14 =	vperm.xlane v13, v3  }
0xd6: {  	[tilespmem:$0x3410] =	vst v21;
	s5 =	sshll.u32 s4, $0x6  }
0xd7: {  	v62 =	vld [tilespmem:$0x250];
	[tilespmem:$0x3420] =	vst v22;
	s6 =	sadd.s32 $0x400, s5;
	v13 =	vadd.f32 v13, v14  }
0xd8: {  	v28 =	vld [tilespmem:$0x270];
	[tilespmem:$0x3430] =	vst v23;
	s7 =	sand.u32 $0x40, s5;
	s6 =	sand.u32 $0x1F80, s6  }
0xd9: {  	v61 =	vld [tilespmem:$0x240];
	s6 =	sor.u32 s7, s6;
	[tilespmem:$0x3500] =	vst v13  }
0xda: {  	v13 =	vld [tilespmem:s6+$0x0]  }
0xdb: {  	v63 =	vld [tilespmem:s5+$0x410]  }
0xdc: {  	v25 =	vld [tilespmem:s5+$0x420]  }
0xdd: {  	v26 =	vld [tilespmem:s5+$0x430]  }
0xde: {  	v27 =	vld [tilespmem:$0x260];
	s18 =	sor.u32 $0x340, s4  }
0xdf: {  	v24 =	vld.msk [tilespmem:s18+$0x0 ss:$0x0], $0xffff  }
0xe0: {  	v13 =	vadd.f32 v13, v13  }
0xe1: {  	v16 =	vadd.f32 v63, v63;
	v29 =	vadd.f32 v25, v25  }
0xe2: {  	v30 =	vadd.f32 v26, v26;
	v13 =	vadd.f32 v13, v61  }
0xe3: {  	v15 =	vadd.f32 v16, v62;
	v16 =	vadd.f32 v29, v27  }
0xe4: {  	v14 =	vadd.f32 v30, v28;
	v13 =	vadd.f32 v13, v24  }
0xe5: {  	v15 =	vadd.f32 v15, v24;
	v16 =	vadd.f32 v16, v24  }
0xe6: {  	v14 =	vadd.f32 v14, v24  }
0xe7: {  	v13 =	vmax.f32 v13, $1.000000020e-24;
	v15 =	vmax.f32 v15, $1.000000020e-24;
	v16 =	vmax.f32 v16, $1.000000020e-24  }
0xe8: {  	v14 =	vmax.f32 v14, $1.000000020e-24;
	v31 =	vshra.s32 v13, $0x1;
	v13 =	vmul.f32 $5.000000000e-01, v13  }
0xe9: {  	v33 =	vshra.s32 v15, $0x1;
	v15 =	vmul.f32 $5.000000000e-01, v15;
	v34 =	vshra.s32 v16, $0x1  }
0xea: {  	v16 =	vmul.f32 $5.000000000e-01, v16;
	v18 =	vsub.s32 $0x5F3759DF, v31;
	v19 =	vsub.s32 $0x5F3759DF, v33  }
0xeb: {  	v20 =	vsub.s32 $0x5F3759DF, v34;
	v32 =	vmul.f32 v18, v13;
	v35 =	vmul.f32 v19, v15  }
0xec: {  	v37 =	vshra.s32 v14, $0x1;
	v14 =	vmul.f32 $5.000000000e-01, v14;
	v36 =	vmul.f32 v20, v16  }
0xed: {  	v23 =	vsub.s32 $0x5F3759DF, v37;
	v17 =	vmul.f32 v18, v32;
	v21 =	vmul.f32 v19, v35  }
0xee: {  	v38 =	vmul.f32 v23, v14;
	v22 =	vmul.f32 v20, v36  }
0xef: {  	v17 =	vsub.f32 $1.500000000e+00, v17;
	v21 =	vsub.f32 $1.500000000e+00, v21  }
0xf0: {  	v40 =	vmul.f32 v23, v38;
	v39 =	vsub.f32 $1.500000000e+00, v22  }
0xf1: {  	v17 =	vmul.f32 v18, v17;
	v19 =	vmul.f32 v19, v21  }
0xf2: {  	v18 =	vmul.f32 v20, v39;
	v21 =	vsub.f32 $1.500000000e+00, v40  }
0xf3: {  	v41 =	vmul.f32 v17, v13;
	v42 =	vmul.f32 v19, v15  }
0xf4: {  	v43 =	vmul.f32 v18, v16;
	v21 =	vmul.f32 v23, v21  }
0xf5: {  	v22 =	vmul.f32 v41, v17;
	v20 =	vmul.f32 v42, v19  }
0xf6: {  	v44 =	vmul.f32 v43, v18;
	v45 =	vmul.f32 v21, v14  }
0xf7: {  	v22 =	vsub.f32 $1.500000000e+00, v22;
	v20 =	vsub.f32 $1.500000000e+00, v20  }
0xf8: {  	v46 =	vsub.f32 $1.500000000e+00, v44;
	v47 =	vmul.f32 v45, v21  }
0xf9: {  	v17 =	vmul.f32 v22, v17;
	v19 =	vmul.f32 v20, v19  }
0xfa: {  	v50 =	vld [tilespmem:$0x50];
	s4 =	sor.u32 $0x140, s4;
	v18 =	vmul.f32 v46, v18;
	v20 =	vsub.f32 $1.500000000e+00, v47  }
0xfb: {  	v49 =	vld.msk [tilespmem:s4+$0x0 ss:$0x0], $0xffff;
	v13 =	vmul.f32 v17, v13;
	v15 =	vmul.f32 v19, v15  }
0xfc: {  	v48 =	vld [tilespmem:$0x40];
	v16 =	vmul.f32 v18, v16;
	v20 =	vmul.f32 v20, v21  }
0xfd: {  	v51 =	vld [tilespmem:$0x60];
	v13 =	vmul.f32 v13, v17;
	v15 =	vmul.f32 v15, v19  }
0xfe: {  	v16 =	vmul.f32 v16, v18;
	v14 =	vmul.f32 v20, v14  }
0xff: {  	v52 =	vld [tilespmem:$0x70];
	v13 =	vsub.f32 $1.500000000e+00, v13;
	v15 =	vsub.f32 $1.500000000e+00, v15  }
0x100: {  	v53 =	vadd.f32 v49, v50;
	v16 =	vsub.f32 $1.500000000e+00, v16;
	v54 =	vmul.f32 v14, v20  }
0x101: {  	v23 =	vadd.f32 v49, v48;
	v13 =	vmul.f32 v13, v17;
	v15 =	vmul.f32 v15, v19  }
0x102: {  	v55 =	vadd.f32 v49, v51;
	v16 =	vmul.f32 v16, v18;
	v57 =	vsub.f32 $1.500000000e+00, v54  }
0x103: {  	v13 =	vmul.f32 v13, v23;
	v56 =	vmul.f32 v15, v53  }
0x104: {  	v60 =	vadd.f32 v49, v52;
	v58 =	vmul.f32 v16, v55;
	v17 =	vmul.f32 v57, v20  }
0x105: {  	v59 =	vmul.f32 $2.505210790e-08, v13;
	v61 =	vmul.f32 $2.505210790e-08, v56  }
0x106: {  	v63 =	vmul.f32 v17, v60  }
0x107: {  	v29 =	vmul.f32 $2.505210790e-08, v58;
	v62 =	vadd.f32 $2.755732000e-07, v59;
	v28 =	vadd.f32 $2.755732000e-07, v61  }
0x108: {  	v31 =	vmul.f32 $2.505210790e-08, v63  }
0x109: {  	v18 =	vadd.f32 $2.755732000e-07, v29;
	v30 =	vmul.f32 v62, v13;
	v17 =	vmul.f32 v28, v56  }
0x10a: {  	v20 =	vadd.f32 $2.755732000e-07, v31  }
0x10b: {  	v18 =	vmul.f32 v18, v58;
	v19 =	vadd.f32 $2.755731880e-06, v30;
	v17 =	vadd.f32 $2.755731880e-06, v17  }
0x10c: {  	v20 =	vmul.f32 v20, v63  }
0x10d: {  	v18 =	vadd.f32 $2.755731880e-06, v18;
	v19 =	vmul.f32 v19, v13;
	v17 =	vmul.f32 v17, v56  }
0x10e: {  	v20 =	vadd.f32 $2.755731880e-06, v20  }
0x10f: {  	v18 =	vmul.f32 v18, v58;
	v19 =	vadd.f32 $2.480158760e-05, v19;
	v17 =	vadd.f32 $2.480158760e-05, v17  }
0x110: {  	v20 =	vmul.f32 v20, v63  }
0x111: {  	v18 =	vadd.f32 $2.480158760e-05, v18;
	v19 =	vmul.f32 v19, v13;
	v17 =	vmul.f32 v17, v56  }
0x112: {  	v20 =	vadd.f32 $2.480158760e-05, v20  }
0x113: {  	v18 =	vmul.f32 v18, v58;
	v19 =	vadd.f32 $1.984127010e-04, v19;
	v17 =	vadd.f32 $1.984127010e-04, v17  }
0x114: {  	v20 =	vmul.f32 v20, v63  }
0x115: {  	v18 =	vadd.f32 $1.984127010e-04, v18;
	v19 =	vmul.f32 v19, v13;
	v17 =	vmul.f32 v17, v56  }
0x116: {  	v20 =	vadd.f32 $1.984127010e-04, v20  }
0x117: {  	v18 =	vmul.f32 v18, v58;
	v19 =	vadd.f32 $1.388888920e-03, v19;
	v17 =	vadd.f32 $1.388888920e-03, v17  }
0x118: {  	v20 =	vmul.f32 v20, v63  }
0x119: {  	v18 =	vadd.f32 $1.388888920e-03, v18;
	v19 =	vmul.f32 v19, v13;
	v17 =	vmul.f32 v17, v56  }
0x11a: {  	v20 =	vadd.f32 $1.388888920e-03, v20  }
0x11b: {  	v18 =	vmul.f32 v18, v58;
	v19 =	vadd.f32 $8.333333770e-03, v19;
	v17 =	vadd.f32 $8.333333770e-03, v17  }
0x11c: {  	v20 =	vmul.f32 v20, v63  }
0x11d: {  	v18 =	vadd.f32 $8.333333770e-03, v18;
	v19 =	vmul.f32 v19, v13;
	v17 =	vmul.f32 v17, v56  }
0x11e: {  	v20 =	vadd.f32 $8.333333770e-03, v20  }
0x11f: {  	v18 =	vmul.f32 v18, v58;
	v19 =	vadd.f32 $4.166666790e-02, v19;
	v17 =	vadd.f32 $4.166666790e-02, v17  }
0x120: {  	v20 =	vmul.f32 v20, v63  }
0x121: {  	v18 =	vadd.f32 $4.166666790e-02, v18;
	v19 =	vmul.f32 v19, v13;
	v17 =	vmul.f32 v17, v56  }
0x122: {  	v20 =	vadd.f32 $4.166666790e-02, v20  }
0x123: {  	v18 =	vmul.f32 v18, v58;
	v19 =	vadd.f32 $1.666666720e-01, v19;
	v17 =	vadd.f32 $1.666666720e-01, v17  }
0x124: {  	v20 =	vmul.f32 v20, v63  }
0x125: {  	v18 =	vadd.f32 $1.666666720e-01, v18;
	v19 =	vmul.f32 v19, v13;
	v17 =	vmul.f32 v17, v56  }
0x126: {  	v20 =	vadd.f32 $1.666666720e-01, v20  }
0x127: {  	v18 =	vmul.f32 v18, v58;
	v19 =	vadd.f32 $5.000000000e-01, v19;
	v17 =	vadd.f32 $5.000000000e-01, v17  }
0x128: {  	v20 =	vmul.f32 v20, v63  }
0x129: {  	v18 =	vadd.f32 $5.000000000e-01, v18;
	v19 =	vmul.f32 v19, v13;
	v17 =	vmul.f32 v17, v56  }
0x12a: {  	v20 =	vadd.f32 $5.000000000e-01, v20  }
0x12b: {  	v18 =	vmul.f32 v18, v58;
	v19 =	vadd.f32 $1.000000000e+00, v19;
	v17 =	vadd.f32 $1.000000000e+00, v17  }
0x12c: {  	v20 =	vmul.f32 v20, v63  }
0x12d: {  	v18 =	vadd.f32 $1.000000000e+00, v18;
	v19 =	vmul.f32 v19, v13;
	v17 =	vmul.f32 v17, v56  }
0x12e: {  	v20 =	vadd.f32 $1.000000000e+00, v20  }
0x12f: {  	v18 =	vmul.f32 v18, v58;
	v19 =	vadd.f32 $1.000000000e+00, v19;
	v17 =	vadd.f32 $1.000000000e+00, v17;
	_ =	sdelay $0x1  }
0x130: {  	v18 =	vadd.f32 $1.000000000e+00, v18;
	v20 =	vmul.f32 v20, v63;
	v32 =	vadd.f32 v17, v19;
	_ =	sdelay $0x1  }
0x131: {  	v20 =	vadd.f32 $1.000000000e+00, v20;
	v21 =	vadd.f32 v18, v32;
	_ =	sdelay $0x1  }
0x132: {  	v21 =	vadd.f32 v20, v21;
	_ =	sdelay $0x1  }
0x133: {  	v33 =	vperm.xlane v21, v0;
	_ =	sdelay $0x1  }
0x134: {  	v21 =	vadd.f32 v21, v33;
	_ =	sdelay $0x1  }
0x135: {  	v22 =	vperm.xlane v21, v1;
	_ =	sdelay $0x1  }
0x136: {  	v21 =	vadd.f32 v21, v22;
	_ =	sdelay $0x1  }
0x137: {  	v22 =	vperm.xlane v21, v2;
	_ =	sdelay $0x1  }
0x138: {  	v21 =	vadd.f32 v21, v22;
	_ =	sdelay $0x1  }
0x139: {  	v22 =	vperm.xlane v21, v3;
	_ =	sdelay $0x1  }
0x13a: {  	v21 =	vadd.f32 v21, v22;
	_ =	sdelay $0x1  }
0x13b: {  	v22 =	vshrl.u32 v21, $0x17  }
0x13c: {  	v22 =	vand.u32 $0xFF, v22  }
0x13d: {  	v22 =	vadd.s32 $0xFFFFFF81, v22  }
0x13e: {  	v34 =	vand.u32 $0x7FFFFF, v21;
	v22 =	vcvt.s32.f32 v22  }
0x13f: {  	v23 =	vor.u32 $0x3F800000, v34  }
0x140: {  	v23 =	vadd.f32 $-1.000000000e+00, v23;
	v22 =	vmul.f32 $6.931471820e-01, v22;
	_ =	sdelay $0x1  }
0x141: {  	v22 =	vadd.f32 v22, v23;
	_ =	sdelay $0x1  }
0x142: {  	v23 =	vsub.f32 $0.0e+00, v22;
	_ =	sdelay $0x1  }
0x143: {  	v23 =	vmul.f32 $1.442695020e+00, v23  }
0x144: {  	(erf) = vrcp.f32 v21  }
0x145: {  	(erf) = vpow2.f32 v23;
	_ =	sdelay $0x7  }
0x146: {  	v35 =	vpop (erf)  }
0x147: {  	v36 =	vpop (erf)  }
0x148: {  	v24 =	vmul.f32 v36, v21;
	_ =	sdelay $0x1  }
0x149: {  	v22 =	vadd.f32 v24, v22;
	_ =	sdelay $0x1  }
0x14a: {  	v22 =	vadd.f32 $-1.000000000e+00, v22;
	_ =	sdelay $0x1  }
0x14b: {  	v37 =	vsub.f32 $0.0e+00, v22;
	_ =	sdelay $0x1  }
0x14c: {  	v24 =	vmul.f32 $1.442695020e+00, v37;
	_ =	sdelay $0x1  }
0x14d: {  	(erf) = vpow2.f32 v24;
	_ =	sdelay $0x8  }
0x14e: {  	v24 =	vpop (erf)  }
0x14f: {  	v24 =	vmul.f32 v24, v21;
	_ =	sdelay $0x1  }
0x150: {  	v22 =	vadd.f32 v24, v22;
	_ =	sdelay $0x1  }
0x151: {  	v22 =	vadd.f32 $-1.000000000e+00, v22;
	_ =	sdelay $0x1  }
0x152: {  	v38 =	vsub.f32 $0.0e+00, v22;
	_ =	sdelay $0x1  }
0x153: {  	v24 =	vmul.f32 $1.442695020e+00, v38;
	_ =	sdelay $0x1  }
0x154: {  	(erf) = vpow2.f32 v24;
	_ =	sdelay $0x8  }
0x155: {  	v24 =	vpop (erf)  }
0x156: {  	v24 =	vmul.f32 v24, v21;
	_ =	sdelay $0x1  }
0x157: {  	v22 =	vadd.f32 v24, v22;
	_ =	sdelay $0x1  }
0x158: {  	v22 =	vadd.f32 $-1.000000000e+00, v22;
	_ =	sdelay $0x1  }
0x159: {  	v39 =	vmul.f32 $1.442695020e+00, v22;
	_ =	sdelay $0x1  }
0x15a: {  	v24 =	vtrunc.f32 v39  }
0x15b: {  	v24 =	vcvt.f32.s32 v24;
	_ =	sdelay $0x1  }
0x15c: {  	v40 =	vcvt.s32.f32 v24;
	_ =	sdelay $0x1  }
0x15d: {  	v25 =	vmul.f32 $6.931471820e-01, v40;
	_ =	sdelay $0x1  }
0x15e: {  	v25 =	vsub.f32 v25, v22;
	_ =	sdelay $0x1  }
0x15f: {  	v25 =	vadd.f32 $0.0e+00, v25;
	_ =	sdelay $0x1  }
0x160: {  	v41 =	vmul.f32 $2.505210790e-08, v25;
	_ =	sdelay $0x1  }
0x161: {  	v26 =	vadd.f32 $2.755732000e-07, v41;
	_ =	sdelay $0x1  }
0x162: {  	v26 =	vmul.f32 v26, v25;
	_ =	sdelay $0x1  }
0x163: {  	v26 =	vadd.f32 $2.755731880e-06, v26;
	_ =	sdelay $0x1  }
0x164: {  	v26 =	vmul.f32 v26, v25;
	_ =	sdelay $0x1  }
0x165: {  	v26 =	vadd.f32 $2.480158760e-05, v26;
	_ =	sdelay $0x1  }
0x166: {  	v26 =	vmul.f32 v26, v25;
	_ =	sdelay $0x1  }
0x167: {  	v19 =	vmul.f32 v35, v19;
	v17 =	vmul.f32 v35, v17;
	v26 =	vadd.f32 $1.984127010e-04, v26  }
0x168: {  	v18 =	vmul.f32 v35, v18;
	v20 =	vmul.f32 v35, v20  }
0x169: {  	v26 =	vmul.f32 v26, v25  }
0x16a: {  	v43 =	vmax.f32 v19, v17;
	v44 =	vmax.f32 v18, v20  }
0x16b: {  	v42 =	vadd.f32 $1.388888920e-03, v26;
	v26 =	vmax.f32 v43, v44  }
0x16c: {  	v27 =	vperm.xlane v26, v0;
	_ =	sdelay $0x1  }
0x16d: {  	v23 =	vmul.f32 v42, v25;
	v26 =	vmax.f32 v26, v27  }
0x16e: {  	v27 =	vperm.xlane v26, v1  }
0x16f: {  	v23 =	vadd.f32 $8.333333770e-03, v23  }
0x170: {  	v26 =	vmax.f32 v26, v27  }
0x171: {  	v23 =	vmul.f32 v23, v25;
	v27 =	vperm.xlane v26, v2;
	_ =	sdelay $0x1  }
0x172: {  	v23 =	vadd.f32 $4.166666790e-02, v23;
	v26 =	vmax.f32 v26, v27  }
0x173: {  	v27 =	vperm.xlane v26, v3  }
0x174: {  	vm15 =	vgt.f32 v17, $3.000000120e-01;
	vm0 =	vgt.f32 v20, $3.000000120e-01;
	v23 =	vmul.f32 v23, v25  }
0x175: {  	vm10 =	vgt.f32 v19, $3.000000120e-01;
	vm11 =	vgt.f32 v18, $3.000000120e-01;
	v26 =	vmax.f32 v26, v27  }
0x176: {  	v23 =	vadd.f32 $1.666666720e-01, v23;
	vm14 =	veq.f32 v17, v26;
	vm7 =	veq.f32 v20, v26  }
0x177: {  	vm8 =	veq.f32 v19, v26;
	v45 =	vnsel vm14, $0xC0, v9;
	v28 =	vnsel vm7, $0xC0, v11  }
0x178: {  	v23 =	vmul.f32 v23, v25;
	v27 =	vsel vm15, v6, v45;
	v28 =	vsel vm0, v4, v28  }
0x179: {  	vm9 =	veq.f32 v18, v26;
	v29 =	vmin.u32 v27, v10;
	v46 =	vmin.u32 v28, v12  }
0x17a: {  	v23 =	vadd.f32 $5.000000000e-01, v23;
	v27 =	vsel vm8, v29, v27;
	v26 =	vsel vm9, v46, v28  }
0x17b: {  	v27 =	vsel vm10, v5, v27;
	v26 =	vsel vm11, v7, v26  }
0x17c: {  	v23 =	vmul.f32 v23, v25;
	v26 =	vmin.u32 v27, v26  }
0x17d: {  	v27 =	vperm.xlane v26, v0  }
0x17e: {  	v23 =	vadd.f32 $1.000000000e+00, v23  }
0x17f: {  	vm12 =	vlt.s32 v26, v27  }
0x180: {  	v23 =	vmul.f32 v23, v25;
	v47 =	vsel vm12, v26, v27  }
0x181: {  	v26 =	vperm.xlane v47, v1  }
0x182: {  	v24 =	vshll.u32 v24, $0x17;
	v23 =	vadd.f32 $1.000000000e+00, v23  }
0x183: {  	v24 =	vsub.s32 $0x3F800000, v24;
	vm4 =	vlt.s32 v47, v26  }
0x184: {  	v23 =	vmul.f32 v24, v23;
	v48 =	vsel vm4, v47, v26  }
0x185: {  	v49 =	vperm.xlane v48, v2  }
0x186: {  	v21 =	vmul.f32 v23, v21  }
0x187: {  	vm4 =	vlt.s32 v48, v49  }
0x188: {  	v21 =	vadd.f32 v21, v22;
	v50 =	vsel vm4, v48, v49  }
0x189: {  	v23 =	vperm.xlane v50, v3  }
0x18a: {  	v21 =	vadd.f32 $-1.000000000e+00, v21  }
0x18b: {  	v52 =	vsel vm10, $0x3F800000, v8;
	v53 =	vsel vm15, $0x3F800000, v8;
	vm4 =	vlt.s32 v50, v23  }
0x18c: {  	v55 =	vsel vm11, $0x3F800000, v8;
	v13 =	vsub.f32 v13, v21;
	v51 =	vsel vm4, v50, v23  }
0x18d: {  	v14 =	vsub.f32 v56, v21;
	v15 =	vsub.f32 v58, v21;
	v54 =	vand.u32 $0x3F, v51  }
0x18e: {  	v16 =	vsub.f32 v63, v21;
	vm13 =	veq.s32 v54, v5;
	vm14 =	veq.s32 v54, v6  }
0x18f: {  	vm15 =	vlt.s32 v51, $0x40;
	v56 =	vsel vm13, $0x3F800000, v8;
	v57 =	vsel vm14, $0x3F800000, v8  }
0x190: {  	vm6 =	veq.s32 v54, v7;
	v21 =	vsel vm15, v52, v56;
	v58 =	vsel vm15, v53, v57  }
0x191: {  	v59 =	vsel vm6, $0x3F800000, v8;
	v13 =	vmul.f32 v13, v21;
	v14 =	vmul.f32 v14, v58  }
0x192: {  	v60 =	vsel vm0, $0x3F800000, v8;
	vm7 =	veq.s32 v54, v4;
	v61 =	vsel vm15, v55, v59  }
0x193: {  	v62 =	vsel vm7, $0x3F800000, v8;
	v63 =	vmul.f32 v15, v61;
	v13 =	vadd.f32 v14, v13  }
0x194: {  	v22 =	vsel vm15, v60, v62  }
0x195: {  	v23 =	vmul.f32 v16, v22;
	v13 =	vadd.f32 v13, v63  }
0x196: {  	(v2sf) =	vpush v54, $0x0  }
0x197: {  	v13 =	vadd.f32 v13, v23;
	_ =	sdelay $0x1  }
0x198: {  	v14 =	vperm.xlane v13, v0;
	_ =	sdelay $0x1  }
0x199: {  	v13 =	vadd.f32 v13, v14;
	_ =	sdelay $0x1  }
0x19a: {  	v14 =	vperm.xlane v13, v1;
	_ =	sdelay $0x1  }
0x19b: {  	v13 =	vadd.f32 v13, v14;
	_ =	sdelay $0x1  }
0x19c: {  	v14 =	vperm.xlane v13, v2;
	_ =	sdelay $0x1  }
0x19d: {  	v13 =	vadd.f32 v13, v14;
	_ =	sdelay $0x1  }
0x19e: {  	[tilespmem:$0x3440] =	vst v19;
	s19 =	spop (v2sf);
	v14 =	vperm.xlane v13, v3  }
0x19f: {  	[tilespmem:$0x3450] =	vst v17;
	s20 =	sshll.u32 s19, $0x6  }
0x1a0: {  	[tilespmem:$0x3460] =	vst v18;
	v28 =	vld [tilespmem:$0x2B0];
	s21 =	sadd.s32 $0x1400, s20;
	v13 =	vadd.f32 v13, v14  }
0x1a1: {  	[tilespmem:$0x3470] =	vst v20;
	v25 =	vld [tilespmem:$0x290];
	s22 =	sand.u32 $0x40, s20;
	s6 =	sand.u32 $0x3F80, s21  }
0x1a2: {  	v24 =	vld [tilespmem:$0x280];
	s6 =	sor.u32 s22, s6;
	[tilespmem:$0x3510] =	vst v13  }
0x1a3: {  	v13 =	vld [tilespmem:s6+$0x0]  }
0x1a4: {  	v26 =	vld [tilespmem:s20+$0x1410]  }
0x1a5: {  	v18 =	vld [tilespmem:s20+$0x1420]  }
0x1a6: {  	v19 =	vld [tilespmem:s20+$0x1430]  }
0x1a7: {  	v27 =	vld [tilespmem:$0x2A0];
	s23 =	sor.u32 $0x380, s19  }
0x1a8: {  	v17 =	vld.msk [tilespmem:s23+$0x0 ss:$0x0], $0xffff  }
0x1a9: {  	v13 =	vadd.f32 v13, v13  }
0x1aa: {  	v16 =	vadd.f32 v26, v26;
	v29 =	vadd.f32 v18, v18  }
0x1ab: {  	v30 =	vadd.f32 v19, v19;
	v13 =	vadd.f32 v13, v24  }
0x1ac: {  	v15 =	vadd.f32 v16, v25;
	v16 =	vadd.f32 v29, v27  }
0x1ad: {  	v14 =	vadd.f32 v30, v28;
	v13 =	vadd.f32 v13, v17  }
0x1ae: {  	v15 =	vadd.f32 v15, v17;
	v16 =	vadd.f32 v16, v17  }
0x1af: {  	v14 =	vadd.f32 v14, v17  }
0x1b0: {  	v13 =	vmax.f32 v13, $1.000000020e-24;
	v15 =	vmax.f32 v15, $1.000000020e-24;
	v16 =	vmax.f32 v16, $1.000000020e-24  }
0x1b1: {  	v14 =	vmax.f32 v14, $1.000000020e-24;
	v31 =	vshra.s32 v13, $0x1;
	v13 =	vmul.f32 $5.000000000e-01, v13  }
0x1b2: {  	v33 =	vshra.s32 v15, $0x1;
	v15 =	vmul.f32 $5.000000000e-01, v15;
	v34 =	vshra.s32 v16, $0x1  }
0x1b3: {  	v16 =	vmul.f32 $5.000000000e-01, v16;
	v18 =	vsub.s32 $0x5F3759DF, v31;
	v19 =	vsub.s32 $0x5F3759DF, v33  }
0x1b4: {  	v20 =	vsub.s32 $0x5F3759DF, v34;
	v32 =	vmul.f32 v18, v13;
	v35 =	vmul.f32 v19, v15  }
0x1b5: {  	v37 =	vshra.s32 v14, $0x1;
	v14 =	vmul.f32 $5.000000000e-01, v14;
	v36 =	vmul.f32 v20, v16  }
0x1b6: {  	v23 =	vsub.s32 $0x5F3759DF, v37;
	v17 =	vmul.f32 v18, v32;
	v21 =	vmul.f32 v19, v35  }
0x1b7: {  	v38 =	vmul.f32 v23, v14;
	v22 =	vmul.f32 v20, v36  }
0x1b8: {  	v17 =	vsub.f32 $1.500000000e+00, v17;
	v21 =	vsub.f32 $1.500000000e+00, v21  }
0x1b9: {  	v40 =	vmul.f32 v23, v38;
	v39 =	vsub.f32 $1.500000000e+00, v22  }
0x1ba: {  	v17 =	vmul.f32 v18, v17;
	v19 =	vmul.f32 v19, v21  }
0x1bb: {  	v18 =	vmul.f32 v20, v39;
	v21 =	vsub.f32 $1.500000000e+00, v40  }
0x1bc: {  	v41 =	vmul.f32 v17, v13;
	v42 =	vmul.f32 v19, v15  }
0x1bd: {  	v43 =	vmul.f32 v18, v16;
	v21 =	vmul.f32 v23, v21  }
0x1be: {  	v22 =	vmul.f32 v41, v17;
	v20 =	vmul.f32 v42, v19  }
0x1bf: {  	v44 =	vmul.f32 v43, v18;
	v45 =	vmul.f32 v21, v14  }
0x1c0: {  	v22 =	vsub.f32 $1.500000000e+00, v22;
	v20 =	vsub.f32 $1.500000000e+00, v20  }
0x1c1: {  	v46 =	vsub.f32 $1.500000000e+00, v44;
	v47 =	vmul.f32 v45, v21  }
0x1c2: {  	v17 =	vmul.f32 v22, v17;
	v19 =	vmul.f32 v20, v19  }
0x1c3: {  	v50 =	vld [tilespmem:$0x90];
	s4 =	sor.u32 $0x180, s19;
	v18 =	vmul.f32 v46, v18;
	v20 =	vsub.f32 $1.500000000e+00, v47  }
0x1c4: {  	v49 =	vld.msk [tilespmem:s4+$0x0 ss:$0x0], $0xffff;
	v13 =	vmul.f32 v17, v13;
	v15 =	vmul.f32 v19, v15  }
0x1c5: {  	v48 =	vld [tilespmem:$0x80];
	v16 =	vmul.f32 v18, v16;
	v20 =	vmul.f32 v20, v21  }
0x1c6: {  	v51 =	vld [tilespmem:$0xA0];
	v13 =	vmul.f32 v13, v17;
	v15 =	vmul.f32 v15, v19  }
0x1c7: {  	v16 =	vmul.f32 v16, v18;
	v14 =	vmul.f32 v20, v14  }
0x1c8: {  	v52 =	vld [tilespmem:$0xB0];
	v13 =	vsub.f32 $1.500000000e+00, v13;
	v15 =	vsub.f32 $1.500000000e+00, v15  }
0x1c9: {  	v53 =	vadd.f32 v49, v50;
	v16 =	vsub.f32 $1.500000000e+00, v16;
	v54 =	vmul.f32 v14, v20  }
0x1ca: {  	v23 =	vadd.f32 v49, v48;
	v13 =	vmul.f32 v13, v17;
	v15 =	vmul.f32 v15, v19  }
0x1cb: {  	v55 =	vadd.f32 v49, v51;
	v16 =	vmul.f32 v16, v18;
	v57 =	vsub.f32 $1.500000000e+00, v54  }
0x1cc: {  	v13 =	vmul.f32 v13, v23;
	v56 =	vmul.f32 v15, v53  }
0x1cd: {  	v60 =	vadd.f32 v49, v52;
	v58 =	vmul.f32 v16, v55;
	v17 =	vmul.f32 v57, v20  }
0x1ce: {  	v59 =	vmul.f32 $2.505210790e-08, v13;
	v61 =	vmul.f32 $2.505210790e-08, v56  }
0x1cf: {  	v63 =	vmul.f32 v17, v60  }
0x1d0: {  	v28 =	vmul.f32 $2.505210790e-08, v58;
	v62 =	vadd.f32 $2.755732000e-07, v59;
	v27 =	vadd.f32 $2.755732000e-07, v61  }
0x1d1: {  	v30 =	vmul.f32 $2.505210790e-08, v63  }
0x1d2: {  	v18 =	vadd.f32 $2.755732000e-07, v28;
	v29 =	vmul.f32 v62, v13;
	v17 =	vmul.f32 v27, v56  }
0x1d3: {  	v20 =	vadd.f32 $2.755732000e-07, v30  }
0x1d4: {  	v18 =	vmul.f32 v18, v58;
	v19 =	vadd.f32 $2.755731880e-06, v29;
	v17 =	vadd.f32 $2.755731880e-06, v17  }
0x1d5: {  	v20 =	vmul.f32 v20, v63  }
0x1d6: {  	v18 =	vadd.f32 $2.755731880e-06, v18;
	v19 =	vmul.f32 v19, v13;
	v17 =	vmul.f32 v17, v56  }
0x1d7: {  	v20 =	vadd.f32 $2.755731880e-06, v20  }
0x1d8: {  	v18 =	vmul.f32 v18, v58;
	v19 =	vadd.f32 $2.480158760e-05, v19;
	v17 =	vadd.f32 $2.480158760e-05, v17  }
0x1d9: {  	v20 =	vmul.f32 v20, v63  }
0x1da: {  	v18 =	vadd.f32 $2.480158760e-05, v18;
	v19 =	vmul.f32 v19, v13;
	v17 =	vmul.f32 v17, v56  }
0x1db: {  	v20 =	vadd.f32 $2.480158760e-05, v20  }
0x1dc: {  	v18 =	vmul.f32 v18, v58;
	v19 =	vadd.f32 $1.984127010e-04, v19;
	v17 =	vadd.f32 $1.984127010e-04, v17  }
0x1dd: {  	v20 =	vmul.f32 v20, v63  }
0x1de: {  	v18 =	vadd.f32 $1.984127010e-04, v18;
	v19 =	vmul.f32 v19, v13;
	v17 =	vmul.f32 v17, v56  }
0x1df: {  	v20 =	vadd.f32 $1.984127010e-04, v20  }
0x1e0: {  	v18 =	vmul.f32 v18, v58;
	v19 =	vadd.f32 $1.388888920e-03, v19;
	v17 =	vadd.f32 $1.388888920e-03, v17  }
0x1e1: {  	v20 =	vmul.f32 v20, v63  }
0x1e2: {  	v18 =	vadd.f32 $1.388888920e-03, v18;
	v19 =	vmul.f32 v19, v13;
	v17 =	vmul.f32 v17, v56  }
0x1e3: {  	v20 =	vadd.f32 $1.388888920e-03, v20  }
0x1e4: {  	v18 =	vmul.f32 v18, v58;
	v19 =	vadd.f32 $8.333333770e-03, v19;
	v17 =	vadd.f32 $8.333333770e-03, v17  }
0x1e5: {  	v20 =	vmul.f32 v20, v63  }
0x1e6: {  	v18 =	vadd.f32 $8.333333770e-03, v18;
	v19 =	vmul.f32 v19, v13;
	v17 =	vmul.f32 v17, v56  }
0x1e7: {  	v20 =	vadd.f32 $8.333333770e-03, v20  }
0x1e8: {  	v18 =	vmul.f32 v18, v58;
	v19 =	vadd.f32 $4.166666790e-02, v19;
	v17 =	vadd.f32 $4.166666790e-02, v17  }
0x1e9: {  	v20 =	vmul.f32 v20, v63  }
0x1ea: {  	v18 =	vadd.f32 $4.166666790e-02, v18;
	v19 =	vmul.f32 v19, v13;
	v17 =	vmul.f32 v17, v56  }
0x1eb: {  	v20 =	vadd.f32 $4.166666790e-02, v20  }
0x1ec: {  	v18 =	vmul.f32 v18, v58;
	v19 =	vadd.f32 $1.666666720e-01, v19;
	v17 =	vadd.f32 $1.666666720e-01, v17  }
0x1ed: {  	v20 =	vmul.f32 v20, v63  }
0x1ee: {  	v18 =	vadd.f32 $1.666666720e-01, v18;
	v19 =	vmul.f32 v19, v13;
	v17 =	vmul.f32 v17, v56  }
0x1ef: {  	v20 =	vadd.f32 $1.666666720e-01, v20  }
0x1f0: {  	v18 =	vmul.f32 v18, v58;
	v19 =	vadd.f32 $5.000000000e-01, v19;
	v17 =	vadd.f32 $5.000000000e-01, v17  }
0x1f1: {  	v20 =	vmul.f32 v20, v63  }
0x1f2: {  	v18 =	vadd.f32 $5.000000000e-01, v18;
	v19 =	vmul.f32 v19, v13;
	v17 =	vmul.f32 v17, v56  }
0x1f3: {  	v20 =	vadd.f32 $5.000000000e-01, v20  }
0x1f4: {  	v18 =	vmul.f32 v18, v58;
	v19 =	vadd.f32 $1.000000000e+00, v19;
	v17 =	vadd.f32 $1.000000000e+00, v17  }
0x1f5: {  	v20 =	vmul.f32 v20, v63  }
0x1f6: {  	v18 =	vadd.f32 $1.000000000e+00, v18;
	v19 =	vmul.f32 v19, v13;
	v17 =	vmul.f32 v17, v56  }
0x1f7: {  	v20 =	vadd.f32 $1.000000000e+00, v20  }
0x1f8: {  	v18 =	vmul.f32 v18, v58;
	v19 =	vadd.f32 $1.000000000e+00, v19;
	v17 =	vadd.f32 $1.000000000e+00, v17;
	_ =	sdelay $0x1  }
0x1f9: {  	v18 =	vadd.f32 $1.000000000e+00, v18;
	v20 =	vmul.f32 v20, v63;
	v31 =	vadd.f32 v17, v19;
	_ =	sdelay $0x1  }
0x1fa: {  	v20 =	vadd.f32 $1.000000000e+00, v20;
	v21 =	vadd.f32 v18, v31;
	_ =	sdelay $0x1  }
0x1fb: {  	v21 =	vadd.f32 v20, v21;
	_ =	sdelay $0x1  }
0x1fc: {  	v32 =	vperm.xlane v21, v0;
	_ =	sdelay $0x1  }
0x1fd: {  	v21 =	vadd.f32 v21, v32;
	_ =	sdelay $0x1  }
0x1fe: {  	v22 =	vperm.xlane v21, v1;
	_ =	sdelay $0x1  }
0x1ff: {  	v21 =	vadd.f32 v21, v22;
	_ =	sdelay $0x1  }
0x200: {  	v22 =	vperm.xlane v21, v2;
	_ =	sdelay $0x1  }
0x201: {  	v21 =	vadd.f32 v21, v22;
	_ =	sdelay $0x1  }
0x202: {  	v22 =	vperm.xlane v21, v3;
	_ =	sdelay $0x1  }
0x203: {  	v21 =	vadd.f32 v21, v22;
	_ =	sdelay $0x1  }
0x204: {  	v22 =	vshrl.u32 v21, $0x17  }
0x205: {  	v22 =	vand.u32 $0xFF, v22  }
0x206: {  	v22 =	vadd.s32 $0xFFFFFF81, v22  }
0x207: {  	v33 =	vand.u32 $0x7FFFFF, v21;
	v22 =	vcvt.s32.f32 v22  }
0x208: {  	v23 =	vor.u32 $0x3F800000, v33  }
0x209: {  	v23 =	vadd.f32 $-1.000000000e+00, v23;
	v22 =	vmul.f32 $6.931471820e-01, v22;
	_ =	sdelay $0x1  }
0x20a: {  	v22 =	vadd.f32 v22, v23;
	_ =	sdelay $0x1  }
0x20b: {  	v23 =	vsub.f32 $0.0e+00, v22;
	_ =	sdelay $0x1  }
0x20c: {  	v23 =	vmul.f32 $1.442695020e+00, v23  }
0x20d: {  	(erf) = vrcp.f32 v21  }
0x20e: {  	(erf) = vpow2.f32 v23;
	_ =	sdelay $0x7  }
0x20f: {  	v34 =	vpop (erf)  }
0x210: {  	v35 =	vpop (erf)  }
0x211: {  	v24 =	vmul.f32 v35, v21;
	_ =	sdelay $0x1  }
0x212: {  	v22 =	vadd.f32 v24, v22;
	_ =	sdelay $0x1  }
0x213: {  	v22 =	vadd.f32 $-1.000000000e+00, v22;
	_ =	sdelay $0x1  }
0x214: {  	v36 =	vsub.f32 $0.0e+00, v22;
	_ =	sdelay $0x1  }
0x215: {  	v24 =	vmul.f32 $1.442695020e+00, v36;
	_ =	sdelay $0x1  }
0x216: {  	(erf) = vpow2.f32 v24;
	_ =	sdelay $0x8  }
0x217: {  	v24 =	vpop (erf)  }
0x218: {  	v24 =	vmul.f32 v24, v21;
	_ =	sdelay $0x1  }
0x219: {  	v22 =	vadd.f32 v24, v22;
	_ =	sdelay $0x1  }
0x21a: {  	v22 =	vadd.f32 $-1.000000000e+00, v22;
	_ =	sdelay $0x1  }
0x21b: {  	v37 =	vsub.f32 $0.0e+00, v22;
	_ =	sdelay $0x1  }
0x21c: {  	v24 =	vmul.f32 $1.442695020e+00, v37;
	_ =	sdelay $0x1  }
0x21d: {  	(erf) = vpow2.f32 v24;
	_ =	sdelay $0x8  }
0x21e: {  	v24 =	vpop (erf)  }
0x21f: {  	v24 =	vmul.f32 v24, v21;
	_ =	sdelay $0x1  }
0x220: {  	v22 =	vadd.f32 v24, v22;
	_ =	sdelay $0x1  }
0x221: {  	v22 =	vadd.f32 $-1.000000000e+00, v22;
	_ =	sdelay $0x1  }
0x222: {  	v38 =	vmul.f32 $1.442695020e+00, v22;
	_ =	sdelay $0x1  }
0x223: {  	v24 =	vtrunc.f32 v38  }
0x224: {  	v24 =	vcvt.f32.s32 v24;
	_ =	sdelay $0x1  }
0x225: {  	v39 =	vcvt.s32.f32 v24;
	_ =	sdelay $0x1  }
0x226: {  	v25 =	vmul.f32 $6.931471820e-01, v39;
	_ =	sdelay $0x1  }
0x227: {  	v25 =	vsub.f32 v25, v22;
	_ =	sdelay $0x1  }
0x228: {  	v25 =	vadd.f32 $0.0e+00, v25;
	_ =	sdelay $0x1  }
0x229: {  	v40 =	vmul.f32 $2.505210790e-08, v25;
	_ =	sdelay $0x1  }
0x22a: {  	v26 =	vadd.f32 $2.755732000e-07, v40;
	_ =	sdelay $0x1  }
0x22b: {  	v26 =	vmul.f32 v26, v25;
	_ =	sdelay $0x1  }
0x22c: {  	v26 =	vadd.f32 $2.755731880e-06, v26;
	_ =	sdelay $0x1  }
0x22d: {  	v26 =	vmul.f32 v26, v25;
	_ =	sdelay $0x1  }
0x22e: {  	v26 =	vadd.f32 $2.480158760e-05, v26;
	_ =	sdelay $0x1  }
0x22f: {  	v26 =	vmul.f32 v26, v25  }
0x230: {  	v19 =	vmul.f32 v34, v19;
	v17 =	vmul.f32 v34, v17  }
0x231: {  	v18 =	vmul.f32 v34, v18;
	v20 =	vmul.f32 v34, v20;
	v26 =	vadd.f32 $1.984127010e-04, v26;
	_ =	sdelay $0x1  }
0x232: {  	v42 =	vmax.f32 v19, v17;
	v43 =	vmax.f32 v18, v20;
	v41 =	vmul.f32 v26, v25  }
0x233: {  	v26 =	vmax.f32 v42, v43  }
0x234: {  	v27 =	vperm.xlane v26, v0;
	v23 =	vadd.f32 $1.388888920e-03, v41;
	_ =	sdelay $0x1  }
0x235: {  	v26 =	vmax.f32 v26, v27;
	v23 =	vmul.f32 v23, v25  }
0x236: {  	v27 =	vperm.xlane v26, v1  }
0x237: {  	v23 =	vadd.f32 $8.333333770e-03, v23  }
0x238: {  	v26 =	vmax.f32 v26, v27  }
0x239: {  	v27 =	vperm.xlane v26, v2;
	v23 =	vmul.f32 v23, v25;
	_ =	sdelay $0x1  }
0x23a: {  	v26 =	vmax.f32 v26, v27;
	v23 =	vadd.f32 $4.166666790e-02, v23  }
0x23b: {  	v27 =	vperm.xlane v26, v3  }
0x23c: {  	vm9 =	vgt.f32 v17, $3.000000120e-01;
	vm0 =	vgt.f32 v20, $3.000000120e-01;
	v23 =	vmul.f32 v23, v25  }
0x23d: {  	vm13 =	vgt.f32 v19, $3.000000120e-01;
	vm14 =	vgt.f32 v18, $3.000000120e-01;
	v26 =	vmax.f32 v26, v27  }
0x23e: {  	vm8 =	veq.f32 v17, v26;
	vm10 =	veq.f32 v20, v26;
	v23 =	vadd.f32 $1.666666720e-01, v23  }
0x23f: {  	vm11 =	veq.f32 v19, v26;
	v44 =	vnsel vm8, $0xC0, v9;
	v46 =	vnsel vm10, $0xC0, v11  }
0x240: {  	v27 =	vsel vm9, v6, v44;
	v47 =	vsel vm0, v4, v46;
	v23 =	vmul.f32 v23, v25  }
0x241: {  	vm12 =	veq.f32 v18, v26;
	v45 =	vmin.u32 v27, v10;
	v48 =	vmin.u32 v47, v12  }
0x242: {  	v27 =	vsel vm11, v45, v27;
	v26 =	vsel vm12, v48, v47;
	v23 =	vadd.f32 $5.000000000e-01, v23  }
0x243: {  	v27 =	vsel vm13, v5, v27;
	v26 =	vsel vm14, v7, v26  }
0x244: {  	v26 =	vmin.u32 v27, v26;
	v23 =	vmul.f32 v23, v25  }
0x245: {  	v27 =	vperm.xlane v26, v0  }
0x246: {  	v23 =	vadd.f32 $1.000000000e+00, v23  }
0x247: {  	vm15 =	vlt.s32 v26, v27  }
0x248: {  	v49 =	vsel vm15, v26, v27;
	v23 =	vmul.f32 v23, v25  }
0x249: {  	v26 =	vperm.xlane v49, v1  }
0x24a: {  	v24 =	vshll.u32 v24, $0x17;
	v23 =	vadd.f32 $1.000000000e+00, v23  }
0x24b: {  	v24 =	vsub.s32 $0x3F800000, v24;
	vm4 =	vlt.s32 v49, v26  }
0x24c: {  	v50 =	vsel vm4, v49, v26;
	v23 =	vmul.f32 v24, v23  }
0x24d: {  	v51 =	vperm.xlane v50, v2  }
0x24e: {  	v21 =	vmul.f32 v23, v21  }
0x24f: {  	vm4 =	vlt.s32 v50, v51  }
0x250: {  	v52 =	vsel vm4, v50, v51;
	v21 =	vadd.f32 v21, v22  }
0x251: {  	v23 =	vperm.xlane v52, v3  }
0x252: {  	v21 =	vadd.f32 $-1.000000000e+00, v21  }
0x253: {  	v54 =	vsel vm13, $0x3F800000, v8;
	v55 =	vsel vm9, $0x3F800000, v8;
	vm4 =	vlt.s32 v52, v23  }
0x254: {  	v57 =	vsel vm14, $0x3F800000, v8;
	v53 =	vsel vm4, v52, v23;
	v13 =	vsub.f32 v13, v21  }
0x255: {  	v14 =	vsub.f32 v56, v21;
	v15 =	vsub.f32 v58, v21;
	v56 =	vand.u32 $0x3F, v53  }
0x256: {  	v16 =	vsub.f32 v63, v21;
	vm6 =	veq.s32 v56, v5;
	vm7 =	veq.s32 v56, v6  }
0x257: {  	vm8 =	vlt.s32 v53, $0x40;
	v58 =	vsel vm6, $0x3F800000, v8;
	v59 =	vsel vm7, $0x3F800000, v8  }
0x258: {  	vm9 =	veq.s32 v56, v7;
	v21 =	vsel vm8, v54, v58;
	v60 =	vsel vm8, v55, v59  }
0x259: {  	v61 =	vsel vm9, $0x3F800000, v8;
	v13 =	vmul.f32 v13, v21;
	v14 =	vmul.f32 v14, v60  }
0x25a: {  	v62 =	vsel vm0, $0x3F800000, v8;
	vm10 =	veq.s32 v56, v4;
	v63 =	vsel vm8, v57, v61  }
0x25b: {  	v25 =	vsel vm10, $0x3F800000, v8;
	v26 =	vmul.f32 v15, v63;
	v13 =	vadd.f32 v14, v13  }
0x25c: {  	v27 =	vsel vm8, v62, v25  }
0x25d: {  	v28 =	vmul.f32 v16, v27;
	v13 =	vadd.f32 v13, v26  }
0x25e: {  	(v2sf) =	vpush v56, $0x0  }
0x25f: {  	v13 =	vadd.f32 v13, v28;
	_ =	sdelay $0x1  }
0x260: {  	v14 =	vperm.xlane v13, v0;
	_ =	sdelay $0x1  }
0x261: {  	v13 =	vadd.f32 v13, v14;
	_ =	sdelay $0x1  }
0x262: {  	v14 =	vperm.xlane v13, v1;
	_ =	sdelay $0x1  }
0x263: {  	v13 =	vadd.f32 v13, v14;
	_ =	sdelay $0x1  }
0x264: {  	v14 =	vperm.xlane v13, v2;
	_ =	sdelay $0x1  }
0x265: {  	v13 =	vadd.f32 v13, v14;
	_ =	sdelay $0x1  }
0x266: {  	[tilespmem:$0x3480] =	vst v19;
	s24 =	spop (v2sf);
	v14 =	vperm.xlane v13, v3  }
0x267: {  	[tilespmem:$0x3490] =	vst v17;
	s25 =	sshll.u32 s24, $0x6  }
0x268: {  	v30 =	vld [tilespmem:$0x2D0];
	[tilespmem:$0x34A0] =	vst v18;
	s26 =	sadd.s32 $0x2400, s25;
	v13 =	vadd.f32 v13, v14  }
0x269: {  	v29 =	vld [tilespmem:$0x2C0];
	[tilespmem:$0x34B0] =	vst v20;
	s28 =	sand.u32 $0x40, s25;
	s6 =	sand.u32 $0x3F80, s26  }
0x26a: {  	v32 =	vld [tilespmem:$0x2E0];
	s6 =	sor.u32 s28, s6;
	[tilespmem:$0x3520] =	vst v13  }
0x26b: {  	v13 =	vld [tilespmem:s6+$0x0]  }
0x26c: {  	v31 =	vld [tilespmem:s25+$0x2410]  }
0x26d: {  	v18 =	vld [tilespmem:s25+$0x2420]  }
0x26e: {  	v19 =	vld [tilespmem:s25+$0x2430]  }
0x26f: {  	v33 =	vld [tilespmem:$0x2F0];
	s29 =	sor.u32 $0x3C0, s24  }
0x270: {  	v17 =	vld.msk [tilespmem:s29+$0x0 ss:$0x0], $0xffff  }
0x271: {  	v13 =	vadd.f32 v13, v13  }
0x272: {  	v16 =	vadd.f32 v31, v31;
	v34 =	vadd.f32 v18, v18  }
0x273: {  	v35 =	vadd.f32 v19, v19;
	v13 =	vadd.f32 v13, v29  }
0x274: {  	v15 =	vadd.f32 v16, v30;
	v16 =	vadd.f32 v34, v32  }
0x275: {  	v14 =	vadd.f32 v35, v33;
	v13 =	vadd.f32 v13, v17  }
0x276: {  	v15 =	vadd.f32 v15, v17;
	v16 =	vadd.f32 v16, v17  }
0x277: {  	v14 =	vadd.f32 v14, v17  }
0x278: {  	v13 =	vmax.f32 v13, $1.000000020e-24;
	v15 =	vmax.f32 v15, $1.000000020e-24;
	v16 =	vmax.f32 v16, $1.000000020e-24  }
0x279: {  	v14 =	vmax.f32 v14, $1.000000020e-24;
	v36 =	vshra.s32 v13, $0x1;
	v13 =	vmul.f32 $5.000000000e-01, v13  }
0x27a: {  	v38 =	vshra.s32 v15, $0x1;
	v15 =	vmul.f32 $5.000000000e-01, v15;
	v39 =	vshra.s32 v16, $0x1  }
0x27b: {  	v16 =	vmul.f32 $5.000000000e-01, v16;
	v18 =	vsub.s32 $0x5F3759DF, v36;
	v19 =	vsub.s32 $0x5F3759DF, v38  }
0x27c: {  	v20 =	vsub.s32 $0x5F3759DF, v39;
	v37 =	vmul.f32 v18, v13;
	v40 =	vmul.f32 v19, v15  }
0x27d: {  	v42 =	vshra.s32 v14, $0x1;
	v14 =	vmul.f32 $5.000000000e-01, v14;
	v41 =	vmul.f32 v20, v16  }
0x27e: {  	v23 =	vsub.s32 $0x5F3759DF, v42;
	v17 =	vmul.f32 v18, v37;
	v21 =	vmul.f32 v19, v40  }
0x27f: {  	v43 =	vmul.f32 v23, v14;
	v22 =	vmul.f32 v20, v41  }
0x280: {  	v17 =	vsub.f32 $1.500000000e+00, v17;
	v21 =	vsub.f32 $1.500000000e+00, v21  }
0x281: {  	v45 =	vmul.f32 v23, v43;
	v44 =	vsub.f32 $1.500000000e+00, v22  }
0x282: {  	v17 =	vmul.f32 v18, v17;
	v19 =	vmul.f32 v19, v21  }
0x283: {  	v18 =	vmul.f32 v20, v44;
	v21 =	vsub.f32 $1.500000000e+00, v45  }
0x284: {  	v46 =	vmul.f32 v17, v13;
	v47 =	vmul.f32 v19, v15  }
0x285: {  	v48 =	vmul.f32 v18, v16;
	v21 =	vmul.f32 v23, v21  }
0x286: {  	v22 =	vmul.f32 v46, v17;
	v20 =	vmul.f32 v47, v19  }
0x287: {  	v49 =	vmul.f32 v48, v18;
	v50 =	vmul.f32 v21, v14  }
0x288: {  	v22 =	vsub.f32 $1.500000000e+00, v22;
	v20 =	vsub.f32 $1.500000000e+00, v20  }
0x289: {  	v51 =	vsub.f32 $1.500000000e+00, v49;
	v52 =	vmul.f32 v50, v21  }
0x28a: {  	v17 =	vmul.f32 v22, v17;
	v19 =	vmul.f32 v20, v19  }
0x28b: {  	v55 =	vld [tilespmem:$0xD0];
	s4 =	sor.u32 $0x1C0, s24;
	v18 =	vmul.f32 v51, v18;
	v20 =	vsub.f32 $1.500000000e+00, v52  }
0x28c: {  	v54 =	vld.msk [tilespmem:s4+$0x0 ss:$0x0], $0xffff;
	v13 =	vmul.f32 v17, v13;
	v15 =	vmul.f32 v19, v15  }
0x28d: {  	v53 =	vld [tilespmem:$0xC0];
	v16 =	vmul.f32 v18, v16;
	v20 =	vmul.f32 v20, v21  }
0x28e: {  	v56 =	vld [tilespmem:$0xE0];
	v13 =	vmul.f32 v13, v17;
	v15 =	vmul.f32 v15, v19  }
0x28f: {  	v16 =	vmul.f32 v16, v18;
	v14 =	vmul.f32 v20, v14  }
0x290: {  	v57 =	vld [tilespmem:$0xF0];
	v13 =	vsub.f32 $1.500000000e+00, v13;
	v15 =	vsub.f32 $1.500000000e+00, v15  }
0x291: {  	v58 =	vadd.f32 v54, v55;
	v16 =	vsub.f32 $1.500000000e+00, v16;
	v59 =	vmul.f32 v14, v20  }
0x292: {  	v23 =	vadd.f32 v54, v53;
	v13 =	vmul.f32 v13, v17;
	v15 =	vmul.f32 v15, v19  }
0x293: {  	v60 =	vadd.f32 v54, v56;
	v16 =	vmul.f32 v16, v18;
	v62 =	vsub.f32 $1.500000000e+00, v59  }
0x294: {  	v13 =	vmul.f32 v13, v23;
	v61 =	vmul.f32 v15, v58  }
0x295: {  	v27 =	vadd.f32 v54, v57;
	v63 =	vmul.f32 v16, v60;
	v17 =	vmul.f32 v62, v20  }
0x296: {  	v26 =	vmul.f32 $2.505210790e-08, v13;
	v28 =	vmul.f32 $2.505210790e-08, v61  }
0x297: {  	v30 =	vmul.f32 v17, v27  }
0x298: {  	v32 =	vmul.f32 $2.505210790e-08, v63;
	v29 =	vadd.f32 $2.755732000e-07, v26;
	v31 =	vadd.f32 $2.755732000e-07, v28  }
0x299: {  	v34 =	vmul.f32 $2.505210790e-08, v30  }
0x29a: {  	v18 =	vadd.f32 $2.755732000e-07, v32;
	v33 =	vmul.f32 v29, v13;
	v17 =	vmul.f32 v31, v61  }
0x29b: {  	v20 =	vadd.f32 $2.755732000e-07, v34  }
0x29c: {  	v18 =	vmul.f32 v18, v63;
	v19 =	vadd.f32 $2.755731880e-06, v33;
	v17 =	vadd.f32 $2.755731880e-06, v17  }
0x29d: {  	v20 =	vmul.f32 v20, v30  }
0x29e: {  	v18 =	vadd.f32 $2.755731880e-06, v18;
	v19 =	vmul.f32 v19, v13;
	v17 =	vmul.f32 v17, v61  }
0x29f: {  	v20 =	vadd.f32 $2.755731880e-06, v20  }
0x2a0: {  	v18 =	vmul.f32 v18, v63;
	v19 =	vadd.f32 $2.480158760e-05, v19;
	v17 =	vadd.f32 $2.480158760e-05, v17  }
0x2a1: {  	v20 =	vmul.f32 v20, v30  }
0x2a2: {  	v18 =	vadd.f32 $2.480158760e-05, v18;
	v19 =	vmul.f32 v19, v13;
	v17 =	vmul.f32 v17, v61  }
0x2a3: {  	v20 =	vadd.f32 $2.480158760e-05, v20  }
0x2a4: {  	v18 =	vmul.f32 v18, v63;
	v19 =	vadd.f32 $1.984127010e-04, v19;
	v17 =	vadd.f32 $1.984127010e-04, v17  }
0x2a5: {  	v20 =	vmul.f32 v20, v30  }
0x2a6: {  	v18 =	vadd.f32 $1.984127010e-04, v18;
	v19 =	vmul.f32 v19, v13;
	v17 =	vmul.f32 v17, v61  }
0x2a7: {  	v20 =	vadd.f32 $1.984127010e-04, v20  }
0x2a8: {  	v18 =	vmul.f32 v18, v63;
	v19 =	vadd.f32 $1.388888920e-03, v19;
	v17 =	vadd.f32 $1.388888920e-03, v17  }
0x2a9: {  	v20 =	vmul.f32 v20, v30  }
0x2aa: {  	v18 =	vadd.f32 $1.388888920e-03, v18;
	v19 =	vmul.f32 v19, v13;
	v17 =	vmul.f32 v17, v61  }
0x2ab: {  	v20 =	vadd.f32 $1.388888920e-03, v20  }
0x2ac: {  	v18 =	vmul.f32 v18, v63;
	v19 =	vadd.f32 $8.333333770e-03, v19;
	v17 =	vadd.f32 $8.333333770e-03, v17  }
0x2ad: {  	v20 =	vmul.f32 v20, v30  }
0x2ae: {  	v18 =	vadd.f32 $8.333333770e-03, v18;
	v19 =	vmul.f32 v19, v13;
	v17 =	vmul.f32 v17, v61  }
0x2af: {  	v20 =	vadd.f32 $8.333333770e-03, v20  }
0x2b0: {  	v18 =	vmul.f32 v18, v63;
	v19 =	vadd.f32 $4.166666790e-02, v19;
	v17 =	vadd.f32 $4.166666790e-02, v17  }
0x2b1: {  	v20 =	vmul.f32 v20, v30  }
0x2b2: {  	v18 =	vadd.f32 $4.166666790e-02, v18;
	v19 =	vmul.f32 v19, v13;
	v17 =	vmul.f32 v17, v61  }
0x2b3: {  	v20 =	vadd.f32 $4.166666790e-02, v20  }
0x2b4: {  	v18 =	vmul.f32 v18, v63;
	v19 =	vadd.f32 $1.666666720e-01, v19;
	v17 =	vadd.f32 $1.666666720e-01, v17  }
0x2b5: {  	v20 =	vmul.f32 v20, v30  }
0x2b6: {  	v18 =	vadd.f32 $1.666666720e-01, v18;
	v19 =	vmul.f32 v19, v13;
	v17 =	vmul.f32 v17, v61  }
0x2b7: {  	v20 =	vadd.f32 $1.666666720e-01, v20  }
0x2b8: {  	v18 =	vmul.f32 v18, v63;
	v19 =	vadd.f32 $5.000000000e-01, v19;
	v17 =	vadd.f32 $5.000000000e-01, v17  }
0x2b9: {  	v20 =	vmul.f32 v20, v30  }
0x2ba: {  	v18 =	vadd.f32 $5.000000000e-01, v18;
	v19 =	vmul.f32 v19, v13;
	v17 =	vmul.f32 v17, v61  }
0x2bb: {  	v20 =	vadd.f32 $5.000000000e-01, v20  }
0x2bc: {  	v18 =	vmul.f32 v18, v63;
	v19 =	vadd.f32 $1.000000000e+00, v19;
	v17 =	vadd.f32 $1.000000000e+00, v17  }
0x2bd: {  	v20 =	vmul.f32 v20, v30  }
0x2be: {  	v18 =	vadd.f32 $1.000000000e+00, v18;
	v19 =	vmul.f32 v19, v13;
	v17 =	vmul.f32 v17, v61  }
0x2bf: {  	v20 =	vadd.f32 $1.000000000e+00, v20  }
0x2c0: {  	v18 =	vmul.f32 v18, v63;
	v19 =	vadd.f32 $1.000000000e+00, v19;
	v17 =	vadd.f32 $1.000000000e+00, v17;
	_ =	sdelay $0x1  }
0x2c1: {  	v18 =	vadd.f32 $1.000000000e+00, v18;
	v20 =	vmul.f32 v20, v30;
	v35 =	vadd.f32 v17, v19;
	_ =	sdelay $0x1  }
0x2c2: {  	v20 =	vadd.f32 $1.000000000e+00, v20;
	v21 =	vadd.f32 v18, v35;
	_ =	sdelay $0x1  }
0x2c3: {  	v21 =	vadd.f32 v20, v21;
	_ =	sdelay $0x1  }
0x2c4: {  	v36 =	vperm.xlane v21, v0;
	_ =	sdelay $0x1  }
0x2c5: {  	v21 =	vadd.f32 v21, v36;
	_ =	sdelay $0x1  }
0x2c6: {  	v22 =	vperm.xlane v21, v1;
	_ =	sdelay $0x1  }
0x2c7: {  	v21 =	vadd.f32 v21, v22;
	_ =	sdelay $0x1  }
0x2c8: {  	v22 =	vperm.xlane v21, v2;
	_ =	sdelay $0x1  }
0x2c9: {  	v21 =	vadd.f32 v21, v22;
	_ =	sdelay $0x1  }
0x2ca: {  	v22 =	vperm.xlane v21, v3;
	_ =	sdelay $0x1  }
0x2cb: {  	v21 =	vadd.f32 v21, v22;
	_ =	sdelay $0x1  }
0x2cc: {  	v22 =	vshrl.u32 v21, $0x17  }
0x2cd: {  	v22 =	vand.u32 $0xFF, v22  }
0x2ce: {  	v22 =	vadd.s32 $0xFFFFFF81, v22  }
0x2cf: {  	v37 =	vand.u32 $0x7FFFFF, v21;
	v22 =	vcvt.s32.f32 v22  }
0x2d0: {  	v23 =	vor.u32 $0x3F800000, v37  }
0x2d1: {  	v23 =	vadd.f32 $-1.000000000e+00, v23;
	v22 =	vmul.f32 $6.931471820e-01, v22;
	_ =	sdelay $0x1  }
0x2d2: {  	v22 =	vadd.f32 v22, v23;
	_ =	sdelay $0x1  }
0x2d3: {  	v23 =	vsub.f32 $0.0e+00, v22;
	_ =	sdelay $0x1  }
0x2d4: {  	v23 =	vmul.f32 $1.442695020e+00, v23  }
0x2d5: {  	(erf) = vrcp.f32 v21  }
0x2d6: {  	(erf) = vpow2.f32 v23;
	_ =	sdelay $0x7  }
0x2d7: {  	v38 =	vpop (erf)  }
0x2d8: {  	v39 =	vpop (erf)  }
0x2d9: {  	v24 =	vmul.f32 v39, v21;
	_ =	sdelay $0x1  }
0x2da: {  	v22 =	vadd.f32 v24, v22;
	_ =	sdelay $0x1  }
0x2db: {  	v22 =	vadd.f32 $-1.000000000e+00, v22;
	_ =	sdelay $0x1  }
0x2dc: {  	v40 =	vsub.f32 $0.0e+00, v22;
	_ =	sdelay $0x1  }
0x2dd: {  	v24 =	vmul.f32 $1.442695020e+00, v40;
	_ =	sdelay $0x1  }
0x2de: {  	(erf) = vpow2.f32 v24;
	_ =	sdelay $0x8  }
0x2df: {  	v24 =	vpop (erf)  }
0x2e0: {  	v24 =	vmul.f32 v24, v21;
	_ =	sdelay $0x1  }
0x2e1: {  	v22 =	vadd.f32 v24, v22;
	_ =	sdelay $0x1  }
0x2e2: {  	v22 =	vadd.f32 $-1.000000000e+00, v22;
	_ =	sdelay $0x1  }
0x2e3: {  	v41 =	vsub.f32 $0.0e+00, v22;
	_ =	sdelay $0x1  }
0x2e4: {  	v24 =	vmul.f32 $1.442695020e+00, v41;
	_ =	sdelay $0x1  }
0x2e5: {  	(erf) = vpow2.f32 v24;
	_ =	sdelay $0x8  }
0x2e6: {  	v24 =	vpop (erf)  }
0x2e7: {  	v24 =	vmul.f32 v24, v21;
	_ =	sdelay $0x1  }
0x2e8: {  	v22 =	vadd.f32 v24, v22;
	_ =	sdelay $0x1  }
0x2e9: {  	v22 =	vadd.f32 $-1.000000000e+00, v22;
	_ =	sdelay $0x1  }
0x2ea: {  	v42 =	vmul.f32 $1.442695020e+00, v22;
	_ =	sdelay $0x1  }
0x2eb: {  	v24 =	vtrunc.f32 v42  }
0x2ec: {  	v24 =	vcvt.f32.s32 v24;
	_ =	sdelay $0x1  }
0x2ed: {  	v43 =	vcvt.s32.f32 v24;
	_ =	sdelay $0x1  }
0x2ee: {  	v25 =	vmul.f32 $6.931471820e-01, v43;
	_ =	sdelay $0x1  }
0x2ef: {  	v25 =	vsub.f32 v25, v22;
	_ =	sdelay $0x1  }
0x2f0: {  	v25 =	vadd.f32 $0.0e+00, v25;
	_ =	sdelay $0x1  }
0x2f1: {  	v44 =	vmul.f32 $2.505210790e-08, v25;
	_ =	sdelay $0x1  }
0x2f2: {  	v26 =	vadd.f32 $2.755732000e-07, v44;
	_ =	sdelay $0x1  }
0x2f3: {  	v26 =	vmul.f32 v26, v25;
	_ =	sdelay $0x1  }
0x2f4: {  	v26 =	vadd.f32 $2.755731880e-06, v26;
	_ =	sdelay $0x1  }
0x2f5: {  	v26 =	vmul.f32 v26, v25;
	_ =	sdelay $0x1  }
0x2f6: {  	v26 =	vadd.f32 $2.480158760e-05, v26;
	_ =	sdelay $0x1  }
0x2f7: {  	v26 =	vmul.f32 v26, v25;
	_ =	sdelay $0x1  }
0x2f8: {  	v26 =	vadd.f32 $1.984127010e-04, v26  }
0x2f9: {  	v19 =	vmul.f32 v38, v19  }
0x2fa: {  	v17 =	vmul.f32 v38, v17;
	v26 =	vmul.f32 v26, v25  }
0x2fb: {  	v18 =	vmul.f32 v38, v18;
	v20 =	vmul.f32 v38, v20  }
0x2fc: {  	v26 =	vadd.f32 $1.388888920e-03, v26  }
0x2fd: {  	v46 =	vmax.f32 v19, v17;
	v47 =	vmax.f32 v18, v20  }
0x2fe: {  	v45 =	vmul.f32 v26, v25;
	v26 =	vmax.f32 v46, v47  }
0x2ff: {  	v27 =	vperm.xlane v26, v0;
	_ =	sdelay $0x1  }
0x300: {  	v26 =	vmax.f32 v26, v27  }
0x301: {  	v23 =	vadd.f32 $8.333333770e-03, v45;
	v27 =	vperm.xlane v26, v1;
	_ =	sdelay $0x1  }
0x302: {  	v23 =	vmul.f32 v23, v25;
	v26 =	vmax.f32 v26, v27  }
0x303: {  	v27 =	vperm.xlane v26, v2  }
0x304: {  	v23 =	vadd.f32 $4.166666790e-02, v23  }
0x305: {  	v26 =	vmax.f32 v26, v27  }
0x306: {  	v23 =	vmul.f32 v23, v25;
	v27 =	vperm.xlane v26, v3  }
0x307: {  	vm11 =	vgt.f32 v19, $3.000000120e-01;
	vm12 =	vgt.f32 v17, $3.000000120e-01  }
0x308: {  	vm15 =	vgt.f32 v20, $3.000000120e-01;
	v23 =	vadd.f32 $1.666666720e-01, v23;
	v26 =	vmax.f32 v26, v27  }
0x309: {  	vm9 =	vgt.f32 v18, $3.000000120e-01;
	vm13 =	veq.f32 v17, v26;
	vm14 =	veq.f32 v20, v26  }
0x30a: {  	v23 =	vmul.f32 v23, v25;
	v9 =	vnsel vm13, $0xC0, v9;
	v11 =	vnsel vm14, $0xC0, v11  }
0x30b: {  	vm8 =	veq.f32 v19, v26;
	v9 =	vsel vm12, v6, v9;
	v11 =	vsel vm15, v4, v11  }
0x30c: {  	vm5 =	veq.f32 v18, v26;
	v10 =	vmin.u32 v9, v10;
	v12 =	vmin.u32 v11, v12  }
0x30d: {  	v23 =	vadd.f32 $5.000000000e-01, v23;
	v9 =	vsel vm8, v10, v9;
	v48 =	vsel vm5, v12, v11  }
0x30e: {  	v9 =	vsel vm11, v5, v9;
	v10 =	vsel vm9, v7, v48  }
0x30f: {  	v49 =	vmul.f32 v23, v25;
	v9 =	vmin.u32 v9, v10  }
0x310: {  	v51 =	vperm.xlane v9, v0  }
0x311: {  	v50 =	vadd.f32 $1.000000000e+00, v49  }
0x312: {  	vm10 =	vlt.s32 v9, v51  }
0x313: {  	v10 =	vmul.f32 v50, v25;
	v9 =	vsel vm10, v9, v51  }
0x314: {  	v53 =	vperm.xlane v9, v1  }
0x315: {  	v52 =	vshll.u32 v24, $0x17;
	v10 =	vadd.f32 $1.000000000e+00, v10  }
0x316: {  	v11 =	vsub.s32 $0x3F800000, v52;
	vm4 =	vlt.s32 v9, v53  }
0x317: {  	v10 =	vmul.f32 v11, v10;
	v9 =	vsel vm4, v9, v53  }
0x318: {  	v54 =	vperm.xlane v9, v2  }
0x319: {  	v10 =	vmul.f32 v10, v21  }
0x31a: {  	vm4 =	vlt.s32 v9, v54  }
0x31b: {  	v10 =	vadd.f32 v10, v22;
	v9 =	vsel vm4, v9, v54  }
0x31c: {  	v11 =	vperm.xlane v9, v3  }
0x31d: {  	v10 =	vadd.f32 $-1.000000000e+00, v10  }
0x31e: {  	v58 =	vsel vm11, $0x3F800000, v8;
	v59 =	vsel vm12, $0x3F800000, v8;
	vm4 =	vlt.s32 v9, v11  }
0x31f: {  	v62 =	vsel vm15, $0x3F800000, v8;
	v55 =	vsub.f32 v13, v10;
	v9 =	vsel vm4, v9, v11  }
0x320: {  	v56 =	vsub.f32 v61, v10;
	v57 =	vsub.f32 v63, v10;
	v60 =	vand.u32 $0x3F, v9  }
0x321: {  	v61 =	vsel vm9, $0x3F800000, v8;
	vm11 =	veq.s32 v60, v5;
	vm12 =	veq.s32 v60, v6  }
0x322: {  	vm13 =	vlt.s32 v9, $0x40;
	v5 =	vsel vm11, $0x3F800000, v8;
	v6 =	vsel vm12, $0x3F800000, v8  }
0x323: {  	vm14 =	veq.s32 v60, v7;
	v5 =	vsel vm13, v58, v5;
	v6 =	vsel vm13, v59, v6  }
0x324: {  	v7 =	vsel vm14, $0x3F800000, v8;
	v5 =	vmul.f32 v55, v5;
	v6 =	vmul.f32 v56, v6  }
0x325: {  	v10 =	vsub.f32 v30, v10;
	vm15 =	veq.s32 v60, v4;
	v7 =	vsel vm13, v61, v7  }
0x326: {  	v4 =	vsel vm15, $0x3F800000, v8;
	v63 =	vmul.f32 v57, v7;
	v5 =	vadd.f32 v6, v5  }
0x327: {  	v4 =	vsel vm13, v62, v4  }
0x328: {  	v4 =	vmul.f32 v10, v4;
	v5 =	vadd.f32 v5, v63;
	_ =	sdelay $0x1  }
0x329: {  	v4 =	vadd.f32 v5, v4;
	_ =	sdelay $0x1  }
0x32a: {  	v0 =	vperm.xlane v4, v0;
	_ =	sdelay $0x1  }
0x32b: {  	v0 =	vadd.f32 v4, v0;
	_ =	sdelay $0x1  }
0x32c: {  	v1 =	vperm.xlane v0, v1;
	_ =	sdelay $0x1  }
0x32d: {  	v0 =	vadd.f32 v0, v1;
	_ =	sdelay $0x1  }
0x32e: {  	v1 =	vperm.xlane v0, v2;
	_ =	sdelay $0x1  }
0x32f: {  	v0 =	vadd.f32 v0, v1;
	_ =	sdelay $0x1  }
0x330: {  	[tilespmem:$0x34C0] =	vst v19;
	v1 =	vperm.xlane v0, v3  }
0x331: {  	[tilespmem:$0x34D0] =	vst v17  }
0x332: {  	[tilespmem:$0x34E0] =	vst v18;
	v0 =	vadd.f32 v0, v1  }
0x333: {  	[tilespmem:$0x34F0] =	vst v20  }
0x334: {  	s30 =	sadd.s32 $0x1400, s1;
	s31 =	simm.s32 $0x3400;
	[tilespmem:$0x3530] =	vst v0  }
0x335: {  	[hbm4b:s30+s3] =	stream.linear.scatter [tilespmem:s31], [sflag:$0x1], $0x180, $0x38;
	[tilespmem:$0x3580] =	vst v63  }
0x336: {  	_ =	swait.ge [sflag:s17], $0x180  }
0x337: {  	[sflag:s17] =	ssyncset.done $0x0  }
0x338: {  	[sflag:s17] =	ssyncadd.s32 $0xFFFFFE80  }
0x339: {  	_ =	sfence.sel $0x180000  }
0x33a: {  	[bflag:$0x0] =	sbarrier.arrive $0xFFFF  }
0x33b: {  	_ =	strace $0x90000047  }
0x33c: {  	s0 =	sadd.s32 $0x100000, s0;
	[bflag:$0x2] =	sbarrier.arrive $0xFFFF  }
0x33d: {  	[sflag:s0] =	ssyncadd.tile.s32 $0x1;
	_ =	shalt  }
.Lfunc_end2:
_tile_overlayer_lowered:
.L_overlay_start_2:
0x33e: {  	(tag) =	ssettag $0x2  }
0x33f: {  	s0 =	rddreg [dreg:$0x0];
	s2 =	stileid.u32  }
0x340: {  	s1 =	rddreg [dreg:$0x1];
	p0 =	sne.s32 s2, $0x0  }
0x341: {  	s3 =	rddreg [dreg:$0x2];
	[bflag:$0x3] =	sbarrier.arrive $0xFFFF;
	s2 =	simm.s32 @!p0 $0x1C01  }
0x342: {  	[timem:s3], [sflag:s2] =	dma.local @!p0 [hbm:s0], s1  }
0x343: {  	s0 =	simm.s32 @!p0 $0x1  }
0x344: {  	_ =	swait.ge @!p0 [sflag:s0], s1  }
0x345: {  	s1 =	ssub.s32 @!p0 $0x0, s1;
	[sflag:s0] =	ssyncset.done @!p0 $0x0  }
0x346: {  	[sflag:s0] =	ssyncadd.s32 @!p0 s1  }
0x347: {  	[bflag:$0x3] =	sbarrier.arrive $0xFFFF  }
0x348: {  	_ =	shalt  }

</sc_bundles>
